<compile_context>
chip_gen: v7x
topology: tpu7x:2x2x1
jax: 0.10.2.dev20260603
libtpu: 0.0.44.dev20260713+nightly
codegen_flags: <defaults>
</compile_context>

<pallas_src>
import functools

import jax
import jax.numpy as jnp
from jax import lax
from jax.experimental import pallas as pl
from jax.experimental.pallas import tpu as pltpu
from jax.experimental.pallas import tpu_sc as plsc

E = 4096
C = 64
T = 16
NN = E // T
F = 2048
H = 4
B = 1024

FW = F // 32
NC, NS, L = 2, 16, 16
NW = NC * NS
CPW = C // NW
CB = 128
NCHK = B // CB


def _pack_body(fref, oref):
    x = fref[0].astype(jnp.float32)
    k = lax.broadcasted_iota(jnp.int32, (F, FW), 0)
    w = lax.broadcasted_iota(jnp.int32, (F, FW), 1)
    d = k - w * 32
    p_lo = jnp.where((d >= 0) & (d < 16),
                     jnp.left_shift(1, jnp.clip(d, 0, 15)), 0)
    p_hi = jnp.where((d >= 16) & (d < 32),
                     jnp.left_shift(1, jnp.clip(d - 16, 0, 15)), 0)
    lo = jnp.dot(x, p_lo.astype(jnp.float32),
                 preferred_element_type=jnp.float32).astype(jnp.int32)
    hi = jnp.dot(x, p_hi.astype(jnp.float32),
                 preferred_element_type=jnp.float32).astype(jnp.int32)
    oref[0] = lo | jnp.left_shift(hi, 16)


_pack_filters = pl.pallas_call(
    _pack_body,
    grid=(C,),
    in_specs=[pl.BlockSpec((1, NN, F), lambda c: (c, 0, 0))],
    out_specs=pl.BlockSpec((1, NN, FW), lambda c: (c, 0, 0)),
    out_shape=jax.ShapeDtypeStruct((C, NN, FW), jnp.int32),
)


def _spack_body(sref, oref):
    x = sref[...].astype(jnp.float32)
    k = lax.broadcasted_iota(jnp.int32, (CB, L), 0)
    lidx = lax.broadcasted_iota(jnp.int32, (CB, L), 1)
    p = jnp.right_shift(k, 4)
    match = (k & 15) == lidx
    wlo = jnp.where(match & (p < 4),
                    jnp.left_shift(1, 4 * jnp.clip(p, 0, 3)),
                    0).astype(jnp.float32)
    whi = jnp.where(match & (p >= 4),
                    jnp.left_shift(1, 4 * jnp.clip(p - 4, 0, 3)),
                    0).astype(jnp.float32)
    dn = (((0,), (0,)), ((), ()))
    lo = lax.dot_general(x, wlo, dn,
                         preferred_element_type=jnp.float32).astype(jnp.int32)
    hi = lax.dot_general(x, whi, dn,
                         preferred_element_type=jnp.float32).astype(jnp.int32)
    oref[0] = lo | jnp.left_shift(hi, 16)


_pack_samples = pl.pallas_call(
    _spack_body,
    grid=(NCHK,),
    in_specs=[pl.BlockSpec((CB, E), lambda c: (c, 0))],
    out_specs=pl.BlockSpec((1, E, L), lambda c: (c, 0, 0)),
    out_shape=jax.ShapeDtypeStruct((NCHK, E, L), jnp.int32),
)


def _sc_body(spT, tm, hm, fpk, out,
             chunkbuf, fpacked, tmbuf, hmbuf,
             lutL01, lutH01, lutL23, lutH23, resp):
    cid = lax.axis_index("c")
    sid = lax.axis_index("s")
    wid = sid * NC + cid
    c0 = wid * CPW
    iota = lax.iota(jnp.int32, L)

    for cl in range(CPW):
        pltpu.sync_copy(fpk.at[c0 + cl],
                        fpacked.at[pl.ds(cl * (NN * FW), NN * FW)])

    pltpu.sync_copy(hm, hmbuf)
    hj01 = hmbuf[0, :] | jnp.left_shift(hmbuf[1, :], 16)
    hj23 = hmbuf[2, :] | jnp.left_shift(hmbuf[3, :], 16)
    for ref, hjv, jb in ((lutL01, hj01, 0), (lutH01, hj01, 8),
                         (lutL23, hj23, 0), (lutH23, hj23, 8)):
        hj = [hjv[jb + j] for j in range(8)]

        def xv_body(xv, carry, hj=hj, ref=ref):
            x = xv * L + iota
            a = jnp.zeros((L,), jnp.int32)
            for j in range(8):
                bit = jnp.right_shift(x, j) & 1
                a = a ^ ((0 - bit) & hj[j])
            ref[pl.ds(xv * L, L)] = a
            return carry

        lax.fori_loop(0, 256 // L, xv_body, 0)

    def half_members(loX, hiX, fb):
        h01 = (plsc.load_gather(lutL01, [loX])
               ^ plsc.load_gather(lutH01, [hiX]))
        h23 = (plsc.load_gather(lutL23, [loX])
               ^ plsc.load_gather(lutH23, [hiX]))
        m = None
        for h2p in (h01, h23):
            w0 = plsc.load_gather(
                fpacked, [fb + (jnp.right_shift(h2p, 5) & 0x3F)])
            b0 = jnp.right_shift(w0, h2p & 31)
            w1 = plsc.load_gather(fpacked, [fb + jnp.right_shift(h2p, 21)])
            b1 = jnp.right_shift(w1, jnp.right_shift(h2p, 16) & 31)
            mb = b0 & b1
            m = mb if m is None else (m & mb)
        return m & 1

    c11 = jnp.full((64,), 0x11, jnp.int8)
    MLO = 0x0F0F0F0F
    MHI = -252645136

    def phase4(chunk, carry):
        pltpu.sync_copy(spT.at[pl.ds(chunk * (E * L), E * L)], chunkbuf)
        for cl in range(CPW):
            pltpu.sync_copy(tm.at[pl.ds((c0 + cl) * E, E)], tmbuf)
            fb0 = cl * (NN * FW)

            def n_body(n, racc, fb0=fb0):
                tmv = tmbuf[pl.ds(n * T, T)]
                fb = jnp.full((L,), fb0 + n * FW, jnp.int32)
                accs = []
                for q in range(4):
                    a = jnp.zeros((64,), jnp.int8)
                    for jj in (3, 2, 1, 0):
                        e = tmv[q * 4 + jj]
                        v = plsc.bitcast(
                            chunkbuf[pl.ds(jnp.left_shift(e, 4), L)],
                            jnp.int8)
                        a = a + a + (v & c11)
                    accs.append(plsc.bitcast(a, jnp.int32))
                a0, a1, a2, a3 = accs
                loE = (a0 & MLO) | (jnp.left_shift(a1, 4) & MHI)
                loO = (jnp.right_shift(a0, 4) & MLO) | (a1 & MHI)
                hiE = (a2 & MLO) | (jnp.left_shift(a3, 4) & MHI)
                hiO = (jnp.right_shift(a2, 4) & MLO) | (a3 & MHI)
                outs = [None] * 8
                for j in range(4):
                    sh = 8 * j
                    lo = jnp.right_shift(loE, sh) & 0xFF
                    hi = jnp.right_shift(hiE, sh) & 0xFF
                    outs[2 * j] = racc[2 * j] + half_members(lo, hi, fb)
                    lo = jnp.right_shift(loO, sh) & 0xFF
                    hi = jnp.right_shift(hiO, sh) & 0xFF
                    outs[2 * j + 1] = (racc[2 * j + 1]
                                       + half_members(lo, hi, fb))
                return tuple(outs)

            z = jnp.zeros((L,), jnp.int32)
            racc = lax.fori_loop(0, NN, n_body, (z,) * 8)
            rbase = cl * B + chunk * CB
            for p in range(8):
                resp[pl.ds(rbase + p * L, L)] = racc[p]
        return carry

    lax.fori_loop(0, NCHK, phase4, 0)

    pltpu.sync_copy(resp, out.at[pl.ds(wid * (CPW * B), CPW * B)])


_sc_kernel = functools.partial(
    pl.kernel,
    out_type=jax.ShapeDtypeStruct((C * B,), jnp.int32),
    mesh=plsc.VectorSubcoreMesh(
        core_axis_name="c", subcore_axis_name="s",
        num_cores=NC, num_subcores=NS),
    compiler_params=pltpu.CompilerParams(
        use_tc_tiling_on_sc=False, needs_layout_passes=False),
    scratch_types=[
        pltpu.VMEM((E * L,), jnp.int32),
        pltpu.VMEM((CPW * NN * FW,), jnp.int32),
        pltpu.VMEM((E,), jnp.int32),
        pltpu.VMEM((H, T), jnp.int32),
        pltpu.VMEM((256,), jnp.int32),
        pltpu.VMEM((256,), jnp.int32),
        pltpu.VMEM((256,), jnp.int32),
        pltpu.VMEM((256,), jnp.int32),
        pltpu.VMEM((CPW * B,), jnp.int32),
    ],
)(_sc_body)


def kernel(samples, tuple_mapping, hash_matrix, filters):
    fpk = _pack_filters(filters).reshape(C, NN * FW)
    spT = _pack_samples(samples).reshape(-1)
    resp = _sc_kernel(spT, tuple_mapping.reshape(-1), hash_matrix, fpk)
    return resp.reshape(C, B).T

# --- scband reference (transcript-rebuilt; emitter-appended) ---
"""Pipeline reference for scband-bloom-wisard-43233140801688 (READ-ONLY COPY).

The authoritative reference and input builder live on the scoring server;
editing this copy changes nothing except your own understanding.
"""

import jax, jax.numpy as jnp
import numpy as np

ENTRY_SIZE = 4096
N_CLASSES = 64
TUPLE_SIZE = 16
N_NEURONS = ENTRY_SIZE // TUPLE_SIZE
FILTER_SIZE = 2048  # power of 2 so XOR-of-values stays in range
N_HASHES = 4
BATCH = 1024


def setup_inputs(seed: int = 0) -> dict:
    key = jax.random.key(seed)
    samples = jax.random.randint(key, (BATCH, ENTRY_SIZE), 0, 2, dtype=jnp.int32)
    rng = np.random.default_rng(0)
    # tuple_mapping: one random permutation of the entry bits per class
    tuple_mapping = jnp.asarray(
        np.stack([rng.permutation(ENTRY_SIZE) for _ in range(N_CLASSES)]).astype(np.int32)
    )
    # H3 hash family: n_hashes x tuple_size random values in [0, filter_size)
    hash_matrix = jnp.asarray(
        rng.integers(0, FILTER_SIZE, size=(N_HASHES, TUPLE_SIZE)).astype(np.int32)
    )
    # trained bloom-filter bit arrays, one [n_neurons, filter_size] per class
    filters = jnp.asarray(
        rng.integers(0, 2, size=(N_CLASSES, N_NEURONS, FILTER_SIZE)).astype(np.int32)
    )
    return {
        'samples': samples,
        'tuple_mapping': tuple_mapping,
        'hash_matrix': hash_matrix,
        'filters': filters,
    }


def reference(samples, tuple_mapping, hash_matrix, filters):
    B = samples.shape[0]
    neuron_idx = jnp.arange(N_NEURONS)[None, :, None]

    def rank_one(args):
        tm, filt = args  # tm: [entry_size] int32, filt: [n_neurons, filter_size]
        # index_select(samples, 1, tuple_mapping[i]) then view as tuples
        mapped = jnp.take(samples, tm, axis=1).reshape(B, N_NEURONS, TUPLE_SIZE)
        # h3_multi_hash: XOR of hash_matrix entries where bit is set
        acc = jnp.zeros((B, N_NEURONS, N_HASHES), dtype=jnp.int32)
        for j in range(TUPLE_SIZE):
            contrib = mapped[:, :, j:j + 1].astype(jnp.int32) * hash_matrix[None, None, :, j]
            acc = jnp.bitwise_xor(acc, contrib)
        # filter_multi_rank: bloom membership = AND over hash positions, count neurons
        gathered = filt[neuron_idx, acc]  # [B, n_neurons, n_hashes]
        member = jnp.min(gathered, axis=-1)  # [B, n_neurons]
        return jnp.sum(member, axis=1).astype(jnp.int32)  # [B]

    resp = jax.lax.map(rank_one, (tuple_mapping, filters))  # [n_classes, B]
    return resp.T  # [B, n_classes] (torch uses int8; int32 used here to avoid overflow)

if __name__ == "__main__":
    import jax
    _d = setup_inputs()
    print(jax.jit(kernel)(*tuple(_d.values())))

</pallas_src>

<mosaic_0001>
#map = affine_map<(d0, d1) -> (0)>
#map1 = affine_map<(d0, d1) -> (0, 0)>
module attributes {stable_mosaic.version = 14 : i64} {
  func.func @_sc_body(%arg0: i32, %arg1: i32, %arg2: memref<524288xi32, #tpu.memory_space<hbm>>, %arg3: memref<262144xi32, #tpu.memory_space<hbm>>, %arg4: memref<4x16xi32, #tpu.memory_space<hbm>>, %arg5: memref<64x16384xi32, #tpu.memory_space<hbm>>, %arg6: memref<65536xi32, #tpu.memory_space<hbm>>, %arg7: memref<65536xi32, #tpu.memory_space<vmem>>, %arg8: memref<32768xi32, #tpu.memory_space<vmem>>, %arg9: memref<4096xi32, #tpu.memory_space<vmem>>, %arg10: memref<4x16xi32, #tpu.memory_space<vmem>>, %arg11: memref<256xi32, #tpu.memory_space<vmem>>, %arg12: memref<256xi32, #tpu.memory_space<vmem>>, %arg13: memref<256xi32, #tpu.memory_space<vmem>>, %arg14: memref<256xi32, #tpu.memory_space<vmem>>, %arg15: memref<2048xi32, #tpu.memory_space<vmem>>) attributes {dimension_semantics = [#tpu.dimension_semantics<core_parallel>, #tpu.dimension_semantics<subcore_parallel>], iteration_bounds = array<i64: 2, 16>, scalar_prefetch = 0 : i64, scratch_operands = 9 : i64, tpu.core_type = #tpu.core_type<sc_vector_subcore>, window_params = [{transform_indices = #map}, {transform_indices = #map}, {transform_indices = #map1}, {transform_indices = #map1}, {transform_indices = #map}]} {
    %mul3A = arith.constant 2 : i32
    %mul3A_0 = arith.muli %arg1, %mul3A : i32
    %add3A = arith.addi %mul3A_0, %arg0 : i32
    %mul3A_1 = arith.constant 2 : i32
    %mul3A_2 = arith.muli %add3A, %mul3A_1 : i32
    %iota3A = tpu.iota {dimensions = array<i32: 0>} : vector<16xi32>
    %add3A_3 = arith.constant 0 : i32
    %add3A_4 = arith.addi %mul3A_2, %add3A_3 : i32
    "tpu.region"() ({
      %run_scoped3A = tpu.sem_alloc : memref<!tpu.dma_semaphore, #tpu.memory_space<semaphore_mem>>
      %dma_start3A = arith.constant 0 : i32
      %dma_start3A_122 = tpu.memref_slice %arg8[%dma_start3A] : memref<32768xi32, #tpu.memory_space<vmem>> -> memref<16384xi32, #tpu.memory_space<vmem>>
      %dma_start3A_123 = arith.constant 0 : i32
      %dma_start3A_124 = tpu.memref_slice %arg5[%add3A_4, %dma_start3A_123] : memref<64x16384xi32, #tpu.memory_space<hbm>> -> memref<1x16384xi32, #tpu.memory_space<hbm>>
      %dma_start3A_125 = tpu.memref_squeeze %dma_start3A_124 : memref<1x16384xi32, #tpu.memory_space<hbm>> -> memref<16384xi32, #tpu.memory_space<hbm>>
      %dma_start3A_126 = arith.constant 0 : i32
      %dma_start3A_127 = tpu.memref_slice %arg8[%dma_start3A_126] : memref<32768xi32, #tpu.memory_space<vmem>> -> memref<16384xi32, #tpu.memory_space<vmem>>
      %dma_start3A_128 = arith.constant 0 : i32
      %dma_start3A_129 = tpu.memref_slice %arg5[%add3A_4, %dma_start3A_128] : memref<64x16384xi32, #tpu.memory_space<hbm>> -> memref<1x16384xi32, #tpu.memory_space<hbm>>
      %dma_start3A_130 = tpu.memref_squeeze %dma_start3A_129 : memref<1x16384xi32, #tpu.memory_space<hbm>> -> memref<16384xi32, #tpu.memory_space<hbm>>
      tpu.enqueue_dma source(%dma_start3A_130 : memref<16384xi32, #tpu.memory_space<hbm>>) target(%dma_start3A_127 : memref<16384xi32, #tpu.memory_space<vmem>>) target_semaphore(%run_scoped3A : memref<!tpu.dma_semaphore, #tpu.memory_space<semaphore_mem>>)
      %dma_wait3A = arith.constant 0 : i32
      %dma_wait3A_131 = tpu.memref_slice %arg8[%dma_wait3A] : memref<32768xi32, #tpu.memory_space<vmem>> -> memref<16384xi32, #tpu.memory_space<vmem>>
      %dma_wait3A_132 = arith.constant 0 : i32
      %dma_wait3A_133 = tpu.memref_slice %arg5[%add3A_4, %dma_wait3A_132] : memref<64x16384xi32, #tpu.memory_space<hbm>> -> memref<1x16384xi32, #tpu.memory_space<hbm>>
      %dma_wait3A_134 = tpu.memref_squeeze %dma_wait3A_133 : memref<1x16384xi32, #tpu.memory_space<hbm>> -> memref<16384xi32, #tpu.memory_space<hbm>>
      %dma_wait3A_135 = arith.constant 0 : i32
      %dma_wait3A_136 = tpu.memref_slice %arg8[%dma_wait3A_135] : memref<32768xi32, #tpu.memory_space<vmem>> -> memref<16384xi32, #tpu.memory_space<vmem>>
      %dma_wait3A_137 = arith.constant 0 : i32
      %dma_wait3A_138 = tpu.memref_slice %arg5[%add3A_4, %dma_wait3A_137] : memref<64x16384xi32, #tpu.memory_space<hbm>> -> memref<1x16384xi32, #tpu.memory_space<hbm>>
      %dma_wait3A_139 = tpu.memref_squeeze %dma_wait3A_138 : memref<1x16384xi32, #tpu.memory_space<hbm>> -> memref<16384xi32, #tpu.memory_space<hbm>>
      tpu.wait_dma2 semaphore(%run_scoped3A : memref<!tpu.dma_semaphore, #tpu.memory_space<semaphore_mem>>) src(%dma_wait3A_139 : memref<16384xi32, #tpu.memory_space<hbm>>) dst(%dma_wait3A_136 : memref<16384xi32, #tpu.memory_space<vmem>>)
      tpu.yield
    }) : () -> ()
    %add3A_5 = arith.constant 1 : i32
    %add3A_6 = arith.addi %mul3A_2, %add3A_5 : i32
    "tpu.region"() ({
      %run_scoped3A = tpu.sem_alloc : memref<!tpu.dma_semaphore, #tpu.memory_space<semaphore_mem>>
      %dma_start3A = arith.constant 16384 : i32
      %dma_start3A_122 = tpu.memref_slice %arg8[%dma_start3A] : memref<32768xi32, #tpu.memory_space<vmem>> -> memref<16384xi32, #tpu.memory_space<vmem>>
      %dma_start3A_123 = arith.constant 0 : i32
      %dma_start3A_124 = tpu.memref_slice %arg5[%add3A_6, %dma_start3A_123] : memref<64x16384xi32, #tpu.memory_space<hbm>> -> memref<1x16384xi32, #tpu.memory_space<hbm>>
      %dma_start3A_125 = tpu.memref_squeeze %dma_start3A_124 : memref<1x16384xi32, #tpu.memory_space<hbm>> -> memref<16384xi32, #tpu.memory_space<hbm>>
      %dma_start3A_126 = arith.constant 16384 : i32
      %dma_start3A_127 = tpu.memref_slice %arg8[%dma_start3A_126] : memref<32768xi32, #tpu.memory_space<vmem>> -> memref<16384xi32, #tpu.memory_space<vmem>>
      %dma_start3A_128 = arith.constant 0 : i32
      %dma_start3A_129 = tpu.memref_slice %arg5[%add3A_6, %dma_start3A_128] : memref<64x16384xi32, #tpu.memory_space<hbm>> -> memref<1x16384xi32, #tpu.memory_space<hbm>>
      %dma_start3A_130 = tpu.memref_squeeze %dma_start3A_129 : memref<1x16384xi32, #tpu.memory_space<hbm>> -> memref<16384xi32, #tpu.memory_space<hbm>>
      tpu.enqueue_dma source(%dma_start3A_130 : memref<16384xi32, #tpu.memory_space<hbm>>) target(%dma_start3A_127 : memref<16384xi32, #tpu.memory_space<vmem>>) target_semaphore(%run_scoped3A : memref<!tpu.dma_semaphore, #tpu.memory_space<semaphore_mem>>)
      %dma_wait3A = arith.constant 16384 : i32
      %dma_wait3A_131 = tpu.memref_slice %arg8[%dma_wait3A] : memref<32768xi32, #tpu.memory_space<vmem>> -> memref<16384xi32, #tpu.memory_space<vmem>>
      %dma_wait3A_132 = arith.constant 0 : i32
      %dma_wait3A_133 = tpu.memref_slice %arg5[%add3A_6, %dma_wait3A_132] : memref<64x16384xi32, #tpu.memory_space<hbm>> -> memref<1x16384xi32, #tpu.memory_space<hbm>>
      %dma_wait3A_134 = tpu.memref_squeeze %dma_wait3A_133 : memref<1x16384xi32, #tpu.memory_space<hbm>> -> memref<16384xi32, #tpu.memory_space<hbm>>
      %dma_wait3A_135 = arith.constant 16384 : i32
      %dma_wait3A_136 = tpu.memref_slice %arg8[%dma_wait3A_135] : memref<32768xi32, #tpu.memory_space<vmem>> -> memref<16384xi32, #tpu.memory_space<vmem>>
      %dma_wait3A_137 = arith.constant 0 : i32
      %dma_wait3A_138 = tpu.memref_slice %arg5[%add3A_6, %dma_wait3A_137] : memref<64x16384xi32, #tpu.memory_space<hbm>> -> memref<1x16384xi32, #tpu.memory_space<hbm>>
      %dma_wait3A_139 = tpu.memref_squeeze %dma_wait3A_138 : memref<1x16384xi32, #tpu.memory_space<hbm>> -> memref<16384xi32, #tpu.memory_space<hbm>>
      tpu.wait_dma2 semaphore(%run_scoped3A : memref<!tpu.dma_semaphore, #tpu.memory_space<semaphore_mem>>) src(%dma_wait3A_139 : memref<16384xi32, #tpu.memory_space<hbm>>) dst(%dma_wait3A_136 : memref<16384xi32, #tpu.memory_space<vmem>>)
      tpu.yield
    }) : () -> ()
    "tpu.region"() ({
      %run_scoped3A = tpu.sem_alloc : memref<!tpu.dma_semaphore, #tpu.memory_space<semaphore_mem>>
      tpu.enqueue_dma source(%arg4 : memref<4x16xi32, #tpu.memory_space<hbm>>) target(%arg10 : memref<4x16xi32, #tpu.memory_space<vmem>>) target_semaphore(%run_scoped3A : memref<!tpu.dma_semaphore, #tpu.memory_space<semaphore_mem>>)
      tpu.wait_dma2 semaphore(%run_scoped3A : memref<!tpu.dma_semaphore, #tpu.memory_space<semaphore_mem>>) src(%arg4 : memref<4x16xi32, #tpu.memory_space<hbm>>) dst(%arg10 : memref<4x16xi32, #tpu.memory_space<vmem>>)
      tpu.yield
    }) : () -> ()
    %get3A = arith.constant 0 : i32
    %get3A_7 = arith.index_cast %get3A : i32 to index
    %get3A_8 = arith.constant 0 : index
    %get3A_9 = tpu.vector_load %arg10[%get3A_7, %get3A_8] {strides = array<i32>} : memref<4x16xi32, #tpu.memory_space<vmem>>, vector<16xi32>,
    %get3A_10 = arith.constant 1 : i32
    %get3A_11 = arith.index_cast %get3A_10 : i32 to index
    %get3A_12 = arith.constant 0 : index
    %get3A_13 = tpu.vector_load %arg10[%get3A_11, %get3A_12] {strides = array<i32>} : memref<4x16xi32, #tpu.memory_space<vmem>>, vector<16xi32>,
    %shift_left3A = arith.constant 16 : i32
    %shift_left3A_14 = vector.broadcast %shift_left3A : i32 to vector<16xi32>
    %shift_left3A_15 = arith.shli %get3A_13, %shift_left3A_14 : vector<16xi32>
    %or3A = arith.ori %get3A_9, %shift_left3A_15 : vector<16xi32>
    %get3A_16 = arith.constant 2 : i32
    %get3A_17 = arith.index_cast %get3A_16 : i32 to index
    %get3A_18 = arith.constant 0 : index
    %get3A_19 = tpu.vector_load %arg10[%get3A_17, %get3A_18] {strides = array<i32>} : memref<4x16xi32, #tpu.memory_space<vmem>>, vector<16xi32>,
    %get3A_20 = arith.constant 3 : i32
    %get3A_21 = arith.index_cast %get3A_20 : i32 to index
    %get3A_22 = arith.constant 0 : index
    %get3A_23 = tpu.vector_load %arg10[%get3A_21, %get3A_22] {strides = array<i32>} : memref<4x16xi32, #tpu.memory_space<vmem>>, vector<16xi32>,
    %shift_left3A_24 = arith.constant 16 : i32
    %shift_left3A_25 = vector.broadcast %shift_left3A_24 : i32 to vector<16xi32>
    %shift_left3A_26 = arith.shli %get3A_23, %shift_left3A_25 : vector<16xi32>
    %or3A_27 = arith.ori %get3A_19, %shift_left3A_26 : vector<16xi32>
    %slice3A = vector.extract_strided_slice %or3A {offsets = [0], sizes = [1], strides = [1]} : vector<16xi32> to vector<1xi32>
    %squeeze3A = vector.extract %slice3A[0] : i32 from vector<1xi32>
    %slice3A_28 = vector.extract_strided_slice %or3A {offsets = [1], sizes = [1], strides = [1]} : vector<16xi32> to vector<1xi32>
    %squeeze3A_29 = vector.extract %slice3A_28[0] : i32 from vector<1xi32>
    %slice3A_30 = vector.extract_strided_slice %or3A {offsets = [2], sizes = [1], strides = [1]} : vector<16xi32> to vector<1xi32>
    %squeeze3A_31 = vector.extract %slice3A_30[0] : i32 from vector<1xi32>
    %slice3A_32 = vector.extract_strided_slice %or3A {offsets = [3], sizes = [1], strides = [1]} : vector<16xi32> to vector<1xi32>
    %squeeze3A_33 = vector.extract %slice3A_32[0] : i32 from vector<1xi32>
    %slice3A_34 = vector.extract_strided_slice %or3A {offsets = [4], sizes = [1], strides = [1]} : vector<16xi32> to vector<1xi32>
    %squeeze3A_35 = vector.extract %slice3A_34[0] : i32 from vector<1xi32>
    %slice3A_36 = vector.extract_strided_slice %or3A {offsets = [5], sizes = [1], strides = [1]} : vector<16xi32> to vector<1xi32>
    %squeeze3A_37 = vector.extract %slice3A_36[0] : i32 from vector<1xi32>
    %slice3A_38 = vector.extract_strided_slice %or3A {offsets = [6], sizes = [1], strides = [1]} : vector<16xi32> to vector<1xi32>
    %squeeze3A_39 = vector.extract %slice3A_38[0] : i32 from vector<1xi32>
    %slice3A_40 = vector.extract_strided_slice %or3A {offsets = [7], sizes = [1], strides = [1]} : vector<16xi32> to vector<1xi32>
    %squeeze3A_41 = vector.extract %slice3A_40[0] : i32 from vector<1xi32>
    %scan3A = arith.constant 0 : i32
    %scan3A_42 = arith.constant 0 : i32
    %scan3A_43 = arith.constant 16 : i32
    %scan3A_44 = arith.addi %scan3A_42, %scan3A_43 : i32
    %scan3A_45 = arith.constant 1 : i32
    scf.for %scan3A_122 = %scan3A_42 to %scan3A_44 step %scan3A_45  : i32 {
      %mul3A_123 = arith.constant 16 : i32
      %mul3A_124 = arith.muli %scan3A_122, %mul3A_123 : i32
      %add3A_125 = vector.broadcast %mul3A_124 : i32 to vector<16xi32>
      %add3A_126 = arith.addi %add3A_125, %iota3A : vector<16xi32>
      %broadcast_in_dim3A_127 = arith.constant 0 : i32
      %broadcast_in_dim3A_128 = vector.broadcast %broadcast_in_dim3A_127 : i32 to vector<16xi32>
      %shift_right_arithmetic3A = arith.constant 0 : i32
      %shift_right_arithmetic3A_129 = vector.broadcast %shift_right_arithmetic3A : i32 to vector<16xi32>
      %shift_right_arithmetic3A_130 = arith.shrsi %add3A_126, %shift_right_arithmetic3A_129 : vector<16xi32>
      %and3A = arith.constant 1 : i32
      %and3A_131 = vector.broadcast %and3A : i32 to vector<16xi32>
      %and3A_132 = arith.andi %shift_right_arithmetic3A_130, %and3A_131 : vector<16xi32>
      %sub3A = arith.constant 0 : i32
      %sub3A_133 = vector.broadcast %sub3A : i32 to vector<16xi32>
      %sub3A_134 = arith.subi %sub3A_133, %and3A_132 : vector<16xi32>
      %and3A_135 = vector.broadcast %squeeze3A : i32 to vector<16xi32>
      %and3A_136 = arith.andi %sub3A_134, %and3A_135 : vector<16xi32>
      %xor3A = arith.xori %broadcast_in_dim3A_128, %and3A_136 : vector<16xi32>
      %shift_right_arithmetic3A_137 = arith.constant 1 : i32
      %shift_right_arithmetic3A_138 = vector.broadcast %shift_right_arithmetic3A_137 : i32 to vector<16xi32>
      %shift_right_arithmetic3A_139 = arith.shrsi %add3A_126, %shift_right_arithmetic3A_138 : vector<16xi32>
      %and3A_140 = arith.constant 1 : i32
      %and3A_141 = vector.broadcast %and3A_140 : i32 to vector<16xi32>
      %and3A_142 = arith.andi %shift_right_arithmetic3A_139, %and3A_141 : vector<16xi32>
      %sub3A_143 = arith.constant 0 : i32
      %sub3A_144 = vector.broadcast %sub3A_143 : i32 to vector<16xi32>
      %sub3A_145 = arith.subi %sub3A_144, %and3A_142 : vector<16xi32>
      %and3A_146 = vector.broadcast %squeeze3A_29 : i32 to vector<16xi32>
      %and3A_147 = arith.andi %sub3A_145, %and3A_146 : vector<16xi32>
      %xor3A_148 = arith.xori %xor3A, %and3A_147 : vector<16xi32>
      %shift_right_arithmetic3A_149 = arith.constant 2 : i32
      %shift_right_arithmetic3A_150 = vector.broadcast %shift_right_arithmetic3A_149 : i32 to vector<16xi32>
      %shift_right_arithmetic3A_151 = arith.shrsi %add3A_126, %shift_right_arithmetic3A_150 : vector<16xi32>
      %and3A_152 = arith.constant 1 : i32
      %and3A_153 = vector.broadcast %and3A_152 : i32 to vector<16xi32>
      %and3A_154 = arith.andi %shift_right_arithmetic3A_151, %and3A_153 : vector<16xi32>
      %sub3A_155 = arith.constant 0 : i32
      %sub3A_156 = vector.broadcast %sub3A_155 : i32 to vector<16xi32>
      %sub3A_157 = arith.subi %sub3A_156, %and3A_154 : vector<16xi32>
      %and3A_158 = vector.broadcast %squeeze3A_31 : i32 to vector<16xi32>
      %and3A_159 = arith.andi %sub3A_157, %and3A_158 : vector<16xi32>
      %xor3A_160 = arith.xori %xor3A_148, %and3A_159 : vector<16xi32>
      %shift_right_arithmetic3A_161 = arith.constant 3 : i32
      %shift_right_arithmetic3A_162 = vector.broadcast %shift_right_arithmetic3A_161 : i32 to vector<16xi32>
      %shift_right_arithmetic3A_163 = arith.shrsi %add3A_126, %shift_right_arithmetic3A_162 : vector<16xi32>
      %and3A_164 = arith.constant 1 : i32
      %and3A_165 = vector.broadcast %and3A_164 : i32 to vector<16xi32>
      %and3A_166 = arith.andi %shift_right_arithmetic3A_163, %and3A_165 : vector<16xi32>
      %sub3A_167 = arith.constant 0 : i32
      %sub3A_168 = vector.broadcast %sub3A_167 : i32 to vector<16xi32>
      %sub3A_169 = arith.subi %sub3A_168, %and3A_166 : vector<16xi32>
      %and3A_170 = vector.broadcast %squeeze3A_33 : i32 to vector<16xi32>
      %and3A_171 = arith.andi %sub3A_169, %and3A_170 : vector<16xi32>
      %xor3A_172 = arith.xori %xor3A_160, %and3A_171 : vector<16xi32>
      %shift_right_arithmetic3A_173 = arith.constant 4 : i32
      %shift_right_arithmetic3A_174 = vector.broadcast %shift_right_arithmetic3A_173 : i32 to vector<16xi32>
      %shift_right_arithmetic3A_175 = arith.shrsi %add3A_126, %shift_right_arithmetic3A_174 : vector<16xi32>
      %and3A_176 = arith.constant 1 : i32
      %and3A_177 = vector.broadcast %and3A_176 : i32 to vector<16xi32>
      %and3A_178 = arith.andi %shift_right_arithmetic3A_175, %and3A_177 : vector<16xi32>
      %sub3A_179 = arith.constant 0 : i32
      %sub3A_180 = vector.broadcast %sub3A_179 : i32 to vector<16xi32>
      %sub3A_181 = arith.subi %sub3A_180, %and3A_178 : vector<16xi32>
      %and3A_182 = vector.broadcast %squeeze3A_35 : i32 to vector<16xi32>
      %and3A_183 = arith.andi %sub3A_181, %and3A_182 : vector<16xi32>
      %xor3A_184 = arith.xori %xor3A_172, %and3A_183 : vector<16xi32>
      %shift_right_arithmetic3A_185 = arith.constant 5 : i32
      %shift_right_arithmetic3A_186 = vector.broadcast %shift_right_arithmetic3A_185 : i32 to vector<16xi32>
      %shift_right_arithmetic3A_187 = arith.shrsi %add3A_126, %shift_right_arithmetic3A_186 : vector<16xi32>
      %and3A_188 = arith.constant 1 : i32
      %and3A_189 = vector.broadcast %and3A_188 : i32 to vector<16xi32>
      %and3A_190 = arith.andi %shift_right_arithmetic3A_187, %and3A_189 : vector<16xi32>
      %sub3A_191 = arith.constant 0 : i32
      %sub3A_192 = vector.broadcast %sub3A_191 : i32 to vector<16xi32>
      %sub3A_193 = arith.subi %sub3A_192, %and3A_190 : vector<16xi32>
      %and3A_194 = vector.broadcast %squeeze3A_37 : i32 to vector<16xi32>
      %and3A_195 = arith.andi %sub3A_193, %and3A_194 : vector<16xi32>
      %xor3A_196 = arith.xori %xor3A_184, %and3A_195 : vector<16xi32>
      %shift_right_arithmetic3A_197 = arith.constant 6 : i32
      %shift_right_arithmetic3A_198 = vector.broadcast %shift_right_arithmetic3A_197 : i32 to vector<16xi32>
      %shift_right_arithmetic3A_199 = arith.shrsi %add3A_126, %shift_right_arithmetic3A_198 : vector<16xi32>
      %and3A_200 = arith.constant 1 : i32
      %and3A_201 = vector.broadcast %and3A_200 : i32 to vector<16xi32>
      %and3A_202 = arith.andi %shift_right_arithmetic3A_199, %and3A_201 : vector<16xi32>
      %sub3A_203 = arith.constant 0 : i32
      %sub3A_204 = vector.broadcast %sub3A_203 : i32 to vector<16xi32>
      %sub3A_205 = arith.subi %sub3A_204, %and3A_202 : vector<16xi32>
      %and3A_206 = vector.broadcast %squeeze3A_39 : i32 to vector<16xi32>
      %and3A_207 = arith.andi %sub3A_205, %and3A_206 : vector<16xi32>
      %xor3A_208 = arith.xori %xor3A_196, %and3A_207 : vector<16xi32>
      %shift_right_arithmetic3A_209 = arith.constant 7 : i32
      %shift_right_arithmetic3A_210 = vector.broadcast %shift_right_arithmetic3A_209 : i32 to vector<16xi32>
      %shift_right_arithmetic3A_211 = arith.shrsi %add3A_126, %shift_right_arithmetic3A_210 : vector<16xi32>
      %and3A_212 = arith.constant 1 : i32
      %and3A_213 = vector.broadcast %and3A_212 : i32 to vector<16xi32>
      %and3A_214 = arith.andi %shift_right_arithmetic3A_211, %and3A_213 : vector<16xi32>
      %sub3A_215 = arith.constant 0 : i32
      %sub3A_216 = vector.broadcast %sub3A_215 : i32 to vector<16xi32>
      %sub3A_217 = arith.subi %sub3A_216, %and3A_214 : vector<16xi32>
      %and3A_218 = vector.broadcast %squeeze3A_41 : i32 to vector<16xi32>
      %and3A_219 = arith.andi %sub3A_217, %and3A_218 : vector<16xi32>
      %xor3A_220 = arith.xori %xor3A_208, %and3A_219 : vector<16xi32>
      %mul3A_221 = arith.constant 16 : i32
      %mul3A_222 = arith.muli %scan3A_122, %mul3A_221 : i32
      %swap3A = arith.index_cast %mul3A_222 : i32 to index
      %swap3A_223 = tpu.vector_load %arg11[%swap3A] {strides = array<i32>} : memref<256xi32, #tpu.memory_space<vmem>>, vector<16xi32>,
      tpu.vector_store %arg11[%swap3A], %xor3A_220 {strides = array<i32>} : memref<256xi32, #tpu.memory_space<vmem>>, vector<16xi32>,
    }
    %scan3A_46 = arith.constant 16 : i32
    %slice3A_47 = vector.extract_strided_slice %or3A {offsets = [8], sizes = [1], strides = [1]} : vector<16xi32> to vector<1xi32>
    %squeeze3A_48 = vector.extract %slice3A_47[0] : i32 from vector<1xi32>
    %slice3A_49 = vector.extract_strided_slice %or3A {offsets = [9], sizes = [1], strides = [1]} : vector<16xi32> to vector<1xi32>
    %squeeze3A_50 = vector.extract %slice3A_49[0] : i32 from vector<1xi32>
    %slice3A_51 = vector.extract_strided_slice %or3A {offsets = [10], sizes = [1], strides = [1]} : vector<16xi32> to vector<1xi32>
    %squeeze3A_52 = vector.extract %slice3A_51[0] : i32 from vector<1xi32>
    %slice3A_53 = vector.extract_strided_slice %or3A {offsets = [11], sizes = [1], strides = [1]} : vector<16xi32> to vector<1xi32>
    %squeeze3A_54 = vector.extract %slice3A_53[0] : i32 from vector<1xi32>
    %slice3A_55 = vector.extract_strided_slice %or3A {offsets = [12], sizes = [1], strides = [1]} : vector<16xi32> to vector<1xi32>
    %squeeze3A_56 = vector.extract %slice3A_55[0] : i32 from vector<1xi32>
    %slice3A_57 = vector.extract_strided_slice %or3A {offsets = [13], sizes = [1], strides = [1]} : vector<16xi32> to vector<1xi32>
    %squeeze3A_58 = vector.extract %slice3A_57[0] : i32 from vector<1xi32>
    %slice3A_59 = vector.extract_strided_slice %or3A {offsets = [14], sizes = [1], strides = [1]} : vector<16xi32> to vector<1xi32>
    %squeeze3A_60 = vector.extract %slice3A_59[0] : i32 from vector<1xi32>
    %slice3A_61 = vector.extract_strided_slice %or3A {offsets = [15], sizes = [1], strides = [1]} : vector<16xi32> to vector<1xi32>
    %squeeze3A_62 = vector.extract %slice3A_61[0] : i32 from vector<1xi32>
    %scan3A_63 = arith.constant 0 : i32
    %scan3A_64 = arith.constant 0 : i32
    %scan3A_65 = arith.constant 16 : i32
    %scan3A_66 = arith.addi %scan3A_64, %scan3A_65 : i32
    %scan3A_67 = arith.constant 1 : i32
    scf.for %scan3A_122 = %scan3A_64 to %scan3A_66 step %scan3A_67  : i32 {
      %mul3A_123 = arith.constant 16 : i32
      %mul3A_124 = arith.muli %scan3A_122, %mul3A_123 : i32
      %add3A_125 = vector.broadcast %mul3A_124 : i32 to vector<16xi32>
      %add3A_126 = arith.addi %add3A_125, %iota3A : vector<16xi32>
      %broadcast_in_dim3A_127 = arith.constant 0 : i32
      %broadcast_in_dim3A_128 = vector.broadcast %broadcast_in_dim3A_127 : i32 to vector<16xi32>
      %shift_right_arithmetic3A = arith.constant 0 : i32
      %shift_right_arithmetic3A_129 = vector.broadcast %shift_right_arithmetic3A : i32 to vector<16xi32>
      %shift_right_arithmetic3A_130 = arith.shrsi %add3A_126, %shift_right_arithmetic3A_129 : vector<16xi32>
      %and3A = arith.constant 1 : i32
      %and3A_131 = vector.broadcast %and3A : i32 to vector<16xi32>
      %and3A_132 = arith.andi %shift_right_arithmetic3A_130, %and3A_131 : vector<16xi32>
      %sub3A = arith.constant 0 : i32
      %sub3A_133 = vector.broadcast %sub3A : i32 to vector<16xi32>
      %sub3A_134 = arith.subi %sub3A_133, %and3A_132 : vector<16xi32>
      %and3A_135 = vector.broadcast %squeeze3A_48 : i32 to vector<16xi32>
      %and3A_136 = arith.andi %sub3A_134, %and3A_135 : vector<16xi32>
      %xor3A = arith.xori %broadcast_in_dim3A_128, %and3A_136 : vector<16xi32>
      %shift_right_arithmetic3A_137 = arith.constant 1 : i32
      %shift_right_arithmetic3A_138 = vector.broadcast %shift_right_arithmetic3A_137 : i32 to vector<16xi32>
      %shift_right_arithmetic3A_139 = arith.shrsi %add3A_126, %shift_right_arithmetic3A_138 : vector<16xi32>
      %and3A_140 = arith.constant 1 : i32
      %and3A_141 = vector.broadcast %and3A_140 : i32 to vector<16xi32>
      %and3A_142 = arith.andi %shift_right_arithmetic3A_139, %and3A_141 : vector<16xi32>
      %sub3A_143 = arith.constant 0 : i32
      %sub3A_144 = vector.broadcast %sub3A_143 : i32 to vector<16xi32>
      %sub3A_145 = arith.subi %sub3A_144, %and3A_142 : vector<16xi32>
      %and3A_146 = vector.broadcast %squeeze3A_50 : i32 to vector<16xi32>
      %and3A_147 = arith.andi %sub3A_145, %and3A_146 : vector<16xi32>
      %xor3A_148 = arith.xori %xor3A, %and3A_147 : vector<16xi32>
      %shift_right_arithmetic3A_149 = arith.constant 2 : i32
      %shift_right_arithmetic3A_150 = vector.broadcast %shift_right_arithmetic3A_149 : i32 to vector<16xi32>
      %shift_right_arithmetic3A_151 = arith.shrsi %add3A_126, %shift_right_arithmetic3A_150 : vector<16xi32>
      %and3A_152 = arith.constant 1 : i32
      %and3A_153 = vector.broadcast %and3A_152 : i32 to vector<16xi32>
      %and3A_154 = arith.andi %shift_right_arithmetic3A_151, %and3A_153 : vector<16xi32>
      %sub3A_155 = arith.constant 0 : i32
      %sub3A_156 = vector.broadcast %sub3A_155 : i32 to vector<16xi32>
      %sub3A_157 = arith.subi %sub3A_156, %and3A_154 : vector<16xi32>
      %and3A_158 = vector.broadcast %squeeze3A_52 : i32 to vector<16xi32>
      %and3A_159 = arith.andi %sub3A_157, %and3A_158 : vector<16xi32>
      %xor3A_160 = arith.xori %xor3A_148, %and3A_159 : vector<16xi32>
      %shift_right_arithmetic3A_161 = arith.constant 3 : i32
      %shift_right_arithmetic3A_162 = vector.broadcast %shift_right_arithmetic3A_161 : i32 to vector<16xi32>
      %shift_right_arithmetic3A_163 = arith.shrsi %add3A_126, %shift_right_arithmetic3A_162 : vector<16xi32>
      %and3A_164 = arith.constant 1 : i32
      %and3A_165 = vector.broadcast %and3A_164 : i32 to vector<16xi32>
      %and3A_166 = arith.andi %shift_right_arithmetic3A_163, %and3A_165 : vector<16xi32>
      %sub3A_167 = arith.constant 0 : i32
      %sub3A_168 = vector.broadcast %sub3A_167 : i32 to vector<16xi32>
      %sub3A_169 = arith.subi %sub3A_168, %and3A_166 : vector<16xi32>
      %and3A_170 = vector.broadcast %squeeze3A_54 : i32 to vector<16xi32>
      %and3A_171 = arith.andi %sub3A_169, %and3A_170 : vector<16xi32>
      %xor3A_172 = arith.xori %xor3A_160, %and3A_171 : vector<16xi32>
      %shift_right_arithmetic3A_173 = arith.constant 4 : i32
      %shift_right_arithmetic3A_174 = vector.broadcast %shift_right_arithmetic3A_173 : i32 to vector<16xi32>
      %shift_right_arithmetic3A_175 = arith.shrsi %add3A_126, %shift_right_arithmetic3A_174 : vector<16xi32>
      %and3A_176 = arith.constant 1 : i32
      %and3A_177 = vector.broadcast %and3A_176 : i32 to vector<16xi32>
      %and3A_178 = arith.andi %shift_right_arithmetic3A_175, %and3A_177 : vector<16xi32>
      %sub3A_179 = arith.constant 0 : i32
      %sub3A_180 = vector.broadcast %sub3A_179 : i32 to vector<16xi32>
      %sub3A_181 = arith.subi %sub3A_180, %and3A_178 : vector<16xi32>
      %and3A_182 = vector.broadcast %squeeze3A_56 : i32 to vector<16xi32>
      %and3A_183 = arith.andi %sub3A_181, %and3A_182 : vector<16xi32>
      %xor3A_184 = arith.xori %xor3A_172, %and3A_183 : vector<16xi32>
      %shift_right_arithmetic3A_185 = arith.constant 5 : i32
      %shift_right_arithmetic3A_186 = vector.broadcast %shift_right_arithmetic3A_185 : i32 to vector<16xi32>
      %shift_right_arithmetic3A_187 = arith.shrsi %add3A_126, %shift_right_arithmetic3A_186 : vector<16xi32>
      %and3A_188 = arith.constant 1 : i32
      %and3A_189 = vector.broadcast %and3A_188 : i32 to vector<16xi32>
      %and3A_190 = arith.andi %shift_right_arithmetic3A_187, %and3A_189 : vector<16xi32>
      %sub3A_191 = arith.constant 0 : i32
      %sub3A_192 = vector.broadcast %sub3A_191 : i32 to vector<16xi32>
      %sub3A_193 = arith.subi %sub3A_192, %and3A_190 : vector<16xi32>
      %and3A_194 = vector.broadcast %squeeze3A_58 : i32 to vector<16xi32>
      %and3A_195 = arith.andi %sub3A_193, %and3A_194 : vector<16xi32>
      %xor3A_196 = arith.xori %xor3A_184, %and3A_195 : vector<16xi32>
      %shift_right_arithmetic3A_197 = arith.constant 6 : i32
      %shift_right_arithmetic3A_198 = vector.broadcast %shift_right_arithmetic3A_197 : i32 to vector<16xi32>
      %shift_right_arithmetic3A_199 = arith.shrsi %add3A_126, %shift_right_arithmetic3A_198 : vector<16xi32>
      %and3A_200 = arith.constant 1 : i32
      %and3A_201 = vector.broadcast %and3A_200 : i32 to vector<16xi32>
      %and3A_202 = arith.andi %shift_right_arithmetic3A_199, %and3A_201 : vector<16xi32>
      %sub3A_203 = arith.constant 0 : i32
      %sub3A_204 = vector.broadcast %sub3A_203 : i32 to vector<16xi32>
      %sub3A_205 = arith.subi %sub3A_204, %and3A_202 : vector<16xi32>
      %and3A_206 = vector.broadcast %squeeze3A_60 : i32 to vector<16xi32>
      %and3A_207 = arith.andi %sub3A_205, %and3A_206 : vector<16xi32>
      %xor3A_208 = arith.xori %xor3A_196, %and3A_207 : vector<16xi32>
      %shift_right_arithmetic3A_209 = arith.constant 7 : i32
      %shift_right_arithmetic3A_210 = vector.broadcast %shift_right_arithmetic3A_209 : i32 to vector<16xi32>
      %shift_right_arithmetic3A_211 = arith.shrsi %add3A_126, %shift_right_arithmetic3A_210 : vector<16xi32>
      %and3A_212 = arith.constant 1 : i32
      %and3A_213 = vector.broadcast %and3A_212 : i32 to vector<16xi32>
      %and3A_214 = arith.andi %shift_right_arithmetic3A_211, %and3A_213 : vector<16xi32>
      %sub3A_215 = arith.constant 0 : i32
      %sub3A_216 = vector.broadcast %sub3A_215 : i32 to vector<16xi32>
      %sub3A_217 = arith.subi %sub3A_216, %and3A_214 : vector<16xi32>
      %and3A_218 = vector.broadcast %squeeze3A_62 : i32 to vector<16xi32>
      %and3A_219 = arith.andi %sub3A_217, %and3A_218 : vector<16xi32>
      %xor3A_220 = arith.xori %xor3A_208, %and3A_219 : vector<16xi32>
      %mul3A_221 = arith.constant 16 : i32
      %mul3A_222 = arith.muli %scan3A_122, %mul3A_221 : i32
      %swap3A = arith.index_cast %mul3A_222 : i32 to index
      %swap3A_223 = tpu.vector_load %arg12[%swap3A] {strides = array<i32>} : memref<256xi32, #tpu.memory_space<vmem>>, vector<16xi32>,
      tpu.vector_store %arg12[%swap3A], %xor3A_220 {strides = array<i32>} : memref<256xi32, #tpu.memory_space<vmem>>, vector<16xi32>,
    }
    %scan3A_68 = arith.constant 16 : i32
    %slice3A_69 = vector.extract_strided_slice %or3A_27 {offsets = [0], sizes = [1], strides = [1]} : vector<16xi32> to vector<1xi32>
    %squeeze3A_70 = vector.extract %slice3A_69[0] : i32 from vector<1xi32>
    %slice3A_71 = vector.extract_strided_slice %or3A_27 {offsets = [1], sizes = [1], strides = [1]} : vector<16xi32> to vector<1xi32>
    %squeeze3A_72 = vector.extract %slice3A_71[0] : i32 from vector<1xi32>
    %slice3A_73 = vector.extract_strided_slice %or3A_27 {offsets = [2], sizes = [1], strides = [1]} : vector<16xi32> to vector<1xi32>
    %squeeze3A_74 = vector.extract %slice3A_73[0] : i32 from vector<1xi32>
    %slice3A_75 = vector.extract_strided_slice %or3A_27 {offsets = [3], sizes = [1], strides = [1]} : vector<16xi32> to vector<1xi32>
    %squeeze3A_76 = vector.extract %slice3A_75[0] : i32 from vector<1xi32>
    %slice3A_77 = vector.extract_strided_slice %or3A_27 {offsets = [4], sizes = [1], strides = [1]} : vector<16xi32> to vector<1xi32>
    %squeeze3A_78 = vector.extract %slice3A_77[0] : i32 from vector<1xi32>
    %slice3A_79 = vector.extract_strided_slice %or3A_27 {offsets = [5], sizes = [1], strides = [1]} : vector<16xi32> to vector<1xi32>
    %squeeze3A_80 = vector.extract %slice3A_79[0] : i32 from vector<1xi32>
    %slice3A_81 = vector.extract_strided_slice %or3A_27 {offsets = [6], sizes = [1], strides = [1]} : vector<16xi32> to vector<1xi32>
    %squeeze3A_82 = vector.extract %slice3A_81[0] : i32 from vector<1xi32>
    %slice3A_83 = vector.extract_strided_slice %or3A_27 {offsets = [7], sizes = [1], strides = [1]} : vector<16xi32> to vector<1xi32>
    %squeeze3A_84 = vector.extract %slice3A_83[0] : i32 from vector<1xi32>
    %scan3A_85 = arith.constant 0 : i32
    %scan3A_86 = arith.constant 0 : i32
    %scan3A_87 = arith.constant 16 : i32
    %scan3A_88 = arith.addi %scan3A_86, %scan3A_87 : i32
    %scan3A_89 = arith.constant 1 : i32
    scf.for %scan3A_122 = %scan3A_86 to %scan3A_88 step %scan3A_89  : i32 {
      %mul3A_123 = arith.constant 16 : i32
      %mul3A_124 = arith.muli %scan3A_122, %mul3A_123 : i32
      %add3A_125 = vector.broadcast %mul3A_124 : i32 to vector<16xi32>
      %add3A_126 = arith.addi %add3A_125, %iota3A : vector<16xi32>
      %broadcast_in_dim3A_127 = arith.constant 0 : i32
      %broadcast_in_dim3A_128 = vector.broadcast %broadcast_in_dim3A_127 : i32 to vector<16xi32>
      %shift_right_arithmetic3A = arith.constant 0 : i32
      %shift_right_arithmetic3A_129 = vector.broadcast %shift_right_arithmetic3A : i32 to vector<16xi32>
      %shift_right_arithmetic3A_130 = arith.shrsi %add3A_126, %shift_right_arithmetic3A_129 : vector<16xi32>
      %and3A = arith.constant 1 : i32
      %and3A_131 = vector.broadcast %and3A : i32 to vector<16xi32>
      %and3A_132 = arith.andi %shift_right_arithmetic3A_130, %and3A_131 : vector<16xi32>
      %sub3A = arith.constant 0 : i32
      %sub3A_133 = vector.broadcast %sub3A : i32 to vector<16xi32>
      %sub3A_134 = arith.subi %sub3A_133, %and3A_132 : vector<16xi32>
      %and3A_135 = vector.broadcast %squeeze3A_70 : i32 to vector<16xi32>
      %and3A_136 = arith.andi %sub3A_134, %and3A_135 : vector<16xi32>
      %xor3A = arith.xori %broadcast_in_dim3A_128, %and3A_136 : vector<16xi32>
      %shift_right_arithmetic3A_137 = arith.constant 1 : i32
      %shift_right_arithmetic3A_138 = vector.broadcast %shift_right_arithmetic3A_137 : i32 to vector<16xi32>
      %shift_right_arithmetic3A_139 = arith.shrsi %add3A_126, %shift_right_arithmetic3A_138 : vector<16xi32>
      %and3A_140 = arith.constant 1 : i32
      %and3A_141 = vector.broadcast %and3A_140 : i32 to vector<16xi32>
      %and3A_142 = arith.andi %shift_right_arithmetic3A_139, %and3A_141 : vector<16xi32>
      %sub3A_143 = arith.constant 0 : i32
      %sub3A_144 = vector.broadcast %sub3A_143 : i32 to vector<16xi32>
      %sub3A_145 = arith.subi %sub3A_144, %and3A_142 : vector<16xi32>
      %and3A_146 = vector.broadcast %squeeze3A_72 : i32 to vector<16xi32>
      %and3A_147 = arith.andi %sub3A_145, %and3A_146 : vector<16xi32>
      %xor3A_148 = arith.xori %xor3A, %and3A_147 : vector<16xi32>
      %shift_right_arithmetic3A_149 = arith.constant 2 : i32
      %shift_right_arithmetic3A_150 = vector.broadcast %shift_right_arithmetic3A_149 : i32 to vector<16xi32>
      %shift_right_arithmetic3A_151 = arith.shrsi %add3A_126, %shift_right_arithmetic3A_150 : vector<16xi32>
      %and3A_152 = arith.constant 1 : i32
      %and3A_153 = vector.broadcast %and3A_152 : i32 to vector<16xi32>
      %and3A_154 = arith.andi %shift_right_arithmetic3A_151, %and3A_153 : vector<16xi32>
      %sub3A_155 = arith.constant 0 : i32
      %sub3A_156 = vector.broadcast %sub3A_155 : i32 to vector<16xi32>
      %sub3A_157 = arith.subi %sub3A_156, %and3A_154 : vector<16xi32>
      %and3A_158 = vector.broadcast %squeeze3A_74 : i32 to vector<16xi32>
      %and3A_159 = arith.andi %sub3A_157, %and3A_158 : vector<16xi32>
      %xor3A_160 = arith.xori %xor3A_148, %and3A_159 : vector<16xi32>
      %shift_right_arithmetic3A_161 = arith.constant 3 : i32
      %shift_right_arithmetic3A_162 = vector.broadcast %shift_right_arithmetic3A_161 : i32 to vector<16xi32>
      %shift_right_arithmetic3A_163 = arith.shrsi %add3A_126, %shift_right_arithmetic3A_162 : vector<16xi32>
      %and3A_164 = arith.constant 1 : i32
      %and3A_165 = vector.broadcast %and3A_164 : i32 to vector<16xi32>
      %and3A_166 = arith.andi %shift_right_arithmetic3A_163, %and3A_165 : vector<16xi32>
      %sub3A_167 = arith.constant 0 : i32
      %sub3A_168 = vector.broadcast %sub3A_167 : i32 to vector<16xi32>
      %sub3A_169 = arith.subi %sub3A_168, %and3A_166 : vector<16xi32>
      %and3A_170 = vector.broadcast %squeeze3A_76 : i32 to vector<16xi32>
      %and3A_171 = arith.andi %sub3A_169, %and3A_170 : vector<16xi32>
      %xor3A_172 = arith.xori %xor3A_160, %and3A_171 : vector<16xi32>
      %shift_right_arithmetic3A_173 = arith.constant 4 : i32
      %shift_right_arithmetic3A_174 = vector.broadcast %shift_right_arithmetic3A_173 : i32 to vector<16xi32>
      %shift_right_arithmetic3A_175 = arith.shrsi %add3A_126, %shift_right_arithmetic3A_174 : vector<16xi32>
      %and3A_176 = arith.constant 1 : i32
      %and3A_177 = vector.broadcast %and3A_176 : i32 to vector<16xi32>
      %and3A_178 = arith.andi %shift_right_arithmetic3A_175, %and3A_177 : vector<16xi32>
      %sub3A_179 = arith.constant 0 : i32
      %sub3A_180 = vector.broadcast %sub3A_179 : i32 to vector<16xi32>
      %sub3A_181 = arith.subi %sub3A_180, %and3A_178 : vector<16xi32>
      %and3A_182 = vector.broadcast %squeeze3A_78 : i32 to vector<16xi32>
      %and3A_183 = arith.andi %sub3A_181, %and3A_182 : vector<16xi32>
      %xor3A_184 = arith.xori %xor3A_172, %and3A_183 : vector<16xi32>
      %shift_right_arithmetic3A_185 = arith.constant 5 : i32
      %shift_right_arithmetic3A_186 = vector.broadcast %shift_right_arithmetic3A_185 : i32 to vector<16xi32>
      %shift_right_arithmetic3A_187 = arith.shrsi %add3A_126, %shift_right_arithmetic3A_186 : vector<16xi32>
      %and3A_188 = arith.constant 1 : i32
      %and3A_189 = vector.broadcast %and3A_188 : i32 to vector<16xi32>
      %and3A_190 = arith.andi %shift_right_arithmetic3A_187, %and3A_189 : vector<16xi32>
      %sub3A_191 = arith.constant 0 : i32
      %sub3A_192 = vector.broadcast %sub3A_191 : i32 to vector<16xi32>
      %sub3A_193 = arith.subi %sub3A_192, %and3A_190 : vector<16xi32>
      %and3A_194 = vector.broadcast %squeeze3A_80 : i32 to vector<16xi32>
      %and3A_195 = arith.andi %sub3A_193, %and3A_194 : vector<16xi32>
      %xor3A_196 = arith.xori %xor3A_184, %and3A_195 : vector<16xi32>
      %shift_right_arithmetic3A_197 = arith.constant 6 : i32
      %shift_right_arithmetic3A_198 = vector.broadcast %shift_right_arithmetic3A_197 : i32 to vector<16xi32>
      %shift_right_arithmetic3A_199 = arith.shrsi %add3A_126, %shift_right_arithmetic3A_198 : vector<16xi32>
      %and3A_200 = arith.constant 1 : i32
      %and3A_201 = vector.broadcast %and3A_200 : i32 to vector<16xi32>
      %and3A_202 = arith.andi %shift_right_arithmetic3A_199, %and3A_201 : vector<16xi32>
      %sub3A_203 = arith.constant 0 : i32
      %sub3A_204 = vector.broadcast %sub3A_203 : i32 to vector<16xi32>
      %sub3A_205 = arith.subi %sub3A_204, %and3A_202 : vector<16xi32>
      %and3A_206 = vector.broadcast %squeeze3A_82 : i32 to vector<16xi32>
      %and3A_207 = arith.andi %sub3A_205, %and3A_206 : vector<16xi32>
      %xor3A_208 = arith.xori %xor3A_196, %and3A_207 : vector<16xi32>
      %shift_right_arithmetic3A_209 = arith.constant 7 : i32
      %shift_right_arithmetic3A_210 = vector.broadcast %shift_right_arithmetic3A_209 : i32 to vector<16xi32>
      %shift_right_arithmetic3A_211 = arith.shrsi %add3A_126, %shift_right_arithmetic3A_210 : vector<16xi32>
      %and3A_212 = arith.constant 1 : i32
      %and3A_213 = vector.broadcast %and3A_212 : i32 to vector<16xi32>
      %and3A_214 = arith.andi %shift_right_arithmetic3A_211, %and3A_213 : vector<16xi32>
      %sub3A_215 = arith.constant 0 : i32
      %sub3A_216 = vector.broadcast %sub3A_215 : i32 to vector<16xi32>
      %sub3A_217 = arith.subi %sub3A_216, %and3A_214 : vector<16xi32>
      %and3A_218 = vector.broadcast %squeeze3A_84 : i32 to vector<16xi32>
      %and3A_219 = arith.andi %sub3A_217, %and3A_218 : vector<16xi32>
      %xor3A_220 = arith.xori %xor3A_208, %and3A_219 : vector<16xi32>
      %mul3A_221 = arith.constant 16 : i32
      %mul3A_222 = arith.muli %scan3A_122, %mul3A_221 : i32
      %swap3A = arith.index_cast %mul3A_222 : i32 to index
      %swap3A_223 = tpu.vector_load %arg13[%swap3A] {strides = array<i32>} : memref<256xi32, #tpu.memory_space<vmem>>, vector<16xi32>,
      tpu.vector_store %arg13[%swap3A], %xor3A_220 {strides = array<i32>} : memref<256xi32, #tpu.memory_space<vmem>>, vector<16xi32>,
    }
    %scan3A_90 = arith.constant 16 : i32
    %slice3A_91 = vector.extract_strided_slice %or3A_27 {offsets = [8], sizes = [1], strides = [1]} : vector<16xi32> to vector<1xi32>
    %squeeze3A_92 = vector.extract %slice3A_91[0] : i32 from vector<1xi32>
    %slice3A_93 = vector.extract_strided_slice %or3A_27 {offsets = [9], sizes = [1], strides = [1]} : vector<16xi32> to vector<1xi32>
    %squeeze3A_94 = vector.extract %slice3A_93[0] : i32 from vector<1xi32>
    %slice3A_95 = vector.extract_strided_slice %or3A_27 {offsets = [10], sizes = [1], strides = [1]} : vector<16xi32> to vector<1xi32>
    %squeeze3A_96 = vector.extract %slice3A_95[0] : i32 from vector<1xi32>
    %slice3A_97 = vector.extract_strided_slice %or3A_27 {offsets = [11], sizes = [1], strides = [1]} : vector<16xi32> to vector<1xi32>
    %squeeze3A_98 = vector.extract %slice3A_97[0] : i32 from vector<1xi32>
    %slice3A_99 = vector.extract_strided_slice %or3A_27 {offsets = [12], sizes = [1], strides = [1]} : vector<16xi32> to vector<1xi32>
    %squeeze3A_100 = vector.extract %slice3A_99[0] : i32 from vector<1xi32>
    %slice3A_101 = vector.extract_strided_slice %or3A_27 {offsets = [13], sizes = [1], strides = [1]} : vector<16xi32> to vector<1xi32>
    %squeeze3A_102 = vector.extract %slice3A_101[0] : i32 from vector<1xi32>
    %slice3A_103 = vector.extract_strided_slice %or3A_27 {offsets = [14], sizes = [1], strides = [1]} : vector<16xi32> to vector<1xi32>
    %squeeze3A_104 = vector.extract %slice3A_103[0] : i32 from vector<1xi32>
    %slice3A_105 = vector.extract_strided_slice %or3A_27 {offsets = [15], sizes = [1], strides = [1]} : vector<16xi32> to vector<1xi32>
    %squeeze3A_106 = vector.extract %slice3A_105[0] : i32 from vector<1xi32>
    %scan3A_107 = arith.constant 0 : i32
    %scan3A_108 = arith.constant 0 : i32
    %scan3A_109 = arith.constant 16 : i32
    %scan3A_110 = arith.addi %scan3A_108, %scan3A_109 : i32
    %scan3A_111 = arith.constant 1 : i32
    scf.for %scan3A_122 = %scan3A_108 to %scan3A_110 step %scan3A_111  : i32 {
      %mul3A_123 = arith.constant 16 : i32
      %mul3A_124 = arith.muli %scan3A_122, %mul3A_123 : i32
      %add3A_125 = vector.broadcast %mul3A_124 : i32 to vector<16xi32>
      %add3A_126 = arith.addi %add3A_125, %iota3A : vector<16xi32>
      %broadcast_in_dim3A_127 = arith.constant 0 : i32
      %broadcast_in_dim3A_128 = vector.broadcast %broadcast_in_dim3A_127 : i32 to vector<16xi32>
      %shift_right_arithmetic3A = arith.constant 0 : i32
      %shift_right_arithmetic3A_129 = vector.broadcast %shift_right_arithmetic3A : i32 to vector<16xi32>
      %shift_right_arithmetic3A_130 = arith.shrsi %add3A_126, %shift_right_arithmetic3A_129 : vector<16xi32>
      %and3A = arith.constant 1 : i32
      %and3A_131 = vector.broadcast %and3A : i32 to vector<16xi32>
      %and3A_132 = arith.andi %shift_right_arithmetic3A_130, %and3A_131 : vector<16xi32>
      %sub3A = arith.constant 0 : i32
      %sub3A_133 = vector.broadcast %sub3A : i32 to vector<16xi32>
      %sub3A_134 = arith.subi %sub3A_133, %and3A_132 : vector<16xi32>
      %and3A_135 = vector.broadcast %squeeze3A_92 : i32 to vector<16xi32>
      %and3A_136 = arith.andi %sub3A_134, %and3A_135 : vector<16xi32>
      %xor3A = arith.xori %broadcast_in_dim3A_128, %and3A_136 : vector<16xi32>
      %shift_right_arithmetic3A_137 = arith.constant 1 : i32
      %shift_right_arithmetic3A_138 = vector.broadcast %shift_right_arithmetic3A_137 : i32 to vector<16xi32>
      %shift_right_arithmetic3A_139 = arith.shrsi %add3A_126, %shift_right_arithmetic3A_138 : vector<16xi32>
      %and3A_140 = arith.constant 1 : i32
      %and3A_141 = vector.broadcast %and3A_140 : i32 to vector<16xi32>
      %and3A_142 = arith.andi %shift_right_arithmetic3A_139, %and3A_141 : vector<16xi32>
      %sub3A_143 = arith.constant 0 : i32
      %sub3A_144 = vector.broadcast %sub3A_143 : i32 to vector<16xi32>
      %sub3A_145 = arith.subi %sub3A_144, %and3A_142 : vector<16xi32>
      %and3A_146 = vector.broadcast %squeeze3A_94 : i32 to vector<16xi32>
      %and3A_147 = arith.andi %sub3A_145, %and3A_146 : vector<16xi32>
      %xor3A_148 = arith.xori %xor3A, %and3A_147 : vector<16xi32>
      %shift_right_arithmetic3A_149 = arith.constant 2 : i32
      %shift_right_arithmetic3A_150 = vector.broadcast %shift_right_arithmetic3A_149 : i32 to vector<16xi32>
      %shift_right_arithmetic3A_151 = arith.shrsi %add3A_126, %shift_right_arithmetic3A_150 : vector<16xi32>
      %and3A_152 = arith.constant 1 : i32
      %and3A_153 = vector.broadcast %and3A_152 : i32 to vector<16xi32>
      %and3A_154 = arith.andi %shift_right_arithmetic3A_151, %and3A_153 : vector<16xi32>
      %sub3A_155 = arith.constant 0 : i32
      %sub3A_156 = vector.broadcast %sub3A_155 : i32 to vector<16xi32>
      %sub3A_157 = arith.subi %sub3A_156, %and3A_154 : vector<16xi32>
      %and3A_158 = vector.broadcast %squeeze3A_96 : i32 to vector<16xi32>
      %and3A_159 = arith.andi %sub3A_157, %and3A_158 : vector<16xi32>
      %xor3A_160 = arith.xori %xor3A_148, %and3A_159 : vector<16xi32>
      %shift_right_arithmetic3A_161 = arith.constant 3 : i32
      %shift_right_arithmetic3A_162 = vector.broadcast %shift_right_arithmetic3A_161 : i32 to vector<16xi32>
      %shift_right_arithmetic3A_163 = arith.shrsi %add3A_126, %shift_right_arithmetic3A_162 : vector<16xi32>
      %and3A_164 = arith.constant 1 : i32
      %and3A_165 = vector.broadcast %and3A_164 : i32 to vector<16xi32>
      %and3A_166 = arith.andi %shift_right_arithmetic3A_163, %and3A_165 : vector<16xi32>
      %sub3A_167 = arith.constant 0 : i32
      %sub3A_168 = vector.broadcast %sub3A_167 : i32 to vector<16xi32>
      %sub3A_169 = arith.subi %sub3A_168, %and3A_166 : vector<16xi32>
      %and3A_170 = vector.broadcast %squeeze3A_98 : i32 to vector<16xi32>
      %and3A_171 = arith.andi %sub3A_169, %and3A_170 : vector<16xi32>
      %xor3A_172 = arith.xori %xor3A_160, %and3A_171 : vector<16xi32>
      %shift_right_arithmetic3A_173 = arith.constant 4 : i32
      %shift_right_arithmetic3A_174 = vector.broadcast %shift_right_arithmetic3A_173 : i32 to vector<16xi32>
      %shift_right_arithmetic3A_175 = arith.shrsi %add3A_126, %shift_right_arithmetic3A_174 : vector<16xi32>
      %and3A_176 = arith.constant 1 : i32
      %and3A_177 = vector.broadcast %and3A_176 : i32 to vector<16xi32>
      %and3A_178 = arith.andi %shift_right_arithmetic3A_175, %and3A_177 : vector<16xi32>
      %sub3A_179 = arith.constant 0 : i32
      %sub3A_180 = vector.broadcast %sub3A_179 : i32 to vector<16xi32>
      %sub3A_181 = arith.subi %sub3A_180, %and3A_178 : vector<16xi32>
      %and3A_182 = vector.broadcast %squeeze3A_100 : i32 to vector<16xi32>
      %and3A_183 = arith.andi %sub3A_181, %and3A_182 : vector<16xi32>
      %xor3A_184 = arith.xori %xor3A_172, %and3A_183 : vector<16xi32>
      %shift_right_arithmetic3A_185 = arith.constant 5 : i32
      %shift_right_arithmetic3A_186 = vector.broadcast %shift_right_arithmetic3A_185 : i32 to vector<16xi32>
      %shift_right_arithmetic3A_187 = arith.shrsi %add3A_126, %shift_right_arithmetic3A_186 : vector<16xi32>
      %and3A_188 = arith.constant 1 : i32
      %and3A_189 = vector.broadcast %and3A_188 : i32 to vector<16xi32>
      %and3A_190 = arith.andi %shift_right_arithmetic3A_187, %and3A_189 : vector<16xi32>
      %sub3A_191 = arith.constant 0 : i32
      %sub3A_192 = vector.broadcast %sub3A_191 : i32 to vector<16xi32>
      %sub3A_193 = arith.subi %sub3A_192, %and3A_190 : vector<16xi32>
      %and3A_194 = vector.broadcast %squeeze3A_102 : i32 to vector<16xi32>
      %and3A_195 = arith.andi %sub3A_193, %and3A_194 : vector<16xi32>
      %xor3A_196 = arith.xori %xor3A_184, %and3A_195 : vector<16xi32>
      %shift_right_arithmetic3A_197 = arith.constant 6 : i32
      %shift_right_arithmetic3A_198 = vector.broadcast %shift_right_arithmetic3A_197 : i32 to vector<16xi32>
      %shift_right_arithmetic3A_199 = arith.shrsi %add3A_126, %shift_right_arithmetic3A_198 : vector<16xi32>
      %and3A_200 = arith.constant 1 : i32
      %and3A_201 = vector.broadcast %and3A_200 : i32 to vector<16xi32>
      %and3A_202 = arith.andi %shift_right_arithmetic3A_199, %and3A_201 : vector<16xi32>
      %sub3A_203 = arith.constant 0 : i32
      %sub3A_204 = vector.broadcast %sub3A_203 : i32 to vector<16xi32>
      %sub3A_205 = arith.subi %sub3A_204, %and3A_202 : vector<16xi32>
      %and3A_206 = vector.broadcast %squeeze3A_104 : i32 to vector<16xi32>
      %and3A_207 = arith.andi %sub3A_205, %and3A_206 : vector<16xi32>
      %xor3A_208 = arith.xori %xor3A_196, %and3A_207 : vector<16xi32>
      %shift_right_arithmetic3A_209 = arith.constant 7 : i32
      %shift_right_arithmetic3A_210 = vector.broadcast %shift_right_arithmetic3A_209 : i32 to vector<16xi32>
      %shift_right_arithmetic3A_211 = arith.shrsi %add3A_126, %shift_right_arithmetic3A_210 : vector<16xi32>
      %and3A_212 = arith.constant 1 : i32
      %and3A_213 = vector.broadcast %and3A_212 : i32 to vector<16xi32>
      %and3A_214 = arith.andi %shift_right_arithmetic3A_211, %and3A_213 : vector<16xi32>
      %sub3A_215 = arith.constant 0 : i32
      %sub3A_216 = vector.broadcast %sub3A_215 : i32 to vector<16xi32>
      %sub3A_217 = arith.subi %sub3A_216, %and3A_214 : vector<16xi32>
      %and3A_218 = vector.broadcast %squeeze3A_106 : i32 to vector<16xi32>
      %and3A_219 = arith.andi %sub3A_217, %and3A_218 : vector<16xi32>
      %xor3A_220 = arith.xori %xor3A_208, %and3A_219 : vector<16xi32>
      %mul3A_221 = arith.constant 16 : i32
      %mul3A_222 = arith.muli %scan3A_122, %mul3A_221 : i32
      %swap3A = arith.index_cast %mul3A_222 : i32 to index
      %swap3A_223 = tpu.vector_load %arg14[%swap3A] {strides = array<i32>} : memref<256xi32, #tpu.memory_space<vmem>>, vector<16xi32>,
      tpu.vector_store %arg14[%swap3A], %xor3A_220 {strides = array<i32>} : memref<256xi32, #tpu.memory_space<vmem>>, vector<16xi32>,
    }
    %scan3A_112 = arith.constant 16 : i32
    %broadcast_in_dim3A = arith.constant 17 : i8
    %broadcast_in_dim3A_113 = vector.broadcast %broadcast_in_dim3A : i8 to vector<64xi8>
    %scan3A_114 = arith.constant 0 : i32
    %scan3A_115 = arith.constant 0 : i32
    %scan3A_116 = arith.constant 8 : i32
    %scan3A_117 = arith.addi %scan3A_115, %scan3A_116 : i32
    %scan3A_118 = arith.constant 1 : i32
    scf.for %scan3A_122 = %scan3A_115 to %scan3A_117 step %scan3A_118  : i32 {
      %mul3A_123 = arith.constant 65536 : i32
      %mul3A_124 = arith.muli %scan3A_122, %mul3A_123 : i32
      "tpu.region"() ({
        %run_scoped3A = tpu.sem_alloc : memref<!tpu.dma_semaphore, #tpu.memory_space<semaphore_mem>>
        %dma_start3A = tpu.memref_slice %arg2[%mul3A_124] : memref<524288xi32, #tpu.memory_space<hbm>> -> memref<65536xi32, #tpu.memory_space<hbm>>
        %dma_start3A_220 = tpu.memref_slice %arg2[%mul3A_124] : memref<524288xi32, #tpu.memory_space<hbm>> -> memref<65536xi32, #tpu.memory_space<hbm>>
        tpu.enqueue_dma source(%dma_start3A_220 : memref<65536xi32, #tpu.memory_space<hbm>>) target(%arg7 : memref<65536xi32, #tpu.memory_space<vmem>>) target_semaphore(%run_scoped3A : memref<!tpu.dma_semaphore, #tpu.memory_space<semaphore_mem>>)
        %dma_wait3A = tpu.memref_slice %arg2[%mul3A_124] : memref<524288xi32, #tpu.memory_space<hbm>> -> memref<65536xi32, #tpu.memory_space<hbm>>
        %dma_wait3A_221 = tpu.memref_slice %arg2[%mul3A_124] : memref<524288xi32, #tpu.memory_space<hbm>> -> memref<65536xi32, #tpu.memory_space<hbm>>
        tpu.wait_dma2 semaphore(%run_scoped3A : memref<!tpu.dma_semaphore, #tpu.memory_space<semaphore_mem>>) src(%dma_wait3A_221 : memref<65536xi32, #tpu.memory_space<hbm>>) dst(%arg7 : memref<65536xi32, #tpu.memory_space<vmem>>)
        tpu.yield
      }) : () -> ()
      %add3A_125 = arith.constant 0 : i32
      %add3A_126 = arith.addi %mul3A_2, %add3A_125 : i32
      %mul3A_127 = arith.constant 4096 : i32
      %mul3A_128 = arith.muli %add3A_126, %mul3A_127 : i32
      "tpu.region"() ({
        %run_scoped3A = tpu.sem_alloc : memref<!tpu.dma_semaphore, #tpu.memory_space<semaphore_mem>>
        %dma_start3A = tpu.memref_slice %arg3[%mul3A_128] : memref<262144xi32, #tpu.memory_space<hbm>> -> memref<4096xi32, #tpu.memory_space<hbm>>
        %dma_start3A_220 = tpu.memref_slice %arg3[%mul3A_128] : memref<262144xi32, #tpu.memory_space<hbm>> -> memref<4096xi32, #tpu.memory_space<hbm>>
        tpu.enqueue_dma source(%dma_start3A_220 : memref<4096xi32, #tpu.memory_space<hbm>>) target(%arg9 : memref<4096xi32, #tpu.memory_space<vmem>>) target_semaphore(%run_scoped3A : memref<!tpu.dma_semaphore, #tpu.memory_space<semaphore_mem>>)
        %dma_wait3A = tpu.memref_slice %arg3[%mul3A_128] : memref<262144xi32, #tpu.memory_space<hbm>> -> memref<4096xi32, #tpu.memory_space<hbm>>
        %dma_wait3A_221 = tpu.memref_slice %arg3[%mul3A_128] : memref<262144xi32, #tpu.memory_space<hbm>> -> memref<4096xi32, #tpu.memory_space<hbm>>
        tpu.wait_dma2 semaphore(%run_scoped3A : memref<!tpu.dma_semaphore, #tpu.memory_space<semaphore_mem>>) src(%dma_wait3A_221 : memref<4096xi32, #tpu.memory_space<hbm>>) dst(%arg9 : memref<4096xi32, #tpu.memory_space<vmem>>)
        tpu.yield
      }) : () -> ()
      %broadcast_in_dim3A_129 = arith.constant 0 : i32
      %broadcast_in_dim3A_130 = vector.broadcast %broadcast_in_dim3A_129 : i32 to vector<16xi32>
      %scan3A_131 = arith.constant 0 : i32
      %scan3A_132 = arith.constant 256 : i32
      %scan3A_133 = arith.addi %scan3A_131, %scan3A_132 : i32
      %scan3A_134 = arith.constant 1 : i32
      %scan3A_135:8 = scf.for %scan3A_220 = %scan3A_131 to %scan3A_133 step %scan3A_134 iter_args(%scan3A_221 = %broadcast_in_dim3A_130, %scan3A_222 = %broadcast_in_dim3A_130, %scan3A_223 = %broadcast_in_dim3A_130, %scan3A_224 = %broadcast_in_dim3A_130, %scan3A_225 = %broadcast_in_dim3A_130, %scan3A_226 = %broadcast_in_dim3A_130, %scan3A_227 = %broadcast_in_dim3A_130, %scan3A_228 = %broadcast_in_dim3A_130) -> (vector<16xi32>, vector<16xi32>, vector<16xi32>, vector<16xi32>, vector<16xi32>, vector<16xi32>, vector<16xi32>, vector<16xi32>)  : i32 {
        %mul3A_229 = arith.constant 16 : i32
        %mul3A_230 = arith.muli %scan3A_220, %mul3A_229 : i32
        %get3A_231 = arith.index_cast %mul3A_230 : i32 to index
        %get3A_232 = tpu.vector_load %arg9[%get3A_231] {strides = array<i32>} : memref<4096xi32, #tpu.memory_space<vmem>>, vector<16xi32>,
        %mul3A_233 = arith.constant 64 : i32
        %mul3A_234 = arith.muli %scan3A_220, %mul3A_233 : i32
        %add3A_235 = arith.constant 0 : i32
        %add3A_236 = arith.addi %add3A_235, %mul3A_234 : i32
        %broadcast_in_dim3A_237 = vector.broadcast %add3A_236 : i32 to vector<16xi32>
        %broadcast_in_dim3A_238 = arith.constant 0 : i8
        %broadcast_in_dim3A_239 = vector.broadcast %broadcast_in_dim3A_238 : i8 to vector<64xi8>
        %slice3A_240 = vector.extract_strided_slice %get3A_232 {offsets = [3], sizes = [1], strides = [1]} : vector<16xi32> to vector<1xi32>
        %squeeze3A_241 = vector.extract %slice3A_240[0] : i32 from vector<1xi32>
        %shift_left3A_242 = arith.constant 4 : i32
        %shift_left3A_243 = arith.shli %squeeze3A_241, %shift_left3A_242 : i32
        %get3A_244 = arith.index_cast %shift_left3A_243 : i32 to index
        %get3A_245 = tpu.vector_load %arg7[%get3A_244] {strides = array<i32>} : memref<65536xi32, #tpu.memory_space<vmem>>, vector<16xi32>,
        %bitcast3A = vector.bitcast %get3A_245 : vector<16xi32> to vector<64xi8>
        %add3A_246 = arith.addi %broadcast_in_dim3A_239, %broadcast_in_dim3A_239 : vector<64xi8>
        %and3A = arith.andi %bitcast3A, %broadcast_in_dim3A_113 : vector<64xi8>
        %add3A_247 = arith.addi %add3A_246, %and3A : vector<64xi8>
        %slice3A_248 = vector.extract_strided_slice %get3A_232 {offsets = [2], sizes = [1], strides = [1]} : vector<16xi32> to vector<1xi32>
        %squeeze3A_249 = vector.extract %slice3A_248[0] : i32 from vector<1xi32>
        %shift_left3A_250 = arith.constant 4 : i32
        %shift_left3A_251 = arith.shli %squeeze3A_249, %shift_left3A_250 : i32
        %get3A_252 = arith.index_cast %shift_left3A_251 : i32 to index
        %get3A_253 = tpu.vector_load %arg7[%get3A_252] {strides = array<i32>} : memref<65536xi32, #tpu.memory_space<vmem>>, vector<16xi32>,
        %bitcast3A_254 = vector.bitcast %get3A_253 : vector<16xi32> to vector<64xi8>
        %add3A_255 = arith.addi %add3A_247, %add3A_247 : vector<64xi8>
        %and3A_256 = arith.andi %bitcast3A_254, %broadcast_in_dim3A_113 : vector<64xi8>
        %add3A_257 = arith.addi %add3A_255, %and3A_256 : vector<64xi8>
        %slice3A_258 = vector.extract_strided_slice %get3A_232 {offsets = [1], sizes = [1], strides = [1]} : vector<16xi32> to vector<1xi32>
        %squeeze3A_259 = vector.extract %slice3A_258[0] : i32 from vector<1xi32>
        %shift_left3A_260 = arith.constant 4 : i32
        %shift_left3A_261 = arith.shli %squeeze3A_259, %shift_left3A_260 : i32
        %get3A_262 = arith.index_cast %shift_left3A_261 : i32 to index
        %get3A_263 = tpu.vector_load %arg7[%get3A_262] {strides = array<i32>} : memref<65536xi32, #tpu.memory_space<vmem>>, vector<16xi32>,
        %bitcast3A_264 = vector.bitcast %get3A_263 : vector<16xi32> to vector<64xi8>
        %add3A_265 = arith.addi %add3A_257, %add3A_257 : vector<64xi8>
        %and3A_266 = arith.andi %bitcast3A_264, %broadcast_in_dim3A_113 : vector<64xi8>
        %add3A_267 = arith.addi %add3A_265, %and3A_266 : vector<64xi8>
        %slice3A_268 = vector.extract_strided_slice %get3A_232 {offsets = [0], sizes = [1], strides = [1]} : vector<16xi32> to vector<1xi32>
        %squeeze3A_269 = vector.extract %slice3A_268[0] : i32 from vector<1xi32>
        %shift_left3A_270 = arith.constant 4 : i32
        %shift_left3A_271 = arith.shli %squeeze3A_269, %shift_left3A_270 : i32
        %get3A_272 = arith.index_cast %shift_left3A_271 : i32 to index
        %get3A_273 = tpu.vector_load %arg7[%get3A_272] {strides = array<i32>} : memref<65536xi32, #tpu.memory_space<vmem>>, vector<16xi32>,
        %bitcast3A_274 = vector.bitcast %get3A_273 : vector<16xi32> to vector<64xi8>
        %add3A_275 = arith.addi %add3A_267, %add3A_267 : vector<64xi8>
        %and3A_276 = arith.andi %bitcast3A_274, %broadcast_in_dim3A_113 : vector<64xi8>
        %add3A_277 = arith.addi %add3A_275, %and3A_276 : vector<64xi8>
        %bitcast3A_278 = vector.bitcast %add3A_277 : vector<64xi8> to vector<16xi32>
        %broadcast_in_dim3A_279 = arith.constant 0 : i8
        %broadcast_in_dim3A_280 = vector.broadcast %broadcast_in_dim3A_279 : i8 to vector<64xi8>
        %slice3A_281 = vector.extract_strided_slice %get3A_232 {offsets = [7], sizes = [1], strides = [1]} : vector<16xi32> to vector<1xi32>
        %squeeze3A_282 = vector.extract %slice3A_281[0] : i32 from vector<1xi32>
        %shift_left3A_283 = arith.constant 4 : i32
        %shift_left3A_284 = arith.shli %squeeze3A_282, %shift_left3A_283 : i32
        %get3A_285 = arith.index_cast %shift_left3A_284 : i32 to index
        %get3A_286 = tpu.vector_load %arg7[%get3A_285] {strides = array<i32>} : memref<65536xi32, #tpu.memory_space<vmem>>, vector<16xi32>,
        %bitcast3A_287 = vector.bitcast %get3A_286 : vector<16xi32> to vector<64xi8>
        %add3A_288 = arith.addi %broadcast_in_dim3A_280, %broadcast_in_dim3A_280 : vector<64xi8>
        %and3A_289 = arith.andi %bitcast3A_287, %broadcast_in_dim3A_113 : vector<64xi8>
        %add3A_290 = arith.addi %add3A_288, %and3A_289 : vector<64xi8>
        %slice3A_291 = vector.extract_strided_slice %get3A_232 {offsets = [6], sizes = [1], strides = [1]} : vector<16xi32> to vector<1xi32>
        %squeeze3A_292 = vector.extract %slice3A_291[0] : i32 from vector<1xi32>
        %shift_left3A_293 = arith.constant 4 : i32
        %shift_left3A_294 = arith.shli %squeeze3A_292, %shift_left3A_293 : i32
        %get3A_295 = arith.index_cast %shift_left3A_294 : i32 to index
        %get3A_296 = tpu.vector_load %arg7[%get3A_295] {strides = array<i32>} : memref<65536xi32, #tpu.memory_space<vmem>>, vector<16xi32>,
        %bitcast3A_297 = vector.bitcast %get3A_296 : vector<16xi32> to vector<64xi8>
        %add3A_298 = arith.addi %add3A_290, %add3A_290 : vector<64xi8>
        %and3A_299 = arith.andi %bitcast3A_297, %broadcast_in_dim3A_113 : vector<64xi8>
        %add3A_300 = arith.addi %add3A_298, %and3A_299 : vector<64xi8>
        %slice3A_301 = vector.extract_strided_slice %get3A_232 {offsets = [5], sizes = [1], strides = [1]} : vector<16xi32> to vector<1xi32>
        %squeeze3A_302 = vector.extract %slice3A_301[0] : i32 from vector<1xi32>
        %shift_left3A_303 = arith.constant 4 : i32
        %shift_left3A_304 = arith.shli %squeeze3A_302, %shift_left3A_303 : i32
        %get3A_305 = arith.index_cast %shift_left3A_304 : i32 to index
        %get3A_306 = tpu.vector_load %arg7[%get3A_305] {strides = array<i32>} : memref<65536xi32, #tpu.memory_space<vmem>>, vector<16xi32>,
        %bitcast3A_307 = vector.bitcast %get3A_306 : vector<16xi32> to vector<64xi8>
        %add3A_308 = arith.addi %add3A_300, %add3A_300 : vector<64xi8>
        %and3A_309 = arith.andi %bitcast3A_307, %broadcast_in_dim3A_113 : vector<64xi8>
        %add3A_310 = arith.addi %add3A_308, %and3A_309 : vector<64xi8>
        %slice3A_311 = vector.extract_strided_slice %get3A_232 {offsets = [4], sizes = [1], strides = [1]} : vector<16xi32> to vector<1xi32>
        %squeeze3A_312 = vector.extract %slice3A_311[0] : i32 from vector<1xi32>
        %shift_left3A_313 = arith.constant 4 : i32
        %shift_left3A_314 = arith.shli %squeeze3A_312, %shift_left3A_313 : i32
        %get3A_315 = arith.index_cast %shift_left3A_314 : i32 to index
        %get3A_316 = tpu.vector_load %arg7[%get3A_315] {strides = array<i32>} : memref<65536xi32, #tpu.memory_space<vmem>>, vector<16xi32>,
        %bitcast3A_317 = vector.bitcast %get3A_316 : vector<16xi32> to vector<64xi8>
        %add3A_318 = arith.addi %add3A_310, %add3A_310 : vector<64xi8>
        %and3A_319 = arith.andi %bitcast3A_317, %broadcast_in_dim3A_113 : vector<64xi8>
        %add3A_320 = arith.addi %add3A_318, %and3A_319 : vector<64xi8>
        %bitcast3A_321 = vector.bitcast %add3A_320 : vector<64xi8> to vector<16xi32>
        %broadcast_in_dim3A_322 = arith.constant 0 : i8
        %broadcast_in_dim3A_323 = vector.broadcast %broadcast_in_dim3A_322 : i8 to vector<64xi8>
        %slice3A_324 = vector.extract_strided_slice %get3A_232 {offsets = [11], sizes = [1], strides = [1]} : vector<16xi32> to vector<1xi32>
        %squeeze3A_325 = vector.extract %slice3A_324[0] : i32 from vector<1xi32>
        %shift_left3A_326 = arith.constant 4 : i32
        %shift_left3A_327 = arith.shli %squeeze3A_325, %shift_left3A_326 : i32
        %get3A_328 = arith.index_cast %shift_left3A_327 : i32 to index
        %get3A_329 = tpu.vector_load %arg7[%get3A_328] {strides = array<i32>} : memref<65536xi32, #tpu.memory_space<vmem>>, vector<16xi32>,
        %bitcast3A_330 = vector.bitcast %get3A_329 : vector<16xi32> to vector<64xi8>
        %add3A_331 = arith.addi %broadcast_in_dim3A_323, %broadcast_in_dim3A_323 : vector<64xi8>
        %and3A_332 = arith.andi %bitcast3A_330, %broadcast_in_dim3A_113 : vector<64xi8>
        %add3A_333 = arith.addi %add3A_331, %and3A_332 : vector<64xi8>
        %slice3A_334 = vector.extract_strided_slice %get3A_232 {offsets = [10], sizes = [1], strides = [1]} : vector<16xi32> to vector<1xi32>
        %squeeze3A_335 = vector.extract %slice3A_334[0] : i32 from vector<1xi32>
        %shift_left3A_336 = arith.constant 4 : i32
        %shift_left3A_337 = arith.shli %squeeze3A_335, %shift_left3A_336 : i32
        %get3A_338 = arith.index_cast %shift_left3A_337 : i32 to index
        %get3A_339 = tpu.vector_load %arg7[%get3A_338] {strides = array<i32>} : memref<65536xi32, #tpu.memory_space<vmem>>, vector<16xi32>,
        %bitcast3A_340 = vector.bitcast %get3A_339 : vector<16xi32> to vector<64xi8>
        %add3A_341 = arith.addi %add3A_333, %add3A_333 : vector<64xi8>
        %and3A_342 = arith.andi %bitcast3A_340, %broadcast_in_dim3A_113 : vector<64xi8>
        %add3A_343 = arith.addi %add3A_341, %and3A_342 : vector<64xi8>
        %slice3A_344 = vector.extract_strided_slice %get3A_232 {offsets = [9], sizes = [1], strides = [1]} : vector<16xi32> to vector<1xi32>
        %squeeze3A_345 = vector.extract %slice3A_344[0] : i32 from vector<1xi32>
        %shift_left3A_346 = arith.constant 4 : i32
        %shift_left3A_347 = arith.shli %squeeze3A_345, %shift_left3A_346 : i32
        %get3A_348 = arith.index_cast %shift_left3A_347 : i32 to index
        %get3A_349 = tpu.vector_load %arg7[%get3A_348] {strides = array<i32>} : memref<65536xi32, #tpu.memory_space<vmem>>, vector<16xi32>,
        %bitcast3A_350 = vector.bitcast %get3A_349 : vector<16xi32> to vector<64xi8>
        %add3A_351 = arith.addi %add3A_343, %add3A_343 : vector<64xi8>
        %and3A_352 = arith.andi %bitcast3A_350, %broadcast_in_dim3A_113 : vector<64xi8>
        %add3A_353 = arith.addi %add3A_351, %and3A_352 : vector<64xi8>
        %slice3A_354 = vector.extract_strided_slice %get3A_232 {offsets = [8], sizes = [1], strides = [1]} : vector<16xi32> to vector<1xi32>
        %squeeze3A_355 = vector.extract %slice3A_354[0] : i32 from vector<1xi32>
        %shift_left3A_356 = arith.constant 4 : i32
        %shift_left3A_357 = arith.shli %squeeze3A_355, %shift_left3A_356 : i32
        %get3A_358 = arith.index_cast %shift_left3A_357 : i32 to index
        %get3A_359 = tpu.vector_load %arg7[%get3A_358] {strides = array<i32>} : memref<65536xi32, #tpu.memory_space<vmem>>, vector<16xi32>,
        %bitcast3A_360 = vector.bitcast %get3A_359 : vector<16xi32> to vector<64xi8>
        %add3A_361 = arith.addi %add3A_353, %add3A_353 : vector<64xi8>
        %and3A_362 = arith.andi %bitcast3A_360, %broadcast_in_dim3A_113 : vector<64xi8>
        %add3A_363 = arith.addi %add3A_361, %and3A_362 : vector<64xi8>
        %bitcast3A_364 = vector.bitcast %add3A_363 : vector<64xi8> to vector<16xi32>
        %broadcast_in_dim3A_365 = arith.constant 0 : i8
        %broadcast_in_dim3A_366 = vector.broadcast %broadcast_in_dim3A_365 : i8 to vector<64xi8>
        %slice3A_367 = vector.extract_strided_slice %get3A_232 {offsets = [15], sizes = [1], strides = [1]} : vector<16xi32> to vector<1xi32>
        %squeeze3A_368 = vector.extract %slice3A_367[0] : i32 from vector<1xi32>
        %shift_left3A_369 = arith.constant 4 : i32
        %shift_left3A_370 = arith.shli %squeeze3A_368, %shift_left3A_369 : i32
        %get3A_371 = arith.index_cast %shift_left3A_370 : i32 to index
        %get3A_372 = tpu.vector_load %arg7[%get3A_371] {strides = array<i32>} : memref<65536xi32, #tpu.memory_space<vmem>>, vector<16xi32>,
        %bitcast3A_373 = vector.bitcast %get3A_372 : vector<16xi32> to vector<64xi8>
        %add3A_374 = arith.addi %broadcast_in_dim3A_366, %broadcast_in_dim3A_366 : vector<64xi8>
        %and3A_375 = arith.andi %bitcast3A_373, %broadcast_in_dim3A_113 : vector<64xi8>
        %add3A_376 = arith.addi %add3A_374, %and3A_375 : vector<64xi8>
        %slice3A_377 = vector.extract_strided_slice %get3A_232 {offsets = [14], sizes = [1], strides = [1]} : vector<16xi32> to vector<1xi32>
        %squeeze3A_378 = vector.extract %slice3A_377[0] : i32 from vector<1xi32>
        %shift_left3A_379 = arith.constant 4 : i32
        %shift_left3A_380 = arith.shli %squeeze3A_378, %shift_left3A_379 : i32
        %get3A_381 = arith.index_cast %shift_left3A_380 : i32 to index
        %get3A_382 = tpu.vector_load %arg7[%get3A_381] {strides = array<i32>} : memref<65536xi32, #tpu.memory_space<vmem>>, vector<16xi32>,
        %bitcast3A_383 = vector.bitcast %get3A_382 : vector<16xi32> to vector<64xi8>
        %add3A_384 = arith.addi %add3A_376, %add3A_376 : vector<64xi8>
        %and3A_385 = arith.andi %bitcast3A_383, %broadcast_in_dim3A_113 : vector<64xi8>
        %add3A_386 = arith.addi %add3A_384, %and3A_385 : vector<64xi8>
        %slice3A_387 = vector.extract_strided_slice %get3A_232 {offsets = [13], sizes = [1], strides = [1]} : vector<16xi32> to vector<1xi32>
        %squeeze3A_388 = vector.extract %slice3A_387[0] : i32 from vector<1xi32>
        %shift_left3A_389 = arith.constant 4 : i32
        %shift_left3A_390 = arith.shli %squeeze3A_388, %shift_left3A_389 : i32
        %get3A_391 = arith.index_cast %shift_left3A_390 : i32 to index
        %get3A_392 = tpu.vector_load %arg7[%get3A_391] {strides = array<i32>} : memref<65536xi32, #tpu.memory_space<vmem>>, vector<16xi32>,
        %bitcast3A_393 = vector.bitcast %get3A_392 : vector<16xi32> to vector<64xi8>
        %add3A_394 = arith.addi %add3A_386, %add3A_386 : vector<64xi8>
        %and3A_395 = arith.andi %bitcast3A_393, %broadcast_in_dim3A_113 : vector<64xi8>
        %add3A_396 = arith.addi %add3A_394, %and3A_395 : vector<64xi8>
        %slice3A_397 = vector.extract_strided_slice %get3A_232 {offsets = [12], sizes = [1], strides = [1]} : vector<16xi32> to vector<1xi32>
        %squeeze3A_398 = vector.extract %slice3A_397[0] : i32 from vector<1xi32>
        %shift_left3A_399 = arith.constant 4 : i32
        %shift_left3A_400 = arith.shli %squeeze3A_398, %shift_left3A_399 : i32
        %get3A_401 = arith.index_cast %shift_left3A_400 : i32 to index
        %get3A_402 = tpu.vector_load %arg7[%get3A_401] {strides = array<i32>} : memref<65536xi32, #tpu.memory_space<vmem>>, vector<16xi32>,
        %bitcast3A_403 = vector.bitcast %get3A_402 : vector<16xi32> to vector<64xi8>
        %add3A_404 = arith.addi %add3A_396, %add3A_396 : vector<64xi8>
        %and3A_405 = arith.andi %bitcast3A_403, %broadcast_in_dim3A_113 : vector<64xi8>
        %add3A_406 = arith.addi %add3A_404, %and3A_405 : vector<64xi8>
        %bitcast3A_407 = vector.bitcast %add3A_406 : vector<64xi8> to vector<16xi32>
        %and3A_408 = arith.constant 252645135 : i32
        %and3A_409 = vector.broadcast %and3A_408 : i32 to vector<16xi32>
        %and3A_410 = arith.andi %bitcast3A_278, %and3A_409 : vector<16xi32>
        %shift_left3A_411 = arith.constant 4 : i32
        %shift_left3A_412 = vector.broadcast %shift_left3A_411 : i32 to vector<16xi32>
        %shift_left3A_413 = arith.shli %bitcast3A_321, %shift_left3A_412 : vector<16xi32>
        %and3A_414 = arith.constant -252645136 : i32
        %and3A_415 = vector.broadcast %and3A_414 : i32 to vector<16xi32>
        %and3A_416 = arith.andi %shift_left3A_413, %and3A_415 : vector<16xi32>
        %or3A_417 = arith.ori %and3A_410, %and3A_416 : vector<16xi32>
        %shift_right_arithmetic3A = arith.constant 4 : i32
        %shift_right_arithmetic3A_418 = vector.broadcast %shift_right_arithmetic3A : i32 to vector<16xi32>
        %shift_right_arithmetic3A_419 = arith.shrsi %bitcast3A_278, %shift_right_arithmetic3A_418 : vector<16xi32>
        %and3A_420 = arith.constant 252645135 : i32
        %and3A_421 = vector.broadcast %and3A_420 : i32 to vector<16xi32>
        %and3A_422 = arith.andi %shift_right_arithmetic3A_419, %and3A_421 : vector<16xi32>
        %and3A_423 = arith.constant -252645136 : i32
        %and3A_424 = vector.broadcast %and3A_423 : i32 to vector<16xi32>
        %and3A_425 = arith.andi %bitcast3A_321, %and3A_424 : vector<16xi32>
        %or3A_426 = arith.ori %and3A_422, %and3A_425 : vector<16xi32>
        %and3A_427 = arith.constant 252645135 : i32
        %and3A_428 = vector.broadcast %and3A_427 : i32 to vector<16xi32>
        %and3A_429 = arith.andi %bitcast3A_364, %and3A_428 : vector<16xi32>
        %shift_left3A_430 = arith.constant 4 : i32
        %shift_left3A_431 = vector.broadcast %shift_left3A_430 : i32 to vector<16xi32>
        %shift_left3A_432 = arith.shli %bitcast3A_407, %shift_left3A_431 : vector<16xi32>
        %and3A_433 = arith.constant -252645136 : i32
        %and3A_434 = vector.broadcast %and3A_433 : i32 to vector<16xi32>
        %and3A_435 = arith.andi %shift_left3A_432, %and3A_434 : vector<16xi32>
        %or3A_436 = arith.ori %and3A_429, %and3A_435 : vector<16xi32>
        %shift_right_arithmetic3A_437 = arith.constant 4 : i32
        %shift_right_arithmetic3A_438 = vector.broadcast %shift_right_arithmetic3A_437 : i32 to vector<16xi32>
        %shift_right_arithmetic3A_439 = arith.shrsi %bitcast3A_364, %shift_right_arithmetic3A_438 : vector<16xi32>
        %and3A_440 = arith.constant 252645135 : i32
        %and3A_441 = vector.broadcast %and3A_440 : i32 to vector<16xi32>
        %and3A_442 = arith.andi %shift_right_arithmetic3A_439, %and3A_441 : vector<16xi32>
        %and3A_443 = arith.constant -252645136 : i32
        %and3A_444 = vector.broadcast %and3A_443 : i32 to vector<16xi32>
        %and3A_445 = arith.andi %bitcast3A_407, %and3A_444 : vector<16xi32>
        %or3A_446 = arith.ori %and3A_442, %and3A_445 : vector<16xi32>
        %shift_right_arithmetic3A_447 = arith.constant 0 : i32
        %shift_right_arithmetic3A_448 = vector.broadcast %shift_right_arithmetic3A_447 : i32 to vector<16xi32>
        %shift_right_arithmetic3A_449 = arith.shrsi %or3A_417, %shift_right_arithmetic3A_448 : vector<16xi32>
        %and3A_450 = arith.constant 255 : i32
        %and3A_451 = vector.broadcast %and3A_450 : i32 to vector<16xi32>
        %and3A_452 = arith.andi %shift_right_arithmetic3A_449, %and3A_451 : vector<16xi32>
        %shift_right_arithmetic3A_453 = arith.constant 0 : i32
        %shift_right_arithmetic3A_454 = vector.broadcast %shift_right_arithmetic3A_453 : i32 to vector<16xi32>
        %shift_right_arithmetic3A_455 = arith.shrsi %or3A_436, %shift_right_arithmetic3A_454 : vector<16xi32>
        %and3A_456 = arith.constant 255 : i32
        %and3A_457 = vector.broadcast %and3A_456 : i32 to vector<16xi32>
        %and3A_458 = arith.andi %shift_right_arithmetic3A_455, %and3A_457 : vector<16xi32>
        %gather3A = tpu.vector_load_idx %arg11[%and3A_452] : memref<256xi32, #tpu.memory_space<vmem>>[vector<16xi32>], vector<16xi32>,
        %gather3A_459 = tpu.vector_load_idx %arg12[%and3A_458] : memref<256xi32, #tpu.memory_space<vmem>>[vector<16xi32>], vector<16xi32>,
        %xor3A = arith.xori %gather3A, %gather3A_459 : vector<16xi32>
        %gather3A_460 = tpu.vector_load_idx %arg13[%and3A_452] : memref<256xi32, #tpu.memory_space<vmem>>[vector<16xi32>], vector<16xi32>,
        %gather3A_461 = tpu.vector_load_idx %arg14[%and3A_458] : memref<256xi32, #tpu.memory_space<vmem>>[vector<16xi32>], vector<16xi32>,
        %xor3A_462 = arith.xori %gather3A_460, %gather3A_461 : vector<16xi32>
        %shift_right_arithmetic3A_463 = arith.constant 5 : i32
        %shift_right_arithmetic3A_464 = vector.broadcast %shift_right_arithmetic3A_463 : i32 to vector<16xi32>
        %shift_right_arithmetic3A_465 = arith.shrsi %xor3A, %shift_right_arithmetic3A_464 : vector<16xi32>
        %and3A_466 = arith.constant 63 : i32
        %and3A_467 = vector.broadcast %and3A_466 : i32 to vector<16xi32>
        %and3A_468 = arith.andi %shift_right_arithmetic3A_465, %and3A_467 : vector<16xi32>
        %add3A_469 = arith.addi %broadcast_in_dim3A_237, %and3A_468 : vector<16xi32>
        %gather3A_470 = tpu.vector_load_idx %arg8[%add3A_469] : memref<32768xi32, #tpu.memory_space<vmem>>[vector<16xi32>], vector<16xi32>,
        %and3A_471 = arith.constant 31 : i32
        %and3A_472 = vector.broadcast %and3A_471 : i32 to vector<16xi32>
        %and3A_473 = arith.andi %xor3A, %and3A_472 : vector<16xi32>
        %shift_right_arithmetic3A_474 = arith.shrsi %gather3A_470, %and3A_473 : vector<16xi32>
        %shift_right_arithmetic3A_475 = arith.constant 21 : i32
        %shift_right_arithmetic3A_476 = vector.broadcast %shift_right_arithmetic3A_475 : i32 to vector<16xi32>
        %shift_right_arithmetic3A_477 = arith.shrsi %xor3A, %shift_right_arithmetic3A_476 : vector<16xi32>
        %add3A_478 = arith.addi %broadcast_in_dim3A_237, %shift_right_arithmetic3A_477 : vector<16xi32>
        %gather3A_479 = tpu.vector_load_idx %arg8[%add3A_478] : memref<32768xi32, #tpu.memory_space<vmem>>[vector<16xi32>], vector<16xi32>,
        %shift_right_arithmetic3A_480 = arith.constant 16 : i32
        %shift_right_arithmetic3A_481 = vector.broadcast %shift_right_arithmetic3A_480 : i32 to vector<16xi32>
        %shift_right_arithmetic3A_482 = arith.shrsi %xor3A, %shift_right_arithmetic3A_481 : vector<16xi32>
        %and3A_483 = arith.constant 31 : i32
        %and3A_484 = vector.broadcast %and3A_483 : i32 to vector<16xi32>
        %and3A_485 = arith.andi %shift_right_arithmetic3A_482, %and3A_484 : vector<16xi32>
        %shift_right_arithmetic3A_486 = arith.shrsi %gather3A_479, %and3A_485 : vector<16xi32>
        %and3A_487 = arith.andi %shift_right_arithmetic3A_474, %shift_right_arithmetic3A_486 : vector<16xi32>
        %shift_right_arithmetic3A_488 = arith.constant 5 : i32
        %shift_right_arithmetic3A_489 = vector.broadcast %shift_right_arithmetic3A_488 : i32 to vector<16xi32>
        %shift_right_arithmetic3A_490 = arith.shrsi %xor3A_462, %shift_right_arithmetic3A_489 : vector<16xi32>
        %and3A_491 = arith.constant 63 : i32
        %and3A_492 = vector.broadcast %and3A_491 : i32 to vector<16xi32>
        %and3A_493 = arith.andi %shift_right_arithmetic3A_490, %and3A_492 : vector<16xi32>
        %add3A_494 = arith.addi %broadcast_in_dim3A_237, %and3A_493 : vector<16xi32>
        %gather3A_495 = tpu.vector_load_idx %arg8[%add3A_494] : memref<32768xi32, #tpu.memory_space<vmem>>[vector<16xi32>], vector<16xi32>,
        %and3A_496 = arith.constant 31 : i32
        %and3A_497 = vector.broadcast %and3A_496 : i32 to vector<16xi32>
        %and3A_498 = arith.andi %xor3A_462, %and3A_497 : vector<16xi32>
        %shift_right_arithmetic3A_499 = arith.shrsi %gather3A_495, %and3A_498 : vector<16xi32>
        %shift_right_arithmetic3A_500 = arith.constant 21 : i32
        %shift_right_arithmetic3A_501 = vector.broadcast %shift_right_arithmetic3A_500 : i32 to vector<16xi32>
        %shift_right_arithmetic3A_502 = arith.shrsi %xor3A_462, %shift_right_arithmetic3A_501 : vector<16xi32>
        %add3A_503 = arith.addi %broadcast_in_dim3A_237, %shift_right_arithmetic3A_502 : vector<16xi32>
        %gather3A_504 = tpu.vector_load_idx %arg8[%add3A_503] : memref<32768xi32, #tpu.memory_space<vmem>>[vector<16xi32>], vector<16xi32>,
        %shift_right_arithmetic3A_505 = arith.constant 16 : i32
        %shift_right_arithmetic3A_506 = vector.broadcast %shift_right_arithmetic3A_505 : i32 to vector<16xi32>
        %shift_right_arithmetic3A_507 = arith.shrsi %xor3A_462, %shift_right_arithmetic3A_506 : vector<16xi32>
        %and3A_508 = arith.constant 31 : i32
        %and3A_509 = vector.broadcast %and3A_508 : i32 to vector<16xi32>
        %and3A_510 = arith.andi %shift_right_arithmetic3A_507, %and3A_509 : vector<16xi32>
        %shift_right_arithmetic3A_511 = arith.shrsi %gather3A_504, %and3A_510 : vector<16xi32>
        %and3A_512 = arith.andi %shift_right_arithmetic3A_499, %shift_right_arithmetic3A_511 : vector<16xi32>
        %and3A_513 = arith.andi %and3A_487, %and3A_512 : vector<16xi32>
        %and3A_514 = arith.constant 1 : i32
        %and3A_515 = vector.broadcast %and3A_514 : i32 to vector<16xi32>
        %and3A_516 = arith.andi %and3A_513, %and3A_515 : vector<16xi32>
        %add3A_517 = arith.addi %scan3A_221, %and3A_516 : vector<16xi32>
        %shift_right_arithmetic3A_518 = arith.constant 0 : i32
        %shift_right_arithmetic3A_519 = vector.broadcast %shift_right_arithmetic3A_518 : i32 to vector<16xi32>
        %shift_right_arithmetic3A_520 = arith.shrsi %or3A_426, %shift_right_arithmetic3A_519 : vector<16xi32>
        %and3A_521 = arith.constant 255 : i32
        %and3A_522 = vector.broadcast %and3A_521 : i32 to vector<16xi32>
        %and3A_523 = arith.andi %shift_right_arithmetic3A_520, %and3A_522 : vector<16xi32>
        %shift_right_arithmetic3A_524 = arith.constant 0 : i32
        %shift_right_arithmetic3A_525 = vector.broadcast %shift_right_arithmetic3A_524 : i32 to vector<16xi32>
        %shift_right_arithmetic3A_526 = arith.shrsi %or3A_446, %shift_right_arithmetic3A_525 : vector<16xi32>
        %and3A_527 = arith.constant 255 : i32
        %and3A_528 = vector.broadcast %and3A_527 : i32 to vector<16xi32>
        %and3A_529 = arith.andi %shift_right_arithmetic3A_526, %and3A_528 : vector<16xi32>
        %gather3A_530 = tpu.vector_load_idx %arg11[%and3A_523] : memref<256xi32, #tpu.memory_space<vmem>>[vector<16xi32>], vector<16xi32>,
        %gather3A_531 = tpu.vector_load_idx %arg12[%and3A_529] : memref<256xi32, #tpu.memory_space<vmem>>[vector<16xi32>], vector<16xi32>,
        %xor3A_532 = arith.xori %gather3A_530, %gather3A_531 : vector<16xi32>
        %gather3A_533 = tpu.vector_load_idx %arg13[%and3A_523] : memref<256xi32, #tpu.memory_space<vmem>>[vector<16xi32>], vector<16xi32>,
        %gather3A_534 = tpu.vector_load_idx %arg14[%and3A_529] : memref<256xi32, #tpu.memory_space<vmem>>[vector<16xi32>], vector<16xi32>,
        %xor3A_535 = arith.xori %gather3A_533, %gather3A_534 : vector<16xi32>
        %shift_right_arithmetic3A_536 = arith.constant 5 : i32
        %shift_right_arithmetic3A_537 = vector.broadcast %shift_right_arithmetic3A_536 : i32 to vector<16xi32>
        %shift_right_arithmetic3A_538 = arith.shrsi %xor3A_532, %shift_right_arithmetic3A_537 : vector<16xi32>
        %and3A_539 = arith.constant 63 : i32
        %and3A_540 = vector.broadcast %and3A_539 : i32 to vector<16xi32>
        %and3A_541 = arith.andi %shift_right_arithmetic3A_538, %and3A_540 : vector<16xi32>
        %add3A_542 = arith.addi %broadcast_in_dim3A_237, %and3A_541 : vector<16xi32>
        %gather3A_543 = tpu.vector_load_idx %arg8[%add3A_542] : memref<32768xi32, #tpu.memory_space<vmem>>[vector<16xi32>], vector<16xi32>,
        %and3A_544 = arith.constant 31 : i32
        %and3A_545 = vector.broadcast %and3A_544 : i32 to vector<16xi32>
        %and3A_546 = arith.andi %xor3A_532, %and3A_545 : vector<16xi32>
        %shift_right_arithmetic3A_547 = arith.shrsi %gather3A_543, %and3A_546 : vector<16xi32>
        %shift_right_arithmetic3A_548 = arith.constant 21 : i32
        %shift_right_arithmetic3A_549 = vector.broadcast %shift_right_arithmetic3A_548 : i32 to vector<16xi32>
        %shift_right_arithmetic3A_550 = arith.shrsi %xor3A_532, %shift_right_arithmetic3A_549 : vector<16xi32>
        %add3A_551 = arith.addi %broadcast_in_dim3A_237, %shift_right_arithmetic3A_550 : vector<16xi32>
        %gather3A_552 = tpu.vector_load_idx %arg8[%add3A_551] : memref<32768xi32, #tpu.memory_space<vmem>>[vector<16xi32>], vector<16xi32>,
        %shift_right_arithmetic3A_553 = arith.constant 16 : i32
        %shift_right_arithmetic3A_554 = vector.broadcast %shift_right_arithmetic3A_553 : i32 to vector<16xi32>
        %shift_right_arithmetic3A_555 = arith.shrsi %xor3A_532, %shift_right_arithmetic3A_554 : vector<16xi32>
        %and3A_556 = arith.constant 31 : i32
        %and3A_557 = vector.broadcast %and3A_556 : i32 to vector<16xi32>
        %and3A_558 = arith.andi %shift_right_arithmetic3A_555, %and3A_557 : vector<16xi32>
        %shift_right_arithmetic3A_559 = arith.shrsi %gather3A_552, %and3A_558 : vector<16xi32>
        %and3A_560 = arith.andi %shift_right_arithmetic3A_547, %shift_right_arithmetic3A_559 : vector<16xi32>
        %shift_right_arithmetic3A_561 = arith.constant 5 : i32
        %shift_right_arithmetic3A_562 = vector.broadcast %shift_right_arithmetic3A_561 : i32 to vector<16xi32>
        %shift_right_arithmetic3A_563 = arith.shrsi %xor3A_535, %shift_right_arithmetic3A_562 : vector<16xi32>
        %and3A_564 = arith.constant 63 : i32
        %and3A_565 = vector.broadcast %and3A_564 : i32 to vector<16xi32>
        %and3A_566 = arith.andi %shift_right_arithmetic3A_563, %and3A_565 : vector<16xi32>
        %add3A_567 = arith.addi %broadcast_in_dim3A_237, %and3A_566 : vector<16xi32>
        %gather3A_568 = tpu.vector_load_idx %arg8[%add3A_567] : memref<32768xi32, #tpu.memory_space<vmem>>[vector<16xi32>], vector<16xi32>,
        %and3A_569 = arith.constant 31 : i32
        %and3A_570 = vector.broadcast %and3A_569 : i32 to vector<16xi32>
        %and3A_571 = arith.andi %xor3A_535, %and3A_570 : vector<16xi32>
        %shift_right_arithmetic3A_572 = arith.shrsi %gather3A_568, %and3A_571 : vector<16xi32>
        %shift_right_arithmetic3A_573 = arith.constant 21 : i32
        %shift_right_arithmetic3A_574 = vector.broadcast %shift_right_arithmetic3A_573 : i32 to vector<16xi32>
        %shift_right_arithmetic3A_575 = arith.shrsi %xor3A_535, %shift_right_arithmetic3A_574 : vector<16xi32>
        %add3A_576 = arith.addi %broadcast_in_dim3A_237, %shift_right_arithmetic3A_575 : vector<16xi32>
        %gather3A_577 = tpu.vector_load_idx %arg8[%add3A_576] : memref<32768xi32, #tpu.memory_space<vmem>>[vector<16xi32>], vector<16xi32>,
        %shift_right_arithmetic3A_578 = arith.constant 16 : i32
        %shift_right_arithmetic3A_579 = vector.broadcast %shift_right_arithmetic3A_578 : i32 to vector<16xi32>
        %shift_right_arithmetic3A_580 = arith.shrsi %xor3A_535, %shift_right_arithmetic3A_579 : vector<16xi32>
        %and3A_581 = arith.constant 31 : i32
        %and3A_582 = vector.broadcast %and3A_581 : i32 to vector<16xi32>
        %and3A_583 = arith.andi %shift_right_arithmetic3A_580, %and3A_582 : vector<16xi32>
        %shift_right_arithmetic3A_584 = arith.shrsi %gather3A_577, %and3A_583 : vector<16xi32>
        %and3A_585 = arith.andi %shift_right_arithmetic3A_572, %shift_right_arithmetic3A_584 : vector<16xi32>
        %and3A_586 = arith.andi %and3A_560, %and3A_585 : vector<16xi32>
        %and3A_587 = arith.constant 1 : i32
        %and3A_588 = vector.broadcast %and3A_587 : i32 to vector<16xi32>
        %and3A_589 = arith.andi %and3A_586, %and3A_588 : vector<16xi32>
        %add3A_590 = arith.addi %scan3A_222, %and3A_589 : vector<16xi32>
        %shift_right_arithmetic3A_591 = arith.constant 8 : i32
        %shift_right_arithmetic3A_592 = vector.broadcast %shift_right_arithmetic3A_591 : i32 to vector<16xi32>
        %shift_right_arithmetic3A_593 = arith.shrsi %or3A_417, %shift_right_arithmetic3A_592 : vector<16xi32>
        %and3A_594 = arith.constant 255 : i32
        %and3A_595 = vector.broadcast %and3A_594 : i32 to vector<16xi32>
        %and3A_596 = arith.andi %shift_right_arithmetic3A_593, %and3A_595 : vector<16xi32>
        %shift_right_arithmetic3A_597 = arith.constant 8 : i32
        %shift_right_arithmetic3A_598 = vector.broadcast %shift_right_arithmetic3A_597 : i32 to vector<16xi32>
        %shift_right_arithmetic3A_599 = arith.shrsi %or3A_436, %shift_right_arithmetic3A_598 : vector<16xi32>
        %and3A_600 = arith.constant 255 : i32
        %and3A_601 = vector.broadcast %and3A_600 : i32 to vector<16xi32>
        %and3A_602 = arith.andi %shift_right_arithmetic3A_599, %and3A_601 : vector<16xi32>
        %gather3A_603 = tpu.vector_load_idx %arg11[%and3A_596] : memref<256xi32, #tpu.memory_space<vmem>>[vector<16xi32>], vector<16xi32>,
        %gather3A_604 = tpu.vector_load_idx %arg12[%and3A_602] : memref<256xi32, #tpu.memory_space<vmem>>[vector<16xi32>], vector<16xi32>,
        %xor3A_605 = arith.xori %gather3A_603, %gather3A_604 : vector<16xi32>
        %gather3A_606 = tpu.vector_load_idx %arg13[%and3A_596] : memref<256xi32, #tpu.memory_space<vmem>>[vector<16xi32>], vector<16xi32>,
        %gather3A_607 = tpu.vector_load_idx %arg14[%and3A_602] : memref<256xi32, #tpu.memory_space<vmem>>[vector<16xi32>], vector<16xi32>,
        %xor3A_608 = arith.xori %gather3A_606, %gather3A_607 : vector<16xi32>
        %shift_right_arithmetic3A_609 = arith.constant 5 : i32
        %shift_right_arithmetic3A_610 = vector.broadcast %shift_right_arithmetic3A_609 : i32 to vector<16xi32>
        %shift_right_arithmetic3A_611 = arith.shrsi %xor3A_605, %shift_right_arithmetic3A_610 : vector<16xi32>
        %and3A_612 = arith.constant 63 : i32
        %and3A_613 = vector.broadcast %and3A_612 : i32 to vector<16xi32>
        %and3A_614 = arith.andi %shift_right_arithmetic3A_611, %and3A_613 : vector<16xi32>
        %add3A_615 = arith.addi %broadcast_in_dim3A_237, %and3A_614 : vector<16xi32>
        %gather3A_616 = tpu.vector_load_idx %arg8[%add3A_615] : memref<32768xi32, #tpu.memory_space<vmem>>[vector<16xi32>], vector<16xi32>,
        %and3A_617 = arith.constant 31 : i32
        %and3A_618 = vector.broadcast %and3A_617 : i32 to vector<16xi32>
        %and3A_619 = arith.andi %xor3A_605, %and3A_618 : vector<16xi32>
        %shift_right_arithmetic3A_620 = arith.shrsi %gather3A_616, %and3A_619 : vector<16xi32>
        %shift_right_arithmetic3A_621 = arith.constant 21 : i32
        %shift_right_arithmetic3A_622 = vector.broadcast %shift_right_arithmetic3A_621 : i32 to vector<16xi32>
        %shift_right_arithmetic3A_623 = arith.shrsi %xor3A_605, %shift_right_arithmetic3A_622 : vector<16xi32>
        %add3A_624 = arith.addi %broadcast_in_dim3A_237, %shift_right_arithmetic3A_623 : vector<16xi32>
        %gather3A_625 = tpu.vector_load_idx %arg8[%add3A_624] : memref<32768xi32, #tpu.memory_space<vmem>>[vector<16xi32>], vector<16xi32>,
        %shift_right_arithmetic3A_626 = arith.constant 16 : i32
        %shift_right_arithmetic3A_627 = vector.broadcast %shift_right_arithmetic3A_626 : i32 to vector<16xi32>
        %shift_right_arithmetic3A_628 = arith.shrsi %xor3A_605, %shift_right_arithmetic3A_627 : vector<16xi32>
        %and3A_629 = arith.constant 31 : i32
        %and3A_630 = vector.broadcast %and3A_629 : i32 to vector<16xi32>
        %and3A_631 = arith.andi %shift_right_arithmetic3A_628, %and3A_630 : vector<16xi32>
        %shift_right_arithmetic3A_632 = arith.shrsi %gather3A_625, %and3A_631 : vector<16xi32>
        %and3A_633 = arith.andi %shift_right_arithmetic3A_620, %shift_right_arithmetic3A_632 : vector<16xi32>
        %shift_right_arithmetic3A_634 = arith.constant 5 : i32
        %shift_right_arithmetic3A_635 = vector.broadcast %shift_right_arithmetic3A_634 : i32 to vector<16xi32>
        %shift_right_arithmetic3A_636 = arith.shrsi %xor3A_608, %shift_right_arithmetic3A_635 : vector<16xi32>
        %and3A_637 = arith.constant 63 : i32
        %and3A_638 = vector.broadcast %and3A_637 : i32 to vector<16xi32>
        %and3A_639 = arith.andi %shift_right_arithmetic3A_636, %and3A_638 : vector<16xi32>
        %add3A_640 = arith.addi %broadcast_in_dim3A_237, %and3A_639 : vector<16xi32>
        %gather3A_641 = tpu.vector_load_idx %arg8[%add3A_640] : memref<32768xi32, #tpu.memory_space<vmem>>[vector<16xi32>], vector<16xi32>,
        %and3A_642 = arith.constant 31 : i32
        %and3A_643 = vector.broadcast %and3A_642 : i32 to vector<16xi32>
        %and3A_644 = arith.andi %xor3A_608, %and3A_643 : vector<16xi32>
        %shift_right_arithmetic3A_645 = arith.shrsi %gather3A_641, %and3A_644 : vector<16xi32>
        %shift_right_arithmetic3A_646 = arith.constant 21 : i32
        %shift_right_arithmetic3A_647 = vector.broadcast %shift_right_arithmetic3A_646 : i32 to vector<16xi32>
        %shift_right_arithmetic3A_648 = arith.shrsi %xor3A_608, %shift_right_arithmetic3A_647 : vector<16xi32>
        %add3A_649 = arith.addi %broadcast_in_dim3A_237, %shift_right_arithmetic3A_648 : vector<16xi32>
        %gather3A_650 = tpu.vector_load_idx %arg8[%add3A_649] : memref<32768xi32, #tpu.memory_space<vmem>>[vector<16xi32>], vector<16xi32>,
        %shift_right_arithmetic3A_651 = arith.constant 16 : i32
        %shift_right_arithmetic3A_652 = vector.broadcast %shift_right_arithmetic3A_651 : i32 to vector<16xi32>
        %shift_right_arithmetic3A_653 = arith.shrsi %xor3A_608, %shift_right_arithmetic3A_652 : vector<16xi32>
        %and3A_654 = arith.constant 31 : i32
        %and3A_655 = vector.broadcast %and3A_654 : i32 to vector<16xi32>
        %and3A_656 = arith.andi %shift_right_arithmetic3A_653, %and3A_655 : vector<16xi32>
        %shift_right_arithmetic3A_657 = arith.shrsi %gather3A_650, %and3A_656 : vector<16xi32>
        %and3A_658 = arith.andi %shift_right_arithmetic3A_645, %shift_right_arithmetic3A_657 : vector<16xi32>
        %and3A_659 = arith.andi %and3A_633, %and3A_658 : vector<16xi32>
        %and3A_660 = arith.constant 1 : i32
        %and3A_661 = vector.broadcast %and3A_660 : i32 to vector<16xi32>
        %and3A_662 = arith.andi %and3A_659, %and3A_661 : vector<16xi32>
        %add3A_663 = arith.addi %scan3A_223, %and3A_662 : vector<16xi32>
        %shift_right_arithmetic3A_664 = arith.constant 8 : i32
        %shift_right_arithmetic3A_665 = vector.broadcast %shift_right_arithmetic3A_664 : i32 to vector<16xi32>
        %shift_right_arithmetic3A_666 = arith.shrsi %or3A_426, %shift_right_arithmetic3A_665 : vector<16xi32>
        %and3A_667 = arith.constant 255 : i32
        %and3A_668 = vector.broadcast %and3A_667 : i32 to vector<16xi32>
        %and3A_669 = arith.andi %shift_right_arithmetic3A_666, %and3A_668 : vector<16xi32>
        %shift_right_arithmetic3A_670 = arith.constant 8 : i32
        %shift_right_arithmetic3A_671 = vector.broadcast %shift_right_arithmetic3A_670 : i32 to vector<16xi32>
        %shift_right_arithmetic3A_672 = arith.shrsi %or3A_446, %shift_right_arithmetic3A_671 : vector<16xi32>
        %and3A_673 = arith.constant 255 : i32
        %and3A_674 = vector.broadcast %and3A_673 : i32 to vector<16xi32>
        %and3A_675 = arith.andi %shift_right_arithmetic3A_672, %and3A_674 : vector<16xi32>
        %gather3A_676 = tpu.vector_load_idx %arg11[%and3A_669] : memref<256xi32, #tpu.memory_space<vmem>>[vector<16xi32>], vector<16xi32>,
        %gather3A_677 = tpu.vector_load_idx %arg12[%and3A_675] : memref<256xi32, #tpu.memory_space<vmem>>[vector<16xi32>], vector<16xi32>,
        %xor3A_678 = arith.xori %gather3A_676, %gather3A_677 : vector<16xi32>
        %gather3A_679 = tpu.vector_load_idx %arg13[%and3A_669] : memref<256xi32, #tpu.memory_space<vmem>>[vector<16xi32>], vector<16xi32>,
        %gather3A_680 = tpu.vector_load_idx %arg14[%and3A_675] : memref<256xi32, #tpu.memory_space<vmem>>[vector<16xi32>], vector<16xi32>,
        %xor3A_681 = arith.xori %gather3A_679, %gather3A_680 : vector<16xi32>
        %shift_right_arithmetic3A_682 = arith.constant 5 : i32
        %shift_right_arithmetic3A_683 = vector.broadcast %shift_right_arithmetic3A_682 : i32 to vector<16xi32>
        %shift_right_arithmetic3A_684 = arith.shrsi %xor3A_678, %shift_right_arithmetic3A_683 : vector<16xi32>
        %and3A_685 = arith.constant 63 : i32
        %and3A_686 = vector.broadcast %and3A_685 : i32 to vector<16xi32>
        %and3A_687 = arith.andi %shift_right_arithmetic3A_684, %and3A_686 : vector<16xi32>
        %add3A_688 = arith.addi %broadcast_in_dim3A_237, %and3A_687 : vector<16xi32>
        %gather3A_689 = tpu.vector_load_idx %arg8[%add3A_688] : memref<32768xi32, #tpu.memory_space<vmem>>[vector<16xi32>], vector<16xi32>,
        %and3A_690 = arith.constant 31 : i32
        %and3A_691 = vector.broadcast %and3A_690 : i32 to vector<16xi32>
        %and3A_692 = arith.andi %xor3A_678, %and3A_691 : vector<16xi32>
        %shift_right_arithmetic3A_693 = arith.shrsi %gather3A_689, %and3A_692 : vector<16xi32>
        %shift_right_arithmetic3A_694 = arith.constant 21 : i32
        %shift_right_arithmetic3A_695 = vector.broadcast %shift_right_arithmetic3A_694 : i32 to vector<16xi32>
        %shift_right_arithmetic3A_696 = arith.shrsi %xor3A_678, %shift_right_arithmetic3A_695 : vector<16xi32>
        %add3A_697 = arith.addi %broadcast_in_dim3A_237, %shift_right_arithmetic3A_696 : vector<16xi32>
        %gather3A_698 = tpu.vector_load_idx %arg8[%add3A_697] : memref<32768xi32, #tpu.memory_space<vmem>>[vector<16xi32>], vector<16xi32>,
        %shift_right_arithmetic3A_699 = arith.constant 16 : i32
        %shift_right_arithmetic3A_700 = vector.broadcast %shift_right_arithmetic3A_699 : i32 to vector<16xi32>
        %shift_right_arithmetic3A_701 = arith.shrsi %xor3A_678, %shift_right_arithmetic3A_700 : vector<16xi32>
        %and3A_702 = arith.constant 31 : i32
        %and3A_703 = vector.broadcast %and3A_702 : i32 to vector<16xi32>
        %and3A_704 = arith.andi %shift_right_arithmetic3A_701, %and3A_703 : vector<16xi32>
        %shift_right_arithmetic3A_705 = arith.shrsi %gather3A_698, %and3A_704 : vector<16xi32>
        %and3A_706 = arith.andi %shift_right_arithmetic3A_693, %shift_right_arithmetic3A_705 : vector<16xi32>
        %shift_right_arithmetic3A_707 = arith.constant 5 : i32
        %shift_right_arithmetic3A_708 = vector.broadcast %shift_right_arithmetic3A_707 : i32 to vector<16xi32>
        %shift_right_arithmetic3A_709 = arith.shrsi %xor3A_681, %shift_right_arithmetic3A_708 : vector<16xi32>
        %and3A_710 = arith.constant 63 : i32
        %and3A_711 = vector.broadcast %and3A_710 : i32 to vector<16xi32>
        %and3A_712 = arith.andi %shift_right_arithmetic3A_709, %and3A_711 : vector<16xi32>
        %add3A_713 = arith.addi %broadcast_in_dim3A_237, %and3A_712 : vector<16xi32>
        %gather3A_714 = tpu.vector_load_idx %arg8[%add3A_713] : memref<32768xi32, #tpu.memory_space<vmem>>[vector<16xi32>], vector<16xi32>,
        %and3A_715 = arith.constant 31 : i32
        %and3A_716 = vector.broadcast %and3A_715 : i32 to vector<16xi32>
        %and3A_717 = arith.andi %xor3A_681, %and3A_716 : vector<16xi32>
        %shift_right_arithmetic3A_718 = arith.shrsi %gather3A_714, %and3A_717 : vector<16xi32>
        %shift_right_arithmetic3A_719 = arith.constant 21 : i32
        %shift_right_arithmetic3A_720 = vector.broadcast %shift_right_arithmetic3A_719 : i32 to vector<16xi32>
        %shift_right_arithmetic3A_721 = arith.shrsi %xor3A_681, %shift_right_arithmetic3A_720 : vector<16xi32>
        %add3A_722 = arith.addi %broadcast_in_dim3A_237, %shift_right_arithmetic3A_721 : vector<16xi32>
        %gather3A_723 = tpu.vector_load_idx %arg8[%add3A_722] : memref<32768xi32, #tpu.memory_space<vmem>>[vector<16xi32>], vector<16xi32>,
        %shift_right_arithmetic3A_724 = arith.constant 16 : i32
        %shift_right_arithmetic3A_725 = vector.broadcast %shift_right_arithmetic3A_724 : i32 to vector<16xi32>
        %shift_right_arithmetic3A_726 = arith.shrsi %xor3A_681, %shift_right_arithmetic3A_725 : vector<16xi32>
        %and3A_727 = arith.constant 31 : i32
        %and3A_728 = vector.broadcast %and3A_727 : i32 to vector<16xi32>
        %and3A_729 = arith.andi %shift_right_arithmetic3A_726, %and3A_728 : vector<16xi32>
        %shift_right_arithmetic3A_730 = arith.shrsi %gather3A_723, %and3A_729 : vector<16xi32>
        %and3A_731 = arith.andi %shift_right_arithmetic3A_718, %shift_right_arithmetic3A_730 : vector<16xi32>
        %and3A_732 = arith.andi %and3A_706, %and3A_731 : vector<16xi32>
        %and3A_733 = arith.constant 1 : i32
        %and3A_734 = vector.broadcast %and3A_733 : i32 to vector<16xi32>
        %and3A_735 = arith.andi %and3A_732, %and3A_734 : vector<16xi32>
        %add3A_736 = arith.addi %scan3A_224, %and3A_735 : vector<16xi32>
        %shift_right_arithmetic3A_737 = arith.constant 16 : i32
        %shift_right_arithmetic3A_738 = vector.broadcast %shift_right_arithmetic3A_737 : i32 to vector<16xi32>
        %shift_right_arithmetic3A_739 = arith.shrsi %or3A_417, %shift_right_arithmetic3A_738 : vector<16xi32>
        %and3A_740 = arith.constant 255 : i32
        %and3A_741 = vector.broadcast %and3A_740 : i32 to vector<16xi32>
        %and3A_742 = arith.andi %shift_right_arithmetic3A_739, %and3A_741 : vector<16xi32>
        %shift_right_arithmetic3A_743 = arith.constant 16 : i32
        %shift_right_arithmetic3A_744 = vector.broadcast %shift_right_arithmetic3A_743 : i32 to vector<16xi32>
        %shift_right_arithmetic3A_745 = arith.shrsi %or3A_436, %shift_right_arithmetic3A_744 : vector<16xi32>
        %and3A_746 = arith.constant 255 : i32
        %and3A_747 = vector.broadcast %and3A_746 : i32 to vector<16xi32>
        %and3A_748 = arith.andi %shift_right_arithmetic3A_745, %and3A_747 : vector<16xi32>
        %gather3A_749 = tpu.vector_load_idx %arg11[%and3A_742] : memref<256xi32, #tpu.memory_space<vmem>>[vector<16xi32>], vector<16xi32>,
        %gather3A_750 = tpu.vector_load_idx %arg12[%and3A_748] : memref<256xi32, #tpu.memory_space<vmem>>[vector<16xi32>], vector<16xi32>,
        %xor3A_751 = arith.xori %gather3A_749, %gather3A_750 : vector<16xi32>
        %gather3A_752 = tpu.vector_load_idx %arg13[%and3A_742] : memref<256xi32, #tpu.memory_space<vmem>>[vector<16xi32>], vector<16xi32>,
        %gather3A_753 = tpu.vector_load_idx %arg14[%and3A_748] : memref<256xi32, #tpu.memory_space<vmem>>[vector<16xi32>], vector<16xi32>,
        %xor3A_754 = arith.xori %gather3A_752, %gather3A_753 : vector<16xi32>
        %shift_right_arithmetic3A_755 = arith.constant 5 : i32
        %shift_right_arithmetic3A_756 = vector.broadcast %shift_right_arithmetic3A_755 : i32 to vector<16xi32>
        %shift_right_arithmetic3A_757 = arith.shrsi %xor3A_751, %shift_right_arithmetic3A_756 : vector<16xi32>
        %and3A_758 = arith.constant 63 : i32
        %and3A_759 = vector.broadcast %and3A_758 : i32 to vector<16xi32>
        %and3A_760 = arith.andi %shift_right_arithmetic3A_757, %and3A_759 : vector<16xi32>
        %add3A_761 = arith.addi %broadcast_in_dim3A_237, %and3A_760 : vector<16xi32>
        %gather3A_762 = tpu.vector_load_idx %arg8[%add3A_761] : memref<32768xi32, #tpu.memory_space<vmem>>[vector<16xi32>], vector<16xi32>,
        %and3A_763 = arith.constant 31 : i32
        %and3A_764 = vector.broadcast %and3A_763 : i32 to vector<16xi32>
        %and3A_765 = arith.andi %xor3A_751, %and3A_764 : vector<16xi32>
        %shift_right_arithmetic3A_766 = arith.shrsi %gather3A_762, %and3A_765 : vector<16xi32>
        %shift_right_arithmetic3A_767 = arith.constant 21 : i32
        %shift_right_arithmetic3A_768 = vector.broadcast %shift_right_arithmetic3A_767 : i32 to vector<16xi32>
        %shift_right_arithmetic3A_769 = arith.shrsi %xor3A_751, %shift_right_arithmetic3A_768 : vector<16xi32>
        %add3A_770 = arith.addi %broadcast_in_dim3A_237, %shift_right_arithmetic3A_769 : vector<16xi32>
        %gather3A_771 = tpu.vector_load_idx %arg8[%add3A_770] : memref<32768xi32, #tpu.memory_space<vmem>>[vector<16xi32>], vector<16xi32>,
        %shift_right_arithmetic3A_772 = arith.constant 16 : i32
        %shift_right_arithmetic3A_773 = vector.broadcast %shift_right_arithmetic3A_772 : i32 to vector<16xi32>
        %shift_right_arithmetic3A_774 = arith.shrsi %xor3A_751, %shift_right_arithmetic3A_773 : vector<16xi32>
        %and3A_775 = arith.constant 31 : i32
        %and3A_776 = vector.broadcast %and3A_775 : i32 to vector<16xi32>
        %and3A_777 = arith.andi %shift_right_arithmetic3A_774, %and3A_776 : vector<16xi32>
        %shift_right_arithmetic3A_778 = arith.shrsi %gather3A_771, %and3A_777 : vector<16xi32>
        %and3A_779 = arith.andi %shift_right_arithmetic3A_766, %shift_right_arithmetic3A_778 : vector<16xi32>
        %shift_right_arithmetic3A_780 = arith.constant 5 : i32
        %shift_right_arithmetic3A_781 = vector.broadcast %shift_right_arithmetic3A_780 : i32 to vector<16xi32>
        %shift_right_arithmetic3A_782 = arith.shrsi %xor3A_754, %shift_right_arithmetic3A_781 : vector<16xi32>
        %and3A_783 = arith.constant 63 : i32
        %and3A_784 = vector.broadcast %and3A_783 : i32 to vector<16xi32>
        %and3A_785 = arith.andi %shift_right_arithmetic3A_782, %and3A_784 : vector<16xi32>
        %add3A_786 = arith.addi %broadcast_in_dim3A_237, %and3A_785 : vector<16xi32>
        %gather3A_787 = tpu.vector_load_idx %arg8[%add3A_786] : memref<32768xi32, #tpu.memory_space<vmem>>[vector<16xi32>], vector<16xi32>,
        %and3A_788 = arith.constant 31 : i32
        %and3A_789 = vector.broadcast %and3A_788 : i32 to vector<16xi32>
        %and3A_790 = arith.andi %xor3A_754, %and3A_789 : vector<16xi32>
        %shift_right_arithmetic3A_791 = arith.shrsi %gather3A_787, %and3A_790 : vector<16xi32>
        %shift_right_arithmetic3A_792 = arith.constant 21 : i32
        %shift_right_arithmetic3A_793 = vector.broadcast %shift_right_arithmetic3A_792 : i32 to vector<16xi32>
        %shift_right_arithmetic3A_794 = arith.shrsi %xor3A_754, %shift_right_arithmetic3A_793 : vector<16xi32>
        %add3A_795 = arith.addi %broadcast_in_dim3A_237, %shift_right_arithmetic3A_794 : vector<16xi32>
        %gather3A_796 = tpu.vector_load_idx %arg8[%add3A_795] : memref<32768xi32, #tpu.memory_space<vmem>>[vector<16xi32>], vector<16xi32>,
        %shift_right_arithmetic3A_797 = arith.constant 16 : i32
        %shift_right_arithmetic3A_798 = vector.broadcast %shift_right_arithmetic3A_797 : i32 to vector<16xi32>
        %shift_right_arithmetic3A_799 = arith.shrsi %xor3A_754, %shift_right_arithmetic3A_798 : vector<16xi32>
        %and3A_800 = arith.constant 31 : i32
        %and3A_801 = vector.broadcast %and3A_800 : i32 to vector<16xi32>
        %and3A_802 = arith.andi %shift_right_arithmetic3A_799, %and3A_801 : vector<16xi32>
        %shift_right_arithmetic3A_803 = arith.shrsi %gather3A_796, %and3A_802 : vector<16xi32>
        %and3A_804 = arith.andi %shift_right_arithmetic3A_791, %shift_right_arithmetic3A_803 : vector<16xi32>
        %and3A_805 = arith.andi %and3A_779, %and3A_804 : vector<16xi32>
        %and3A_806 = arith.constant 1 : i32
        %and3A_807 = vector.broadcast %and3A_806 : i32 to vector<16xi32>
        %and3A_808 = arith.andi %and3A_805, %and3A_807 : vector<16xi32>
        %add3A_809 = arith.addi %scan3A_225, %and3A_808 : vector<16xi32>
        %shift_right_arithmetic3A_810 = arith.constant 16 : i32
        %shift_right_arithmetic3A_811 = vector.broadcast %shift_right_arithmetic3A_810 : i32 to vector<16xi32>
        %shift_right_arithmetic3A_812 = arith.shrsi %or3A_426, %shift_right_arithmetic3A_811 : vector<16xi32>
        %and3A_813 = arith.constant 255 : i32
        %and3A_814 = vector.broadcast %and3A_813 : i32 to vector<16xi32>
        %and3A_815 = arith.andi %shift_right_arithmetic3A_812, %and3A_814 : vector<16xi32>
        %shift_right_arithmetic3A_816 = arith.constant 16 : i32
        %shift_right_arithmetic3A_817 = vector.broadcast %shift_right_arithmetic3A_816 : i32 to vector<16xi32>
        %shift_right_arithmetic3A_818 = arith.shrsi %or3A_446, %shift_right_arithmetic3A_817 : vector<16xi32>
        %and3A_819 = arith.constant 255 : i32
        %and3A_820 = vector.broadcast %and3A_819 : i32 to vector<16xi32>
        %and3A_821 = arith.andi %shift_right_arithmetic3A_818, %and3A_820 : vector<16xi32>
        %gather3A_822 = tpu.vector_load_idx %arg11[%and3A_815] : memref<256xi32, #tpu.memory_space<vmem>>[vector<16xi32>], vector<16xi32>,
        %gather3A_823 = tpu.vector_load_idx %arg12[%and3A_821] : memref<256xi32, #tpu.memory_space<vmem>>[vector<16xi32>], vector<16xi32>,
        %xor3A_824 = arith.xori %gather3A_822, %gather3A_823 : vector<16xi32>
        %gather3A_825 = tpu.vector_load_idx %arg13[%and3A_815] : memref<256xi32, #tpu.memory_space<vmem>>[vector<16xi32>], vector<16xi32>,
        %gather3A_826 = tpu.vector_load_idx %arg14[%and3A_821] : memref<256xi32, #tpu.memory_space<vmem>>[vector<16xi32>], vector<16xi32>,
        %xor3A_827 = arith.xori %gather3A_825, %gather3A_826 : vector<16xi32>
        %shift_right_arithmetic3A_828 = arith.constant 5 : i32
        %shift_right_arithmetic3A_829 = vector.broadcast %shift_right_arithmetic3A_828 : i32 to vector<16xi32>
        %shift_right_arithmetic3A_830 = arith.shrsi %xor3A_824, %shift_right_arithmetic3A_829 : vector<16xi32>
        %and3A_831 = arith.constant 63 : i32
        %and3A_832 = vector.broadcast %and3A_831 : i32 to vector<16xi32>
        %and3A_833 = arith.andi %shift_right_arithmetic3A_830, %and3A_832 : vector<16xi32>
        %add3A_834 = arith.addi %broadcast_in_dim3A_237, %and3A_833 : vector<16xi32>
        %gather3A_835 = tpu.vector_load_idx %arg8[%add3A_834] : memref<32768xi32, #tpu.memory_space<vmem>>[vector<16xi32>], vector<16xi32>,
        %and3A_836 = arith.constant 31 : i32
        %and3A_837 = vector.broadcast %and3A_836 : i32 to vector<16xi32>
        %and3A_838 = arith.andi %xor3A_824, %and3A_837 : vector<16xi32>
        %shift_right_arithmetic3A_839 = arith.shrsi %gather3A_835, %and3A_838 : vector<16xi32>
        %shift_right_arithmetic3A_840 = arith.constant 21 : i32
        %shift_right_arithmetic3A_841 = vector.broadcast %shift_right_arithmetic3A_840 : i32 to vector<16xi32>
        %shift_right_arithmetic3A_842 = arith.shrsi %xor3A_824, %shift_right_arithmetic3A_841 : vector<16xi32>
        %add3A_843 = arith.addi %broadcast_in_dim3A_237, %shift_right_arithmetic3A_842 : vector<16xi32>
        %gather3A_844 = tpu.vector_load_idx %arg8[%add3A_843] : memref<32768xi32, #tpu.memory_space<vmem>>[vector<16xi32>], vector<16xi32>,
        %shift_right_arithmetic3A_845 = arith.constant 16 : i32
        %shift_right_arithmetic3A_846 = vector.broadcast %shift_right_arithmetic3A_845 : i32 to vector<16xi32>
        %shift_right_arithmetic3A_847 = arith.shrsi %xor3A_824, %shift_right_arithmetic3A_846 : vector<16xi32>
        %and3A_848 = arith.constant 31 : i32
        %and3A_849 = vector.broadcast %and3A_848 : i32 to vector<16xi32>
        %and3A_850 = arith.andi %shift_right_arithmetic3A_847, %and3A_849 : vector<16xi32>
        %shift_right_arithmetic3A_851 = arith.shrsi %gather3A_844, %and3A_850 : vector<16xi32>
        %and3A_852 = arith.andi %shift_right_arithmetic3A_839, %shift_right_arithmetic3A_851 : vector<16xi32>
        %shift_right_arithmetic3A_853 = arith.constant 5 : i32
        %shift_right_arithmetic3A_854 = vector.broadcast %shift_right_arithmetic3A_853 : i32 to vector<16xi32>
        %shift_right_arithmetic3A_855 = arith.shrsi %xor3A_827, %shift_right_arithmetic3A_854 : vector<16xi32>
        %and3A_856 = arith.constant 63 : i32
        %and3A_857 = vector.broadcast %and3A_856 : i32 to vector<16xi32>
        %and3A_858 = arith.andi %shift_right_arithmetic3A_855, %and3A_857 : vector<16xi32>
        %add3A_859 = arith.addi %broadcast_in_dim3A_237, %and3A_858 : vector<16xi32>
        %gather3A_860 = tpu.vector_load_idx %arg8[%add3A_859] : memref<32768xi32, #tpu.memory_space<vmem>>[vector<16xi32>], vector<16xi32>,
        %and3A_861 = arith.constant 31 : i32
        %and3A_862 = vector.broadcast %and3A_861 : i32 to vector<16xi32>
        %and3A_863 = arith.andi %xor3A_827, %and3A_862 : vector<16xi32>
        %shift_right_arithmetic3A_864 = arith.shrsi %gather3A_860, %and3A_863 : vector<16xi32>
        %shift_right_arithmetic3A_865 = arith.constant 21 : i32
        %shift_right_arithmetic3A_866 = vector.broadcast %shift_right_arithmetic3A_865 : i32 to vector<16xi32>
        %shift_right_arithmetic3A_867 = arith.shrsi %xor3A_827, %shift_right_arithmetic3A_866 : vector<16xi32>
        %add3A_868 = arith.addi %broadcast_in_dim3A_237, %shift_right_arithmetic3A_867 : vector<16xi32>
        %gather3A_869 = tpu.vector_load_idx %arg8[%add3A_868] : memref<32768xi32, #tpu.memory_space<vmem>>[vector<16xi32>], vector<16xi32>,
        %shift_right_arithmetic3A_870 = arith.constant 16 : i32
        %shift_right_arithmetic3A_871 = vector.broadcast %shift_right_arithmetic3A_870 : i32 to vector<16xi32>
        %shift_right_arithmetic3A_872 = arith.shrsi %xor3A_827, %shift_right_arithmetic3A_871 : vector<16xi32>
        %and3A_873 = arith.constant 31 : i32
        %and3A_874 = vector.broadcast %and3A_873 : i32 to vector<16xi32>
        %and3A_875 = arith.andi %shift_right_arithmetic3A_872, %and3A_874 : vector<16xi32>
        %shift_right_arithmetic3A_876 = arith.shrsi %gather3A_869, %and3A_875 : vector<16xi32>
        %and3A_877 = arith.andi %shift_right_arithmetic3A_864, %shift_right_arithmetic3A_876 : vector<16xi32>
        %and3A_878 = arith.andi %and3A_852, %and3A_877 : vector<16xi32>
        %and3A_879 = arith.constant 1 : i32
        %and3A_880 = vector.broadcast %and3A_879 : i32 to vector<16xi32>
        %and3A_881 = arith.andi %and3A_878, %and3A_880 : vector<16xi32>
        %add3A_882 = arith.addi %scan3A_226, %and3A_881 : vector<16xi32>
        %shift_right_arithmetic3A_883 = arith.constant 24 : i32
        %shift_right_arithmetic3A_884 = vector.broadcast %shift_right_arithmetic3A_883 : i32 to vector<16xi32>
        %shift_right_arithmetic3A_885 = arith.shrsi %or3A_417, %shift_right_arithmetic3A_884 : vector<16xi32>
        %and3A_886 = arith.constant 255 : i32
        %and3A_887 = vector.broadcast %and3A_886 : i32 to vector<16xi32>
        %and3A_888 = arith.andi %shift_right_arithmetic3A_885, %and3A_887 : vector<16xi32>
        %shift_right_arithmetic3A_889 = arith.constant 24 : i32
        %shift_right_arithmetic3A_890 = vector.broadcast %shift_right_arithmetic3A_889 : i32 to vector<16xi32>
        %shift_right_arithmetic3A_891 = arith.shrsi %or3A_436, %shift_right_arithmetic3A_890 : vector<16xi32>
        %and3A_892 = arith.constant 255 : i32
        %and3A_893 = vector.broadcast %and3A_892 : i32 to vector<16xi32>
        %and3A_894 = arith.andi %shift_right_arithmetic3A_891, %and3A_893 : vector<16xi32>
        %gather3A_895 = tpu.vector_load_idx %arg11[%and3A_888] : memref<256xi32, #tpu.memory_space<vmem>>[vector<16xi32>], vector<16xi32>,
        %gather3A_896 = tpu.vector_load_idx %arg12[%and3A_894] : memref<256xi32, #tpu.memory_space<vmem>>[vector<16xi32>], vector<16xi32>,
        %xor3A_897 = arith.xori %gather3A_895, %gather3A_896 : vector<16xi32>
        %gather3A_898 = tpu.vector_load_idx %arg13[%and3A_888] : memref<256xi32, #tpu.memory_space<vmem>>[vector<16xi32>], vector<16xi32>,
        %gather3A_899 = tpu.vector_load_idx %arg14[%and3A_894] : memref<256xi32, #tpu.memory_space<vmem>>[vector<16xi32>], vector<16xi32>,
        %xor3A_900 = arith.xori %gather3A_898, %gather3A_899 : vector<16xi32>
        %shift_right_arithmetic3A_901 = arith.constant 5 : i32
        %shift_right_arithmetic3A_902 = vector.broadcast %shift_right_arithmetic3A_901 : i32 to vector<16xi32>
        %shift_right_arithmetic3A_903 = arith.shrsi %xor3A_897, %shift_right_arithmetic3A_902 : vector<16xi32>
        %and3A_904 = arith.constant 63 : i32
        %and3A_905 = vector.broadcast %and3A_904 : i32 to vector<16xi32>
        %and3A_906 = arith.andi %shift_right_arithmetic3A_903, %and3A_905 : vector<16xi32>
        %add3A_907 = arith.addi %broadcast_in_dim3A_237, %and3A_906 : vector<16xi32>
        %gather3A_908 = tpu.vector_load_idx %arg8[%add3A_907] : memref<32768xi32, #tpu.memory_space<vmem>>[vector<16xi32>], vector<16xi32>,
        %and3A_909 = arith.constant 31 : i32
        %and3A_910 = vector.broadcast %and3A_909 : i32 to vector<16xi32>
        %and3A_911 = arith.andi %xor3A_897, %and3A_910 : vector<16xi32>
        %shift_right_arithmetic3A_912 = arith.shrsi %gather3A_908, %and3A_911 : vector<16xi32>
        %shift_right_arithmetic3A_913 = arith.constant 21 : i32
        %shift_right_arithmetic3A_914 = vector.broadcast %shift_right_arithmetic3A_913 : i32 to vector<16xi32>
        %shift_right_arithmetic3A_915 = arith.shrsi %xor3A_897, %shift_right_arithmetic3A_914 : vector<16xi32>
        %add3A_916 = arith.addi %broadcast_in_dim3A_237, %shift_right_arithmetic3A_915 : vector<16xi32>
        %gather3A_917 = tpu.vector_load_idx %arg8[%add3A_916] : memref<32768xi32, #tpu.memory_space<vmem>>[vector<16xi32>], vector<16xi32>,
        %shift_right_arithmetic3A_918 = arith.constant 16 : i32
        %shift_right_arithmetic3A_919 = vector.broadcast %shift_right_arithmetic3A_918 : i32 to vector<16xi32>
        %shift_right_arithmetic3A_920 = arith.shrsi %xor3A_897, %shift_right_arithmetic3A_919 : vector<16xi32>
        %and3A_921 = arith.constant 31 : i32
        %and3A_922 = vector.broadcast %and3A_921 : i32 to vector<16xi32>
        %and3A_923 = arith.andi %shift_right_arithmetic3A_920, %and3A_922 : vector<16xi32>
        %shift_right_arithmetic3A_924 = arith.shrsi %gather3A_917, %and3A_923 : vector<16xi32>
        %and3A_925 = arith.andi %shift_right_arithmetic3A_912, %shift_right_arithmetic3A_924 : vector<16xi32>
        %shift_right_arithmetic3A_926 = arith.constant 5 : i32
        %shift_right_arithmetic3A_927 = vector.broadcast %shift_right_arithmetic3A_926 : i32 to vector<16xi32>
        %shift_right_arithmetic3A_928 = arith.shrsi %xor3A_900, %shift_right_arithmetic3A_927 : vector<16xi32>
        %and3A_929 = arith.constant 63 : i32
        %and3A_930 = vector.broadcast %and3A_929 : i32 to vector<16xi32>
        %and3A_931 = arith.andi %shift_right_arithmetic3A_928, %and3A_930 : vector<16xi32>
        %add3A_932 = arith.addi %broadcast_in_dim3A_237, %and3A_931 : vector<16xi32>
        %gather3A_933 = tpu.vector_load_idx %arg8[%add3A_932] : memref<32768xi32, #tpu.memory_space<vmem>>[vector<16xi32>], vector<16xi32>,
        %and3A_934 = arith.constant 31 : i32
        %and3A_935 = vector.broadcast %and3A_934 : i32 to vector<16xi32>
        %and3A_936 = arith.andi %xor3A_900, %and3A_935 : vector<16xi32>
        %shift_right_arithmetic3A_937 = arith.shrsi %gather3A_933, %and3A_936 : vector<16xi32>
        %shift_right_arithmetic3A_938 = arith.constant 21 : i32
        %shift_right_arithmetic3A_939 = vector.broadcast %shift_right_arithmetic3A_938 : i32 to vector<16xi32>
        %shift_right_arithmetic3A_940 = arith.shrsi %xor3A_900, %shift_right_arithmetic3A_939 : vector<16xi32>
        %add3A_941 = arith.addi %broadcast_in_dim3A_237, %shift_right_arithmetic3A_940 : vector<16xi32>
        %gather3A_942 = tpu.vector_load_idx %arg8[%add3A_941] : memref<32768xi32, #tpu.memory_space<vmem>>[vector<16xi32>], vector<16xi32>,
        %shift_right_arithmetic3A_943 = arith.constant 16 : i32
        %shift_right_arithmetic3A_944 = vector.broadcast %shift_right_arithmetic3A_943 : i32 to vector<16xi32>
        %shift_right_arithmetic3A_945 = arith.shrsi %xor3A_900, %shift_right_arithmetic3A_944 : vector<16xi32>
        %and3A_946 = arith.constant 31 : i32
        %and3A_947 = vector.broadcast %and3A_946 : i32 to vector<16xi32>
        %and3A_948 = arith.andi %shift_right_arithmetic3A_945, %and3A_947 : vector<16xi32>
        %shift_right_arithmetic3A_949 = arith.shrsi %gather3A_942, %and3A_948 : vector<16xi32>
        %and3A_950 = arith.andi %shift_right_arithmetic3A_937, %shift_right_arithmetic3A_949 : vector<16xi32>
        %and3A_951 = arith.andi %and3A_925, %and3A_950 : vector<16xi32>
        %and3A_952 = arith.constant 1 : i32
        %and3A_953 = vector.broadcast %and3A_952 : i32 to vector<16xi32>
        %and3A_954 = arith.andi %and3A_951, %and3A_953 : vector<16xi32>
        %add3A_955 = arith.addi %scan3A_227, %and3A_954 : vector<16xi32>
        %shift_right_arithmetic3A_956 = arith.constant 24 : i32
        %shift_right_arithmetic3A_957 = vector.broadcast %shift_right_arithmetic3A_956 : i32 to vector<16xi32>
        %shift_right_arithmetic3A_958 = arith.shrsi %or3A_426, %shift_right_arithmetic3A_957 : vector<16xi32>
        %and3A_959 = arith.constant 255 : i32
        %and3A_960 = vector.broadcast %and3A_959 : i32 to vector<16xi32>
        %and3A_961 = arith.andi %shift_right_arithmetic3A_958, %and3A_960 : vector<16xi32>
        %shift_right_arithmetic3A_962 = arith.constant 24 : i32
        %shift_right_arithmetic3A_963 = vector.broadcast %shift_right_arithmetic3A_962 : i32 to vector<16xi32>
        %shift_right_arithmetic3A_964 = arith.shrsi %or3A_446, %shift_right_arithmetic3A_963 : vector<16xi32>
        %and3A_965 = arith.constant 255 : i32
        %and3A_966 = vector.broadcast %and3A_965 : i32 to vector<16xi32>
        %and3A_967 = arith.andi %shift_right_arithmetic3A_964, %and3A_966 : vector<16xi32>
        %gather3A_968 = tpu.vector_load_idx %arg11[%and3A_961] : memref<256xi32, #tpu.memory_space<vmem>>[vector<16xi32>], vector<16xi32>,
        %gather3A_969 = tpu.vector_load_idx %arg12[%and3A_967] : memref<256xi32, #tpu.memory_space<vmem>>[vector<16xi32>], vector<16xi32>,
        %xor3A_970 = arith.xori %gather3A_968, %gather3A_969 : vector<16xi32>
        %gather3A_971 = tpu.vector_load_idx %arg13[%and3A_961] : memref<256xi32, #tpu.memory_space<vmem>>[vector<16xi32>], vector<16xi32>,
        %gather3A_972 = tpu.vector_load_idx %arg14[%and3A_967] : memref<256xi32, #tpu.memory_space<vmem>>[vector<16xi32>], vector<16xi32>,
        %xor3A_973 = arith.xori %gather3A_971, %gather3A_972 : vector<16xi32>
        %shift_right_arithmetic3A_974 = arith.constant 5 : i32
        %shift_right_arithmetic3A_975 = vector.broadcast %shift_right_arithmetic3A_974 : i32 to vector<16xi32>
        %shift_right_arithmetic3A_976 = arith.shrsi %xor3A_970, %shift_right_arithmetic3A_975 : vector<16xi32>
        %and3A_977 = arith.constant 63 : i32
        %and3A_978 = vector.broadcast %and3A_977 : i32 to vector<16xi32>
        %and3A_979 = arith.andi %shift_right_arithmetic3A_976, %and3A_978 : vector<16xi32>
        %add3A_980 = arith.addi %broadcast_in_dim3A_237, %and3A_979 : vector<16xi32>
        %gather3A_981 = tpu.vector_load_idx %arg8[%add3A_980] : memref<32768xi32, #tpu.memory_space<vmem>>[vector<16xi32>], vector<16xi32>,
        %and3A_982 = arith.constant 31 : i32
        %and3A_983 = vector.broadcast %and3A_982 : i32 to vector<16xi32>
        %and3A_984 = arith.andi %xor3A_970, %and3A_983 : vector<16xi32>
        %shift_right_arithmetic3A_985 = arith.shrsi %gather3A_981, %and3A_984 : vector<16xi32>
        %shift_right_arithmetic3A_986 = arith.constant 21 : i32
        %shift_right_arithmetic3A_987 = vector.broadcast %shift_right_arithmetic3A_986 : i32 to vector<16xi32>
        %shift_right_arithmetic3A_988 = arith.shrsi %xor3A_970, %shift_right_arithmetic3A_987 : vector<16xi32>
        %add3A_989 = arith.addi %broadcast_in_dim3A_237, %shift_right_arithmetic3A_988 : vector<16xi32>
        %gather3A_990 = tpu.vector_load_idx %arg8[%add3A_989] : memref<32768xi32, #tpu.memory_space<vmem>>[vector<16xi32>], vector<16xi32>,
        %shift_right_arithmetic3A_991 = arith.constant 16 : i32
        %shift_right_arithmetic3A_992 = vector.broadcast %shift_right_arithmetic3A_991 : i32 to vector<16xi32>
        %shift_right_arithmetic3A_993 = arith.shrsi %xor3A_970, %shift_right_arithmetic3A_992 : vector<16xi32>
        %and3A_994 = arith.constant 31 : i32
        %and3A_995 = vector.broadcast %and3A_994 : i32 to vector<16xi32>
        %and3A_996 = arith.andi %shift_right_arithmetic3A_993, %and3A_995 : vector<16xi32>
        %shift_right_arithmetic3A_997 = arith.shrsi %gather3A_990, %and3A_996 : vector<16xi32>
        %and3A_998 = arith.andi %shift_right_arithmetic3A_985, %shift_right_arithmetic3A_997 : vector<16xi32>
        %shift_right_arithmetic3A_999 = arith.constant 5 : i32
        %shift_right_arithmetic3A_1000 = vector.broadcast %shift_right_arithmetic3A_999 : i32 to vector<16xi32>
        %shift_right_arithmetic3A_1001 = arith.shrsi %xor3A_973, %shift_right_arithmetic3A_1000 : vector<16xi32>
        %and3A_1002 = arith.constant 63 : i32
        %and3A_1003 = vector.broadcast %and3A_1002 : i32 to vector<16xi32>
        %and3A_1004 = arith.andi %shift_right_arithmetic3A_1001, %and3A_1003 : vector<16xi32>
        %add3A_1005 = arith.addi %broadcast_in_dim3A_237, %and3A_1004 : vector<16xi32>
        %gather3A_1006 = tpu.vector_load_idx %arg8[%add3A_1005] : memref<32768xi32, #tpu.memory_space<vmem>>[vector<16xi32>], vector<16xi32>,
        %and3A_1007 = arith.constant 31 : i32
        %and3A_1008 = vector.broadcast %and3A_1007 : i32 to vector<16xi32>
        %and3A_1009 = arith.andi %xor3A_973, %and3A_1008 : vector<16xi32>
        %shift_right_arithmetic3A_1010 = arith.shrsi %gather3A_1006, %and3A_1009 : vector<16xi32>
        %shift_right_arithmetic3A_1011 = arith.constant 21 : i32
        %shift_right_arithmetic3A_1012 = vector.broadcast %shift_right_arithmetic3A_1011 : i32 to vector<16xi32>
        %shift_right_arithmetic3A_1013 = arith.shrsi %xor3A_973, %shift_right_arithmetic3A_1012 : vector<16xi32>
        %add3A_1014 = arith.addi %broadcast_in_dim3A_237, %shift_right_arithmetic3A_1013 : vector<16xi32>
        %gather3A_1015 = tpu.vector_load_idx %arg8[%add3A_1014] : memref<32768xi32, #tpu.memory_space<vmem>>[vector<16xi32>], vector<16xi32>,
        %shift_right_arithmetic3A_1016 = arith.constant 16 : i32
        %shift_right_arithmetic3A_1017 = vector.broadcast %shift_right_arithmetic3A_1016 : i32 to vector<16xi32>
        %shift_right_arithmetic3A_1018 = arith.shrsi %xor3A_973, %shift_right_arithmetic3A_1017 : vector<16xi32>
        %and3A_1019 = arith.constant 31 : i32
        %and3A_1020 = vector.broadcast %and3A_1019 : i32 to vector<16xi32>
        %and3A_1021 = arith.andi %shift_right_arithmetic3A_1018, %and3A_1020 : vector<16xi32>
        %shift_right_arithmetic3A_1022 = arith.shrsi %gather3A_1015, %and3A_1021 : vector<16xi32>
        %and3A_1023 = arith.andi %shift_right_arithmetic3A_1010, %shift_right_arithmetic3A_1022 : vector<16xi32>
        %and3A_1024 = arith.andi %and3A_998, %and3A_1023 : vector<16xi32>
        %and3A_1025 = arith.constant 1 : i32
        %and3A_1026 = vector.broadcast %and3A_1025 : i32 to vector<16xi32>
        %and3A_1027 = arith.andi %and3A_1024, %and3A_1026 : vector<16xi32>
        %add3A_1028 = arith.addi %scan3A_228, %and3A_1027 : vector<16xi32>
        scf.yield %add3A_517, %add3A_590, %add3A_663, %add3A_736, %add3A_809, %add3A_882, %add3A_955, %add3A_1028 : vector<16xi32>, vector<16xi32>, vector<16xi32>, vector<16xi32>, vector<16xi32>, vector<16xi32>, vector<16xi32>, vector<16xi32>
      }
      %scan3A_136 = arith.constant 256 : i32
      %mul3A_137 = arith.constant 128 : i32
      %mul3A_138 = arith.muli %scan3A_122, %mul3A_137 : i32
      %add3A_139 = arith.constant 0 : i32
      %add3A_140 = arith.addi %add3A_139, %mul3A_138 : i32
      %add3A_141 = arith.constant 0 : i32
      %add3A_142 = arith.addi %add3A_140, %add3A_141 : i32
      %swap3A = arith.index_cast %add3A_142 : i32 to index
      %swap3A_143 = tpu.vector_load %arg15[%swap3A] {strides = array<i32>} : memref<2048xi32, #tpu.memory_space<vmem>>, vector<16xi32>,
      tpu.vector_store %arg15[%swap3A], %scan3A_135#0 {strides = array<i32>} : memref<2048xi32, #tpu.memory_space<vmem>>, vector<16xi32>,
      %add3A_144 = arith.constant 16 : i32
      %add3A_145 = arith.addi %add3A_140, %add3A_144 : i32
      %swap3A_146 = arith.index_cast %add3A_145 : i32 to index
      %swap3A_147 = tpu.vector_load %arg15[%swap3A_146] {strides = array<i32>} : memref<2048xi32, #tpu.memory_space<vmem>>, vector<16xi32>,
      tpu.vector_store %arg15[%swap3A_146], %scan3A_135#1 {strides = array<i32>} : memref<2048xi32, #tpu.memory_space<vmem>>, vector<16xi32>,
      %add3A_148 = arith.constant 32 : i32
      %add3A_149 = arith.addi %add3A_140, %add3A_148 : i32
      %swap3A_150 = arith.index_cast %add3A_149 : i32 to index
      %swap3A_151 = tpu.vector_load %arg15[%swap3A_150] {strides = array<i32>} : memref<2048xi32, #tpu.memory_space<vmem>>, vector<16xi32>,
      tpu.vector_store %arg15[%swap3A_150], %scan3A_135#2 {strides = array<i32>} : memref<2048xi32, #tpu.memory_space<vmem>>, vector<16xi32>,
      %add3A_152 = arith.constant 48 : i32
      %add3A_153 = arith.addi %add3A_140, %add3A_152 : i32
      %swap3A_154 = arith.index_cast %add3A_153 : i32 to index
      %swap3A_155 = tpu.vector_load %arg15[%swap3A_154] {strides = array<i32>} : memref<2048xi32, #tpu.memory_space<vmem>>, vector<16xi32>,
      tpu.vector_store %arg15[%swap3A_154], %scan3A_135#3 {strides = array<i32>} : memref<2048xi32, #tpu.memory_space<vmem>>, vector<16xi32>,
      %add3A_156 = arith.constant 64 : i32
      %add3A_157 = arith.addi %add3A_140, %add3A_156 : i32
      %swap3A_158 = arith.index_cast %add3A_157 : i32 to index
      %swap3A_159 = tpu.vector_load %arg15[%swap3A_158] {strides = array<i32>} : memref<2048xi32, #tpu.memory_space<vmem>>, vector<16xi32>,
      tpu.vector_store %arg15[%swap3A_158], %scan3A_135#4 {strides = array<i32>} : memref<2048xi32, #tpu.memory_space<vmem>>, vector<16xi32>,
      %add3A_160 = arith.constant 80 : i32
      %add3A_161 = arith.addi %add3A_140, %add3A_160 : i32
      %swap3A_162 = arith.index_cast %add3A_161 : i32 to index
      %swap3A_163 = tpu.vector_load %arg15[%swap3A_162] {strides = array<i32>} : memref<2048xi32, #tpu.memory_space<vmem>>, vector<16xi32>,
      tpu.vector_store %arg15[%swap3A_162], %scan3A_135#5 {strides = array<i32>} : memref<2048xi32, #tpu.memory_space<vmem>>, vector<16xi32>,
      %add3A_164 = arith.constant 96 : i32
      %add3A_165 = arith.addi %add3A_140, %add3A_164 : i32
      %swap3A_166 = arith.index_cast %add3A_165 : i32 to index
      %swap3A_167 = tpu.vector_load %arg15[%swap3A_166] {strides = array<i32>} : memref<2048xi32, #tpu.memory_space<vmem>>, vector<16xi32>,
      tpu.vector_store %arg15[%swap3A_166], %scan3A_135#6 {strides = array<i32>} : memref<2048xi32, #tpu.memory_space<vmem>>, vector<16xi32>,
      %add3A_168 = arith.constant 112 : i32
      %add3A_169 = arith.addi %add3A_140, %add3A_168 : i32
      %swap3A_170 = arith.index_cast %add3A_169 : i32 to index
      %swap3A_171 = tpu.vector_load %arg15[%swap3A_170] {strides = array<i32>} : memref<2048xi32, #tpu.memory_space<vmem>>, vector<16xi32>,
      tpu.vector_store %arg15[%swap3A_170], %scan3A_135#7 {strides = array<i32>} : memref<2048xi32, #tpu.memory_space<vmem>>, vector<16xi32>,
      %add3A_172 = arith.constant 1 : i32
      %add3A_173 = arith.addi %mul3A_2, %add3A_172 : i32
      %mul3A_174 = arith.constant 4096 : i32
      %mul3A_175 = arith.muli %add3A_173, %mul3A_174 : i32
      "tpu.region"() ({
        %run_scoped3A = tpu.sem_alloc : memref<!tpu.dma_semaphore, #tpu.memory_space<semaphore_mem>>
        %dma_start3A = tpu.memref_slice %arg3[%mul3A_175] : memref<262144xi32, #tpu.memory_space<hbm>> -> memref<4096xi32, #tpu.memory_space<hbm>>
        %dma_start3A_220 = tpu.memref_slice %arg3[%mul3A_175] : memref<262144xi32, #tpu.memory_space<hbm>> -> memref<4096xi32, #tpu.memory_space<hbm>>
        tpu.enqueue_dma source(%dma_start3A_220 : memref<4096xi32, #tpu.memory_space<hbm>>) target(%arg9 : memref<4096xi32, #tpu.memory_space<vmem>>) target_semaphore(%run_scoped3A : memref<!tpu.dma_semaphore, #tpu.memory_space<semaphore_mem>>)
        %dma_wait3A = tpu.memref_slice %arg3[%mul3A_175] : memref<262144xi32, #tpu.memory_space<hbm>> -> memref<4096xi32, #tpu.memory_space<hbm>>
        %dma_wait3A_221 = tpu.memref_slice %arg3[%mul3A_175] : memref<262144xi32, #tpu.memory_space<hbm>> -> memref<4096xi32, #tpu.memory_space<hbm>>
        tpu.wait_dma2 semaphore(%run_scoped3A : memref<!tpu.dma_semaphore, #tpu.memory_space<semaphore_mem>>) src(%dma_wait3A_221 : memref<4096xi32, #tpu.memory_space<hbm>>) dst(%arg9 : memref<4096xi32, #tpu.memory_space<vmem>>)
        tpu.yield
      }) : () -> ()
      %broadcast_in_dim3A_176 = arith.constant 0 : i32
      %broadcast_in_dim3A_177 = vector.broadcast %broadcast_in_dim3A_176 : i32 to vector<16xi32>
      %scan3A_178 = arith.constant 0 : i32
      %scan3A_179 = arith.constant 256 : i32
      %scan3A_180 = arith.addi %scan3A_178, %scan3A_179 : i32
      %scan3A_181 = arith.constant 1 : i32
      %scan3A_182:8 = scf.for %scan3A_220 = %scan3A_178 to %scan3A_180 step %scan3A_181 iter_args(%scan3A_221 = %broadcast_in_dim3A_177, %scan3A_222 = %broadcast_in_dim3A_177, %scan3A_223 = %broadcast_in_dim3A_177, %scan3A_224 = %broadcast_in_dim3A_177, %scan3A_225 = %broadcast_in_dim3A_177, %scan3A_226 = %broadcast_in_dim3A_177, %scan3A_227 = %broadcast_in_dim3A_177, %scan3A_228 = %broadcast_in_dim3A_177) -> (vector<16xi32>, vector<16xi32>, vector<16xi32>, vector<16xi32>, vector<16xi32>, vector<16xi32>, vector<16xi32>, vector<16xi32>)  : i32 {
        %mul3A_229 = arith.constant 16 : i32
        %mul3A_230 = arith.muli %scan3A_220, %mul3A_229 : i32
        %get3A_231 = arith.index_cast %mul3A_230 : i32 to index
        %get3A_232 = tpu.vector_load %arg9[%get3A_231] {strides = array<i32>} : memref<4096xi32, #tpu.memory_space<vmem>>, vector<16xi32>,
        %mul3A_233 = arith.constant 64 : i32
        %mul3A_234 = arith.muli %scan3A_220, %mul3A_233 : i32
        %add3A_235 = arith.constant 16384 : i32
        %add3A_236 = arith.addi %add3A_235, %mul3A_234 : i32
        %broadcast_in_dim3A_237 = vector.broadcast %add3A_236 : i32 to vector<16xi32>
        %broadcast_in_dim3A_238 = arith.constant 0 : i8
        %broadcast_in_dim3A_239 = vector.broadcast %broadcast_in_dim3A_238 : i8 to vector<64xi8>
        %slice3A_240 = vector.extract_strided_slice %get3A_232 {offsets = [3], sizes = [1], strides = [1]} : vector<16xi32> to vector<1xi32>
        %squeeze3A_241 = vector.extract %slice3A_240[0] : i32 from vector<1xi32>
        %shift_left3A_242 = arith.constant 4 : i32
        %shift_left3A_243 = arith.shli %squeeze3A_241, %shift_left3A_242 : i32
        %get3A_244 = arith.index_cast %shift_left3A_243 : i32 to index
        %get3A_245 = tpu.vector_load %arg7[%get3A_244] {strides = array<i32>} : memref<65536xi32, #tpu.memory_space<vmem>>, vector<16xi32>,
        %bitcast3A = vector.bitcast %get3A_245 : vector<16xi32> to vector<64xi8>
        %add3A_246 = arith.addi %broadcast_in_dim3A_239, %broadcast_in_dim3A_239 : vector<64xi8>
        %and3A = arith.andi %bitcast3A, %broadcast_in_dim3A_113 : vector<64xi8>
        %add3A_247 = arith.addi %add3A_246, %and3A : vector<64xi8>
        %slice3A_248 = vector.extract_strided_slice %get3A_232 {offsets = [2], sizes = [1], strides = [1]} : vector<16xi32> to vector<1xi32>
        %squeeze3A_249 = vector.extract %slice3A_248[0] : i32 from vector<1xi32>
        %shift_left3A_250 = arith.constant 4 : i32
        %shift_left3A_251 = arith.shli %squeeze3A_249, %shift_left3A_250 : i32
        %get3A_252 = arith.index_cast %shift_left3A_251 : i32 to index
        %get3A_253 = tpu.vector_load %arg7[%get3A_252] {strides = array<i32>} : memref<65536xi32, #tpu.memory_space<vmem>>, vector<16xi32>,
        %bitcast3A_254 = vector.bitcast %get3A_253 : vector<16xi32> to vector<64xi8>
        %add3A_255 = arith.addi %add3A_247, %add3A_247 : vector<64xi8>
        %and3A_256 = arith.andi %bitcast3A_254, %broadcast_in_dim3A_113 : vector<64xi8>
        %add3A_257 = arith.addi %add3A_255, %and3A_256 : vector<64xi8>
        %slice3A_258 = vector.extract_strided_slice %get3A_232 {offsets = [1], sizes = [1], strides = [1]} : vector<16xi32> to vector<1xi32>
        %squeeze3A_259 = vector.extract %slice3A_258[0] : i32 from vector<1xi32>
        %shift_left3A_260 = arith.constant 4 : i32
        %shift_left3A_261 = arith.shli %squeeze3A_259, %shift_left3A_260 : i32
        %get3A_262 = arith.index_cast %shift_left3A_261 : i32 to index
        %get3A_263 = tpu.vector_load %arg7[%get3A_262] {strides = array<i32>} : memref<65536xi32, #tpu.memory_space<vmem>>, vector<16xi32>,
        %bitcast3A_264 = vector.bitcast %get3A_263 : vector<16xi32> to vector<64xi8>
        %add3A_265 = arith.addi %add3A_257, %add3A_257 : vector<64xi8>
        %and3A_266 = arith.andi %bitcast3A_264, %broadcast_in_dim3A_113 : vector<64xi8>
        %add3A_267 = arith.addi %add3A_265, %and3A_266 : vector<64xi8>
        %slice3A_268 = vector.extract_strided_slice %get3A_232 {offsets = [0], sizes = [1], strides = [1]} : vector<16xi32> to vector<1xi32>
        %squeeze3A_269 = vector.extract %slice3A_268[0] : i32 from vector<1xi32>
        %shift_left3A_270 = arith.constant 4 : i32
        %shift_left3A_271 = arith.shli %squeeze3A_269, %shift_left3A_270 : i32
        %get3A_272 = arith.index_cast %shift_left3A_271 : i32 to index
        %get3A_273 = tpu.vector_load %arg7[%get3A_272] {strides = array<i32>} : memref<65536xi32, #tpu.memory_space<vmem>>, vector<16xi32>,
        %bitcast3A_274 = vector.bitcast %get3A_273 : vector<16xi32> to vector<64xi8>
        %add3A_275 = arith.addi %add3A_267, %add3A_267 : vector<64xi8>
        %and3A_276 = arith.andi %bitcast3A_274, %broadcast_in_dim3A_113 : vector<64xi8>
        %add3A_277 = arith.addi %add3A_275, %and3A_276 : vector<64xi8>
        %bitcast3A_278 = vector.bitcast %add3A_277 : vector<64xi8> to vector<16xi32>
        %broadcast_in_dim3A_279 = arith.constant 0 : i8
        %broadcast_in_dim3A_280 = vector.broadcast %broadcast_in_dim3A_279 : i8 to vector<64xi8>
        %slice3A_281 = vector.extract_strided_slice %get3A_232 {offsets = [7], sizes = [1], strides = [1]} : vector<16xi32> to vector<1xi32>
        %squeeze3A_282 = vector.extract %slice3A_281[0] : i32 from vector<1xi32>
        %shift_left3A_283 = arith.constant 4 : i32
        %shift_left3A_284 = arith.shli %squeeze3A_282, %shift_left3A_283 : i32
        %get3A_285 = arith.index_cast %shift_left3A_284 : i32 to index
        %get3A_286 = tpu.vector_load %arg7[%get3A_285] {strides = array<i32>} : memref<65536xi32, #tpu.memory_space<vmem>>, vector<16xi32>,
        %bitcast3A_287 = vector.bitcast %get3A_286 : vector<16xi32> to vector<64xi8>
        %add3A_288 = arith.addi %broadcast_in_dim3A_280, %broadcast_in_dim3A_280 : vector<64xi8>
        %and3A_289 = arith.andi %bitcast3A_287, %broadcast_in_dim3A_113 : vector<64xi8>
        %add3A_290 = arith.addi %add3A_288, %and3A_289 : vector<64xi8>
        %slice3A_291 = vector.extract_strided_slice %get3A_232 {offsets = [6], sizes = [1], strides = [1]} : vector<16xi32> to vector<1xi32>
        %squeeze3A_292 = vector.extract %slice3A_291[0] : i32 from vector<1xi32>
        %shift_left3A_293 = arith.constant 4 : i32
        %shift_left3A_294 = arith.shli %squeeze3A_292, %shift_left3A_293 : i32
        %get3A_295 = arith.index_cast %shift_left3A_294 : i32 to index
        %get3A_296 = tpu.vector_load %arg7[%get3A_295] {strides = array<i32>} : memref<65536xi32, #tpu.memory_space<vmem>>, vector<16xi32>,
        %bitcast3A_297 = vector.bitcast %get3A_296 : vector<16xi32> to vector<64xi8>
        %add3A_298 = arith.addi %add3A_290, %add3A_290 : vector<64xi8>
        %and3A_299 = arith.andi %bitcast3A_297, %broadcast_in_dim3A_113 : vector<64xi8>
        %add3A_300 = arith.addi %add3A_298, %and3A_299 : vector<64xi8>
        %slice3A_301 = vector.extract_strided_slice %get3A_232 {offsets = [5], sizes = [1], strides = [1]} : vector<16xi32> to vector<1xi32>
        %squeeze3A_302 = vector.extract %slice3A_301[0] : i32 from vector<1xi32>
        %shift_left3A_303 = arith.constant 4 : i32
        %shift_left3A_304 = arith.shli %squeeze3A_302, %shift_left3A_303 : i32
        %get3A_305 = arith.index_cast %shift_left3A_304 : i32 to index
        %get3A_306 = tpu.vector_load %arg7[%get3A_305] {strides = array<i32>} : memref<65536xi32, #tpu.memory_space<vmem>>, vector<16xi32>,
        %bitcast3A_307 = vector.bitcast %get3A_306 : vector<16xi32> to vector<64xi8>
        %add3A_308 = arith.addi %add3A_300, %add3A_300 : vector<64xi8>
        %and3A_309 = arith.andi %bitcast3A_307, %broadcast_in_dim3A_113 : vector<64xi8>
        %add3A_310 = arith.addi %add3A_308, %and3A_309 : vector<64xi8>
        %slice3A_311 = vector.extract_strided_slice %get3A_232 {offsets = [4], sizes = [1], strides = [1]} : vector<16xi32> to vector<1xi32>
        %squeeze3A_312 = vector.extract %slice3A_311[0] : i32 from vector<1xi32>
        %shift_left3A_313 = arith.constant 4 : i32
        %shift_left3A_314 = arith.shli %squeeze3A_312, %shift_left3A_313 : i32
        %get3A_315 = arith.index_cast %shift_left3A_314 : i32 to index
        %get3A_316 = tpu.vector_load %arg7[%get3A_315] {strides = array<i32>} : memref<65536xi32, #tpu.memory_space<vmem>>, vector<16xi32>,
        %bitcast3A_317 = vector.bitcast %get3A_316 : vector<16xi32> to vector<64xi8>
        %add3A_318 = arith.addi %add3A_310, %add3A_310 : vector<64xi8>
        %and3A_319 = arith.andi %bitcast3A_317, %broadcast_in_dim3A_113 : vector<64xi8>
        %add3A_320 = arith.addi %add3A_318, %and3A_319 : vector<64xi8>
        %bitcast3A_321 = vector.bitcast %add3A_320 : vector<64xi8> to vector<16xi32>
        %broadcast_in_dim3A_322 = arith.constant 0 : i8
        %broadcast_in_dim3A_323 = vector.broadcast %broadcast_in_dim3A_322 : i8 to vector<64xi8>
        %slice3A_324 = vector.extract_strided_slice %get3A_232 {offsets = [11], sizes = [1], strides = [1]} : vector<16xi32> to vector<1xi32>
        %squeeze3A_325 = vector.extract %slice3A_324[0] : i32 from vector<1xi32>
        %shift_left3A_326 = arith.constant 4 : i32
        %shift_left3A_327 = arith.shli %squeeze3A_325, %shift_left3A_326 : i32
        %get3A_328 = arith.index_cast %shift_left3A_327 : i32 to index
        %get3A_329 = tpu.vector_load %arg7[%get3A_328] {strides = array<i32>} : memref<65536xi32, #tpu.memory_space<vmem>>, vector<16xi32>,
        %bitcast3A_330 = vector.bitcast %get3A_329 : vector<16xi32> to vector<64xi8>
        %add3A_331 = arith.addi %broadcast_in_dim3A_323, %broadcast_in_dim3A_323 : vector<64xi8>
        %and3A_332 = arith.andi %bitcast3A_330, %broadcast_in_dim3A_113 : vector<64xi8>
        %add3A_333 = arith.addi %add3A_331, %and3A_332 : vector<64xi8>
        %slice3A_334 = vector.extract_strided_slice %get3A_232 {offsets = [10], sizes = [1], strides = [1]} : vector<16xi32> to vector<1xi32>
        %squeeze3A_335 = vector.extract %slice3A_334[0] : i32 from vector<1xi32>
        %shift_left3A_336 = arith.constant 4 : i32
        %shift_left3A_337 = arith.shli %squeeze3A_335, %shift_left3A_336 : i32
        %get3A_338 = arith.index_cast %shift_left3A_337 : i32 to index
        %get3A_339 = tpu.vector_load %arg7[%get3A_338] {strides = array<i32>} : memref<65536xi32, #tpu.memory_space<vmem>>, vector<16xi32>,
        %bitcast3A_340 = vector.bitcast %get3A_339 : vector<16xi32> to vector<64xi8>
        %add3A_341 = arith.addi %add3A_333, %add3A_333 : vector<64xi8>
        %and3A_342 = arith.andi %bitcast3A_340, %broadcast_in_dim3A_113 : vector<64xi8>
        %add3A_343 = arith.addi %add3A_341, %and3A_342 : vector<64xi8>
        %slice3A_344 = vector.extract_strided_slice %get3A_232 {offsets = [9], sizes = [1], strides = [1]} : vector<16xi32> to vector<1xi32>
        %squeeze3A_345 = vector.extract %slice3A_344[0] : i32 from vector<1xi32>
        %shift_left3A_346 = arith.constant 4 : i32
        %shift_left3A_347 = arith.shli %squeeze3A_345, %shift_left3A_346 : i32
        %get3A_348 = arith.index_cast %shift_left3A_347 : i32 to index
        %get3A_349 = tpu.vector_load %arg7[%get3A_348] {strides = array<i32>} : memref<65536xi32, #tpu.memory_space<vmem>>, vector<16xi32>,
        %bitcast3A_350 = vector.bitcast %get3A_349 : vector<16xi32> to vector<64xi8>
        %add3A_351 = arith.addi %add3A_343, %add3A_343 : vector<64xi8>
        %and3A_352 = arith.andi %bitcast3A_350, %broadcast_in_dim3A_113 : vector<64xi8>
        %add3A_353 = arith.addi %add3A_351, %and3A_352 : vector<64xi8>
        %slice3A_354 = vector.extract_strided_slice %get3A_232 {offsets = [8], sizes = [1], strides = [1]} : vector<16xi32> to vector<1xi32>
        %squeeze3A_355 = vector.extract %slice3A_354[0] : i32 from vector<1xi32>
        %shift_left3A_356 = arith.constant 4 : i32
        %shift_left3A_357 = arith.shli %squeeze3A_355, %shift_left3A_356 : i32
        %get3A_358 = arith.index_cast %shift_left3A_357 : i32 to index
        %get3A_359 = tpu.vector_load %arg7[%get3A_358] {strides = array<i32>} : memref<65536xi32, #tpu.memory_space<vmem>>, vector<16xi32>,
        %bitcast3A_360 = vector.bitcast %get3A_359 : vector<16xi32> to vector<64xi8>
        %add3A_361 = arith.addi %add3A_353, %add3A_353 : vector<64xi8>
        %and3A_362 = arith.andi %bitcast3A_360, %broadcast_in_dim3A_113 : vector<64xi8>
        %add3A_363 = arith.addi %add3A_361, %and3A_362 : vector<64xi8>
        %bitcast3A_364 = vector.bitcast %add3A_363 : vector<64xi8> to vector<16xi32>
        %broadcast_in_dim3A_365 = arith.constant 0 : i8
        %broadcast_in_dim3A_366 = vector.broadcast %broadcast_in_dim3A_365 : i8 to vector<64xi8>
        %slice3A_367 = vector.extract_strided_slice %get3A_232 {offsets = [15], sizes = [1], strides = [1]} : vector<16xi32> to vector<1xi32>
        %squeeze3A_368 = vector.extract %slice3A_367[0] : i32 from vector<1xi32>
        %shift_left3A_369 = arith.constant 4 : i32
        %shift_left3A_370 = arith.shli %squeeze3A_368, %shift_left3A_369 : i32
        %get3A_371 = arith.index_cast %shift_left3A_370 : i32 to index
        %get3A_372 = tpu.vector_load %arg7[%get3A_371] {strides = array<i32>} : memref<65536xi32, #tpu.memory_space<vmem>>, vector<16xi32>,
        %bitcast3A_373 = vector.bitcast %get3A_372 : vector<16xi32> to vector<64xi8>
        %add3A_374 = arith.addi %broadcast_in_dim3A_366, %broadcast_in_dim3A_366 : vector<64xi8>
        %and3A_375 = arith.andi %bitcast3A_373, %broadcast_in_dim3A_113 : vector<64xi8>
        %add3A_376 = arith.addi %add3A_374, %and3A_375 : vector<64xi8>
        %slice3A_377 = vector.extract_strided_slice %get3A_232 {offsets = [14], sizes = [1], strides = [1]} : vector<16xi32> to vector<1xi32>
        %squeeze3A_378 = vector.extract %slice3A_377[0] : i32 from vector<1xi32>
        %shift_left3A_379 = arith.constant 4 : i32
        %shift_left3A_380 = arith.shli %squeeze3A_378, %shift_left3A_379 : i32
        %get3A_381 = arith.index_cast %shift_left3A_380 : i32 to index
        %get3A_382 = tpu.vector_load %arg7[%get3A_381] {strides = array<i32>} : memref<65536xi32, #tpu.memory_space<vmem>>, vector<16xi32>,
        %bitcast3A_383 = vector.bitcast %get3A_382 : vector<16xi32> to vector<64xi8>
        %add3A_384 = arith.addi %add3A_376, %add3A_376 : vector<64xi8>
        %and3A_385 = arith.andi %bitcast3A_383, %broadcast_in_dim3A_113 : vector<64xi8>
        %add3A_386 = arith.addi %add3A_384, %and3A_385 : vector<64xi8>
        %slice3A_387 = vector.extract_strided_slice %get3A_232 {offsets = [13], sizes = [1], strides = [1]} : vector<16xi32> to vector<1xi32>
        %squeeze3A_388 = vector.extract %slice3A_387[0] : i32 from vector<1xi32>
        %shift_left3A_389 = arith.constant 4 : i32
        %shift_left3A_390 = arith.shli %squeeze3A_388, %shift_left3A_389 : i32
        %get3A_391 = arith.index_cast %shift_left3A_390 : i32 to index
        %get3A_392 = tpu.vector_load %arg7[%get3A_391] {strides = array<i32>} : memref<65536xi32, #tpu.memory_space<vmem>>, vector<16xi32>,
        %bitcast3A_393 = vector.bitcast %get3A_392 : vector<16xi32> to vector<64xi8>
        %add3A_394 = arith.addi %add3A_386, %add3A_386 : vector<64xi8>
        %and3A_395 = arith.andi %bitcast3A_393, %broadcast_in_dim3A_113 : vector<64xi8>
        %add3A_396 = arith.addi %add3A_394, %and3A_395 : vector<64xi8>
        %slice3A_397 = vector.extract_strided_slice %get3A_232 {offsets = [12], sizes = [1], strides = [1]} : vector<16xi32> to vector<1xi32>
        %squeeze3A_398 = vector.extract %slice3A_397[0] : i32 from vector<1xi32>
        %shift_left3A_399 = arith.constant 4 : i32
        %shift_left3A_400 = arith.shli %squeeze3A_398, %shift_left3A_399 : i32
        %get3A_401 = arith.index_cast %shift_left3A_400 : i32 to index
        %get3A_402 = tpu.vector_load %arg7[%get3A_401] {strides = array<i32>} : memref<65536xi32, #tpu.memory_space<vmem>>, vector<16xi32>,
        %bitcast3A_403 = vector.bitcast %get3A_402 : vector<16xi32> to vector<64xi8>
        %add3A_404 = arith.addi %add3A_396, %add3A_396 : vector<64xi8>
        %and3A_405 = arith.andi %bitcast3A_403, %broadcast_in_dim3A_113 : vector<64xi8>
        %add3A_406 = arith.addi %add3A_404, %and3A_405 : vector<64xi8>
        %bitcast3A_407 = vector.bitcast %add3A_406 : vector<64xi8> to vector<16xi32>
        %and3A_408 = arith.constant 252645135 : i32
        %and3A_409 = vector.broadcast %and3A_408 : i32 to vector<16xi32>
        %and3A_410 = arith.andi %bitcast3A_278, %and3A_409 : vector<16xi32>
        %shift_left3A_411 = arith.constant 4 : i32
        %shift_left3A_412 = vector.broadcast %shift_left3A_411 : i32 to vector<16xi32>
        %shift_left3A_413 = arith.shli %bitcast3A_321, %shift_left3A_412 : vector<16xi32>
        %and3A_414 = arith.constant -252645136 : i32
        %and3A_415 = vector.broadcast %and3A_414 : i32 to vector<16xi32>
        %and3A_416 = arith.andi %shift_left3A_413, %and3A_415 : vector<16xi32>
        %or3A_417 = arith.ori %and3A_410, %and3A_416 : vector<16xi32>
        %shift_right_arithmetic3A = arith.constant 4 : i32
        %shift_right_arithmetic3A_418 = vector.broadcast %shift_right_arithmetic3A : i32 to vector<16xi32>
        %shift_right_arithmetic3A_419 = arith.shrsi %bitcast3A_278, %shift_right_arithmetic3A_418 : vector<16xi32>
        %and3A_420 = arith.constant 252645135 : i32
        %and3A_421 = vector.broadcast %and3A_420 : i32 to vector<16xi32>
        %and3A_422 = arith.andi %shift_right_arithmetic3A_419, %and3A_421 : vector<16xi32>
        %and3A_423 = arith.constant -252645136 : i32
        %and3A_424 = vector.broadcast %and3A_423 : i32 to vector<16xi32>
        %and3A_425 = arith.andi %bitcast3A_321, %and3A_424 : vector<16xi32>
        %or3A_426 = arith.ori %and3A_422, %and3A_425 : vector<16xi32>
        %and3A_427 = arith.constant 252645135 : i32
        %and3A_428 = vector.broadcast %and3A_427 : i32 to vector<16xi32>
        %and3A_429 = arith.andi %bitcast3A_364, %and3A_428 : vector<16xi32>
        %shift_left3A_430 = arith.constant 4 : i32
        %shift_left3A_431 = vector.broadcast %shift_left3A_430 : i32 to vector<16xi32>
        %shift_left3A_432 = arith.shli %bitcast3A_407, %shift_left3A_431 : vector<16xi32>
        %and3A_433 = arith.constant -252645136 : i32
        %and3A_434 = vector.broadcast %and3A_433 : i32 to vector<16xi32>
        %and3A_435 = arith.andi %shift_left3A_432, %and3A_434 : vector<16xi32>
        %or3A_436 = arith.ori %and3A_429, %and3A_435 : vector<16xi32>
        %shift_right_arithmetic3A_437 = arith.constant 4 : i32
        %shift_right_arithmetic3A_438 = vector.broadcast %shift_right_arithmetic3A_437 : i32 to vector<16xi32>
        %shift_right_arithmetic3A_439 = arith.shrsi %bitcast3A_364, %shift_right_arithmetic3A_438 : vector<16xi32>
        %and3A_440 = arith.constant 252645135 : i32
        %and3A_441 = vector.broadcast %and3A_440 : i32 to vector<16xi32>
        %and3A_442 = arith.andi %shift_right_arithmetic3A_439, %and3A_441 : vector<16xi32>
        %and3A_443 = arith.constant -252645136 : i32
        %and3A_444 = vector.broadcast %and3A_443 : i32 to vector<16xi32>
        %and3A_445 = arith.andi %bitcast3A_407, %and3A_444 : vector<16xi32>
        %or3A_446 = arith.ori %and3A_442, %and3A_445 : vector<16xi32>
        %shift_right_arithmetic3A_447 = arith.constant 0 : i32
        %shift_right_arithmetic3A_448 = vector.broadcast %shift_right_arithmetic3A_447 : i32 to vector<16xi32>
        %shift_right_arithmetic3A_449 = arith.shrsi %or3A_417, %shift_right_arithmetic3A_448 : vector<16xi32>
        %and3A_450 = arith.constant 255 : i32
        %and3A_451 = vector.broadcast %and3A_450 : i32 to vector<16xi32>
        %and3A_452 = arith.andi %shift_right_arithmetic3A_449, %and3A_451 : vector<16xi32>
        %shift_right_arithmetic3A_453 = arith.constant 0 : i32
        %shift_right_arithmetic3A_454 = vector.broadcast %shift_right_arithmetic3A_453 : i32 to vector<16xi32>
        %shift_right_arithmetic3A_455 = arith.shrsi %or3A_436, %shift_right_arithmetic3A_454 : vector<16xi32>
        %and3A_456 = arith.constant 255 : i32
        %and3A_457 = vector.broadcast %and3A_456 : i32 to vector<16xi32>
        %and3A_458 = arith.andi %shift_right_arithmetic3A_455, %and3A_457 : vector<16xi32>
        %gather3A = tpu.vector_load_idx %arg11[%and3A_452] : memref<256xi32, #tpu.memory_space<vmem>>[vector<16xi32>], vector<16xi32>,
        %gather3A_459 = tpu.vector_load_idx %arg12[%and3A_458] : memref<256xi32, #tpu.memory_space<vmem>>[vector<16xi32>], vector<16xi32>,
        %xor3A = arith.xori %gather3A, %gather3A_459 : vector<16xi32>
        %gather3A_460 = tpu.vector_load_idx %arg13[%and3A_452] : memref<256xi32, #tpu.memory_space<vmem>>[vector<16xi32>], vector<16xi32>,
        %gather3A_461 = tpu.vector_load_idx %arg14[%and3A_458] : memref<256xi32, #tpu.memory_space<vmem>>[vector<16xi32>], vector<16xi32>,
        %xor3A_462 = arith.xori %gather3A_460, %gather3A_461 : vector<16xi32>
        %shift_right_arithmetic3A_463 = arith.constant 5 : i32
        %shift_right_arithmetic3A_464 = vector.broadcast %shift_right_arithmetic3A_463 : i32 to vector<16xi32>
        %shift_right_arithmetic3A_465 = arith.shrsi %xor3A, %shift_right_arithmetic3A_464 : vector<16xi32>
        %and3A_466 = arith.constant 63 : i32
        %and3A_467 = vector.broadcast %and3A_466 : i32 to vector<16xi32>
        %and3A_468 = arith.andi %shift_right_arithmetic3A_465, %and3A_467 : vector<16xi32>
        %add3A_469 = arith.addi %broadcast_in_dim3A_237, %and3A_468 : vector<16xi32>
        %gather3A_470 = tpu.vector_load_idx %arg8[%add3A_469] : memref<32768xi32, #tpu.memory_space<vmem>>[vector<16xi32>], vector<16xi32>,
        %and3A_471 = arith.constant 31 : i32
        %and3A_472 = vector.broadcast %and3A_471 : i32 to vector<16xi32>
        %and3A_473 = arith.andi %xor3A, %and3A_472 : vector<16xi32>
        %shift_right_arithmetic3A_474 = arith.shrsi %gather3A_470, %and3A_473 : vector<16xi32>
        %shift_right_arithmetic3A_475 = arith.constant 21 : i32
        %shift_right_arithmetic3A_476 = vector.broadcast %shift_right_arithmetic3A_475 : i32 to vector<16xi32>
        %shift_right_arithmetic3A_477 = arith.shrsi %xor3A, %shift_right_arithmetic3A_476 : vector<16xi32>
        %add3A_478 = arith.addi %broadcast_in_dim3A_237, %shift_right_arithmetic3A_477 : vector<16xi32>
        %gather3A_479 = tpu.vector_load_idx %arg8[%add3A_478] : memref<32768xi32, #tpu.memory_space<vmem>>[vector<16xi32>], vector<16xi32>,
        %shift_right_arithmetic3A_480 = arith.constant 16 : i32
        %shift_right_arithmetic3A_481 = vector.broadcast %shift_right_arithmetic3A_480 : i32 to vector<16xi32>
        %shift_right_arithmetic3A_482 = arith.shrsi %xor3A, %shift_right_arithmetic3A_481 : vector<16xi32>
        %and3A_483 = arith.constant 31 : i32
        %and3A_484 = vector.broadcast %and3A_483 : i32 to vector<16xi32>
        %and3A_485 = arith.andi %shift_right_arithmetic3A_482, %and3A_484 : vector<16xi32>
        %shift_right_arithmetic3A_486 = arith.shrsi %gather3A_479, %and3A_485 : vector<16xi32>
        %and3A_487 = arith.andi %shift_right_arithmetic3A_474, %shift_right_arithmetic3A_486 : vector<16xi32>
        %shift_right_arithmetic3A_488 = arith.constant 5 : i32
        %shift_right_arithmetic3A_489 = vector.broadcast %shift_right_arithmetic3A_488 : i32 to vector<16xi32>
        %shift_right_arithmetic3A_490 = arith.shrsi %xor3A_462, %shift_right_arithmetic3A_489 : vector<16xi32>
        %and3A_491 = arith.constant 63 : i32
        %and3A_492 = vector.broadcast %and3A_491 : i32 to vector<16xi32>
        %and3A_493 = arith.andi %shift_right_arithmetic3A_490, %and3A_492 : vector<16xi32>
        %add3A_494 = arith.addi %broadcast_in_dim3A_237, %and3A_493 : vector<16xi32>
        %gather3A_495 = tpu.vector_load_idx %arg8[%add3A_494] : memref<32768xi32, #tpu.memory_space<vmem>>[vector<16xi32>], vector<16xi32>,
        %and3A_496 = arith.constant 31 : i32
        %and3A_497 = vector.broadcast %and3A_496 : i32 to vector<16xi32>
        %and3A_498 = arith.andi %xor3A_462, %and3A_497 : vector<16xi32>
        %shift_right_arithmetic3A_499 = arith.shrsi %gather3A_495, %and3A_498 : vector<16xi32>
        %shift_right_arithmetic3A_500 = arith.constant 21 : i32
        %shift_right_arithmetic3A_501 = vector.broadcast %shift_right_arithmetic3A_500 : i32 to vector<16xi32>
        %shift_right_arithmetic3A_502 = arith.shrsi %xor3A_462, %shift_right_arithmetic3A_501 : vector<16xi32>
        %add3A_503 = arith.addi %broadcast_in_dim3A_237, %shift_right_arithmetic3A_502 : vector<16xi32>
        %gather3A_504 = tpu.vector_load_idx %arg8[%add3A_503] : memref<32768xi32, #tpu.memory_space<vmem>>[vector<16xi32>], vector<16xi32>,
        %shift_right_arithmetic3A_505 = arith.constant 16 : i32
        %shift_right_arithmetic3A_506 = vector.broadcast %shift_right_arithmetic3A_505 : i32 to vector<16xi32>
        %shift_right_arithmetic3A_507 = arith.shrsi %xor3A_462, %shift_right_arithmetic3A_506 : vector<16xi32>
        %and3A_508 = arith.constant 31 : i32
        %and3A_509 = vector.broadcast %and3A_508 : i32 to vector<16xi32>
        %and3A_510 = arith.andi %shift_right_arithmetic3A_507, %and3A_509 : vector<16xi32>
        %shift_right_arithmetic3A_511 = arith.shrsi %gather3A_504, %and3A_510 : vector<16xi32>
        %and3A_512 = arith.andi %shift_right_arithmetic3A_499, %shift_right_arithmetic3A_511 : vector<16xi32>
        %and3A_513 = arith.andi %and3A_487, %and3A_512 : vector<16xi32>
        %and3A_514 = arith.constant 1 : i32
        %and3A_515 = vector.broadcast %and3A_514 : i32 to vector<16xi32>
        %and3A_516 = arith.andi %and3A_513, %and3A_515 : vector<16xi32>
        %add3A_517 = arith.addi %scan3A_221, %and3A_516 : vector<16xi32>
        %shift_right_arithmetic3A_518 = arith.constant 0 : i32
        %shift_right_arithmetic3A_519 = vector.broadcast %shift_right_arithmetic3A_518 : i32 to vector<16xi32>
        %shift_right_arithmetic3A_520 = arith.shrsi %or3A_426, %shift_right_arithmetic3A_519 : vector<16xi32>
        %and3A_521 = arith.constant 255 : i32
        %and3A_522 = vector.broadcast %and3A_521 : i32 to vector<16xi32>
        %and3A_523 = arith.andi %shift_right_arithmetic3A_520, %and3A_522 : vector<16xi32>
        %shift_right_arithmetic3A_524 = arith.constant 0 : i32
        %shift_right_arithmetic3A_525 = vector.broadcast %shift_right_arithmetic3A_524 : i32 to vector<16xi32>
        %shift_right_arithmetic3A_526 = arith.shrsi %or3A_446, %shift_right_arithmetic3A_525 : vector<16xi32>
        %and3A_527 = arith.constant 255 : i32
        %and3A_528 = vector.broadcast %and3A_527 : i32 to vector<16xi32>
        %and3A_529 = arith.andi %shift_right_arithmetic3A_526, %and3A_528 : vector<16xi32>
        %gather3A_530 = tpu.vector_load_idx %arg11[%and3A_523] : memref<256xi32, #tpu.memory_space<vmem>>[vector<16xi32>], vector<16xi32>,
        %gather3A_531 = tpu.vector_load_idx %arg12[%and3A_529] : memref<256xi32, #tpu.memory_space<vmem>>[vector<16xi32>], vector<16xi32>,
        %xor3A_532 = arith.xori %gather3A_530, %gather3A_531 : vector<16xi32>
        %gather3A_533 = tpu.vector_load_idx %arg13[%and3A_523] : memref<256xi32, #tpu.memory_space<vmem>>[vector<16xi32>], vector<16xi32>,
        %gather3A_534 = tpu.vector_load_idx %arg14[%and3A_529] : memref<256xi32, #tpu.memory_space<vmem>>[vector<16xi32>], vector<16xi32>,
        %xor3A_535 = arith.xori %gather3A_533, %gather3A_534 : vector<16xi32>
        %shift_right_arithmetic3A_536 = arith.constant 5 : i32
        %shift_right_arithmetic3A_537 = vector.broadcast %shift_right_arithmetic3A_536 : i32 to vector<16xi32>
        %shift_right_arithmetic3A_538 = arith.shrsi %xor3A_532, %shift_right_arithmetic3A_537 : vector<16xi32>
        %and3A_539 = arith.constant 63 : i32
        %and3A_540 = vector.broadcast %and3A_539 : i32 to vector<16xi32>
        %and3A_541 = arith.andi %shift_right_arithmetic3A_538, %and3A_540 : vector<16xi32>
        %add3A_542 = arith.addi %broadcast_in_dim3A_237, %and3A_541 : vector<16xi32>
        %gather3A_543 = tpu.vector_load_idx %arg8[%add3A_542] : memref<32768xi32, #tpu.memory_space<vmem>>[vector<16xi32>], vector<16xi32>,
        %and3A_544 = arith.constant 31 : i32
        %and3A_545 = vector.broadcast %and3A_544 : i32 to vector<16xi32>
        %and3A_546 = arith.andi %xor3A_532, %and3A_545 : vector<16xi32>
        %shift_right_arithmetic3A_547 = arith.shrsi %gather3A_543, %and3A_546 : vector<16xi32>
        %shift_right_arithmetic3A_548 = arith.constant 21 : i32
        %shift_right_arithmetic3A_549 = vector.broadcast %shift_right_arithmetic3A_548 : i32 to vector<16xi32>
        %shift_right_arithmetic3A_550 = arith.shrsi %xor3A_532, %shift_right_arithmetic3A_549 : vector<16xi32>
        %add3A_551 = arith.addi %broadcast_in_dim3A_237, %shift_right_arithmetic3A_550 : vector<16xi32>
        %gather3A_552 = tpu.vector_load_idx %arg8[%add3A_551] : memref<32768xi32, #tpu.memory_space<vmem>>[vector<16xi32>], vector<16xi32>,
        %shift_right_arithmetic3A_553 = arith.constant 16 : i32
        %shift_right_arithmetic3A_554 = vector.broadcast %shift_right_arithmetic3A_553 : i32 to vector<16xi32>
        %shift_right_arithmetic3A_555 = arith.shrsi %xor3A_532, %shift_right_arithmetic3A_554 : vector<16xi32>
        %and3A_556 = arith.constant 31 : i32
        %and3A_557 = vector.broadcast %and3A_556 : i32 to vector<16xi32>
        %and3A_558 = arith.andi %shift_right_arithmetic3A_555, %and3A_557 : vector<16xi32>
        %shift_right_arithmetic3A_559 = arith.shrsi %gather3A_552, %and3A_558 : vector<16xi32>
        %and3A_560 = arith.andi %shift_right_arithmetic3A_547, %shift_right_arithmetic3A_559 : vector<16xi32>
        %shift_right_arithmetic3A_561 = arith.constant 5 : i32
        %shift_right_arithmetic3A_562 = vector.broadcast %shift_right_arithmetic3A_561 : i32 to vector<16xi32>
        %shift_right_arithmetic3A_563 = arith.shrsi %xor3A_535, %shift_right_arithmetic3A_562 : vector<16xi32>
        %and3A_564 = arith.constant 63 : i32
        %and3A_565 = vector.broadcast %and3A_564 : i32 to vector<16xi32>
        %and3A_566 = arith.andi %shift_right_arithmetic3A_563, %and3A_565 : vector<16xi32>
        %add3A_567 = arith.addi %broadcast_in_dim3A_237, %and3A_566 : vector<16xi32>
        %gather3A_568 = tpu.vector_load_idx %arg8[%add3A_567] : memref<32768xi32, #tpu.memory_space<vmem>>[vector<16xi32>], vector<16xi32>,
        %and3A_569 = arith.constant 31 : i32
        %and3A_570 = vector.broadcast %and3A_569 : i32 to vector<16xi32>
        %and3A_571 = arith.andi %xor3A_535, %and3A_570 : vector<16xi32>
        %shift_right_arithmetic3A_572 = arith.shrsi %gather3A_568, %and3A_571 : vector<16xi32>
        %shift_right_arithmetic3A_573 = arith.constant 21 : i32
        %shift_right_arithmetic3A_574 = vector.broadcast %shift_right_arithmetic3A_573 : i32 to vector<16xi32>
        %shift_right_arithmetic3A_575 = arith.shrsi %xor3A_535, %shift_right_arithmetic3A_574 : vector<16xi32>
        %add3A_576 = arith.addi %broadcast_in_dim3A_237, %shift_right_arithmetic3A_575 : vector<16xi32>
        %gather3A_577 = tpu.vector_load_idx %arg8[%add3A_576] : memref<32768xi32, #tpu.memory_space<vmem>>[vector<16xi32>], vector<16xi32>,
        %shift_right_arithmetic3A_578 = arith.constant 16 : i32
        %shift_right_arithmetic3A_579 = vector.broadcast %shift_right_arithmetic3A_578 : i32 to vector<16xi32>
        %shift_right_arithmetic3A_580 = arith.shrsi %xor3A_535, %shift_right_arithmetic3A_579 : vector<16xi32>
        %and3A_581 = arith.constant 31 : i32
        %and3A_582 = vector.broadcast %and3A_581 : i32 to vector<16xi32>
        %and3A_583 = arith.andi %shift_right_arithmetic3A_580, %and3A_582 : vector<16xi32>
        %shift_right_arithmetic3A_584 = arith.shrsi %gather3A_577, %and3A_583 : vector<16xi32>
        %and3A_585 = arith.andi %shift_right_arithmetic3A_572, %shift_right_arithmetic3A_584 : vector<16xi32>
        %and3A_586 = arith.andi %and3A_560, %and3A_585 : vector<16xi32>
        %and3A_587 = arith.constant 1 : i32
        %and3A_588 = vector.broadcast %and3A_587 : i32 to vector<16xi32>
        %and3A_589 = arith.andi %and3A_586, %and3A_588 : vector<16xi32>
        %add3A_590 = arith.addi %scan3A_222, %and3A_589 : vector<16xi32>
        %shift_right_arithmetic3A_591 = arith.constant 8 : i32
        %shift_right_arithmetic3A_592 = vector.broadcast %shift_right_arithmetic3A_591 : i32 to vector<16xi32>
        %shift_right_arithmetic3A_593 = arith.shrsi %or3A_417, %shift_right_arithmetic3A_592 : vector<16xi32>
        %and3A_594 = arith.constant 255 : i32
        %and3A_595 = vector.broadcast %and3A_594 : i32 to vector<16xi32>
        %and3A_596 = arith.andi %shift_right_arithmetic3A_593, %and3A_595 : vector<16xi32>
        %shift_right_arithmetic3A_597 = arith.constant 8 : i32
        %shift_right_arithmetic3A_598 = vector.broadcast %shift_right_arithmetic3A_597 : i32 to vector<16xi32>
        %shift_right_arithmetic3A_599 = arith.shrsi %or3A_436, %shift_right_arithmetic3A_598 : vector<16xi32>
        %and3A_600 = arith.constant 255 : i32
        %and3A_601 = vector.broadcast %and3A_600 : i32 to vector<16xi32>
        %and3A_602 = arith.andi %shift_right_arithmetic3A_599, %and3A_601 : vector<16xi32>
        %gather3A_603 = tpu.vector_load_idx %arg11[%and3A_596] : memref<256xi32, #tpu.memory_space<vmem>>[vector<16xi32>], vector<16xi32>,
        %gather3A_604 = tpu.vector_load_idx %arg12[%and3A_602] : memref<256xi32, #tpu.memory_space<vmem>>[vector<16xi32>], vector<16xi32>,
        %xor3A_605 = arith.xori %gather3A_603, %gather3A_604 : vector<16xi32>
        %gather3A_606 = tpu.vector_load_idx %arg13[%and3A_596] : memref<256xi32, #tpu.memory_space<vmem>>[vector<16xi32>], vector<16xi32>,
        %gather3A_607 = tpu.vector_load_idx %arg14[%and3A_602] : memref<256xi32, #tpu.memory_space<vmem>>[vector<16xi32>], vector<16xi32>,
        %xor3A_608 = arith.xori %gather3A_606, %gather3A_607 : vector<16xi32>
        %shift_right_arithmetic3A_609 = arith.constant 5 : i32
        %shift_right_arithmetic3A_610 = vector.broadcast %shift_right_arithmetic3A_609 : i32 to vector<16xi32>
        %shift_right_arithmetic3A_611 = arith.shrsi %xor3A_605, %shift_right_arithmetic3A_610 : vector<16xi32>
        %and3A_612 = arith.constant 63 : i32
        %and3A_613 = vector.broadcast %and3A_612 : i32 to vector<16xi32>
        %and3A_614 = arith.andi %shift_right_arithmetic3A_611, %and3A_613 : vector<16xi32>
        %add3A_615 = arith.addi %broadcast_in_dim3A_237, %and3A_614 : vector<16xi32>
        %gather3A_616 = tpu.vector_load_idx %arg8[%add3A_615] : memref<32768xi32, #tpu.memory_space<vmem>>[vector<16xi32>], vector<16xi32>,
        %and3A_617 = arith.constant 31 : i32
        %and3A_618 = vector.broadcast %and3A_617 : i32 to vector<16xi32>
        %and3A_619 = arith.andi %xor3A_605, %and3A_618 : vector<16xi32>
        %shift_right_arithmetic3A_620 = arith.shrsi %gather3A_616, %and3A_619 : vector<16xi32>
        %shift_right_arithmetic3A_621 = arith.constant 21 : i32
        %shift_right_arithmetic3A_622 = vector.broadcast %shift_right_arithmetic3A_621 : i32 to vector<16xi32>
        %shift_right_arithmetic3A_623 = arith.shrsi %xor3A_605, %shift_right_arithmetic3A_622 : vector<16xi32>
        %add3A_624 = arith.addi %broadcast_in_dim3A_237, %shift_right_arithmetic3A_623 : vector<16xi32>
        %gather3A_625 = tpu.vector_load_idx %arg8[%add3A_624] : memref<32768xi32, #tpu.memory_space<vmem>>[vector<16xi32>], vector<16xi32>,
        %shift_right_arithmetic3A_626 = arith.constant 16 : i32
        %shift_right_arithmetic3A_627 = vector.broadcast %shift_right_arithmetic3A_626 : i32 to vector<16xi32>
        %shift_right_arithmetic3A_628 = arith.shrsi %xor3A_605, %shift_right_arithmetic3A_627 : vector<16xi32>
        %and3A_629 = arith.constant 31 : i32
        %and3A_630 = vector.broadcast %and3A_629 : i32 to vector<16xi32>
        %and3A_631 = arith.andi %shift_right_arithmetic3A_628, %and3A_630 : vector<16xi32>
        %shift_right_arithmetic3A_632 = arith.shrsi %gather3A_625, %and3A_631 : vector<16xi32>
        %and3A_633 = arith.andi %shift_right_arithmetic3A_620, %shift_right_arithmetic3A_632 : vector<16xi32>
        %shift_right_arithmetic3A_634 = arith.constant 5 : i32
        %shift_right_arithmetic3A_635 = vector.broadcast %shift_right_arithmetic3A_634 : i32 to vector<16xi32>
        %shift_right_arithmetic3A_636 = arith.shrsi %xor3A_608, %shift_right_arithmetic3A_635 : vector<16xi32>
        %and3A_637 = arith.constant 63 : i32
        %and3A_638 = vector.broadcast %and3A_637 : i32 to vector<16xi32>
        %and3A_639 = arith.andi %shift_right_arithmetic3A_636, %and3A_638 : vector<16xi32>
        %add3A_640 = arith.addi %broadcast_in_dim3A_237, %and3A_639 : vector<16xi32>
        %gather3A_641 = tpu.vector_load_idx %arg8[%add3A_640] : memref<32768xi32, #tpu.memory_space<vmem>>[vector<16xi32>], vector<16xi32>,
        %and3A_642 = arith.constant 31 : i32
        %and3A_643 = vector.broadcast %and3A_642 : i32 to vector<16xi32>
        %and3A_644 = arith.andi %xor3A_608, %and3A_643 : vector<16xi32>
        %shift_right_arithmetic3A_645 = arith.shrsi %gather3A_641, %and3A_644 : vector<16xi32>
        %shift_right_arithmetic3A_646 = arith.constant 21 : i32
        %shift_right_arithmetic3A_647 = vector.broadcast %shift_right_arithmetic3A_646 : i32 to vector<16xi32>
        %shift_right_arithmetic3A_648 = arith.shrsi %xor3A_608, %shift_right_arithmetic3A_647 : vector<16xi32>
        %add3A_649 = arith.addi %broadcast_in_dim3A_237, %shift_right_arithmetic3A_648 : vector<16xi32>
        %gather3A_650 = tpu.vector_load_idx %arg8[%add3A_649] : memref<32768xi32, #tpu.memory_space<vmem>>[vector<16xi32>], vector<16xi32>,
        %shift_right_arithmetic3A_651 = arith.constant 16 : i32
        %shift_right_arithmetic3A_652 = vector.broadcast %shift_right_arithmetic3A_651 : i32 to vector<16xi32>
        %shift_right_arithmetic3A_653 = arith.shrsi %xor3A_608, %shift_right_arithmetic3A_652 : vector<16xi32>
        %and3A_654 = arith.constant 31 : i32
        %and3A_655 = vector.broadcast %and3A_654 : i32 to vector<16xi32>
        %and3A_656 = arith.andi %shift_right_arithmetic3A_653, %and3A_655 : vector<16xi32>
        %shift_right_arithmetic3A_657 = arith.shrsi %gather3A_650, %and3A_656 : vector<16xi32>
        %and3A_658 = arith.andi %shift_right_arithmetic3A_645, %shift_right_arithmetic3A_657 : vector<16xi32>
        %and3A_659 = arith.andi %and3A_633, %and3A_658 : vector<16xi32>
        %and3A_660 = arith.constant 1 : i32
        %and3A_661 = vector.broadcast %and3A_660 : i32 to vector<16xi32>
        %and3A_662 = arith.andi %and3A_659, %and3A_661 : vector<16xi32>
        %add3A_663 = arith.addi %scan3A_223, %and3A_662 : vector<16xi32>
        %shift_right_arithmetic3A_664 = arith.constant 8 : i32
        %shift_right_arithmetic3A_665 = vector.broadcast %shift_right_arithmetic3A_664 : i32 to vector<16xi32>
        %shift_right_arithmetic3A_666 = arith.shrsi %or3A_426, %shift_right_arithmetic3A_665 : vector<16xi32>
        %and3A_667 = arith.constant 255 : i32
        %and3A_668 = vector.broadcast %and3A_667 : i32 to vector<16xi32>
        %and3A_669 = arith.andi %shift_right_arithmetic3A_666, %and3A_668 : vector<16xi32>
        %shift_right_arithmetic3A_670 = arith.constant 8 : i32
        %shift_right_arithmetic3A_671 = vector.broadcast %shift_right_arithmetic3A_670 : i32 to vector<16xi32>
        %shift_right_arithmetic3A_672 = arith.shrsi %or3A_446, %shift_right_arithmetic3A_671 : vector<16xi32>
        %and3A_673 = arith.constant 255 : i32
        %and3A_674 = vector.broadcast %and3A_673 : i32 to vector<16xi32>
        %and3A_675 = arith.andi %shift_right_arithmetic3A_672, %and3A_674 : vector<16xi32>
        %gather3A_676 = tpu.vector_load_idx %arg11[%and3A_669] : memref<256xi32, #tpu.memory_space<vmem>>[vector<16xi32>], vector<16xi32>,
        %gather3A_677 = tpu.vector_load_idx %arg12[%and3A_675] : memref<256xi32, #tpu.memory_space<vmem>>[vector<16xi32>], vector<16xi32>,
        %xor3A_678 = arith.xori %gather3A_676, %gather3A_677 : vector<16xi32>
        %gather3A_679 = tpu.vector_load_idx %arg13[%and3A_669] : memref<256xi32, #tpu.memory_space<vmem>>[vector<16xi32>], vector<16xi32>,
        %gather3A_680 = tpu.vector_load_idx %arg14[%and3A_675] : memref<256xi32, #tpu.memory_space<vmem>>[vector<16xi32>], vector<16xi32>,
        %xor3A_681 = arith.xori %gather3A_679, %gather3A_680 : vector<16xi32>
        %shift_right_arithmetic3A_682 = arith.constant 5 : i32
        %shift_right_arithmetic3A_683 = vector.broadcast %shift_right_arithmetic3A_682 : i32 to vector<16xi32>
        %shift_right_arithmetic3A_684 = arith.shrsi %xor3A_678, %shift_right_arithmetic3A_683 : vector<16xi32>
        %and3A_685 = arith.constant 63 : i32
        %and3A_686 = vector.broadcast %and3A_685 : i32 to vector<16xi32>
        %and3A_687 = arith.andi %shift_right_arithmetic3A_684, %and3A_686 : vector<16xi32>
        %add3A_688 = arith.addi %broadcast_in_dim3A_237, %and3A_687 : vector<16xi32>
        %gather3A_689 = tpu.vector_load_idx %arg8[%add3A_688] : memref<32768xi32, #tpu.memory_space<vmem>>[vector<16xi32>], vector<16xi32>,
        %and3A_690 = arith.constant 31 : i32
        %and3A_691 = vector.broadcast %and3A_690 : i32 to vector<16xi32>
        %and3A_692 = arith.andi %xor3A_678, %and3A_691 : vector<16xi32>
        %shift_right_arithmetic3A_693 = arith.shrsi %gather3A_689, %and3A_692 : vector<16xi32>
        %shift_right_arithmetic3A_694 = arith.constant 21 : i32
        %shift_right_arithmetic3A_695 = vector.broadcast %shift_right_arithmetic3A_694 : i32 to vector<16xi32>
        %shift_right_arithmetic3A_696 = arith.shrsi %xor3A_678, %shift_right_arithmetic3A_695 : vector<16xi32>
        %add3A_697 = arith.addi %broadcast_in_dim3A_237, %shift_right_arithmetic3A_696 : vector<16xi32>
        %gather3A_698 = tpu.vector_load_idx %arg8[%add3A_697] : memref<32768xi32, #tpu.memory_space<vmem>>[vector<16xi32>], vector<16xi32>,
        %shift_right_arithmetic3A_699 = arith.constant 16 : i32
        %shift_right_arithmetic3A_700 = vector.broadcast %shift_right_arithmetic3A_699 : i32 to vector<16xi32>
        %shift_right_arithmetic3A_701 = arith.shrsi %xor3A_678, %shift_right_arithmetic3A_700 : vector<16xi32>
        %and3A_702 = arith.constant 31 : i32
        %and3A_703 = vector.broadcast %and3A_702 : i32 to vector<16xi32>
        %and3A_704 = arith.andi %shift_right_arithmetic3A_701, %and3A_703 : vector<16xi32>
        %shift_right_arithmetic3A_705 = arith.shrsi %gather3A_698, %and3A_704 : vector<16xi32>
        %and3A_706 = arith.andi %shift_right_arithmetic3A_693, %shift_right_arithmetic3A_705 : vector<16xi32>
        %shift_right_arithmetic3A_707 = arith.constant 5 : i32
        %shift_right_arithmetic3A_708 = vector.broadcast %shift_right_arithmetic3A_707 : i32 to vector<16xi32>
        %shift_right_arithmetic3A_709 = arith.shrsi %xor3A_681, %shift_right_arithmetic3A_708 : vector<16xi32>
        %and3A_710 = arith.constant 63 : i32
        %and3A_711 = vector.broadcast %and3A_710 : i32 to vector<16xi32>
        %and3A_712 = arith.andi %shift_right_arithmetic3A_709, %and3A_711 : vector<16xi32>
        %add3A_713 = arith.addi %broadcast_in_dim3A_237, %and3A_712 : vector<16xi32>
        %gather3A_714 = tpu.vector_load_idx %arg8[%add3A_713] : memref<32768xi32, #tpu.memory_space<vmem>>[vector<16xi32>], vector<16xi32>,
        %and3A_715 = arith.constant 31 : i32
        %and3A_716 = vector.broadcast %and3A_715 : i32 to vector<16xi32>
        %and3A_717 = arith.andi %xor3A_681, %and3A_716 : vector<16xi32>
        %shift_right_arithmetic3A_718 = arith.shrsi %gather3A_714, %and3A_717 : vector<16xi32>
        %shift_right_arithmetic3A_719 = arith.constant 21 : i32
        %shift_right_arithmetic3A_720 = vector.broadcast %shift_right_arithmetic3A_719 : i32 to vector<16xi32>
        %shift_right_arithmetic3A_721 = arith.shrsi %xor3A_681, %shift_right_arithmetic3A_720 : vector<16xi32>
        %add3A_722 = arith.addi %broadcast_in_dim3A_237, %shift_right_arithmetic3A_721 : vector<16xi32>
        %gather3A_723 = tpu.vector_load_idx %arg8[%add3A_722] : memref<32768xi32, #tpu.memory_space<vmem>>[vector<16xi32>], vector<16xi32>,
        %shift_right_arithmetic3A_724 = arith.constant 16 : i32
        %shift_right_arithmetic3A_725 = vector.broadcast %shift_right_arithmetic3A_724 : i32 to vector<16xi32>
        %shift_right_arithmetic3A_726 = arith.shrsi %xor3A_681, %shift_right_arithmetic3A_725 : vector<16xi32>
        %and3A_727 = arith.constant 31 : i32
        %and3A_728 = vector.broadcast %and3A_727 : i32 to vector<16xi32>
        %and3A_729 = arith.andi %shift_right_arithmetic3A_726, %and3A_728 : vector<16xi32>
        %shift_right_arithmetic3A_730 = arith.shrsi %gather3A_723, %and3A_729 : vector<16xi32>
        %and3A_731 = arith.andi %shift_right_arithmetic3A_718, %shift_right_arithmetic3A_730 : vector<16xi32>
        %and3A_732 = arith.andi %and3A_706, %and3A_731 : vector<16xi32>
        %and3A_733 = arith.constant 1 : i32
        %and3A_734 = vector.broadcast %and3A_733 : i32 to vector<16xi32>
        %and3A_735 = arith.andi %and3A_732, %and3A_734 : vector<16xi32>
        %add3A_736 = arith.addi %scan3A_224, %and3A_735 : vector<16xi32>
        %shift_right_arithmetic3A_737 = arith.constant 16 : i32
        %shift_right_arithmetic3A_738 = vector.broadcast %shift_right_arithmetic3A_737 : i32 to vector<16xi32>
        %shift_right_arithmetic3A_739 = arith.shrsi %or3A_417, %shift_right_arithmetic3A_738 : vector<16xi32>
        %and3A_740 = arith.constant 255 : i32
        %and3A_741 = vector.broadcast %and3A_740 : i32 to vector<16xi32>
        %and3A_742 = arith.andi %shift_right_arithmetic3A_739, %and3A_741 : vector<16xi32>
        %shift_right_arithmetic3A_743 = arith.constant 16 : i32
        %shift_right_arithmetic3A_744 = vector.broadcast %shift_right_arithmetic3A_743 : i32 to vector<16xi32>
        %shift_right_arithmetic3A_745 = arith.shrsi %or3A_436, %shift_right_arithmetic3A_744 : vector<16xi32>
        %and3A_746 = arith.constant 255 : i32
        %and3A_747 = vector.broadcast %and3A_746 : i32 to vector<16xi32>
        %and3A_748 = arith.andi %shift_right_arithmetic3A_745, %and3A_747 : vector<16xi32>
        %gather3A_749 = tpu.vector_load_idx %arg11[%and3A_742] : memref<256xi32, #tpu.memory_space<vmem>>[vector<16xi32>], vector<16xi32>,
        %gather3A_750 = tpu.vector_load_idx %arg12[%and3A_748] : memref<256xi32, #tpu.memory_space<vmem>>[vector<16xi32>], vector<16xi32>,
        %xor3A_751 = arith.xori %gather3A_749, %gather3A_750 : vector<16xi32>
        %gather3A_752 = tpu.vector_load_idx %arg13[%and3A_742] : memref<256xi32, #tpu.memory_space<vmem>>[vector<16xi32>], vector<16xi32>,
        %gather3A_753 = tpu.vector_load_idx %arg14[%and3A_748] : memref<256xi32, #tpu.memory_space<vmem>>[vector<16xi32>], vector<16xi32>,
        %xor3A_754 = arith.xori %gather3A_752, %gather3A_753 : vector<16xi32>
        %shift_right_arithmetic3A_755 = arith.constant 5 : i32
        %shift_right_arithmetic3A_756 = vector.broadcast %shift_right_arithmetic3A_755 : i32 to vector<16xi32>
        %shift_right_arithmetic3A_757 = arith.shrsi %xor3A_751, %shift_right_arithmetic3A_756 : vector<16xi32>
        %and3A_758 = arith.constant 63 : i32
        %and3A_759 = vector.broadcast %and3A_758 : i32 to vector<16xi32>
        %and3A_760 = arith.andi %shift_right_arithmetic3A_757, %and3A_759 : vector<16xi32>
        %add3A_761 = arith.addi %broadcast_in_dim3A_237, %and3A_760 : vector<16xi32>
        %gather3A_762 = tpu.vector_load_idx %arg8[%add3A_761] : memref<32768xi32, #tpu.memory_space<vmem>>[vector<16xi32>], vector<16xi32>,
        %and3A_763 = arith.constant 31 : i32
        %and3A_764 = vector.broadcast %and3A_763 : i32 to vector<16xi32>
        %and3A_765 = arith.andi %xor3A_751, %and3A_764 : vector<16xi32>
        %shift_right_arithmetic3A_766 = arith.shrsi %gather3A_762, %and3A_765 : vector<16xi32>
        %shift_right_arithmetic3A_767 = arith.constant 21 : i32
        %shift_right_arithmetic3A_768 = vector.broadcast %shift_right_arithmetic3A_767 : i32 to vector<16xi32>
        %shift_right_arithmetic3A_769 = arith.shrsi %xor3A_751, %shift_right_arithmetic3A_768 : vector<16xi32>
        %add3A_770 = arith.addi %broadcast_in_dim3A_237, %shift_right_arithmetic3A_769 : vector<16xi32>
        %gather3A_771 = tpu.vector_load_idx %arg8[%add3A_770] : memref<32768xi32, #tpu.memory_space<vmem>>[vector<16xi32>], vector<16xi32>,
        %shift_right_arithmetic3A_772 = arith.constant 16 : i32
        %shift_right_arithmetic3A_773 = vector.broadcast %shift_right_arithmetic3A_772 : i32 to vector<16xi32>
        %shift_right_arithmetic3A_774 = arith.shrsi %xor3A_751, %shift_right_arithmetic3A_773 : vector<16xi32>
        %and3A_775 = arith.constant 31 : i32
        %and3A_776 = vector.broadcast %and3A_775 : i32 to vector<16xi32>
        %and3A_777 = arith.andi %shift_right_arithmetic3A_774, %and3A_776 : vector<16xi32>
        %shift_right_arithmetic3A_778 = arith.shrsi %gather3A_771, %and3A_777 : vector<16xi32>
        %and3A_779 = arith.andi %shift_right_arithmetic3A_766, %shift_right_arithmetic3A_778 : vector<16xi32>
        %shift_right_arithmetic3A_780 = arith.constant 5 : i32
        %shift_right_arithmetic3A_781 = vector.broadcast %shift_right_arithmetic3A_780 : i32 to vector<16xi32>
        %shift_right_arithmetic3A_782 = arith.shrsi %xor3A_754, %shift_right_arithmetic3A_781 : vector<16xi32>
        %and3A_783 = arith.constant 63 : i32
        %and3A_784 = vector.broadcast %and3A_783 : i32 to vector<16xi32>
        %and3A_785 = arith.andi %shift_right_arithmetic3A_782, %and3A_784 : vector<16xi32>
        %add3A_786 = arith.addi %broadcast_in_dim3A_237, %and3A_785 : vector<16xi32>
        %gather3A_787 = tpu.vector_load_idx %arg8[%add3A_786] : memref<32768xi32, #tpu.memory_space<vmem>>[vector<16xi32>], vector<16xi32>,
        %and3A_788 = arith.constant 31 : i32
        %and3A_789 = vector.broadcast %and3A_788 : i32 to vector<16xi32>
        %and3A_790 = arith.andi %xor3A_754, %and3A_789 : vector<16xi32>
        %shift_right_arithmetic3A_791 = arith.shrsi %gather3A_787, %and3A_790 : vector<16xi32>
        %shift_right_arithmetic3A_792 = arith.constant 21 : i32
        %shift_right_arithmetic3A_793 = vector.broadcast %shift_right_arithmetic3A_792 : i32 to vector<16xi32>
        %shift_right_arithmetic3A_794 = arith.shrsi %xor3A_754, %shift_right_arithmetic3A_793 : vector<16xi32>
        %add3A_795 = arith.addi %broadcast_in_dim3A_237, %shift_right_arithmetic3A_794 : vector<16xi32>
        %gather3A_796 = tpu.vector_load_idx %arg8[%add3A_795] : memref<32768xi32, #tpu.memory_space<vmem>>[vector<16xi32>], vector<16xi32>,
        %shift_right_arithmetic3A_797 = arith.constant 16 : i32
        %shift_right_arithmetic3A_798 = vector.broadcast %shift_right_arithmetic3A_797 : i32 to vector<16xi32>
        %shift_right_arithmetic3A_799 = arith.shrsi %xor3A_754, %shift_right_arithmetic3A_798 : vector<16xi32>
        %and3A_800 = arith.constant 31 : i32
        %and3A_801 = vector.broadcast %and3A_800 : i32 to vector<16xi32>
        %and3A_802 = arith.andi %shift_right_arithmetic3A_799, %and3A_801 : vector<16xi32>
        %shift_right_arithmetic3A_803 = arith.shrsi %gather3A_796, %and3A_802 : vector<16xi32>
        %and3A_804 = arith.andi %shift_right_arithmetic3A_791, %shift_right_arithmetic3A_803 : vector<16xi32>
        %and3A_805 = arith.andi %and3A_779, %and3A_804 : vector<16xi32>
        %and3A_806 = arith.constant 1 : i32
        %and3A_807 = vector.broadcast %and3A_806 : i32 to vector<16xi32>
        %and3A_808 = arith.andi %and3A_805, %and3A_807 : vector<16xi32>
        %add3A_809 = arith.addi %scan3A_225, %and3A_808 : vector<16xi32>
        %shift_right_arithmetic3A_810 = arith.constant 16 : i32
        %shift_right_arithmetic3A_811 = vector.broadcast %shift_right_arithmetic3A_810 : i32 to vector<16xi32>
        %shift_right_arithmetic3A_812 = arith.shrsi %or3A_426, %shift_right_arithmetic3A_811 : vector<16xi32>
        %and3A_813 = arith.constant 255 : i32
        %and3A_814 = vector.broadcast %and3A_813 : i32 to vector<16xi32>
        %and3A_815 = arith.andi %shift_right_arithmetic3A_812, %and3A_814 : vector<16xi32>
        %shift_right_arithmetic3A_816 = arith.constant 16 : i32
        %shift_right_arithmetic3A_817 = vector.broadcast %shift_right_arithmetic3A_816 : i32 to vector<16xi32>
        %shift_right_arithmetic3A_818 = arith.shrsi %or3A_446, %shift_right_arithmetic3A_817 : vector<16xi32>
        %and3A_819 = arith.constant 255 : i32
        %and3A_820 = vector.broadcast %and3A_819 : i32 to vector<16xi32>
        %and3A_821 = arith.andi %shift_right_arithmetic3A_818, %and3A_820 : vector<16xi32>
        %gather3A_822 = tpu.vector_load_idx %arg11[%and3A_815] : memref<256xi32, #tpu.memory_space<vmem>>[vector<16xi32>], vector<16xi32>,
        %gather3A_823 = tpu.vector_load_idx %arg12[%and3A_821] : memref<256xi32, #tpu.memory_space<vmem>>[vector<16xi32>], vector<16xi32>,
        %xor3A_824 = arith.xori %gather3A_822, %gather3A_823 : vector<16xi32>
        %gather3A_825 = tpu.vector_load_idx %arg13[%and3A_815] : memref<256xi32, #tpu.memory_space<vmem>>[vector<16xi32>], vector<16xi32>,
        %gather3A_826 = tpu.vector_load_idx %arg14[%and3A_821] : memref<256xi32, #tpu.memory_space<vmem>>[vector<16xi32>], vector<16xi32>,
        %xor3A_827 = arith.xori %gather3A_825, %gather3A_826 : vector<16xi32>
        %shift_right_arithmetic3A_828 = arith.constant 5 : i32
        %shift_right_arithmetic3A_829 = vector.broadcast %shift_right_arithmetic3A_828 : i32 to vector<16xi32>
        %shift_right_arithmetic3A_830 = arith.shrsi %xor3A_824, %shift_right_arithmetic3A_829 : vector<16xi32>
        %and3A_831 = arith.constant 63 : i32
        %and3A_832 = vector.broadcast %and3A_831 : i32 to vector<16xi32>
        %and3A_833 = arith.andi %shift_right_arithmetic3A_830, %and3A_832 : vector<16xi32>
        %add3A_834 = arith.addi %broadcast_in_dim3A_237, %and3A_833 : vector<16xi32>
        %gather3A_835 = tpu.vector_load_idx %arg8[%add3A_834] : memref<32768xi32, #tpu.memory_space<vmem>>[vector<16xi32>], vector<16xi32>,
        %and3A_836 = arith.constant 31 : i32
        %and3A_837 = vector.broadcast %and3A_836 : i32 to vector<16xi32>
        %and3A_838 = arith.andi %xor3A_824, %and3A_837 : vector<16xi32>
        %shift_right_arithmetic3A_839 = arith.shrsi %gather3A_835, %and3A_838 : vector<16xi32>
        %shift_right_arithmetic3A_840 = arith.constant 21 : i32
        %shift_right_arithmetic3A_841 = vector.broadcast %shift_right_arithmetic3A_840 : i32 to vector<16xi32>
        %shift_right_arithmetic3A_842 = arith.shrsi %xor3A_824, %shift_right_arithmetic3A_841 : vector<16xi32>
        %add3A_843 = arith.addi %broadcast_in_dim3A_237, %shift_right_arithmetic3A_842 : vector<16xi32>
        %gather3A_844 = tpu.vector_load_idx %arg8[%add3A_843] : memref<32768xi32, #tpu.memory_space<vmem>>[vector<16xi32>], vector<16xi32>,
        %shift_right_arithmetic3A_845 = arith.constant 16 : i32
        %shift_right_arithmetic3A_846 = vector.broadcast %shift_right_arithmetic3A_845 : i32 to vector<16xi32>
        %shift_right_arithmetic3A_847 = arith.shrsi %xor3A_824, %shift_right_arithmetic3A_846 : vector<16xi32>
        %and3A_848 = arith.constant 31 : i32
        %and3A_849 = vector.broadcast %and3A_848 : i32 to vector<16xi32>
        %and3A_850 = arith.andi %shift_right_arithmetic3A_847, %and3A_849 : vector<16xi32>
        %shift_right_arithmetic3A_851 = arith.shrsi %gather3A_844, %and3A_850 : vector<16xi32>
        %and3A_852 = arith.andi %shift_right_arithmetic3A_839, %shift_right_arithmetic3A_851 : vector<16xi32>
        %shift_right_arithmetic3A_853 = arith.constant 5 : i32
        %shift_right_arithmetic3A_854 = vector.broadcast %shift_right_arithmetic3A_853 : i32 to vector<16xi32>
        %shift_right_arithmetic3A_855 = arith.shrsi %xor3A_827, %shift_right_arithmetic3A_854 : vector<16xi32>
        %and3A_856 = arith.constant 63 : i32
        %and3A_857 = vector.broadcast %and3A_856 : i32 to vector<16xi32>
        %and3A_858 = arith.andi %shift_right_arithmetic3A_855, %and3A_857 : vector<16xi32>
        %add3A_859 = arith.addi %broadcast_in_dim3A_237, %and3A_858 : vector<16xi32>
        %gather3A_860 = tpu.vector_load_idx %arg8[%add3A_859] : memref<32768xi32, #tpu.memory_space<vmem>>[vector<16xi32>], vector<16xi32>,
        %and3A_861 = arith.constant 31 : i32
        %and3A_862 = vector.broadcast %and3A_861 : i32 to vector<16xi32>
        %and3A_863 = arith.andi %xor3A_827, %and3A_862 : vector<16xi32>
        %shift_right_arithmetic3A_864 = arith.shrsi %gather3A_860, %and3A_863 : vector<16xi32>
        %shift_right_arithmetic3A_865 = arith.constant 21 : i32
        %shift_right_arithmetic3A_866 = vector.broadcast %shift_right_arithmetic3A_865 : i32 to vector<16xi32>
        %shift_right_arithmetic3A_867 = arith.shrsi %xor3A_827, %shift_right_arithmetic3A_866 : vector<16xi32>
        %add3A_868 = arith.addi %broadcast_in_dim3A_237, %shift_right_arithmetic3A_867 : vector<16xi32>
        %gather3A_869 = tpu.vector_load_idx %arg8[%add3A_868] : memref<32768xi32, #tpu.memory_space<vmem>>[vector<16xi32>], vector<16xi32>,
        %shift_right_arithmetic3A_870 = arith.constant 16 : i32
        %shift_right_arithmetic3A_871 = vector.broadcast %shift_right_arithmetic3A_870 : i32 to vector<16xi32>
        %shift_right_arithmetic3A_872 = arith.shrsi %xor3A_827, %shift_right_arithmetic3A_871 : vector<16xi32>
        %and3A_873 = arith.constant 31 : i32
        %and3A_874 = vector.broadcast %and3A_873 : i32 to vector<16xi32>
        %and3A_875 = arith.andi %shift_right_arithmetic3A_872, %and3A_874 : vector<16xi32>
        %shift_right_arithmetic3A_876 = arith.shrsi %gather3A_869, %and3A_875 : vector<16xi32>
        %and3A_877 = arith.andi %shift_right_arithmetic3A_864, %shift_right_arithmetic3A_876 : vector<16xi32>
        %and3A_878 = arith.andi %and3A_852, %and3A_877 : vector<16xi32>
        %and3A_879 = arith.constant 1 : i32
        %and3A_880 = vector.broadcast %and3A_879 : i32 to vector<16xi32>
        %and3A_881 = arith.andi %and3A_878, %and3A_880 : vector<16xi32>
        %add3A_882 = arith.addi %scan3A_226, %and3A_881 : vector<16xi32>
        %shift_right_arithmetic3A_883 = arith.constant 24 : i32
        %shift_right_arithmetic3A_884 = vector.broadcast %shift_right_arithmetic3A_883 : i32 to vector<16xi32>
        %shift_right_arithmetic3A_885 = arith.shrsi %or3A_417, %shift_right_arithmetic3A_884 : vector<16xi32>
        %and3A_886 = arith.constant 255 : i32
        %and3A_887 = vector.broadcast %and3A_886 : i32 to vector<16xi32>
        %and3A_888 = arith.andi %shift_right_arithmetic3A_885, %and3A_887 : vector<16xi32>
        %shift_right_arithmetic3A_889 = arith.constant 24 : i32
        %shift_right_arithmetic3A_890 = vector.broadcast %shift_right_arithmetic3A_889 : i32 to vector<16xi32>
        %shift_right_arithmetic3A_891 = arith.shrsi %or3A_436, %shift_right_arithmetic3A_890 : vector<16xi32>
        %and3A_892 = arith.constant 255 : i32
        %and3A_893 = vector.broadcast %and3A_892 : i32 to vector<16xi32>
        %and3A_894 = arith.andi %shift_right_arithmetic3A_891, %and3A_893 : vector<16xi32>
        %gather3A_895 = tpu.vector_load_idx %arg11[%and3A_888] : memref<256xi32, #tpu.memory_space<vmem>>[vector<16xi32>], vector<16xi32>,
        %gather3A_896 = tpu.vector_load_idx %arg12[%and3A_894] : memref<256xi32, #tpu.memory_space<vmem>>[vector<16xi32>], vector<16xi32>,
        %xor3A_897 = arith.xori %gather3A_895, %gather3A_896 : vector<16xi32>
        %gather3A_898 = tpu.vector_load_idx %arg13[%and3A_888] : memref<256xi32, #tpu.memory_space<vmem>>[vector<16xi32>], vector<16xi32>,
        %gather3A_899 = tpu.vector_load_idx %arg14[%and3A_894] : memref<256xi32, #tpu.memory_space<vmem>>[vector<16xi32>], vector<16xi32>,
        %xor3A_900 = arith.xori %gather3A_898, %gather3A_899 : vector<16xi32>
        %shift_right_arithmetic3A_901 = arith.constant 5 : i32
        %shift_right_arithmetic3A_902 = vector.broadcast %shift_right_arithmetic3A_901 : i32 to vector<16xi32>
        %shift_right_arithmetic3A_903 = arith.shrsi %xor3A_897, %shift_right_arithmetic3A_902 : vector<16xi32>
        %and3A_904 = arith.constant 63 : i32
        %and3A_905 = vector.broadcast %and3A_904 : i32 to vector<16xi32>
        %and3A_906 = arith.andi %shift_right_arithmetic3A_903, %and3A_905 : vector<16xi32>
        %add3A_907 = arith.addi %broadcast_in_dim3A_237, %and3A_906 : vector<16xi32>
        %gather3A_908 = tpu.vector_load_idx %arg8[%add3A_907] : memref<32768xi32, #tpu.memory_space<vmem>>[vector<16xi32>], vector<16xi32>,
        %and3A_909 = arith.constant 31 : i32
        %and3A_910 = vector.broadcast %and3A_909 : i32 to vector<16xi32>
        %and3A_911 = arith.andi %xor3A_897, %and3A_910 : vector<16xi32>
        %shift_right_arithmetic3A_912 = arith.shrsi %gather3A_908, %and3A_911 : vector<16xi32>
        %shift_right_arithmetic3A_913 = arith.constant 21 : i32
        %shift_right_arithmetic3A_914 = vector.broadcast %shift_right_arithmetic3A_913 : i32 to vector<16xi32>
        %shift_right_arithmetic3A_915 = arith.shrsi %xor3A_897, %shift_right_arithmetic3A_914 : vector<16xi32>
        %add3A_916 = arith.addi %broadcast_in_dim3A_237, %shift_right_arithmetic3A_915 : vector<16xi32>
        %gather3A_917 = tpu.vector_load_idx %arg8[%add3A_916] : memref<32768xi32, #tpu.memory_space<vmem>>[vector<16xi32>], vector<16xi32>,
        %shift_right_arithmetic3A_918 = arith.constant 16 : i32
        %shift_right_arithmetic3A_919 = vector.broadcast %shift_right_arithmetic3A_918 : i32 to vector<16xi32>
        %shift_right_arithmetic3A_920 = arith.shrsi %xor3A_897, %shift_right_arithmetic3A_919 : vector<16xi32>
        %and3A_921 = arith.constant 31 : i32
        %and3A_922 = vector.broadcast %and3A_921 : i32 to vector<16xi32>
        %and3A_923 = arith.andi %shift_right_arithmetic3A_920, %and3A_922 : vector<16xi32>
        %shift_right_arithmetic3A_924 = arith.shrsi %gather3A_917, %and3A_923 : vector<16xi32>
        %and3A_925 = arith.andi %shift_right_arithmetic3A_912, %shift_right_arithmetic3A_924 : vector<16xi32>
        %shift_right_arithmetic3A_926 = arith.constant 5 : i32
        %shift_right_arithmetic3A_927 = vector.broadcast %shift_right_arithmetic3A_926 : i32 to vector<16xi32>
        %shift_right_arithmetic3A_928 = arith.shrsi %xor3A_900, %shift_right_arithmetic3A_927 : vector<16xi32>
        %and3A_929 = arith.constant 63 : i32
        %and3A_930 = vector.broadcast %and3A_929 : i32 to vector<16xi32>
        %and3A_931 = arith.andi %shift_right_arithmetic3A_928, %and3A_930 : vector<16xi32>
        %add3A_932 = arith.addi %broadcast_in_dim3A_237, %and3A_931 : vector<16xi32>
        %gather3A_933 = tpu.vector_load_idx %arg8[%add3A_932] : memref<32768xi32, #tpu.memory_space<vmem>>[vector<16xi32>], vector<16xi32>,
        %and3A_934 = arith.constant 31 : i32
        %and3A_935 = vector.broadcast %and3A_934 : i32 to vector<16xi32>
        %and3A_936 = arith.andi %xor3A_900, %and3A_935 : vector<16xi32>
        %shift_right_arithmetic3A_937 = arith.shrsi %gather3A_933, %and3A_936 : vector<16xi32>
        %shift_right_arithmetic3A_938 = arith.constant 21 : i32
        %shift_right_arithmetic3A_939 = vector.broadcast %shift_right_arithmetic3A_938 : i32 to vector<16xi32>
        %shift_right_arithmetic3A_940 = arith.shrsi %xor3A_900, %shift_right_arithmetic3A_939 : vector<16xi32>
        %add3A_941 = arith.addi %broadcast_in_dim3A_237, %shift_right_arithmetic3A_940 : vector<16xi32>
        %gather3A_942 = tpu.vector_load_idx %arg8[%add3A_941] : memref<32768xi32, #tpu.memory_space<vmem>>[vector<16xi32>], vector<16xi32>,
        %shift_right_arithmetic3A_943 = arith.constant 16 : i32
        %shift_right_arithmetic3A_944 = vector.broadcast %shift_right_arithmetic3A_943 : i32 to vector<16xi32>
        %shift_right_arithmetic3A_945 = arith.shrsi %xor3A_900, %shift_right_arithmetic3A_944 : vector<16xi32>
        %and3A_946 = arith.constant 31 : i32
        %and3A_947 = vector.broadcast %and3A_946 : i32 to vector<16xi32>
        %and3A_948 = arith.andi %shift_right_arithmetic3A_945, %and3A_947 : vector<16xi32>
        %shift_right_arithmetic3A_949 = arith.shrsi %gather3A_942, %and3A_948 : vector<16xi32>
        %and3A_950 = arith.andi %shift_right_arithmetic3A_937, %shift_right_arithmetic3A_949 : vector<16xi32>
        %and3A_951 = arith.andi %and3A_925, %and3A_950 : vector<16xi32>
        %and3A_952 = arith.constant 1 : i32
        %and3A_953 = vector.broadcast %and3A_952 : i32 to vector<16xi32>
        %and3A_954 = arith.andi %and3A_951, %and3A_953 : vector<16xi32>
        %add3A_955 = arith.addi %scan3A_227, %and3A_954 : vector<16xi32>
        %shift_right_arithmetic3A_956 = arith.constant 24 : i32
        %shift_right_arithmetic3A_957 = vector.broadcast %shift_right_arithmetic3A_956 : i32 to vector<16xi32>
        %shift_right_arithmetic3A_958 = arith.shrsi %or3A_426, %shift_right_arithmetic3A_957 : vector<16xi32>
        %and3A_959 = arith.constant 255 : i32
        %and3A_960 = vector.broadcast %and3A_959 : i32 to vector<16xi32>
        %and3A_961 = arith.andi %shift_right_arithmetic3A_958, %and3A_960 : vector<16xi32>
        %shift_right_arithmetic3A_962 = arith.constant 24 : i32
        %shift_right_arithmetic3A_963 = vector.broadcast %shift_right_arithmetic3A_962 : i32 to vector<16xi32>
        %shift_right_arithmetic3A_964 = arith.shrsi %or3A_446, %shift_right_arithmetic3A_963 : vector<16xi32>
        %and3A_965 = arith.constant 255 : i32
        %and3A_966 = vector.broadcast %and3A_965 : i32 to vector<16xi32>
        %and3A_967 = arith.andi %shift_right_arithmetic3A_964, %and3A_966 : vector<16xi32>
        %gather3A_968 = tpu.vector_load_idx %arg11[%and3A_961] : memref<256xi32, #tpu.memory_space<vmem>>[vector<16xi32>], vector<16xi32>,
        %gather3A_969 = tpu.vector_load_idx %arg12[%and3A_967] : memref<256xi32, #tpu.memory_space<vmem>>[vector<16xi32>], vector<16xi32>,
        %xor3A_970 = arith.xori %gather3A_968, %gather3A_969 : vector<16xi32>
        %gather3A_971 = tpu.vector_load_idx %arg13[%and3A_961] : memref<256xi32, #tpu.memory_space<vmem>>[vector<16xi32>], vector<16xi32>,
        %gather3A_972 = tpu.vector_load_idx %arg14[%and3A_967] : memref<256xi32, #tpu.memory_space<vmem>>[vector<16xi32>], vector<16xi32>,
        %xor3A_973 = arith.xori %gather3A_971, %gather3A_972 : vector<16xi32>
        %shift_right_arithmetic3A_974 = arith.constant 5 : i32
        %shift_right_arithmetic3A_975 = vector.broadcast %shift_right_arithmetic3A_974 : i32 to vector<16xi32>
        %shift_right_arithmetic3A_976 = arith.shrsi %xor3A_970, %shift_right_arithmetic3A_975 : vector<16xi32>
        %and3A_977 = arith.constant 63 : i32
        %and3A_978 = vector.broadcast %and3A_977 : i32 to vector<16xi32>
        %and3A_979 = arith.andi %shift_right_arithmetic3A_976, %and3A_978 : vector<16xi32>
        %add3A_980 = arith.addi %broadcast_in_dim3A_237, %and3A_979 : vector<16xi32>
        %gather3A_981 = tpu.vector_load_idx %arg8[%add3A_980] : memref<32768xi32, #tpu.memory_space<vmem>>[vector<16xi32>], vector<16xi32>,
        %and3A_982 = arith.constant 31 : i32
        %and3A_983 = vector.broadcast %and3A_982 : i32 to vector<16xi32>
        %and3A_984 = arith.andi %xor3A_970, %and3A_983 : vector<16xi32>
        %shift_right_arithmetic3A_985 = arith.shrsi %gather3A_981, %and3A_984 : vector<16xi32>
        %shift_right_arithmetic3A_986 = arith.constant 21 : i32
        %shift_right_arithmetic3A_987 = vector.broadcast %shift_right_arithmetic3A_986 : i32 to vector<16xi32>
        %shift_right_arithmetic3A_988 = arith.shrsi %xor3A_970, %shift_right_arithmetic3A_987 : vector<16xi32>
        %add3A_989 = arith.addi %broadcast_in_dim3A_237, %shift_right_arithmetic3A_988 : vector<16xi32>
        %gather3A_990 = tpu.vector_load_idx %arg8[%add3A_989] : memref<32768xi32, #tpu.memory_space<vmem>>[vector<16xi32>], vector<16xi32>,
        %shift_right_arithmetic3A_991 = arith.constant 16 : i32
        %shift_right_arithmetic3A_992 = vector.broadcast %shift_right_arithmetic3A_991 : i32 to vector<16xi32>
        %shift_right_arithmetic3A_993 = arith.shrsi %xor3A_970, %shift_right_arithmetic3A_992 : vector<16xi32>
        %and3A_994 = arith.constant 31 : i32
        %and3A_995 = vector.broadcast %and3A_994 : i32 to vector<16xi32>
        %and3A_996 = arith.andi %shift_right_arithmetic3A_993, %and3A_995 : vector<16xi32>
        %shift_right_arithmetic3A_997 = arith.shrsi %gather3A_990, %and3A_996 : vector<16xi32>
        %and3A_998 = arith.andi %shift_right_arithmetic3A_985, %shift_right_arithmetic3A_997 : vector<16xi32>
        %shift_right_arithmetic3A_999 = arith.constant 5 : i32
        %shift_right_arithmetic3A_1000 = vector.broadcast %shift_right_arithmetic3A_999 : i32 to vector<16xi32>
        %shift_right_arithmetic3A_1001 = arith.shrsi %xor3A_973, %shift_right_arithmetic3A_1000 : vector<16xi32>
        %and3A_1002 = arith.constant 63 : i32
        %and3A_1003 = vector.broadcast %and3A_1002 : i32 to vector<16xi32>
        %and3A_1004 = arith.andi %shift_right_arithmetic3A_1001, %and3A_1003 : vector<16xi32>
        %add3A_1005 = arith.addi %broadcast_in_dim3A_237, %and3A_1004 : vector<16xi32>
        %gather3A_1006 = tpu.vector_load_idx %arg8[%add3A_1005] : memref<32768xi32, #tpu.memory_space<vmem>>[vector<16xi32>], vector<16xi32>,
        %and3A_1007 = arith.constant 31 : i32
        %and3A_1008 = vector.broadcast %and3A_1007 : i32 to vector<16xi32>
        %and3A_1009 = arith.andi %xor3A_973, %and3A_1008 : vector<16xi32>
        %shift_right_arithmetic3A_1010 = arith.shrsi %gather3A_1006, %and3A_1009 : vector<16xi32>
        %shift_right_arithmetic3A_1011 = arith.constant 21 : i32
        %shift_right_arithmetic3A_1012 = vector.broadcast %shift_right_arithmetic3A_1011 : i32 to vector<16xi32>
        %shift_right_arithmetic3A_1013 = arith.shrsi %xor3A_973, %shift_right_arithmetic3A_1012 : vector<16xi32>
        %add3A_1014 = arith.addi %broadcast_in_dim3A_237, %shift_right_arithmetic3A_1013 : vector<16xi32>
        %gather3A_1015 = tpu.vector_load_idx %arg8[%add3A_1014] : memref<32768xi32, #tpu.memory_space<vmem>>[vector<16xi32>], vector<16xi32>,
        %shift_right_arithmetic3A_1016 = arith.constant 16 : i32
        %shift_right_arithmetic3A_1017 = vector.broadcast %shift_right_arithmetic3A_1016 : i32 to vector<16xi32>
        %shift_right_arithmetic3A_1018 = arith.shrsi %xor3A_973, %shift_right_arithmetic3A_1017 : vector<16xi32>
        %and3A_1019 = arith.constant 31 : i32
        %and3A_1020 = vector.broadcast %and3A_1019 : i32 to vector<16xi32>
        %and3A_1021 = arith.andi %shift_right_arithmetic3A_1018, %and3A_1020 : vector<16xi32>
        %shift_right_arithmetic3A_1022 = arith.shrsi %gather3A_1015, %and3A_1021 : vector<16xi32>
        %and3A_1023 = arith.andi %shift_right_arithmetic3A_1010, %shift_right_arithmetic3A_1022 : vector<16xi32>
        %and3A_1024 = arith.andi %and3A_998, %and3A_1023 : vector<16xi32>
        %and3A_1025 = arith.constant 1 : i32
        %and3A_1026 = vector.broadcast %and3A_1025 : i32 to vector<16xi32>
        %and3A_1027 = arith.andi %and3A_1024, %and3A_1026 : vector<16xi32>
        %add3A_1028 = arith.addi %scan3A_228, %and3A_1027 : vector<16xi32>
        scf.yield %add3A_517, %add3A_590, %add3A_663, %add3A_736, %add3A_809, %add3A_882, %add3A_955, %add3A_1028 : vector<16xi32>, vector<16xi32>, vector<16xi32>, vector<16xi32>, vector<16xi32>, vector<16xi32>, vector<16xi32>, vector<16xi32>
      }
      %scan3A_183 = arith.constant 256 : i32
      %mul3A_184 = arith.constant 128 : i32
      %mul3A_185 = arith.muli %scan3A_122, %mul3A_184 : i32
      %add3A_186 = arith.constant 1024 : i32
      %add3A_187 = arith.addi %add3A_186, %mul3A_185 : i32
      %add3A_188 = arith.constant 0 : i32
      %add3A_189 = arith.addi %add3A_187, %add3A_188 : i32
      %swap3A_190 = arith.index_cast %add3A_189 : i32 to index
      %swap3A_191 = tpu.vector_load %arg15[%swap3A_190] {strides = array<i32>} : memref<2048xi32, #tpu.memory_space<vmem>>, vector<16xi32>,
      tpu.vector_store %arg15[%swap3A_190], %scan3A_182#0 {strides = array<i32>} : memref<2048xi32, #tpu.memory_space<vmem>>, vector<16xi32>,
      %add3A_192 = arith.constant 16 : i32
      %add3A_193 = arith.addi %add3A_187, %add3A_192 : i32
      %swap3A_194 = arith.index_cast %add3A_193 : i32 to index
      %swap3A_195 = tpu.vector_load %arg15[%swap3A_194] {strides = array<i32>} : memref<2048xi32, #tpu.memory_space<vmem>>, vector<16xi32>,
      tpu.vector_store %arg15[%swap3A_194], %scan3A_182#1 {strides = array<i32>} : memref<2048xi32, #tpu.memory_space<vmem>>, vector<16xi32>,
      %add3A_196 = arith.constant 32 : i32
      %add3A_197 = arith.addi %add3A_187, %add3A_196 : i32
      %swap3A_198 = arith.index_cast %add3A_197 : i32 to index
      %swap3A_199 = tpu.vector_load %arg15[%swap3A_198] {strides = array<i32>} : memref<2048xi32, #tpu.memory_space<vmem>>, vector<16xi32>,
      tpu.vector_store %arg15[%swap3A_198], %scan3A_182#2 {strides = array<i32>} : memref<2048xi32, #tpu.memory_space<vmem>>, vector<16xi32>,
      %add3A_200 = arith.constant 48 : i32
      %add3A_201 = arith.addi %add3A_187, %add3A_200 : i32
      %swap3A_202 = arith.index_cast %add3A_201 : i32 to index
      %swap3A_203 = tpu.vector_load %arg15[%swap3A_202] {strides = array<i32>} : memref<2048xi32, #tpu.memory_space<vmem>>, vector<16xi32>,
      tpu.vector_store %arg15[%swap3A_202], %scan3A_182#3 {strides = array<i32>} : memref<2048xi32, #tpu.memory_space<vmem>>, vector<16xi32>,
      %add3A_204 = arith.constant 64 : i32
      %add3A_205 = arith.addi %add3A_187, %add3A_204 : i32
      %swap3A_206 = arith.index_cast %add3A_205 : i32 to index
      %swap3A_207 = tpu.vector_load %arg15[%swap3A_206] {strides = array<i32>} : memref<2048xi32, #tpu.memory_space<vmem>>, vector<16xi32>,
      tpu.vector_store %arg15[%swap3A_206], %scan3A_182#4 {strides = array<i32>} : memref<2048xi32, #tpu.memory_space<vmem>>, vector<16xi32>,
      %add3A_208 = arith.constant 80 : i32
      %add3A_209 = arith.addi %add3A_187, %add3A_208 : i32
      %swap3A_210 = arith.index_cast %add3A_209 : i32 to index
      %swap3A_211 = tpu.vector_load %arg15[%swap3A_210] {strides = array<i32>} : memref<2048xi32, #tpu.memory_space<vmem>>, vector<16xi32>,
      tpu.vector_store %arg15[%swap3A_210], %scan3A_182#5 {strides = array<i32>} : memref<2048xi32, #tpu.memory_space<vmem>>, vector<16xi32>,
      %add3A_212 = arith.constant 96 : i32
      %add3A_213 = arith.addi %add3A_187, %add3A_212 : i32
      %swap3A_214 = arith.index_cast %add3A_213 : i32 to index
      %swap3A_215 = tpu.vector_load %arg15[%swap3A_214] {strides = array<i32>} : memref<2048xi32, #tpu.memory_space<vmem>>, vector<16xi32>,
      tpu.vector_store %arg15[%swap3A_214], %scan3A_182#6 {strides = array<i32>} : memref<2048xi32, #tpu.memory_space<vmem>>, vector<16xi32>,
      %add3A_216 = arith.constant 112 : i32
      %add3A_217 = arith.addi %add3A_187, %add3A_216 : i32
      %swap3A_218 = arith.index_cast %add3A_217 : i32 to index
      %swap3A_219 = tpu.vector_load %arg15[%swap3A_218] {strides = array<i32>} : memref<2048xi32, #tpu.memory_space<vmem>>, vector<16xi32>,
      tpu.vector_store %arg15[%swap3A_218], %scan3A_182#7 {strides = array<i32>} : memref<2048xi32, #tpu.memory_space<vmem>>, vector<16xi32>,
    }
    %scan3A_119 = arith.constant 8 : i32
    %mul3A_120 = arith.constant 2048 : i32
    %mul3A_121 = arith.muli %add3A, %mul3A_120 : i32
    "tpu.region"() ({
      %run_scoped3A = tpu.sem_alloc : memref<!tpu.dma_semaphore, #tpu.memory_space<semaphore_mem>>
      %dma_start3A = tpu.memref_slice %arg6[%mul3A_121] : memref<65536xi32, #tpu.memory_space<hbm>> -> memref<2048xi32, #tpu.memory_space<hbm>>
      %dma_start3A_122 = tpu.memref_slice %arg6[%mul3A_121] : memref<65536xi32, #tpu.memory_space<hbm>> -> memref<2048xi32, #tpu.memory_space<hbm>>
      tpu.enqueue_dma source(%arg15 : memref<2048xi32, #tpu.memory_space<vmem>>) target(%dma_start3A_122 : memref<2048xi32, #tpu.memory_space<hbm>>) target_semaphore(%run_scoped3A : memref<!tpu.dma_semaphore, #tpu.memory_space<semaphore_mem>>)
      %dma_wait3A = tpu.memref_slice %arg6[%mul3A_121] : memref<65536xi32, #tpu.memory_space<hbm>> -> memref<2048xi32, #tpu.memory_space<hbm>>
      %dma_wait3A_123 = tpu.memref_slice %arg6[%mul3A_121] : memref<65536xi32, #tpu.memory_space<hbm>> -> memref<2048xi32, #tpu.memory_space<hbm>>
      tpu.wait_dma2 semaphore(%run_scoped3A : memref<!tpu.dma_semaphore, #tpu.memory_space<semaphore_mem>>) src(%arg15 : memref<2048xi32, #tpu.memory_space<vmem>>) dst(%dma_wait3A_123 : memref<2048xi32, #tpu.memory_space<hbm>>)
      tpu.yield
    }) : () -> ()
    return
  }
}

module attributes {stable_mosaic.version = 14 : i64} {
  func.func @_spack_body(%arg0: i32, %arg1: memref<128x4096xi32, #tpu.memory_space<vmem>>, %arg2: memref<1x4096x16xi32, #tpu.memory_space<vmem>>) attributes {dimension_semantics = [#tpu.dimension_semantics<arbitrary>], iteration_bounds = array<i64: 8>, scalar_prefetch = 0 : i64, scratch_operands = 0 : i64, tpu.core_type = #tpu.core_type<tc>, window_params = [{transform_indices = @transform_0, window_bounds = array<i64: 128, 4096>}, {transform_indices = @transform_1, window_bounds = array<i64: 1, 4096, 16>}]} {
    %get3A = arith.constant 0 : index
    %get3A_0 = arith.constant 0 : index
    %get3A_1 = vector.load %arg1[%get3A, %get3A_0] : memref<128x4096xi32, #tpu.memory_space<vmem>>, vector<128x4096xi32>
    %convert_element_type3A = arith.sitofp %get3A_1 : vector<128x4096xi32> to vector<128x4096xf32>
    %iota3A = tpu.iota {dimensions = array<i32: 0>} : vector<128x16xi32>
    %iota3A_2 = tpu.iota {dimensions = array<i32: 1>} : vector<128x16xi32>
    %shift_right_arithmetic3A = arith.constant 4 : i32
    %shift_right_arithmetic3A_3 = vector.broadcast %shift_right_arithmetic3A : i32 to vector<128x16xi32>
    %shift_right_arithmetic3A_4 = arith.shrsi %iota3A, %shift_right_arithmetic3A_3 : vector<128x16xi32>
    %and3A = arith.constant 15 : i32
    %and3A_5 = vector.broadcast %and3A : i32 to vector<128x16xi32>
    %and3A_6 = arith.andi %iota3A, %and3A_5 : vector<128x16xi32>
    %eq3A = arith.cmpi eq, %and3A_6, %iota3A_2 : vector<128x16xi32>
    %lt3A = arith.constant 4 : i32
    %lt3A_7 = vector.broadcast %lt3A : i32 to vector<128x16xi32>
    %lt3A_8 = arith.cmpi slt, %shift_right_arithmetic3A_4, %lt3A_7 : vector<128x16xi32>
    %and3A_9 = arith.andi %eq3A, %lt3A_8 : vector<128x16xi1>
    %jit3A = arith.constant 0 : i32
    %jit3A_10 = arith.constant 3 : i32
    %max3A = vector.broadcast %jit3A : i32 to vector<128x16xi32>
    %max3A_11 = arith.maxsi %max3A, %shift_right_arithmetic3A_4 : vector<128x16xi32>
    %min3A = vector.broadcast %jit3A_10 : i32 to vector<128x16xi32>
    %min3A_12 = arith.minsi %min3A, %max3A_11 : vector<128x16xi32>
    %mul3A = arith.constant 4 : i32
    %mul3A_13 = vector.broadcast %mul3A : i32 to vector<128x16xi32>
    %mul3A_14 = arith.muli %mul3A_13, %min3A_12 : vector<128x16xi32>
    %shift_left3A = arith.constant 1 : i32
    %shift_left3A_15 = vector.broadcast %shift_left3A : i32 to vector<128x16xi32>
    %shift_left3A_16 = arith.shli %shift_left3A_15, %mul3A_14 : vector<128x16xi32>
    %jit3A_17 = arith.constant 0 : i32
    %broadcast_in_dim3A = vector.broadcast %jit3A_17 : i32 to vector<128x16xi32>
    %select_n3A = arith.select %and3A_9, %shift_left3A_16, %broadcast_in_dim3A : vector<128x16xi1>, vector<128x16xi32>
    %convert_element_type3A_18 = arith.sitofp %select_n3A : vector<128x16xi32> to vector<128x16xf32>
    %ge3A = arith.constant 4 : i32
    %ge3A_19 = vector.broadcast %ge3A : i32 to vector<128x16xi32>
    %ge3A_20 = arith.cmpi sge, %shift_right_arithmetic3A_4, %ge3A_19 : vector<128x16xi32>
    %and3A_21 = arith.andi %eq3A, %ge3A_20 : vector<128x16xi1>
    %sub3A = arith.constant 4 : i32
    %sub3A_22 = vector.broadcast %sub3A : i32 to vector<128x16xi32>
    %sub3A_23 = arith.subi %shift_right_arithmetic3A_4, %sub3A_22 : vector<128x16xi32>
    %jit3A_24 = arith.constant 0 : i32
    %jit3A_25 = arith.constant 3 : i32
    %max3A_26 = vector.broadcast %jit3A_24 : i32 to vector<128x16xi32>
    %max3A_27 = arith.maxsi %max3A_26, %sub3A_23 : vector<128x16xi32>
    %min3A_28 = vector.broadcast %jit3A_25 : i32 to vector<128x16xi32>
    %min3A_29 = arith.minsi %min3A_28, %max3A_27 : vector<128x16xi32>
    %mul3A_30 = arith.constant 4 : i32
    %mul3A_31 = vector.broadcast %mul3A_30 : i32 to vector<128x16xi32>
    %mul3A_32 = arith.muli %mul3A_31, %min3A_29 : vector<128x16xi32>
    %shift_left3A_33 = arith.constant 1 : i32
    %shift_left3A_34 = vector.broadcast %shift_left3A_33 : i32 to vector<128x16xi32>
    %shift_left3A_35 = arith.shli %shift_left3A_34, %mul3A_32 : vector<128x16xi32>
    %jit3A_36 = arith.constant 0 : i32
    %broadcast_in_dim3A_37 = vector.broadcast %jit3A_36 : i32 to vector<128x16xi32>
    %select_n3A_38 = arith.select %and3A_21, %shift_left3A_35, %broadcast_in_dim3A_37 : vector<128x16xi1>, vector<128x16xi32>
    %convert_element_type3A_39 = arith.sitofp %select_n3A_38 : vector<128x16xi32> to vector<128x16xf32>
    %dot_general3A = arith.constant dense<0.000000e+00> : vector<4096x16xf32>
    %dot_general3A_40 = tpu.matmul %convert_element_type3A, %convert_element_type3A_18, %dot_general3A {dimension_numbers = #tpu.dot_dimension_numbers<[0], [0], [1], [1], [0, 1, 1, 1], [], []>, transpose_lhs_hint = false} : vector<128x4096xf32>, vector<128x16xf32>, vector<4096x16xf32> -> vector<4096x16xf32>
    %convert_element_type3A_41 = arith.fptosi %dot_general3A_40 : vector<4096x16xf32> to vector<4096x16xi32>
    %dot_general3A_42 = arith.constant dense<0.000000e+00> : vector<4096x16xf32>
    %dot_general3A_43 = tpu.matmul %convert_element_type3A, %convert_element_type3A_39, %dot_general3A_42 {dimension_numbers = #tpu.dot_dimension_numbers<[0], [0], [1], [1], [0, 1, 1, 1], [], []>, transpose_lhs_hint = false} : vector<128x4096xf32>, vector<128x16xf32>, vector<4096x16xf32> -> vector<4096x16xf32>
    %convert_element_type3A_44 = arith.fptosi %dot_general3A_43 : vector<4096x16xf32> to vector<4096x16xi32>
    %shift_left3A_45 = arith.constant 16 : i32
    %shift_left3A_46 = vector.broadcast %shift_left3A_45 : i32 to vector<4096x16xi32>
    %shift_left3A_47 = arith.shli %convert_element_type3A_44, %shift_left3A_46 : vector<4096x16xi32>
    %or3A = arith.ori %convert_element_type3A_41, %shift_left3A_47 : vector<4096x16xi32>
    %swap3A = arith.constant 0 : index
    %swap3A_48 = arith.constant 0 : index
    %swap3A_49 = arith.constant 0 : index
    %swap3A_50 = vector.load %arg2[%swap3A, %swap3A_48, %swap3A_49] : memref<1x4096x16xi32, #tpu.memory_space<vmem>>, vector<1x4096x16xi32>
    %swap3A_51 = vector.shape_cast %swap3A_50 : vector<1x4096x16xi32> to vector<4096x16xi32>
    %swap3A_52 = vector.shape_cast %or3A : vector<4096x16xi32> to vector<1x4096x16xi32>
    tpu.vector_store %arg2[%swap3A, %swap3A_48, %swap3A_49], %swap3A_52 {strides = array<i32>} : memref<1x4096x16xi32, #tpu.memory_space<vmem>>, vector<1x4096x16xi32>,
    return
  }
  func.func @transform_0(%arg0: i32) -> (i32, i32) {
    %c0_i32 = arith.constant 0 : i32
    %c0_i32_0 = arith.constant 0 : i32
    return %arg0, %c0_i32 : i32, i32
  }
  func.func @transform_1(%arg0: i32) -> (i32, i32, i32) {
    %c0_i32 = arith.constant 0 : i32
    %c0_i32_0 = arith.constant 0 : i32
    %c0_i32_1 = arith.constant 0 : i32
    return %arg0, %c0_i32, %c0_i32_0 : i32, i32, i32
  }
}

module attributes {stable_mosaic.version = 14 : i64} {
  func.func @_pack_body(%arg0: i32, %arg1: memref<1x256x2048xi32, #tpu.memory_space<vmem>>, %arg2: memref<1x256x64xi32, #tpu.memory_space<vmem>>) attributes {dimension_semantics = [#tpu.dimension_semantics<arbitrary>], iteration_bounds = array<i64: 64>, scalar_prefetch = 0 : i64, scratch_operands = 0 : i64, tpu.core_type = #tpu.core_type<tc>, window_params = [{transform_indices = @transform_0, window_bounds = array<i64: 1, 256, 2048>}, {transform_indices = @transform_1, window_bounds = array<i64: 1, 256, 64>}]} {
    %get3A = arith.constant 0 : index
    %get3A_0 = arith.constant 0 : index
    %get3A_1 = arith.constant 0 : index
    %get3A_2 = vector.load %arg1[%get3A, %get3A_0, %get3A_1] : memref<1x256x2048xi32, #tpu.memory_space<vmem>>, vector<1x256x2048xi32>
    %get3A_3 = vector.shape_cast %get3A_2 : vector<1x256x2048xi32> to vector<256x2048xi32>
    %convert_element_type3A = arith.sitofp %get3A_3 : vector<256x2048xi32> to vector<256x2048xf32>
    %iota3A = tpu.iota {dimensions = array<i32: 0>} : vector<2048x64xi32>
    %iota3A_4 = tpu.iota {dimensions = array<i32: 1>} : vector<2048x64xi32>
    %mul3A = arith.constant 32 : i32
    %mul3A_5 = vector.broadcast %mul3A : i32 to vector<2048x64xi32>
    %mul3A_6 = arith.muli %iota3A_4, %mul3A_5 : vector<2048x64xi32>
    %sub3A = arith.subi %iota3A, %mul3A_6 : vector<2048x64xi32>
    %ge3A = arith.constant 0 : i32
    %ge3A_7 = vector.broadcast %ge3A : i32 to vector<2048x64xi32>
    %ge3A_8 = arith.cmpi sge, %sub3A, %ge3A_7 : vector<2048x64xi32>
    %lt3A = arith.constant 16 : i32
    %lt3A_9 = vector.broadcast %lt3A : i32 to vector<2048x64xi32>
    %lt3A_10 = arith.cmpi slt, %sub3A, %lt3A_9 : vector<2048x64xi32>
    %and3A = arith.andi %ge3A_8, %lt3A_10 : vector<2048x64xi1>
    %jit3A = arith.constant 0 : i32
    %jit3A_11 = arith.constant 15 : i32
    %max3A = vector.broadcast %jit3A : i32 to vector<2048x64xi32>
    %max3A_12 = arith.maxsi %max3A, %sub3A : vector<2048x64xi32>
    %min3A = vector.broadcast %jit3A_11 : i32 to vector<2048x64xi32>
    %min3A_13 = arith.minsi %min3A, %max3A_12 : vector<2048x64xi32>
    %shift_left3A = arith.constant 1 : i32
    %shift_left3A_14 = vector.broadcast %shift_left3A : i32 to vector<2048x64xi32>
    %shift_left3A_15 = arith.shli %shift_left3A_14, %min3A_13 : vector<2048x64xi32>
    %jit3A_16 = arith.constant 0 : i32
    %broadcast_in_dim3A = vector.broadcast %jit3A_16 : i32 to vector<2048x64xi32>
    %select_n3A = arith.select %and3A, %shift_left3A_15, %broadcast_in_dim3A : vector<2048x64xi1>, vector<2048x64xi32>
    %ge3A_17 = arith.constant 16 : i32
    %ge3A_18 = vector.broadcast %ge3A_17 : i32 to vector<2048x64xi32>
    %ge3A_19 = arith.cmpi sge, %sub3A, %ge3A_18 : vector<2048x64xi32>
    %lt3A_20 = arith.constant 32 : i32
    %lt3A_21 = vector.broadcast %lt3A_20 : i32 to vector<2048x64xi32>
    %lt3A_22 = arith.cmpi slt, %sub3A, %lt3A_21 : vector<2048x64xi32>
    %and3A_23 = arith.andi %ge3A_19, %lt3A_22 : vector<2048x64xi1>
    %sub3A_24 = arith.constant 16 : i32
    %sub3A_25 = vector.broadcast %sub3A_24 : i32 to vector<2048x64xi32>
    %sub3A_26 = arith.subi %sub3A, %sub3A_25 : vector<2048x64xi32>
    %jit3A_27 = arith.constant 0 : i32
    %jit3A_28 = arith.constant 15 : i32
    %max3A_29 = vector.broadcast %jit3A_27 : i32 to vector<2048x64xi32>
    %max3A_30 = arith.maxsi %max3A_29, %sub3A_26 : vector<2048x64xi32>
    %min3A_31 = vector.broadcast %jit3A_28 : i32 to vector<2048x64xi32>
    %min3A_32 = arith.minsi %min3A_31, %max3A_30 : vector<2048x64xi32>
    %shift_left3A_33 = arith.constant 1 : i32
    %shift_left3A_34 = vector.broadcast %shift_left3A_33 : i32 to vector<2048x64xi32>
    %shift_left3A_35 = arith.shli %shift_left3A_34, %min3A_32 : vector<2048x64xi32>
    %jit3A_36 = arith.constant 0 : i32
    %broadcast_in_dim3A_37 = vector.broadcast %jit3A_36 : i32 to vector<2048x64xi32>
    %select_n3A_38 = arith.select %and3A_23, %shift_left3A_35, %broadcast_in_dim3A_37 : vector<2048x64xi1>, vector<2048x64xi32>
    %convert_element_type3A_39 = arith.sitofp %select_n3A : vector<2048x64xi32> to vector<2048x64xf32>
    %dot_general3A = arith.constant dense<0.000000e+00> : vector<256x64xf32>
    %dot_general3A_40 = tpu.matmul %convert_element_type3A, %convert_element_type3A_39, %dot_general3A {dimension_numbers = #tpu.dot_dimension_numbers<[1], [0], [0], [1], [0, 0, 1, 1], [], []>, transpose_lhs_hint = false} : vector<256x2048xf32>, vector<2048x64xf32>, vector<256x64xf32> -> vector<256x64xf32>
    %convert_element_type3A_41 = arith.fptosi %dot_general3A_40 : vector<256x64xf32> to vector<256x64xi32>
    %convert_element_type3A_42 = arith.sitofp %select_n3A_38 : vector<2048x64xi32> to vector<2048x64xf32>
    %dot_general3A_43 = arith.constant dense<0.000000e+00> : vector<256x64xf32>
    %dot_general3A_44 = tpu.matmul %convert_element_type3A, %convert_element_type3A_42, %dot_general3A_43 {dimension_numbers = #tpu.dot_dimension_numbers<[1], [0], [0], [1], [0, 0, 1, 1], [], []>, transpose_lhs_hint = false} : vector<256x2048xf32>, vector<2048x64xf32>, vector<256x64xf32> -> vector<256x64xf32>
    %convert_element_type3A_45 = arith.fptosi %dot_general3A_44 : vector<256x64xf32> to vector<256x64xi32>
    %shift_left3A_46 = arith.constant 16 : i32
    %shift_left3A_47 = vector.broadcast %shift_left3A_46 : i32 to vector<256x64xi32>
    %shift_left3A_48 = arith.shli %convert_element_type3A_45, %shift_left3A_47 : vector<256x64xi32>
    %or3A = arith.ori %convert_element_type3A_41, %shift_left3A_48 : vector<256x64xi32>
    %swap3A = arith.constant 0 : index
    %swap3A_49 = arith.constant 0 : index
    %swap3A_50 = arith.constant 0 : index
    %swap3A_51 = vector.load %arg2[%swap3A, %swap3A_49, %swap3A_50] : memref<1x256x64xi32, #tpu.memory_space<vmem>>, vector<1x256x64xi32>
    %swap3A_52 = vector.shape_cast %swap3A_51 : vector<1x256x64xi32> to vector<256x64xi32>
    %swap3A_53 = vector.shape_cast %or3A : vector<256x64xi32> to vector<1x256x64xi32>
    tpu.vector_store %arg2[%swap3A, %swap3A_49, %swap3A_50], %swap3A_53 {strides = array<i32>} : memref<1x256x64xi32, #tpu.memory_space<vmem>>, vector<1x256x64xi32>,
    return
  }
  func.func @transform_0(%arg0: i32) -> (i32, i32, i32) {
    %c0_i32 = arith.constant 0 : i32
    %c0_i32_0 = arith.constant 0 : i32
    %c0_i32_1 = arith.constant 0 : i32
    return %arg0, %c0_i32, %c0_i32_0 : i32, i32, i32
  }
  func.func @transform_1(%arg0: i32) -> (i32, i32, i32) {
    %c0_i32 = arith.constant 0 : i32
    %c0_i32_0 = arith.constant 0 : i32
    %c0_i32_1 = arith.constant 0 : i32
    return %arg0, %c0_i32, %c0_i32_0 : i32, i32, i32
  }
}

</mosaic_0001>

<sc_bundles>
// kernel: kernel.5.cloned.1.call-start
scs
__scs_entry_jumppad:
0x0: {  	(pc) =	sbr.rel $0x88, $3  }
0x1: {  	(tag) =	ssettag $0x0;
	lr =	simm.s32 $0x1  }
0x2: {  	[smem:$0x3F9D] =	sst lr;
	_ =	strace $0xD0000000  }
0x3: {  	_ = 	snop  }
0x4: {  	_ = 	snop  }
0x5: {  	_ = 	snop  }
0x6: {  	_ = 	snop  }
0x7: {  	_ = 	snop  }
__scs_overlays_trampoline_lowered:
0x8: {  	[smem:$0x3FAC] =	sst s0  }
0x9: {  	[smem:$0x3FAD] =	sst s1  }
0xa: {  	[smem:$0x3FAE] =	sst s2  }
0xb: {  	[smem:$0x3FAF] =	sst s3  }
0xc: {  	[smem:$0x3FB0] =	sst s4  }
0xd: {  	[smem:$0x3FB1] =	sst s5  }
0xe: {  	[smem:$0x3FB2] =	sst s6  }
0xf: {  	[smem:$0x3FB3] =	sst s7  }
0x10: {  	[smem:$0x3FB4] =	sst s8  }
0x11: {  	[smem:$0x3FB5] =	sst s9;
	s0 =	simm.s32 @!p0 $0x0  }
0x12: {  	s1 =	sld [smem:$0x3F9B];
	s0 =	simm.s32 @p0 $0x1  }
0x13: {  	[smem:$0x3FB6] =	sst s0;
	s0 =	simm.s32 @!p1 $0x0  }
0x14: {  	s2 =	sld [smem:$0x3F9A];
	s0 =	simm.s32 @p1 $0x1  }
0x15: {  	[smem:$0x3FB7] =	sst s0;
	s0 =	simm.s32 @!p2 $0x0  }
0x16: {  	s3 =	sld [smem:$0x3FDB];
	s0 =	simm.s32 @p2 $0x1  }
0x17: {  	s4 =	simm.s32 $0x1BF5;
	[smem:$0x3FB9] =	sst s0  }
0x18: {  	s0 =	sld [smem:$0x3F9C];
	_ =	swait.ge [sflag:s4], $0x0  }
0x19: {  	s7 =	sld [smem:$0x3F9D]  }
0x1a: {  	s8 =	sadd.s32 $0xFFFFE003, lr  }
0x1b: {  	s9 =	sadd.s32 $0xFFFFFEF7, lr;
	s5 =	simm.s32 $0xFFFFFFFF;
	p2 =	slt.u32 s8, $0xFFFFF086  }
0x1c: {  	p1 =	slt.u32 s9, $0xF7A;
	s5 =	simm.s32 @!p2 $0x0  }
0x1d: {  	s5 =	simm.s32 @p1 $0x1;
	p0 =	seq.s32 s7, s2  }
0x1e: {  	s7 =	smul.u32 @!p0 $0xF7A, s2;
	p2 =	seq.s32 @!p0 s5, $0x0  }
0x1f: {  	s9 =	smul.u32 $0xF7A, s1;
	s8 =	simm.s32 @!p0 $0x1BF5;
	p2 =	por !p2, p0  }
0x20: {  	[sflag:s8] =	ssyncset.s32 @!p0 $0xFFFFF086;
	s6 =	sadd.s32 @!p0 s3, s7;
	s7 =	simm.s32 @!p0 $0x108  }
0x21: {  	s3 =	sadd.s32 s3, s9;
	s6 =	sadd.s32 @!p0 $0x88, s6;
	s7 =	simm.s32 @p2 $0x1082  }
0x22: {  	[simem:s7], [sflag:s8] =	dma.local @!p0 [hbm:s6], $0xF7A  }
0x23: {  	s9 =	sor.u32 $0xD0000000, s2;
	s6 =	simm.s32 $0x108;
	_ =	swait.ge @!p0 [sflag:s8], $0x0  }
0x24: {  	s3 =	sadd.s32 $0x88, s3;
	s6 =	simm.s32 @!p1 $0x1082;
	[sflag:s4] =	ssyncset.s32 $0xFFFFF086  }
0x25: {  	[simem:s6], [sflag:s4] =	dma.local [hbm:s3], $0xF7A  }
0x26: {  	[smem:$0x3F9D] =	sst s1;
	(tag) =	ssettag s2;
	_ =	strace s9  }
0x27: {  	s1 =	sld [smem:$0x3FAD]  }
0x28: {  	s2 =	sld [smem:$0x3FAE]  }
0x29: {  	s4 =	sld [smem:$0x3FB0]  }
0x2a: {  	p0 =	seq.s32 s5, $0x0;
	s5 =	sld [smem:$0x3FB1]  }
0x2b: {  	s6 =	sld [smem:$0x3FB2]  }
0x2c: {  	s7 =	sld [smem:$0x3FB3]  }
0x2d: {  	s3 =	simm.s32 $0x108;
	s8 =	sld [smem:$0x3FB4]  }
0x2e: {  	s3 =	simm.s32 @!p0 $0x1082;
	s9 =	sld [smem:$0x3FB5]  }
0x2f: {  	lr =	sadd.s32 s0, s3;
	s0 =	sld [smem:$0x3FAC]  }
0x30: {  	s3 =	sld [smem:$0x3FAF]  }
0x31: {  	[smem:$0x3FB8] =	sst s10  }
0x32: {  	s10 =	sld [smem:$0x3FB6];
	_ =	sdelay $0x3  }
0x33: {  	p0 =	seq.s32 s10, $0x1;
	s10 =	sld [smem:$0x3FB8];
	_ =	sdelay $0x3  }
0x34: {  	[smem:$0x3FB8] =	sst s10  }
0x35: {  	s10 =	sld [smem:$0x3FB7];
	_ =	sdelay $0x3  }
0x36: {  	p1 =	seq.s32 s10, $0x1;
	s10 =	sld [smem:$0x3FB8];
	_ =	sdelay $0x3  }
0x37: {  	[smem:$0x3FB8] =	sst s10  }
0x38: {  	s10 =	sld [smem:$0x3FB9]  }
0x39: {  	_ = 	snop;
	(pc) =	sbr.ind lr, $3  }
0x3a: {  	_ = 	snop  }
0x3b: {  	_ = 	snop  }
0x3c: {  	p2 =	seq.s32 s10, $0x1;
	s10 =	sld [smem:$0x3FB8]  }
0x3d: {  	_ =	shalt  }
0x3e: {  	_ =	shalt  }
0x3f: {  	_ =	shalt  }
0x40: {  	_ =	shalt  }
0x41: {  	_ =	shalt  }
0x42: {  	_ =	shalt  }
0x43: {  	_ =	shalt  }
0x44: {  	_ =	shalt  }
0x45: {  	_ =	shalt  }
0x46: {  	_ =	shalt  }
0x47: {  	_ =	shalt  }
0x48: {  	_ =	shalt  }
0x49: {  	_ =	shalt  }
0x4a: {  	_ =	shalt  }
0x4b: {  	_ =	shalt  }
0x4c: {  	_ =	shalt  }
0x4d: {  	_ =	shalt  }
0x4e: {  	_ =	shalt  }
0x4f: {  	_ =	shalt  }
0x50: {  	_ =	shalt  }
0x51: {  	_ =	shalt  }
0x52: {  	_ =	shalt  }
0x53: {  	_ =	shalt  }
0x54: {  	_ =	shalt  }
0x55: {  	_ =	shalt  }
0x56: {  	_ =	shalt  }
0x57: {  	_ =	shalt  }
0x58: {  	_ =	shalt  }
0x59: {  	_ =	shalt  }
0x5a: {  	_ =	shalt  }
0x5b: {  	_ =	shalt  }
0x5c: {  	_ =	shalt  }
0x5d: {  	_ =	shalt  }
0x5e: {  	_ =	shalt  }
0x5f: {  	_ =	shalt  }
0x60: {  	_ =	shalt  }
0x61: {  	_ =	shalt  }
0x62: {  	_ =	shalt  }
0x63: {  	_ =	shalt  }
0x64: {  	_ =	shalt  }
0x65: {  	_ =	shalt  }
0x66: {  	_ =	shalt  }
0x67: {  	_ =	shalt  }
0x68: {  	_ =	shalt  }
0x69: {  	_ =	shalt  }
0x6a: {  	_ =	shalt  }
0x6b: {  	_ =	shalt  }
0x6c: {  	_ =	shalt  }
0x6d: {  	_ =	shalt  }
0x6e: {  	_ =	shalt  }
0x6f: {  	_ =	shalt  }
0x70: {  	_ =	shalt  }
0x71: {  	_ =	shalt  }
0x72: {  	_ =	shalt  }
0x73: {  	_ =	shalt  }
0x74: {  	_ =	shalt  }
0x75: {  	_ =	shalt  }
0x76: {  	_ =	shalt  }
0x77: {  	_ =	shalt  }
0x78: {  	_ =	shalt  }
0x79: {  	_ =	shalt  }
0x7a: {  	_ =	shalt  }
0x7b: {  	_ =	shalt  }
0x7c: {  	_ =	shalt  }
0x7d: {  	_ =	shalt  }
0x7e: {  	_ =	shalt  }
0x7f: {  	_ =	shalt  }
0x80: {  	_ =	shalt  }
0x81: {  	_ =	shalt  }
0x82: {  	_ =	shalt  }
0x83: {  	_ =	shalt  }
0x84: {  	_ =	shalt  }
0x85: {  	_ =	shalt  }
0x86: {  	_ =	shalt  }
0x87: {  	_ =	shalt  }
.Lfunc_end0:
.L_simem_size_0:
called_computation_lowered:
.L_overlay_start_0:
0x88: {  	s2 =	sld [smem:$0x3FD9]  }
0x89: {  	s3 =	sld [smem:$0x3FFE];
	_ =	sdelay $0x1  }
0x8a: {  	s1 =	srdreg.scid  }
0x8b: {  	s0 =	sand.u32 $0x1, s1  }
0x8c: {  	s17 =	sshll.u32 s0, $0xA;
	s2 =	sadd.s32 s3, s2  }
0x8d: {  	s2 =	sadd.s32 s2, s17  }
0x8e: {  	[smem:$0x3FC4] =	sst s2  }
0x8f: {  	_ = 	snop  }
0x90: {  	s2 =	sld [smem:$0x3FD0];
	(tm) =	ssettm $0x1  }
0x91: {  	s18 =	sld [smem:$0x3FFB];
	_ =	sdelay $0x3  }
0x92: {  	_ =	strace s18  }
0x93: {  	s3 =	sld [smem:$0x3FFC];
	_ =	sdelay $0x3  }
0x94: {  	_ =	strace s3  }
0x95: {  	s3 =	sld [smem:$0x3FFD];
	_ =	sdelay $0x3  }
0x96: {  	_ =	strace s3  }
0x97: {  	_ =	strace $0x8FFFFFFF  }
0x98: {  	s19 =	sld [smem:$0x3FDB];
	_ =	sdelay $0x1  }
0x99: {  	s4 =	simm.s32 $_scs_section_size  }
0x9a: {  	s5 =	simm.s32 $_size__tile_overlayer_lowered;
	s6 =	simm.s32 $_tile_overlayer_lowered  }
0x9b: {  	s22 =	simm.s32 $0x1BFF;
	s21 =	sshll.u32 s6, $0x1;
	s3 =	sadd.s32 s4, s19  }
0x9c: {  	s7 =	simm.s32 $0x0;
	s20 =	sshll.u32 s5, $0x1;
	s5 =	sadd.s32 s21, s3  }
0x9d: {  	[timem:s7], [sflag:s22] =	dma.local [hbm:s5], s20  }
0x9e: {  	_ =	swait.ge [sflag:s22], s20  }
0x9f: {  	s4 =	ssub.s32 $0x0, s20;
	[sflag:s22] =	ssyncset.done $0x0  }
0xa0: {  	[sflag:s22] =	ssyncadd.s32 s4;
	_ =	sdelay $0x1  }
0xa1: {  	s23 =	simm.s32 $0x1B8B  }
0xa2: {  	_ =	swait.ge [sflag:s23], $0x1  }
0xa3: {  	[sflag:s23] =	ssyncset.done $0x0  }
0xa4: {  	s25 =	simm.s32 $0x1B8E;
	s24 =	sld [smem:$0x3FFE];
	[sflag:s23] =	ssyncadd.s32 $0xFFFFFFFF  }
0xa5: {  	s26 =	simm.s32 $execute0_lowered;
	[smem:$0x3FD2] =	sst s25  }
0xa6: {  	s5 =	sshll.u32 s26, $0x1;
	_ =	strace $0x80000046;
	[dreg:$0x1] =	wrdreg $0xFFFFFFFF  }
0xa7: {  	s28 =	simm.s32 $_size_execute0_lowered;
	s3 =	sadd.s32 s3, s5;
	[dreg:$0x0] =	wrdreg $0x0  }
0xa8: {  	s5 =	sshll.u32 s28, $0x1;
	[dreg:$0x2] =	wrdreg s3  }
0xa9: {  	[dreg:$0x3] =	wrdreg s5  }
0xaa: {  	[dreg:$0x4] =	wrdreg $0xC0  }
0xab: {  	_ =	task [dreg:s7], $0x5FFFF  }
0xac: {  	[dreg:$0x1] =	wrdreg $0xFFFFFFFF  }
0xad: {  	[dreg:$0x0] =	wrdreg $0x60  }
0xae: {  	[dreg:$0x2] =	wrdreg s24  }
0xaf: {  	[dreg:$0x3] =	wrdreg s2  }
0xb0: {  	[dreg:$0x4] =	wrdreg $0x9  }
0xb1: {  	_ =	task.clear_ibuf [dreg:s7], $0x5FFFF;
	_ =	strace $0x90000046  }
0xb2: {  	s29 =	simm.s32 $0x9;
	_ =	strace $0x80000048  }
0xb3: {  	_ =	swait.ge [sflag:s29], $0x1  }
0xb4: {  	[sflag:s29] =	ssyncadd.s32 $0xFFFFFFFF  }
0xb5: {  	_ =	strace $0x90000048  }
0xb6: {  	_ =	sfence  }
0xb7: {  	s30 =	sld [smem:$0x0];
	_ =	sdelay $0x2  }
0xb8: {  	s31 =	sshll.u32 s1, $0xD;
	s1 =	sshrl.u32 s1, $0x2  }
0xb9: {  	s3 =	sand.u32 $0x4000, s31;
	s1 =	sadd.s32 s1, s30  }
0xba: {  	s0 =	sor.u32 s3, s0;
	s1 =	sshll.u32 s1, $0x11  }
0xbb: {  	s0 =	sor.u32 s1, s0  }
0xbc: {  	s0 =	sadd.s32 $0x8F2B, s0  }
0xbd: {  	[sflag:s0] =	ssyncadd.remote.s32 $0x1  }
0xbe: {  	_ =	sfence.sel $0xFFFF  }
0xbf: {  	[dreg:$0x0] =	wrdreg $0xFFFFFFFF;
	(pc) =	sbr.abs _section_cstart, $3  }
0xc0: {  	[dreg:$0x1] =	wrdreg $0xFFFFFFFF  }
0xc1: {  	_ =	task.clear_ibuf [dreg:s7], $0x2FFFF;
	_ =	strace $0x9FFFFFFF  }
0xc2: {  	(tm) =	ssettm $0x7FFFFFFF  }
0xc3: {  	_ =	shalt  }
tec
execute0_lowered:
.L_overlay_start_1:
0x0: {  	(tag) =	ssettag $0x1  }
0x1: {  	s5 =	rddreg [dreg:$0x0]  }
0x2: {  	s2 =	rddreg [dreg:$0x1]  }
0x3: {  	s0 =	rddreg [dreg:$0x2];
	s3 =	simm.s32 $0x0;
	s4 =	srdreg.scid  }
0x4: {  	s1 =	stileid.u32;
	s14 =	simm.s32 $0x19000;
	s15 =	simm.s32 $0x18000  }
0x5: {  	s16 =	simm.s32 $0x19040;
	s17 =	simm.s32 $0x19140;
	s18 =	simm.s32 $0x19240  }
0x6: {  	s19 =	simm.s32 $0x19340;
	s20 =	simm.s32 $0x19440;
	s21 =	simm.s32 $0x0  }
0x7: {  	[smem:$0x7FF] =	sst s3;
	s6 =	sand.u32 $0x1, s4;
	s28 =	sshll.u32 s1, $0x1  }
0x8: {  	s4 =	sadd.s32 $0x800, s5;
	s8 =	sadd.s32 $0x30800, s5;
	s10 =	sadd.s32 $0x10800, s5  }
0x9: {  	_ =	strace $0x80000047;
	s7 =	sor.u32 s6, s28;
	s29 =	ssub.s32 $0x2, s6  }
0xa: {  	s9 =	sshll.u32 s7, $0x8;
	s6 =	sshrl.u32 s29, $0x1;
	s11 =	sshll.u32 s7, $0xC  }
0xb: {  	v1 =	vlaneseq.u32;
	s12 =	sshllo.u32 s7, $0x1;
	s7 =	sshll.u32 s7, $0xA;
	s9 =	sadd.s32 s9, s5  }
0xc: {  	v0 =	vand.u32 $0x1, v1;
	s13 =	ssub.s32 s29, s6;
	s5 =	sadd.s32 s10, s11;
	s30 =	sshll.u32 s12, $0xB  }
0xd: {  	v2 =	vshrl.u32 v1, $0x1;
	v3 =	vshrl.u32 v1, $0x2;
	v4 =	vshrl.u32 v1, $0x3;
	s31 =	sshll.u32 s12, $0x9;
	s7 =	sadd.s32 s8, s7;
	s11 =	simm.s32 $0x10000  }
0xe: {  	v0 =	vmul.u32 $0xFFFFFFFF, v0;
	v2 =	vand.u32 $0x1, v2;
	v3 =	vand.u32 $0x1, v3;
	s12 =	simm.s32 $0x1;
	s6 =	sadd.s32 s10, s30;
	s8 =	sadd.s32 s8, s31  }
0xf: {  	v1 =	vmul.u32 $0xFFFFFFFF, v2;
	v2 =	vmul.u32 $0xFFFFFFFF, v3;
	v3 =	vmul.u32 $0xFFFFFFFF, v4;
	s9 =	sadd.s32 $0x38800, s9;
	s10 =	smax.u32 s13, $0x1;
	s13 =	simm.s32 $0x14000  }
.LBB2_1:
0x10: {  	[tilespmem:s11], [sflag:$0x1] =	stream.linear.gather [hbm4b:s5+s3], $0x4000, $0x38;
	[tilespmem:$0x19C40] =	vst v63  }
0x11: {  	_ =	swait.ge [sflag:s12], $0x4000  }
0x12: {  	[sflag:s12] =	ssyncset.done $0x0  }
0x13: {  	[sflag:s12] =	ssyncadd.s32 $0xFFFFC000  }
0x14: {  	[tilespmem:s13], [sflag:$0x1] =	stream.linear.gather [hbm4b:s6+s3], $0x4000, $0x38;
	[tilespmem:$0x19C40] =	vst v63  }
0x15: {  	_ =	swait.ge [sflag:s12], $0x4000  }
0x16: {  	[sflag:s12] =	ssyncset.done $0x0  }
0x17: {  	[sflag:s12] =	ssyncadd.s32 $0xFFFFC000  }
0x18: {  	[tilespmem:s14], [sflag:$0x1] =	stream.linear.gather [hbm4b:s2+s3], $0x40, $0x38;
	[tilespmem:$0x19C40] =	vst v63  }
0x19: {  	_ =	swait.ge [sflag:s12], $0x40  }
0x1a: {  	[sflag:s12] =	ssyncset.done $0x0  }
0x1b: {  	[sflag:s12] =	ssyncadd.s32 $0xFFFFFFC0  }
0x1c: {  	v4 =	vld [tilespmem:$0x19010]  }
0x1d: {  	v5 =	vld [tilespmem:$0x19000];
	_ =	sdelay $0x3  }
0x1e: {  	v4 =	vshll.u32 v4, $0x10  }
0x1f: {  	v12 =	vmov s3;
	v6 =	vor.u32 v5, v4  }
0x20: {  	v13 =	vand.u32 $0x10, v12;
	v4 =	vbroadcast v6, $0x0;
	v5 =	vbroadcast v6, $0x1  }
0x21: {  	v14 =	vand.u32 $0x40, v12;
	vm0 =	vlt.u32 v12, $0x80;
	v7 =	vbroadcast v6, $0x2  }
0x22: {  	v12 =	vand.u32 $0x20, v12;
	v4 =	vand.u32 v0, v4;
	v5 =	vand.u32 v1, v5  }
0x23: {  	v4 =	vxor.u32 v5, v4;
	v5 =	vand.u32 v2, v7;
	v7 =	vbroadcast v6, $0x3  }
0x24: {  	vm1 =	veq.s32 v13, $0x0;
	vm10 =	veq.s32 v12, $0x0;
	v11 =	vbroadcast v6, $0x7  }
0x25: {  	v9 =	vxor.u32 v5, v4;
	v10 =	vand.u32 v3, v7;
	v7 =	vbroadcast v6, $0x4  }
0x26: {  	v8 =	vbroadcast v6, $0x5;
	v13 =	vsel vm0, $0x0, v11;
	v9 =	vxor.u32 v10, v9  }
0x27: {  	v10 =	vbroadcast v6, $0x6;
	v15 =	vsel vm1, $0x0, v7;
	v12 =	vxor.u32 v13, v9  }
0x28: {  	vm11 =	veq.s32 v14, $0x0;
	v13 =	vsel vm10, $0x0, v8;
	v12 =	vxor.u32 v15, v12  }
0x29: {  	s22 =	simm.s32 $0x10;
	v14 =	vsel vm11, $0x0, v10;
	v12 =	vxor.u32 v13, v12  }
0x2a: {  	v13 =	vmov s22;
	v12 =	vxor.u32 v14, v12  }
0x2b: {  	v14 =	vand.u32 $0x10, v13;
	v15 =	vand.u32 $0x40, v13;
	vm12 =	vlt.u32 v13, $0x80  }
0x2c: {  	v13 =	vand.u32 $0x20, v13;
	vm13 =	veq.s32 v14, $0x0;
	v14 =	vsel vm12, $0x0, v11  }
0x2d: {  	vm14 =	veq.s32 v13, $0x0;
	v13 =	vsel vm13, $0x0, v7;
	v14 =	vxor.u32 v14, v9  }
0x2e: {  	v4 =	vld [tilespmem:$0x19020];
	vm15 =	veq.s32 v15, $0x0;
	v15 =	vsel vm14, $0x0, v8;
	v13 =	vxor.u32 v13, v14  }
0x2f: {  	s23 =	simm.s32 $0x19040;
	v5 =	vld [tilespmem:$0x19030];
	s22 =	simm.s32 $0x20;
	[tilespmem:s16+$0x0] =	vst v12;
	v12 =	vsel vm15, $0x0, v10;
	v13 =	vxor.u32 v15, v13  }
.LBB2_2:
0x30: {  	v14 =	vmov s22;
	p0 =	seq.s32 s22, $0xF0;
	s22 =	sadd.s32 $0x10, s22;
	v12 =	vxor.u32 v12, v13;
	s23 =	sadd.s32 $0x10, s23  }
.Ltmp0:
0x31: {  	v13 =	vand.u32 $0x10, v14;
	v15 =	vand.u32 $0x40, v14;
	vm0 =	vlt.u32 v14, $0x80;
	[tilespmem:s23+$0x0] =	vst v12;
	(pc) =	sbr.rel @!p0 .LBB2_2-.Ltmp0, $4  }
0x32: {  	v12 =	vand.u32 $0x20, v14;
	vm1 =	veq.s32 v13, $0x0;
	v13 =	vsel vm0, $0x0, v11  }
0x33: {  	vm0 =	veq.s32 v12, $0x0;
	v14 =	vsel vm1, $0x0, v7;
	v12 =	vxor.u32 v13, v9  }
0x34: {  	v13 =	vsel vm0, $0x0, v8;
	vm0 =	veq.s32 v15, $0x0;
	v14 =	vxor.u32 v14, v12  }
0x35: {  	v12 =	vsel vm0, $0x0, v10;
	v13 =	vxor.u32 v13, v14  }
0x36: {  	v7 =	vxor.u32 v12, v13;
	s22 =	sadd.s32 $0x10, s23  }
0x37: {  	v8 =	vbroadcast v6, $0x9;
	[tilespmem:s22+$0x0] =	vst v7;
	v7 =	vbroadcast v6, $0x8  }
0x38: {  	v9 =	vbroadcast v6, $0xA  }
0x39: {  	v8 =	vand.u32 v1, v8;
	v7 =	vand.u32 v0, v7  }
0x3a: {  	s30 =	simm.s32 $0x0;
	v7 =	vxor.u32 v8, v7;
	v8 =	vand.u32 v2, v9;
	v9 =	vbroadcast v6, $0xB  }
0x3b: {  	v11 =	vmov s30;
	v10 =	vxor.u32 v8, v7  }
0x3c: {  	v7 =	vbroadcast v6, $0xC;
	v8 =	vbroadcast v6, $0xD;
	v9 =	vand.u32 v3, v9  }
0x3d: {  	v9 =	vxor.u32 v9, v10;
	v10 =	vbroadcast v6, $0xE;
	v6 =	vbroadcast v6, $0xF  }
0x3e: {  	v12 =	vand.u32 $0x10, v11;
	v13 =	vand.u32 $0x40, v11;
	vm0 =	vlt.u32 v11, $0x80  }
0x3f: {  	v11 =	vand.u32 $0x20, v11;
	vm1 =	veq.s32 v12, $0x0;
	v12 =	vsel vm0, $0x0, v6  }
0x40: {  	vm10 =	veq.s32 v11, $0x0;
	v14 =	vsel vm1, $0x0, v7;
	v11 =	vxor.u32 v12, v9  }
0x41: {  	vm11 =	veq.s32 v13, $0x0;
	v12 =	vsel vm10, $0x0, v8;
	v11 =	vxor.u32 v14, v11  }
0x42: {  	s31 =	simm.s32 $0x10;
	v13 =	vsel vm11, $0x0, v10;
	v11 =	vxor.u32 v12, v11  }
0x43: {  	v12 =	vmov s31;
	v11 =	vxor.u32 v13, v11  }
0x44: {  	v13 =	vand.u32 $0x10, v12;
	v14 =	vand.u32 $0x40, v12;
	vm12 =	vlt.u32 v12, $0x80  }
0x45: {  	v12 =	vand.u32 $0x20, v12;
	vm13 =	veq.s32 v13, $0x0;
	v13 =	vsel vm12, $0x0, v6  }
0x46: {  	vm14 =	veq.s32 v12, $0x0;
	v12 =	vsel vm13, $0x0, v7;
	v13 =	vxor.u32 v13, v9  }
0x47: {  	s22 =	simm.s32 $0x19140;
	vm15 =	veq.s32 v14, $0x0;
	v14 =	vsel vm14, $0x0, v8;
	v12 =	vxor.u32 v12, v13  }
0x48: {  	s23 =	simm.s32 $0x20;
	[tilespmem:s22+$0x0] =	vst v11;
	v11 =	vsel vm15, $0x0, v10;
	v12 =	vxor.u32 v14, v12  }
.LBB2_4:
0x49: {  	v13 =	vmov s23;
	p0 =	seq.s32 s23, $0xF0;
	s23 =	sadd.s32 $0x10, s23;
	v11 =	vxor.u32 v11, v12;
	s22 =	sadd.s32 $0x10, s22  }
.Ltmp1:
0x4a: {  	v12 =	vand.u32 $0x10, v13;
	v14 =	vand.u32 $0x40, v13;
	vm0 =	vlt.u32 v13, $0x80;
	[tilespmem:s22+$0x0] =	vst v11;
	(pc) =	sbr.rel @!p0 .LBB2_4-.Ltmp1, $4  }
0x4b: {  	v11 =	vand.u32 $0x20, v13;
	vm1 =	veq.s32 v12, $0x0;
	v12 =	vsel vm0, $0x0, v6  }
0x4c: {  	vm0 =	veq.s32 v11, $0x0;
	v13 =	vsel vm1, $0x0, v7;
	v11 =	vxor.u32 v12, v9  }
0x4d: {  	v12 =	vsel vm0, $0x0, v8;
	vm0 =	veq.s32 v14, $0x0;
	v13 =	vxor.u32 v13, v11  }
0x4e: {  	v11 =	vsel vm0, $0x0, v10;
	v12 =	vxor.u32 v12, v13  }
0x4f: {  	v5 =	vshll.u32 v5, $0x10  }
0x50: {  	v4 =	vor.u32 v4, v5  }
0x51: {  	v6 =	vxor.u32 v11, v12;
	s22 =	sadd.s32 $0x10, s22;
	s23 =	simm.s32 $0x0;
	v5 =	vbroadcast v4, $0x0  }
0x52: {  	[tilespmem:s22+$0x0] =	vst v6;
	v10 =	vmov s23;
	v6 =	vbroadcast v4, $0x1;
	v7 =	vbroadcast v4, $0x2  }
0x53: {  	v11 =	vand.u32 $0x10, v10;
	v59 =	vand.u32 $0x40, v10;
	vm0 =	vlt.u32 v10, $0x80  }
0x54: {  	v10 =	vand.u32 $0x20, v10;
	v5 =	vand.u32 v0, v5;
	v6 =	vand.u32 v1, v6  }
0x55: {  	v5 =	vxor.u32 v6, v5;
	v6 =	vand.u32 v2, v7;
	v7 =	vbroadcast v4, $0x3  }
0x56: {  	v9 =	vbroadcast v4, $0x7;
	vm1 =	veq.s32 v11, $0x0;
	vm10 =	veq.s32 v10, $0x0  }
0x57: {  	v8 =	vxor.u32 v6, v5;
	v5 =	vbroadcast v4, $0x4;
	v7 =	vand.u32 v3, v7  }
0x58: {  	v11 =	vsel vm0, $0x0, v9;
	v6 =	vbroadcast v4, $0x5;
	v7 =	vxor.u32 v7, v8  }
0x59: {  	v8 =	vbroadcast v4, $0x6;
	v13 =	vsel vm1, $0x0, v5;
	v10 =	vxor.u32 v11, v7  }
0x5a: {  	vm11 =	veq.s32 v59, $0x0;
	v11 =	vsel vm10, $0x0, v6;
	v10 =	vxor.u32 v13, v10  }
0x5b: {  	s31 =	simm.s32 $0x10;
	v12 =	vsel vm11, $0x0, v8;
	v10 =	vxor.u32 v11, v10  }
0x5c: {  	v11 =	vmov s31;
	v10 =	vxor.u32 v12, v10  }
0x5d: {  	v60 =	vand.u32 $0x10, v11;
	v61 =	vand.u32 $0x40, v11;
	vm12 =	vlt.u32 v11, $0x80  }
0x5e: {  	v11 =	vand.u32 $0x20, v11;
	vm13 =	veq.s32 v60, $0x0;
	v62 =	vsel vm12, $0x0, v9  }
0x5f: {  	vm14 =	veq.s32 v11, $0x0;
	v11 =	vsel vm13, $0x0, v5;
	v12 =	vxor.u32 v62, v7  }
0x60: {  	s22 =	simm.s32 $0x19240;
	vm15 =	veq.s32 v61, $0x0;
	v63 =	vsel vm14, $0x0, v6;
	v11 =	vxor.u32 v11, v12  }
0x61: {  	s23 =	simm.s32 $0x20;
	[tilespmem:s22+$0x0] =	vst v10;
	v10 =	vsel vm15, $0x0, v8;
	v11 =	vxor.u32 v63, v11  }
.LBB2_6:
0x62: {  	v12 =	vmov s23;
	p0 =	seq.s32 s23, $0xF0;
	s23 =	sadd.s32 $0x10, s23;
	v10 =	vxor.u32 v10, v11;
	s22 =	sadd.s32 $0x10, s22  }
.Ltmp2:
0x63: {  	v11 =	vand.u32 $0x10, v12;
	v13 =	vand.u32 $0x40, v12;
	vm0 =	vlt.u32 v12, $0x80;
	[tilespmem:s22+$0x0] =	vst v10;
	(pc) =	sbr.rel @!p0 .LBB2_6-.Ltmp2, $4  }
0x64: {  	v10 =	vand.u32 $0x20, v12;
	vm1 =	veq.s32 v11, $0x0;
	v11 =	vsel vm0, $0x0, v9  }
0x65: {  	vm0 =	veq.s32 v10, $0x0;
	v12 =	vsel vm1, $0x0, v5;
	v10 =	vxor.u32 v11, v7  }
0x66: {  	v11 =	vsel vm0, $0x0, v6;
	vm0 =	veq.s32 v13, $0x0;
	v12 =	vxor.u32 v12, v10  }
0x67: {  	v10 =	vsel vm0, $0x0, v8;
	v11 =	vxor.u32 v11, v12  }
0x68: {  	v5 =	vxor.u32 v10, v11;
	s22 =	sadd.s32 $0x10, s22  }
0x69: {  	v6 =	vbroadcast v4, $0x9;
	[tilespmem:s22+$0x0] =	vst v5;
	v5 =	vbroadcast v4, $0x8  }
0x6a: {  	v7 =	vbroadcast v4, $0xA  }
0x6b: {  	v6 =	vand.u32 v1, v6;
	v5 =	vand.u32 v0, v5  }
0x6c: {  	s22 =	simm.s32 $0x0;
	v5 =	vxor.u32 v6, v5;
	v6 =	vand.u32 v2, v7;
	v7 =	vbroadcast v4, $0xB  }
0x6d: {  	v9 =	vmov s22;
	v8 =	vxor.u32 v6, v5  }
0x6e: {  	v5 =	vbroadcast v4, $0xC;
	v6 =	vbroadcast v4, $0xD;
	v7 =	vand.u32 v3, v7  }
0x6f: {  	v7 =	vxor.u32 v7, v8;
	v8 =	vbroadcast v4, $0xE;
	v4 =	vbroadcast v4, $0xF  }
0x70: {  	v10 =	vand.u32 $0x10, v9;
	v11 =	vand.u32 $0x40, v9;
	vm0 =	vlt.u32 v9, $0x80  }
0x71: {  	v9 =	vand.u32 $0x20, v9;
	vm1 =	veq.s32 v10, $0x0;
	v10 =	vsel vm0, $0x0, v4  }
0x72: {  	vm10 =	veq.s32 v9, $0x0;
	v12 =	vsel vm1, $0x0, v5;
	v9 =	vxor.u32 v10, v7  }
0x73: {  	vm11 =	veq.s32 v11, $0x0;
	v10 =	vsel vm10, $0x0, v6;
	v9 =	vxor.u32 v12, v9  }
0x74: {  	s24 =	simm.s32 $0x10;
	v11 =	vsel vm11, $0x0, v8;
	v9 =	vxor.u32 v10, v9  }
0x75: {  	v10 =	vmov s24;
	v9 =	vxor.u32 v11, v9  }
0x76: {  	v11 =	vand.u32 $0x10, v10;
	v62 =	vand.u32 $0x40, v10;
	vm12 =	vlt.u32 v10, $0x80  }
0x77: {  	v10 =	vand.u32 $0x20, v10;
	vm13 =	veq.s32 v11, $0x0;
	v11 =	vsel vm12, $0x0, v4  }
0x78: {  	vm14 =	veq.s32 v10, $0x0;
	v10 =	vsel vm13, $0x0, v5;
	v11 =	vxor.u32 v11, v7  }
0x79: {  	s23 =	simm.s32 $0x19340;
	vm15 =	veq.s32 v62, $0x0;
	v63 =	vsel vm14, $0x0, v6;
	v10 =	vxor.u32 v10, v11  }
0x7a: {  	s24 =	simm.s32 $0x20;
	[tilespmem:s23+$0x0] =	vst v9;
	v9 =	vsel vm15, $0x0, v8;
	v10 =	vxor.u32 v63, v10  }
.LBB2_8:
0x7b: {  	v11 =	vmov s24;
	p0 =	sne.s32 s24, $0xF0;
	s24 =	sadd.s32 $0x10, s24;
	v9 =	vxor.u32 v9, v10;
	s23 =	sadd.s32 $0x10, s23  }
.Ltmp3:
0x7c: {  	v10 =	vand.u32 $0x10, v11;
	v12 =	vand.u32 $0x40, v11;
	vm0 =	vlt.u32 v11, $0x80;
	[tilespmem:s23+$0x0] =	vst v9;
	(pc) =	sbr.rel @p0 .LBB2_8-.Ltmp3, $4  }
0x7d: {  	v9 =	vand.u32 $0x20, v11;
	vm1 =	veq.s32 v10, $0x0;
	v10 =	vsel vm0, $0x0, v4  }
0x7e: {  	vm0 =	veq.s32 v9, $0x0;
	v11 =	vsel vm1, $0x0, v5;
	v9 =	vxor.u32 v10, v7  }
0x7f: {  	v10 =	vsel vm0, $0x0, v6;
	vm0 =	veq.s32 v12, $0x0;
	v11 =	vxor.u32 v11, v9  }
0x80: {  	v9 =	vsel vm0, $0x0, v8;
	v10 =	vxor.u32 v10, v11  }
0x81: {  	v4 =	vxor.u32 v9, v10;
	s23 =	sadd.s32 $0x10, s23  }
0x82: {  	[tilespmem:s23+$0x0] =	vst v4  }
.LBB2_10:
0x83: {  	s23 =	sshll.u32 s22, $0xD  }
0x84: {  	s24 =	sadd.s32 s4, s23;
	s23 =	simm.s32 $0x0  }
0x85: {  	[tilespmem:s23], [sflag:$0x1] =	stream.linear.gather [hbm4b:s24+s23], $0x10000, $0x38;
	[tilespmem:$0x19C40] =	vst v63  }
0x86: {  	_ =	swait.ge [sflag:s12], $0x10000  }
0x87: {  	[sflag:s12] =	ssyncset.done $0x0  }
0x88: {  	[sflag:s12] =	ssyncadd.s32 $0xFFFF0000  }
0x89: {  	[tilespmem:s15], [sflag:$0x1] =	stream.linear.gather [hbm4b:s7+s23], $0x1000, $0x38;
	[tilespmem:$0x19C40] =	vst v63  }
0x8a: {  	_ =	swait.ge [sflag:s12], $0x1000  }
0x8b: {  	[sflag:s12] =	ssyncset.done $0x0  }
0x8c: {  	s28 =	simm.s32 $0x0;
	[sflag:s12] =	ssyncadd.s32 $0xFFFFF000  }
0x8d: {  	v4 =	vld [tilespmem:s28+$0x18000];
	_ =	sdelay $0x4  }
0x8e: {  	v4 =	vshll.u32 v4, $0x6  }
0x8f: {  	v4 =	vshra.s32 v4, $0x2  }
0x90: {  	(v2sf) =	vpush v4, $0x0  }
0x91: {  	(v2sf) =	vpush v4, $0x4  }
0x92: {  	(v2sf) =	vpush v4, $0x8  }
0x93: {  	(v2sf) =	vpush v4, $0xC  }
0x94: {  	(v2sf) =	vpush v4, $0x1  }
0x95: {  	(v2sf) =	vpush v4, $0x5  }
0x96: {  	(v2sf) =	vpush v4, $0x9  }
0x97: {  	(v2sf) =	vpush v4, $0xD;
	_ =	sdelay $0x1  }
0x98: {  	(v2sf) =	vpush v4, $0x2  }
0x99: {  	(v2sf) =	vpush v4, $0x6  }
0x9a: {  	(v2sf) =	vpush v4, $0xA  }
0x9b: {  	(v2sf) =	vpush v4, $0xE  }
0x9c: {  	(v2sf) =	vpush v4, $0x3  }
0x9d: {  	(v2sf) =	vpush v4, $0x7  }
0x9e: {  	(v2sf) =	vpush v4, $0xB;
	s29 =	spop (v2sf)  }
0x9f: {  	(v2sf) =	vpush v4, $0xF;
	v4 =	vld [tilespmem:s29+$0x0];
	s30 =	spop (v2sf)  }
0xa0: {  	v5 =	vld [tilespmem:s30+$0x0];
	s31 =	spop (v2sf)  }
0xa1: {  	v6 =	vld [tilespmem:s31+$0x0];
	s25 =	spop (v2sf)  }
0xa2: {  	v7 =	vld [tilespmem:s25+$0x0];
	s26 =	spop (v2sf)  }
0xa3: {  	v8 =	vld [tilespmem:s26+$0x0];
	s28 =	spop (v2sf)  }
0xa4: {  	v9 =	vld [tilespmem:s28+$0x0];
	s29 =	spop (v2sf)  }
0xa5: {  	v10 =	vld [tilespmem:s29+$0x0];
	s30 =	spop (v2sf)  }
0xa6: {  	v5 =	vand.u32 $0x11111111, v5;
	v11 =	vld [tilespmem:s30+$0x0]  }
0xa7: {  	v4 =	vand.u32 $0x11111111, v4;
	s31 =	spop (v2sf);
	v20 =	vand.u32 $0x11111111, v6;
	v6 =	vunpack.c.l.s8.s16 v5  }
0xa8: {  	v12 =	vld [tilespmem:s31+$0x0];
	s25 =	spop (v2sf);
	v21 =	vand.u32 $0x11111111, v7;
	v7 =	vunpack.c.u.s8.s16 v20;
	v22 =	vand.u32 $0x11111111, v8  }
0xa9: {  	v13 =	vld [tilespmem:s25+$0x0];
	s26 =	spop (v2sf);
	v8 =	vunpack.c.u.s8.s16 v21;
	v23 =	vand.u32 $0x11111111, v9;
	v9 =	vunpack.c.u.s8.s16 v4  }
0xaa: {  	v14 =	vld [tilespmem:s26+$0x0];
	s28 =	spop (v2sf);
	v24 =	vand.u32 $0x11111111, v10;
	v10 =	vunpack.c.l.s8.s16 v4;
	v4 =	vunpack.c.l.s8.s16 v20  }
0xab: {  	v15 =	vld [tilespmem:s28+$0x0];
	s29 =	spop (v2sf);
	v20 =	vunpack.c.u.s8.s16 v22;
	v25 =	vand.u32 $0x11111111, v11;
	v11 =	vunpack.c.u.s8.s16 v5  }
0xac: {  	v16 =	vld [tilespmem:s29+$0x0];
	s30 =	spop (v2sf);
	v5 =	vunpack.c.l.s8.s16 v21;
	v21 =	vunpack.c.l.s8.s16 v22;
	v22 =	vunpack.c.u.s8.s16 v23  }
0xad: {  	v23 =	vunpack.c.l.s8.s16 v23;
	v27 =	vunpack.c.u.s8.s16 v24;
	v17 =	vld [tilespmem:s30+$0x0];
	s31 =	spop (v2sf);
	v12 =	vand.u32 $0x11111111, v12  }
0xae: {  	v24 =	vunpack.c.l.s8.s16 v24;
	v18 =	vld [tilespmem:s31+$0x0];
	s25 =	spop (v2sf);
	v13 =	vand.u32 $0x11111111, v13;
	v26 =	vunpack.c.u.s8.s16 v12  }
0xaf: {  	v12 =	vunpack.c.l.s8.s16 v12;
	v19 =	vld [tilespmem:s25+$0x0];
	v14 =	vand.u32 $0x11111111, v14;
	v28 =	vunpack.c.u.s8.s16 v13  }
0xb0: {  	v13 =	vunpack.c.l.s8.s16 v13;
	v15 =	vand.u32 $0x11111111, v15;
	v29 =	vunpack.c.u.s8.s16 v14  }
0xb1: {  	v14 =	vunpack.c.l.s8.s16 v14;
	v16 =	vand.u32 $0x11111111, v16;
	v30 =	vunpack.c.u.s8.s16 v15  }
0xb2: {  	v15 =	vunpack.c.l.s8.s16 v15;
	v17 =	vand.u32 $0x11111111, v17;
	v31 =	vunpack.c.u.s8.s16 v16  }
0xb3: {  	v16 =	vunpack.c.l.s8.s16 v16;
	v18 =	vand.u32 $0x11111111, v18;
	v32 =	vunpack.c.u.s8.s16 v17  }
0xb4: {  	v17 =	vunpack.c.l.s8.s16 v17;
	v19 =	vand.u32 $0x11111111, v19;
	v33 =	vunpack.c.u.s8.s16 v18  }
0xb5: {  	v18 =	vunpack.c.l.s8.s16 v18;
	v31 =	vadd.s16 v31, v31;
	v16 =	vadd.s16 v16, v16  }
0xb6: {  	v34 =	vunpack.c.u.s8.s16 v19;
	v19 =	vunpack.c.l.s8.s16 v19;
	v32 =	vadd.s16 v32, v32  }
0xb7: {  	v17 =	vadd.s16 v17, v17;
	v16 =	vpack.c.b16.b8 v31, v16;
	v33 =	vadd.s16 v33, v33  }
0xb8: {  	v18 =	vadd.s16 v18, v18;
	v17 =	vpack.c.b16.b8 v32, v17;
	v34 =	vadd.s16 v34, v34  }
0xb9: {  	v19 =	vadd.s16 v19, v19;
	v18 =	vpack.c.b16.b8 v33, v18;
	v31 =	vunpack.c.u.s8.s16 v16  }
0xba: {  	v16 =	vunpack.c.l.s8.s16 v16;
	v19 =	vpack.c.b16.b8 v34, v19;
	v32 =	vunpack.c.u.s8.s16 v17  }
0xbb: {  	v17 =	vunpack.c.l.s8.s16 v17;
	v33 =	vunpack.c.u.s8.s16 v18;
	v18 =	vunpack.c.l.s8.s16 v18  }
0xbc: {  	v26 =	vadd.s16 v31, v26;
	v12 =	vadd.s16 v16, v12;
	v31 =	vunpack.c.u.s8.s16 v19  }
0xbd: {  	v19 =	vunpack.c.l.s8.s16 v19;
	v16 =	vadd.s16 v32, v28;
	v13 =	vadd.s16 v17, v13  }
0xbe: {  	v12 =	vpack.c.b16.b8 v26, v12;
	v17 =	vadd.s16 v33, v29;
	v14 =	vadd.s16 v18, v14  }
0xbf: {  	v13 =	vpack.c.b16.b8 v16, v13;
	v16 =	vunpack.c.u.s8.s16 v25;
	v18 =	vadd.s16 v31, v30  }
0xc0: {  	v15 =	vadd.s16 v19, v15;
	v14 =	vpack.c.b16.b8 v17, v14;
	v17 =	vunpack.c.u.s8.s16 v12  }
0xc1: {  	v12 =	vunpack.c.l.s8.s16 v12;
	v15 =	vpack.c.b16.b8 v18, v15;
	v18 =	vunpack.c.u.s8.s16 v13  }
0xc2: {  	v13 =	vunpack.c.l.s8.s16 v13;
	v19 =	vunpack.c.u.s8.s16 v14;
	v14 =	vunpack.c.l.s8.s16 v14  }
0xc3: {  	v17 =	vadd.s16 v17, v17;
	v12 =	vadd.s16 v12, v12;
	v26 =	vunpack.c.u.s8.s16 v15  }
0xc4: {  	v15 =	vunpack.c.l.s8.s16 v15;
	v18 =	vadd.s16 v18, v18;
	v13 =	vadd.s16 v13, v13  }
0xc5: {  	v12 =	vpack.c.b16.b8 v17, v12;
	v17 =	vunpack.c.l.s8.s16 v25;
	v19 =	vadd.s16 v19, v19  }
0xc6: {  	v14 =	vadd.s16 v14, v14;
	v13 =	vpack.c.b16.b8 v18, v13;
	v26 =	vadd.s16 v26, v26  }
0xc7: {  	v15 =	vadd.s16 v15, v15;
	v14 =	vpack.c.b16.b8 v19, v14;
	v18 =	vunpack.c.u.s8.s16 v12  }
0xc8: {  	v12 =	vunpack.c.l.s8.s16 v12;
	v15 =	vpack.c.b16.b8 v26, v15;
	v19 =	vunpack.c.u.s8.s16 v13  }
0xc9: {  	v13 =	vunpack.c.l.s8.s16 v13;
	v25 =	vunpack.c.u.s8.s16 v14;
	v14 =	vunpack.c.l.s8.s16 v14  }
0xca: {  	v18 =	vadd.s16 v18, v20;
	v12 =	vadd.s16 v12, v21;
	v20 =	vunpack.c.u.s8.s16 v15  }
0xcb: {  	v15 =	vunpack.c.l.s8.s16 v15;
	v19 =	vadd.s16 v19, v22;
	v13 =	vadd.s16 v13, v23  }
0xcc: {  	v12 =	vpack.c.b16.b8 v18, v12;
	v18 =	vadd.s16 v25, v27;
	v14 =	vadd.s16 v14, v24  }
0xcd: {  	v13 =	vpack.c.b16.b8 v19, v13;
	v16 =	vadd.s16 v20, v16;
	v15 =	vadd.s16 v15, v17  }
0xce: {  	v17 =	vunpack.c.u.s8.s16 v12;
	v14 =	vpack.c.b16.b8 v18, v14;
	v12 =	vunpack.c.l.s8.s16 v12  }
0xcf: {  	v15 =	vpack.c.b16.b8 v16, v15;
	v16 =	vunpack.c.u.s8.s16 v13;
	v13 =	vunpack.c.l.s8.s16 v13  }
0xd0: {  	v18 =	vunpack.c.u.s8.s16 v14;
	v14 =	vunpack.c.l.s8.s16 v14;
	v17 =	vadd.s16 v17, v17  }
0xd1: {  	v12 =	vadd.s16 v12, v12;
	v19 =	vunpack.c.u.s8.s16 v15;
	v15 =	vunpack.c.l.s8.s16 v15  }
0xd2: {  	v16 =	vadd.s16 v16, v16;
	v13 =	vadd.s16 v13, v13;
	v12 =	vpack.c.b16.b8 v17, v12  }
0xd3: {  	v18 =	vadd.s16 v18, v18;
	v14 =	vadd.s16 v14, v14;
	v13 =	vpack.c.b16.b8 v16, v13  }
0xd4: {  	v17 =	vadd.s16 v19, v19;
	v14 =	vpack.c.b16.b8 v18, v14;
	v15 =	vadd.s16 v15, v15  }
0xd5: {  	v16 =	vunpack.c.u.s8.s16 v12;
	v12 =	vunpack.c.l.s8.s16 v12;
	v15 =	vpack.c.b16.b8 v17, v15  }
0xd6: {  	v17 =	vunpack.c.u.s8.s16 v13;
	v13 =	vunpack.c.l.s8.s16 v13;
	v18 =	vunpack.c.u.s8.s16 v14  }
0xd7: {  	v14 =	vunpack.c.l.s8.s16 v14;
	v9 =	vadd.s16 v16, v9;
	v10 =	vadd.s16 v12, v10  }
0xd8: {  	v19 =	vunpack.c.u.s8.s16 v15;
	v15 =	vunpack.c.l.s8.s16 v15;
	v11 =	vadd.s16 v17, v11  }
0xd9: {  	v9 =	vpack.c.b16.b8 v9, v10;
	v6 =	vadd.s16 v13, v6;
	v7 =	vadd.s16 v18, v7  }
0xda: {  	v6 =	vpack.c.b16.b8 v11, v6;
	v4 =	vadd.s16 v14, v4;
	v8 =	vadd.s16 v19, v8  }
0xdb: {  	v4 =	vpack.c.b16.b8 v7, v4;
	v5 =	vadd.s16 v15, v5;
	v7 =	vshrl.u32 v9, $0x4  }
0xdc: {  	v5 =	vpack.c.b16.b8 v8, v5;
	v8 =	vand.u32 $0xF0F0F0F, v7;
	v10 =	vand.u32 $0xF0F0F0F0, v6  }
0xdd: {  	v11 =	vshrl.u32 v9, $0x1C;
	v8 =	vor.u32 v8, v10;
	v10 =	vshrl.u32 v4, $0x4  }
0xde: {  	v12 =	vand.u32 $0xF0F0F0F, v10;
	v13 =	vand.u32 $0xF0F0F0F0, v5;
	v14 =	vshrl.u32 v8, $0x18  }
0xdf: {  	v11 =	vand.u32 $0x7, v11;
	v12 =	vor.u32 v12, v13;
	v13 =	vand.u32 $0xF8, v14  }
0xe0: {  	v14 =	vshrl.u32 v4, $0x1C;
	v11 =	vor.u32 v11, v13;
	v13 =	vshrl.u32 v12, $0x18  }
0xe1: {  	v27 =	vshrl.u32 v9, $0x8;
	v14 =	vand.u32 $0x7, v14;
	v13 =	vand.u32 $0xF8, v13  }
0xe2: {  	v29 =	vshrl.u32 v9, $0xC;
	v31 =	vshrl.u32 v9, $0x10;
	v13 =	vor.u32 v14, v13  }
0xe3: {  	v48 =	vshrl.u32 v9, $0x14;
	v35 =	vshrl.u32 v9, $0x18;
	v6 =	vshll.u32 v6, $0x4  }
0xe4: {  	v27 =	vand.u32 $0x7, v27;
	v29 =	vand.u32 $0x7, v29;
	v31 =	vand.u32 $0x7, v31  }
0xe5: {  	v33 =	vand.u32 $0x7, v48;
	v15 =	vand.u32 $0xF0F0F0F0, v6;
	v16 =	vand.u32 $0xF0F0F0F, v4;
	v19 =	vld.idx.msk [tilespmem:v11+s18+$0x0], $0xffff  }
0xe6: {  	v28 =	vshrl.u32 v4, $0x8;
	v30 =	vshrl.u32 v4, $0xC;
	v47 =	vshrl.u32 v4, $0x10;
	v11 =	vld.idx.msk [tilespmem:v11+s16+$0x0], $0xffff  }
0xe7: {  	v49 =	vshrl.u32 v4, $0x14;
	v36 =	vshrl.u32 v4, $0x18;
	v51 =	vand.u32 $0x7, v4;
	v26 =	vld.idx.msk [tilespmem:v13+s17+$0x0], $0xffff  }
0xe8: {  	v5 =	vshll.u32 v5, $0x4;
	v22 =	vshrl.u32 v8, $0x10;
	v14 =	vand.u32 $0xF0F0F0F, v9;
	v13 =	vld.idx.msk [tilespmem:v13+s19+$0x0], $0xffff  }
0xe9: {  	v10 =	vand.u32 $0x7, v10;
	v28 =	vand.u32 $0x7, v28;
	v14 =	vor.u32 v14, v15  }
0xea: {  	v30 =	vand.u32 $0x7, v30;
	v32 =	vand.u32 $0x7, v47;
	v20 =	vshrl.u32 v14, $0x10  }
0xeb: {  	v34 =	vand.u32 $0x7, v49;
	v50 =	vand.u32 $0x7, v36;
	v20 =	vand.u32 $0xF8, v20  }
0xec: {  	v5 =	vand.u32 $0xF0F0F0F0, v5;
	v20 =	vor.u32 v31, v20;
	v11 =	vxor.u32 v11, v26  }
0xed: {  	v13 =	vxor.u32 v19, v13;
	v19 =	vshrl.u32 v11, $0x5;
	v26 =	vshra.s32 v11, $0x15  }
0xee: {  	v37 =	vshrl.u32 v13, $0x5;
	v19 =	vand.u32 $0x3F, v19;
	v26 =	vadd.s32 s23, v26  }
0xef: {  	v5 =	vor.u32 v16, v5;
	v37 =	vand.u32 $0x3F, v37;
	v19 =	vor.u32 s23, v19  }
0xf0: {  	v18 =	vshrl.u32 v12, $0x8;
	v23 =	vshrl.u32 v12, $0x10;
	v37 =	vor.u32 s23, v37  }
0xf1: {  	v12 =	vand.u32 $0xF8, v12;
	v16 =	vshrl.u32 v14, $0x8;
	v38 =	vshra.s32 v13, $0x15  }
0xf2: {  	v10 =	vor.u32 v10, v12;
	v16 =	vand.u32 $0xF8, v16;
	v12 =	vld.idx.msk [tilespmem:v20+s16+$0x0], $0xffff;
	v38 =	vadd.s32 s23, v38  }
0xf3: {  	v22 =	vand.u32 $0xF8, v22;
	v17 =	vshrl.u32 v5, $0x8;
	v16 =	vor.u32 v27, v16;
	v26 =	vld.idx.msk [tilespmem:v26+s11+$0x0], $0xffff  }
0xf4: {  	v21 =	vshrl.u32 v5, $0x10;
	v17 =	vand.u32 $0xF8, v17;
	v15 =	vshrl.u32 v8, $0x8;
	v19 =	vld.idx.msk [tilespmem:v19+s11+$0x0], $0xffff  }
0xf5: {  	v25 =	vshrl.u32 v5, $0x18;
	v17 =	vor.u32 v28, v17;
	v15 =	vand.u32 $0xF8, v15;
	v37 =	vld.idx.msk [tilespmem:v37+s11+$0x0], $0xffff  }
0xf6: {  	v18 =	vand.u32 $0xF8, v18;
	v15 =	vor.u32 v29, v15;
	v20 =	vld.idx.msk [tilespmem:v20+s18+$0x0], $0xffff;
	v29 =	vshrl.u32 v11, $0x10  }
0xf7: {  	v23 =	vand.u32 $0xF8, v23;
	v4 =	vand.u32 $0x1F, v11;
	v11 =	vand.u32 $0x1F, v29;
	v28 =	vld.idx.msk [tilespmem:v38+s11+$0x0], $0xffff  }
0xf8: {  	v21 =	vand.u32 $0xF8, v21;
	v18 =	vor.u32 v30, v18;
	v11 =	vshrl.u32 v26, v11;
	v26 =	vld.idx.msk [tilespmem:v16+s16+$0x0], $0xffff  }
0xf9: {  	v24 =	vshrl.u32 v14, $0x18;
	v29 =	vand.u32 $0x1F, v13;
	v16 =	vld.idx.msk [tilespmem:v16+s18+$0x0], $0xffff;
	v4 =	vshrl.u32 v19, v4  }
0xfa: {  	v13 =	vshrl.u32 v13, $0x10;
	v19 =	vshrl.u32 v37, v29;
	v4 =	vand.u32 v11, v4;
	v11 =	vld.idx.msk [tilespmem:v17+s17+$0x0], $0xffff  }
0xfb: {  	v13 =	vand.u32 $0x1F, v13;
	v17 =	vld.idx.msk [tilespmem:v17+s19+$0x0], $0xffff;
	v4 =	vand.u32 v19, v4;
	v19 =	vor.u32 v32, v21  }
0xfc: {  	v25 =	vand.u32 $0xF8, v25;
	v24 =	vand.u32 $0xF8, v24;
	v13 =	vshrl.u32 v28, v13;
	v21 =	vld.idx.msk [tilespmem:v15+s16+$0x0], $0xffff  }
0xfd: {  	v27 =	vand.u32 $0x7, v35;
	v15 =	vld.idx.msk [tilespmem:v15+s18+$0x0], $0xffff;
	v4 =	vand.u32 v13, v4;
	v13 =	vor.u32 v33, v22  }
0xfe: {  	v22 =	vor.u32 v34, v23;
	v23 =	vor.u32 v27, v24;
	v24 =	vor.u32 v50, v25;
	v25 =	vld.idx.msk [tilespmem:v18+s17+$0x0], $0xffff  }
0xff: {  	v7 =	vand.u32 $0x7, v7;
	v9 =	vand.u32 $0x7, v9;
	v8 =	vand.u32 $0xF8, v8;
	v18 =	vld.idx.msk [tilespmem:v18+s19+$0x0], $0xffff  }
0x100: {  	v14 =	vand.u32 $0xF8, v14;
	v27 =	vor.u32 v7, v8;
	v8 =	vxor.u32 v26, v11;
	v11 =	vld.idx.msk [tilespmem:v19+s17+$0x0], $0xffff  }
0x101: {  	v6 =	vimm.s32 $0x0;
	v5 =	vand.u32 $0xF8, v5;
	v9 =	vor.u32 v9, v14;
	v19 =	vld.idx.msk [tilespmem:v19+s19+$0x0], $0xffff  }
0x102: {  	v14 =	vor.u32 v51, v5;
	v7 =	vshra.s32 v8, $0x15;
	v26 =	vshrl.u32 v8, $0x10;
	v28 =	vld.idx.msk [tilespmem:v13+s16+$0x0], $0xffff  }
0x103: {  	v5 =	vshrl.u32 v8, $0x5;
	v30 =	vadd.s32 s23, v7;
	v7 =	vand.u32 $0x1F, v26;
	v26 =	vld.idx.msk [tilespmem:v22+s17+$0x0], $0xffff  }
0x104: {  	v4 =	vand.u32 $0x1, v4;
	v29 =	vand.u32 $0x3F, v5;
	v5 =	vxor.u32 v16, v17;
	v17 =	vld.idx.msk [tilespmem:v23+s16+$0x0], $0xffff  }
0x105: {  	v4 =	vadd.s32 v6, v4;
	v8 =	vand.u32 $0x1F, v8;
	v21 =	vxor.u32 v21, v25;
	v25 =	vld.idx.msk [tilespmem:v24+s17+$0x0], $0xffff  }
0x106: {  	v13 =	vld.idx.msk [tilespmem:v13+s18+$0x0], $0xffff;
	v15 =	vxor.u32 v15, v18;
	v16 =	vor.u32 s23, v29;
	v29 =	vshrl.u32 v5, $0x5  }
0x107: {  	v22 =	vld.idx.msk [tilespmem:v22+s19+$0x0], $0xffff;
	v31 =	vshra.s32 v5, $0x15;
	v52 =	vshrl.u32 v21, $0x5;
	v53 =	vshra.s32 v21, $0x15  }
0x108: {  	v23 =	vld.idx.msk [tilespmem:v23+s18+$0x0], $0xffff;
	v50 =	vshrl.u32 v15, $0x5;
	v43 =	vshra.s32 v15, $0x15;
	v29 =	vand.u32 $0x3F, v29  }
0x109: {  	v18 =	vld.idx.msk [tilespmem:v24+s19+$0x0], $0xffff;
	v32 =	vand.u32 $0x3F, v52;
	v33 =	vadd.s32 s23, v53;
	v31 =	vadd.s32 s23, v31  }
0x10a: {  	v43 =	vadd.s32 s23, v43;
	v32 =	vor.u32 s23, v32;
	v11 =	vxor.u32 v12, v11  }
0x10b: {  	v29 =	vor.u32 s23, v29;
	v19 =	vxor.u32 v20, v19;
	v55 =	vshrl.u32 v11, $0x5  }
0x10c: {  	v54 =	vld.idx.msk [tilespmem:v9+s16+$0x0], $0xffff;
	v56 =	vshra.s32 v11, $0x15;
	v26 =	vxor.u32 v28, v26;
	v17 =	vxor.u32 v17, v25  }
0x10d: {  	v9 =	vld.idx.msk [tilespmem:v9+s18+$0x0], $0xffff;
	v51 =	vshrl.u32 v19, $0x5;
	v44 =	vshra.s32 v19, $0x15;
	v13 =	vxor.u32 v13, v22  }
0x10e: {  	v57 =	vld.idx.msk [tilespmem:v27+s16+$0x0], $0xffff;
	v18 =	vxor.u32 v23, v18;
	v35 =	vand.u32 $0x3F, v55;
	v36 =	vadd.s32 s23, v56  }
0x10f: {  	v27 =	vld.idx.msk [tilespmem:v27+s18+$0x0], $0xffff;
	v58 =	vshrl.u32 v26, $0x5;
	v39 =	vshra.s32 v26, $0x15;
	v59 =	vshrl.u32 v17, $0x5  }
0x110: {  	v12 =	vld.idx.msk [tilespmem:v14+s17+$0x0], $0xffff;
	v40 =	vshra.s32 v17, $0x15;
	v52 =	vshrl.u32 v13, $0x5;
	v45 =	vshra.s32 v13, $0x15  }
0x111: {  	v14 =	vld.idx.msk [tilespmem:v14+s19+$0x0], $0xffff;
	v53 =	vshrl.u32 v18, $0x5;
	v46 =	vshra.s32 v18, $0x15;
	v35 =	vor.u32 s23, v35  }
0x112: {  	v28 =	vld.idx.msk [tilespmem:v10+s17+$0x0], $0xffff;
	v38 =	vand.u32 $0x3F, v58;
	v39 =	vadd.s32 s23, v39;
	v60 =	vand.u32 $0x3F, v59  }
0x113: {  	v10 =	vld.idx.msk [tilespmem:v10+s19+$0x0], $0xffff;
	v61 =	vadd.s32 s23, v40;
	v46 =	vadd.s32 s23, v46;
	v58 =	vand.u32 $0x1F, v5  }
0x114: {  	v30 =	vld.idx.msk [tilespmem:v30+s11+$0x0], $0xffff;
	v5 =	vshrl.u32 v5, $0x10;
	v25 =	vor.u32 s23, v38;
	v34 =	vor.u32 s23, v60  }
0x115: {  	v60 =	vand.u32 $0x1F, v15;
	v15 =	vshrl.u32 v15, $0x10;
	v5 =	vand.u32 $0x1F, v5  }
0x116: {  	v12 =	vxor.u32 v54, v12;
	v9 =	vxor.u32 v9, v14;
	v14 =	vadd.s32 s23, v44  }
0x117: {  	v62 =	vshrl.u32 v12, $0x5;
	v41 =	vshra.s32 v12, $0x15;
	v28 =	vxor.u32 v57, v28  }
0x118: {  	v16 =	vld.idx.msk [tilespmem:v16+s11+$0x0], $0xffff;
	v54 =	vshrl.u32 v9, $0x5;
	v47 =	vshra.s32 v9, $0x15;
	v10 =	vxor.u32 v27, v10  }
0x119: {  	v27 =	vadd.s32 s23, v45;
	v7 =	vshrl.u32 v30, v7;
	v40 =	vand.u32 $0x3F, v62  }
0x11a: {  	v41 =	vadd.s32 s23, v41;
	v49 =	vshrl.u32 v28, $0x5;
	v42 =	vshra.s32 v28, $0x15  }
0x11b: {  	v44 =	vand.u32 $0x3F, v54;
	v55 =	vshrl.u32 v10, $0x5;
	v48 =	vshra.s32 v10, $0x15  }
0x11c: {  	v31 =	vld.idx.msk [tilespmem:v31+s11+$0x0], $0xffff;
	v47 =	vadd.s32 s23, v47;
	v54 =	vshrl.u32 v12, $0x10;
	v12 =	vand.u32 $0x1F, v12  }
0x11d: {  	v8 =	vshrl.u32 v16, v8;
	v62 =	vand.u32 $0x1F, v19;
	v19 =	vshrl.u32 v19, $0x10  }
0x11e: {  	v33 =	vld.idx.msk [tilespmem:v33+s11+$0x0], $0xffff;
	v63 =	vor.u32 s23, v40;
	v40 =	vand.u32 $0x3F, v49;
	v42 =	vadd.s32 s23, v42  }
0x11f: {  	v32 =	vld.idx.msk [tilespmem:v32+s11+$0x0], $0xffff;
	v44 =	vor.u32 s23, v44;
	v45 =	vand.u32 $0x3F, v55;
	v48 =	vadd.s32 s23, v48  }
0x120: {  	s26 =	simm.s32 $0x10;
	v36 =	vld.idx.msk [tilespmem:v36+s11+$0x0], $0xffff;
	v55 =	vshrl.u32 v28, $0x10;
	v54 =	vand.u32 $0x1F, v54;
	v28 =	vand.u32 $0x1F, v28  }
0x121: {  	v49 =	vld [tilespmem:s26+$0x18000];
	v7 =	vand.u32 v7, v8;
	v19 =	vand.u32 $0x1F, v19;
	v5 =	vshrl.u32 v31, v5  }
0x122: {  	v35 =	vld.idx.msk [tilespmem:v35+s11+$0x0], $0xffff;
	v24 =	vor.u32 s23, v40;
	v40 =	vand.u32 $0x3F, v50;
	v45 =	vor.u32 s23, v45  }
0x123: {  	v39 =	vld.idx.msk [tilespmem:v39+s11+$0x0], $0xffff;
	v50 =	vshrl.u32 v21, $0x10;
	v55 =	vand.u32 $0x1F, v55;
	v21 =	vand.u32 $0x1F, v21  }
0x124: {  	v38 =	vld.idx.msk [tilespmem:v61+s11+$0x0], $0xffff;
	v20 =	vor.u32 s23, v40;
	v40 =	vand.u32 $0x3F, v51;
	v51 =	vshrl.u32 v11, $0x10  }
0x125: {  	v8 =	vld.idx.msk [tilespmem:v46+s11+$0x0], $0xffff;
	v50 =	vand.u32 $0x1F, v50;
	v11 =	vand.u32 $0x1F, v11;
	v21 =	vshrl.u32 v32, v21  }
0x126: {  	v25 =	vld.idx.msk [tilespmem:v25+s11+$0x0], $0xffff;
	v22 =	vor.u32 s23, v40;
	v40 =	vand.u32 $0x3F, v52;
	v49 =	vshll.u32 v49, $0x6  }
0x127: {  	v34 =	vld.idx.msk [tilespmem:v34+s11+$0x0], $0xffff;
	v52 =	vshrl.u32 v26, $0x10;
	v51 =	vand.u32 $0x1F, v51;
	v49 =	vshra.s32 v49, $0x2  }
0x128: {  	v26 =	vand.u32 $0x1F, v26;
	v27 =	vld.idx.msk [tilespmem:v27+s11+$0x0], $0xffff;
	v23 =	vor.u32 s23, v40;
	(v2sf) =	vpush v49, $0x0  }
0x129: {  	v40 =	vand.u32 $0x3F, v53;
	v53 =	vshrl.u32 v17, $0x10;
	v16 =	vld.idx.msk [tilespmem:v41+s11+$0x0], $0xffff;
	(v2sf) =	vpush v49, $0x4  }
0x12a: {  	v52 =	vand.u32 $0x1F, v52;
	v17 =	vand.u32 $0x1F, v17;
	v37 =	vld.idx.msk [tilespmem:v63+s11+$0x0], $0xffff;
	(v2sf) =	vpush v49, $0x8  }
0x12b: {  	v40 =	vor.u32 s23, v40;
	v53 =	vand.u32 $0x1F, v53;
	v56 =	vld.idx.msk [tilespmem:v42+s11+$0x0], $0xffff;
	(v2sf) =	vpush v49, $0xC  }
0x12c: {  	v11 =	vshrl.u32 v35, v11;
	v30 =	vshrl.u32 v39, v52;
	v61 =	vld.idx.msk [tilespmem:v44+s11+$0x0], $0xffff;
	(v2sf) =	vpush v49, $0x1  }
0x12d: {  	v52 =	vld.idx.msk [tilespmem:v43+s11+$0x0], $0xffff;
	v25 =	vshrl.u32 v25, v26;
	v17 =	vshrl.u32 v34, v17;
	(v2sf) =	vpush v49, $0x5  }
0x12e: {  	v26 =	vld.idx.msk [tilespmem:v29+s11+$0x0], $0xffff;
	v29 =	vshrl.u32 v36, v51;
	v57 =	vshrl.u32 v38, v53;
	(v2sf) =	vpush v49, $0x9  }
0x12f: {  	v24 =	vld.idx.msk [tilespmem:v24+s11+$0x0], $0xffff;
	v51 =	vand.u32 $0x1F, v18;
	v53 =	vand.u32 $0x1F, v9;
	(v2sf) =	vpush v49, $0xD  }
0x130: {  	v63 =	vld.idx.msk [tilespmem:v45+s11+$0x0], $0xffff;
	v9 =	vshrl.u32 v9, $0x10;
	v11 =	vand.u32 v29, v11;
	(v2sf) =	vpush v49, $0x2  }
0x131: {  	v20 =	vld.idx.msk [tilespmem:v20+s11+$0x0], $0xffff;
	v17 =	vand.u32 v57, v17;
	v9 =	vand.u32 $0x1F, v9;
	(v2sf) =	vpush v49, $0x6  }
0x132: {  	v29 =	vld.idx.msk [tilespmem:v47+s11+$0x0], $0xffff;
	v16 =	vshrl.u32 v16, v54;
	v54 =	vshrl.u32 v18, $0x10;
	(v2sf) =	vpush v49, $0xA  }
0x133: {  	v22 =	vld.idx.msk [tilespmem:v22+s11+$0x0], $0xffff;
	v12 =	vshrl.u32 v37, v12;
	v32 =	vshrl.u32 v56, v55;
	(v2sf) =	vpush v49, $0xE  }
0x134: {  	v55 =	vld.idx.msk [tilespmem:v14+s11+$0x0], $0xffff;
	v14 =	vand.u32 $0x1F, v10;
	v10 =	vshrl.u32 v10, $0x10;
	(v2sf) =	vpush v49, $0x3  }
0x135: {  	v23 =	vld.idx.msk [tilespmem:v23+s11+$0x0], $0xffff;
	v24 =	vshrl.u32 v24, v28;
	v28 =	vshrl.u32 v33, v50;
	(v2sf) =	vpush v49, $0x7  }
0x136: {  	v59 =	vld.idx.msk [tilespmem:v40+s11+$0x0], $0xffff;
	v50 =	vand.u32 $0x1F, v13;
	v13 =	vshrl.u32 v13, $0x10;
	(v2sf) =	vpush v49, $0xB  }
0x137: {  	v56 =	vld.idx.msk [tilespmem:v48+s11+$0x0], $0xffff;
	v12 =	vand.u32 v16, v12;
	v16 =	vand.u32 v30, v25;
	(v2sf) =	vpush v49, $0xF;
	s28 =	spop (v2sf)  }
0x138: {  	v10 =	vand.u32 $0x1F, v10;
	v28 =	vand.u32 v28, v21;
	v30 =	vand.u32 v32, v24;
	v18 =	vld [tilespmem:s28+$0x0];
	s29 =	spop (v2sf)  }
0x139: {  	v24 =	vshrl.u32 v26, v58;
	v25 =	vshrl.u32 v20, v60;
	v60 =	vshrl.u32 v63, v14;
	v20 =	vld [tilespmem:s29+$0x0];
	s30 =	spop (v2sf)  }
0x13a: {  	v63 =	vand.u32 $0x1F, v54;
	v35 =	vshrl.u32 v29, v9;
	v9 =	vimm.s32 $0x0;
	v21 =	vld [tilespmem:s30+$0x0];
	s31 =	spop (v2sf)  }
0x13b: {  	v26 =	vshrl.u32 v22, v62;
	v62 =	vand.u32 $0x1F, v13;
	v7 =	vand.u32 v24, v7;
	v22 =	vld [tilespmem:s31+$0x0];
	s24 =	spop (v2sf)  }
0x13c: {  	v57 =	vshrl.u32 v23, v50;
	v13 =	vand.u32 v26, v11;
	v33 =	vshrl.u32 v27, v62;
	v23 =	vld [tilespmem:s24+$0x0];
	s25 =	spop (v2sf)  }
0x13d: {  	v31 =	vand.u32 v5, v7;
	v7 =	vimm.s32 $0x0;
	v58 =	vshrl.u32 v59, v51;
	v24 =	vld [tilespmem:s25+$0x0];
	s26 =	spop (v2sf)  }
0x13e: {  	v59 =	vshrl.u32 v61, v53;
	v61 =	vand.u32 $0x1F, v15;
	v15 =	vand.u32 v25, v28;
	v25 =	vld [tilespmem:s26+$0x0];
	s28 =	spop (v2sf)  }
0x13f: {  	v11 =	vimm.s32 $0x0;
	v5 =	vimm.s32 $0x0;
	v16 =	vand.u32 v57, v16;
	v26 =	vld [tilespmem:s28+$0x0];
	s29 =	spop (v2sf)  }
0x140: {  	v32 =	vshrl.u32 v55, v19;
	v19 =	vshrl.u32 v8, v63;
	v34 =	vshrl.u32 v56, v10;
	v27 =	vld [tilespmem:s29+$0x0];
	s30 =	spop (v2sf)  }
0x141: {  	v8 =	vimm.s32 $0x0;
	v10 =	vimm.s32 $0x0;
	v14 =	vand.u32 v59, v12;
	v28 =	vld [tilespmem:s30+$0x0];
	s31 =	spop (v2sf)  }
0x142: {  	s23 =	simm.s32 $0x40;
	v12 =	vand.u32 v58, v17;
	v17 =	vand.u32 v60, v30;
	v30 =	vshrl.u32 v52, v61;
	s24 =	simm.s32 $0x80;
	v29 =	vld [tilespmem:s31+$0x0];
	s25 =	spop (v2sf)  }
.LBB2_11:
0x143: {  	p0 =	sne.s32 s24, $0x3FC0;
	v36 =	vld [tilespmem:s25+$0x0];
	s25 =	spop (v2sf);
	v15 =	vand.u32 v30, v15;
	v13 =	vand.u32 v32, v13;
	v16 =	vand.u32 v33, v16  }
0x144: {  	v14 =	vand.u32 v35, v14;
	v32 =	vand.u32 v34, v17;
	v17 =	vand.u32 v19, v12;
	v30 =	vld [tilespmem:s25+$0x0];
	s25 =	spop (v2sf)  }
0x145: {  	v31 =	vand.u32 $0x1, v31;
	v12 =	vand.u32 $0x1, v15;
	v13 =	vand.u32 $0x1, v13;
	v19 =	vld [tilespmem:s25+$0x0];
	s25 =	spop (v2sf)  }
0x146: {  	v14 =	vand.u32 $0x1, v14;
	v16 =	vand.u32 $0x1, v16;
	v17 =	vand.u32 $0x1, v17;
	v33 =	vld [tilespmem:s25+$0x0];
	s25 =	spop (v2sf)  }
0x147: {  	v18 =	vand.u32 $0x11111111, v18;
	v15 =	vand.u32 $0x1, v32;
	v6 =	vadd.s32 v6, v31;
	v34 =	vld [tilespmem:s25+$0x0]  }
0x148: {  	v20 =	vand.u32 $0x11111111, v20;
	v31 =	vand.u32 $0x11111111, v21;
	v32 =	vand.u32 $0x11111111, v22  }
0x149: {  	v35 =	vand.u32 $0x11111111, v23;
	v37 =	vand.u32 $0x11111111, v24;
	v38 =	vand.u32 $0x11111111, v25  }
0x14a: {  	v26 =	vand.u32 $0x11111111, v26;
	v27 =	vand.u32 $0x11111111, v27;
	v28 =	vand.u32 $0x11111111, v28  }
0x14b: {  	v29 =	vand.u32 $0x11111111, v29;
	v36 =	vand.u32 $0x11111111, v36;
	v30 =	vand.u32 $0x11111111, v30  }
0x14c: {  	v39 =	vand.u32 $0x11111111, v19;
	v33 =	vand.u32 $0x11111111, v33;
	v34 =	vand.u32 $0x11111111, v34  }
0x14d: {  	v23 =	vunpack.c.u.s8.s16 v18;
	v24 =	vunpack.c.l.s8.s16 v18;
	v25 =	vunpack.c.u.s8.s16 v20  }
0x14e: {  	v20 =	vunpack.c.l.s8.s16 v20;
	v21 =	vunpack.c.u.s8.s16 v31;
	v18 =	vunpack.c.l.s8.s16 v31  }
0x14f: {  	v31 =	vunpack.c.u.s8.s16 v35;
	v22 =	vunpack.c.u.s8.s16 v32;
	v19 =	vunpack.c.l.s8.s16 v32  }
0x150: {  	v32 =	vunpack.c.l.s8.s16 v35;
	v35 =	vunpack.c.u.s8.s16 v37;
	v37 =	vunpack.c.l.s8.s16 v37  }
0x151: {  	v41 =	vunpack.c.u.s8.s16 v38;
	v38 =	vunpack.c.l.s8.s16 v38;
	v40 =	vunpack.c.u.s8.s16 v27  }
0x152: {  	v27 =	vunpack.c.l.s8.s16 v27;
	v42 =	vunpack.c.u.s8.s16 v28;
	v28 =	vunpack.c.l.s8.s16 v28  }
0x153: {  	v43 =	vunpack.c.u.s8.s16 v29;
	v29 =	vunpack.c.l.s8.s16 v29;
	v44 =	vunpack.c.u.s8.s16 v36  }
0x154: {  	v45 =	vunpack.c.u.s8.s16 v30;
	v30 =	vunpack.c.l.s8.s16 v30;
	v46 =	vunpack.c.u.s8.s16 v39  }
0x155: {  	v39 =	vunpack.c.l.s8.s16 v39;
	v47 =	vunpack.c.u.s8.s16 v33;
	v33 =	vunpack.c.l.s8.s16 v33  }
0x156: {  	v45 =	vadd.s16 v45, v45;
	v48 =	vunpack.c.u.s8.s16 v34;
	v34 =	vunpack.c.l.s8.s16 v34  }
0x157: {  	v30 =	vadd.s16 v30, v30;
	v46 =	vadd.s16 v46, v46;
	v39 =	vadd.s16 v39, v39  }
0x158: {  	v47 =	vadd.s16 v47, v47;
	v33 =	vadd.s16 v33, v33;
	v48 =	vadd.s16 v48, v48  }
0x159: {  	v30 =	vpack.c.b16.b8 v45, v30;
	v39 =	vpack.c.b16.b8 v46, v39;
	v34 =	vadd.s16 v34, v34  }
0x15a: {  	v36 =	vunpack.c.l.s8.s16 v36;
	v33 =	vpack.c.b16.b8 v47, v33;
	v34 =	vpack.c.b16.b8 v48, v34  }
0x15b: {  	v45 =	vunpack.c.u.s8.s16 v30;
	v30 =	vunpack.c.l.s8.s16 v30;
	v46 =	vunpack.c.u.s8.s16 v39  }
0x15c: {  	v39 =	vunpack.c.l.s8.s16 v39;
	v47 =	vunpack.c.u.s8.s16 v33;
	v33 =	vunpack.c.l.s8.s16 v33  }
0x15d: {  	v40 =	vadd.s16 v45, v40;
	v45 =	vunpack.c.u.s8.s16 v34;
	v34 =	vunpack.c.l.s8.s16 v34  }
0x15e: {  	v27 =	vadd.s16 v30, v27;
	v30 =	vadd.s16 v46, v42;
	v28 =	vadd.s16 v39, v28  }
0x15f: {  	v39 =	vadd.s16 v47, v43;
	v29 =	vadd.s16 v33, v29;
	v33 =	vadd.s16 v45, v44  }
0x160: {  	v27 =	vpack.c.b16.b8 v40, v27;
	v28 =	vpack.c.b16.b8 v30, v28;
	v30 =	vadd.s16 v34, v36  }
0x161: {  	v29 =	vpack.c.b16.b8 v39, v29;
	v30 =	vpack.c.b16.b8 v33, v30;
	v33 =	vunpack.c.u.s8.s16 v26  }
0x162: {  	v34 =	vunpack.c.u.s8.s16 v27;
	v27 =	vunpack.c.l.s8.s16 v27;
	v36 =	vunpack.c.u.s8.s16 v28  }
0x163: {  	v28 =	vunpack.c.l.s8.s16 v28;
	v39 =	vunpack.c.u.s8.s16 v29;
	v29 =	vunpack.c.l.s8.s16 v29  }
0x164: {  	v34 =	vadd.s16 v34, v34;
	v40 =	vunpack.c.u.s8.s16 v30;
	v30 =	vunpack.c.l.s8.s16 v30  }
0x165: {  	v27 =	vadd.s16 v27, v27;
	v36 =	vadd.s16 v36, v36;
	v28 =	vadd.s16 v28, v28  }
0x166: {  	v39 =	vadd.s16 v39, v39;
	v29 =	vadd.s16 v29, v29;
	v40 =	vadd.s16 v40, v40  }
0x167: {  	v27 =	vpack.c.b16.b8 v34, v27;
	v28 =	vpack.c.b16.b8 v36, v28;
	v30 =	vadd.s16 v30, v30  }
0x168: {  	v26 =	vunpack.c.l.s8.s16 v26;
	v29 =	vpack.c.b16.b8 v39, v29;
	v30 =	vpack.c.b16.b8 v40, v30  }
0x169: {  	v34 =	vunpack.c.u.s8.s16 v27;
	v27 =	vunpack.c.l.s8.s16 v27;
	v36 =	vunpack.c.u.s8.s16 v28  }
0x16a: {  	v28 =	vunpack.c.l.s8.s16 v28;
	v39 =	vunpack.c.u.s8.s16 v29;
	v29 =	vunpack.c.l.s8.s16 v29  }
0x16b: {  	v31 =	vadd.s16 v34, v31;
	v34 =	vunpack.c.u.s8.s16 v30;
	v30 =	vunpack.c.l.s8.s16 v30  }
0x16c: {  	v27 =	vadd.s16 v27, v32;
	v32 =	vadd.s16 v36, v35;
	v28 =	vadd.s16 v28, v37  }
0x16d: {  	v27 =	vpack.c.b16.b8 v31, v27;
	v31 =	vadd.s16 v39, v41;
	v29 =	vadd.s16 v29, v38  }
0x16e: {  	v28 =	vpack.c.b16.b8 v32, v28;
	v32 =	vadd.s16 v34, v33;
	v26 =	vadd.s16 v30, v26  }
0x16f: {  	v30 =	vunpack.c.u.s8.s16 v27;
	v29 =	vpack.c.b16.b8 v31, v29;
	v26 =	vpack.c.b16.b8 v32, v26  }
0x170: {  	v27 =	vunpack.c.l.s8.s16 v27;
	v31 =	vunpack.c.u.s8.s16 v28;
	v28 =	vunpack.c.l.s8.s16 v28  }
0x171: {  	v32 =	vunpack.c.u.s8.s16 v29;
	v29 =	vunpack.c.l.s8.s16 v29;
	v33 =	vunpack.c.u.s8.s16 v26  }
0x172: {  	v30 =	vadd.s16 v30, v30;
	v27 =	vadd.s16 v27, v27;
	v26 =	vunpack.c.l.s8.s16 v26  }
0x173: {  	v31 =	vadd.s16 v31, v31;
	v28 =	vadd.s16 v28, v28;
	v32 =	vadd.s16 v32, v32  }
0x174: {  	v27 =	vpack.c.b16.b8 v30, v27;
	v29 =	vadd.s16 v29, v29;
	v30 =	vadd.s16 v33, v33  }
0x175: {  	v28 =	vpack.c.b16.b8 v31, v28;
	v29 =	vpack.c.b16.b8 v32, v29;
	v26 =	vadd.s16 v26, v26  }
0x176: {  	v31 =	vunpack.c.u.s8.s16 v27;
	v27 =	vunpack.c.l.s8.s16 v27;
	v26 =	vpack.c.b16.b8 v30, v26  }
0x177: {  	v30 =	vunpack.c.u.s8.s16 v28;
	v28 =	vunpack.c.l.s8.s16 v28;
	v32 =	vunpack.c.u.s8.s16 v29  }
0x178: {  	v29 =	vunpack.c.l.s8.s16 v29;
	v33 =	vunpack.c.u.s8.s16 v26;
	v26 =	vunpack.c.l.s8.s16 v26  }
0x179: {  	v23 =	vadd.s16 v31, v23;
	v24 =	vadd.s16 v27, v24;
	v25 =	vadd.s16 v30, v25  }
0x17a: {  	v23 =	vpack.c.b16.b8 v23, v24;
	v20 =	vadd.s16 v28, v20;
	v21 =	vadd.s16 v32, v21  }
0x17b: {  	v20 =	vpack.c.b16.b8 v25, v20;
	v18 =	vadd.s16 v29, v18;
	v22 =	vadd.s16 v33, v22  }
0x17c: {  	v18 =	vpack.c.b16.b8 v21, v18;
	v19 =	vadd.s16 v26, v19;
	v21 =	vshrl.u32 v23, $0x4  }
0x17d: {  	v19 =	vpack.c.b16.b8 v22, v19;
	v22 =	vand.u32 $0xF0F0F0F, v21;
	v24 =	vand.u32 $0xF0F0F0F0, v20  }
0x17e: {  	v25 =	vshrl.u32 v23, $0x1C;
	v22 =	vor.u32 v22, v24;
	v24 =	vshrl.u32 v18, $0x4  }
0x17f: {  	v26 =	vand.u32 $0xF0F0F0F, v24;
	v27 =	vand.u32 $0xF0F0F0F0, v19;
	v28 =	vshrl.u32 v22, $0x18  }
0x180: {  	v25 =	vand.u32 $0x7, v25;
	v26 =	vor.u32 v26, v27;
	v27 =	vand.u32 $0xF8, v28  }
0x181: {  	v28 =	vshrl.u32 v18, $0x1C;
	v25 =	vor.u32 v25, v27;
	v27 =	vshrl.u32 v26, $0x18  }
0x182: {  	v20 =	vshll.u32 v20, $0x4;
	v28 =	vand.u32 $0x7, v28;
	v27 =	vand.u32 $0xF8, v27  }
0x183: {  	v20 =	vand.u32 $0xF0F0F0F0, v20;
	v19 =	vshll.u32 v19, $0x4;
	v27 =	vor.u32 v28, v27  }
0x184: {  	v29 =	vand.u32 $0xF0F0F0F, v18;
	v19 =	vand.u32 $0xF0F0F0F0, v19;
	v28 =	vand.u32 $0xF0F0F0F, v23  }
0x185: {  	v19 =	vor.u32 v29, v19;
	v20 =	vor.u32 v28, v20;
	v28 =	vshrl.u32 v22, $0x8  }
0x186: {  	v31 =	vshrl.u32 v26, $0x8;
	v30 =	vshrl.u32 v19, $0x8;
	v29 =	vshrl.u32 v20, $0x8;
	v32 =	vld.idx.msk [tilespmem:v25+s18+$0x0], $0xffff  }
0x187: {  	v35 =	vshrl.u32 v22, $0x10;
	v34 =	vshrl.u32 v19, $0x10;
	v33 =	vshrl.u32 v20, $0x10;
	v25 =	vld.idx.msk [tilespmem:v25+s16+$0x0], $0xffff  }
0x188: {  	v36 =	vshrl.u32 v26, $0x10;
	v38 =	vshrl.u32 v19, $0x18;
	v37 =	vshrl.u32 v20, $0x18;
	v39 =	vld.idx.msk [tilespmem:v27+s17+$0x0], $0xffff  }
0x189: {  	v40 =	vshrl.u32 v23, $0x8;
	v42 =	vshrl.u32 v23, $0xC;
	v41 =	vshrl.u32 v18, $0x8;
	v27 =	vld.idx.msk [tilespmem:v27+s19+$0x0], $0xffff  }
0x18a: {  	v44 =	vshrl.u32 v23, $0x10;
	v43 =	vshrl.u32 v18, $0xC;
	v45 =	vshrl.u32 v18, $0x10  }
0x18b: {  	v46 =	vshrl.u32 v23, $0x14;
	v48 =	vshrl.u32 v23, $0x18;
	v47 =	vshrl.u32 v18, $0x14  }
0x18c: {  	v49 =	vshrl.u32 v18, $0x18;
	v30 =	vand.u32 $0xF8, v30;
	v29 =	vand.u32 $0xF8, v29  }
0x18d: {  	v31 =	vand.u32 $0xF8, v31;
	v28 =	vand.u32 $0xF8, v28;
	v33 =	vand.u32 $0xF8, v33  }
0x18e: {  	v35 =	vand.u32 $0xF8, v35;
	v34 =	vand.u32 $0xF8, v34;
	v25 =	vxor.u32 v25, v39  }
0x18f: {  	v27 =	vxor.u32 v32, v27;
	v32 =	vshrl.u32 v25, $0x5;
	v39 =	vshra.s32 v25, $0x15  }
0x190: {  	v32 =	vand.u32 $0x3F, v32;
	v39 =	vadd.s32 s23, v39;
	v50 =	vshrl.u32 v27, $0x5  }
0x191: {  	v36 =	vand.u32 $0xF8, v36;
	v32 =	vor.u32 s23, v32;
	v50 =	vand.u32 $0x3F, v50  }
0x192: {  	v37 =	vand.u32 $0xF8, v37;
	v51 =	vshra.s32 v27, $0x15;
	v50 =	vor.u32 s23, v50  }
0x193: {  	v38 =	vand.u32 $0xF8, v38;
	v20 =	vand.u32 $0xF8, v20;
	v51 =	vadd.s32 s23, v51  }
0x194: {  	v26 =	vand.u32 $0xF8, v26;
	v19 =	vand.u32 $0xF8, v19;
	v22 =	vand.u32 $0xF8, v22  }
0x195: {  	v21 =	vand.u32 $0x7, v21;
	v40 =	vand.u32 $0x7, v40;
	v24 =	vand.u32 $0x7, v24;
	v39 =	vld.idx.msk [tilespmem:v39+s11+$0x0], $0xffff  }
0x196: {  	v42 =	vand.u32 $0x7, v42;
	v41 =	vand.u32 $0x7, v41;
	v43 =	vand.u32 $0x7, v43;
	v32 =	vld.idx.msk [tilespmem:v32+s11+$0x0], $0xffff  }
0x197: {  	v44 =	vand.u32 $0x7, v44;
	v46 =	vand.u32 $0x7, v46;
	v45 =	vand.u32 $0x7, v45;
	v50 =	vld.idx.msk [tilespmem:v50+s11+$0x0], $0xffff  }
0x198: {  	v48 =	vand.u32 $0x7, v48;
	v47 =	vand.u32 $0x7, v47;
	v49 =	vand.u32 $0x7, v49;
	v51 =	vld.idx.msk [tilespmem:v51+s11+$0x0], $0xffff  }
0x199: {  	v18 =	vand.u32 $0x7, v18;
	v23 =	vand.u32 $0x7, v23;
	v29 =	vor.u32 v40, v29  }
0x19a: {  	v30 =	vor.u32 v41, v30;
	v28 =	vor.u32 v42, v28;
	v40 =	vshrl.u32 v25, $0x10  }
0x19b: {  	v25 =	vand.u32 $0x1F, v25;
	v40 =	vand.u32 $0x1F, v40;
	v41 =	vand.u32 $0x1F, v27  }
0x19c: {  	v27 =	vshrl.u32 v27, $0x10;
	v25 =	vshrl.u32 v32, v25;
	v32 =	vshrl.u32 v39, v40  }
0x19d: {  	v27 =	vand.u32 $0x1F, v27;
	v39 =	vshrl.u32 v50, v41;
	v25 =	vand.u32 v32, v25  }
0x19e: {  	v31 =	vor.u32 v43, v31;
	v27 =	vshrl.u32 v51, v27;
	v25 =	vand.u32 v39, v25;
	v32 =	vld.idx.msk [tilespmem:v29+s16+$0x0], $0xffff  }
0x19f: {  	v34 =	vor.u32 v45, v34;
	v33 =	vor.u32 v44, v33;
	v25 =	vand.u32 v27, v25;
	v39 =	vld.idx.msk [tilespmem:v30+s17+$0x0], $0xffff  }
0x1a0: {  	v35 =	vor.u32 v46, v35;
	v36 =	vor.u32 v47, v36;
	v25 =	vand.u32 $0x1, v25;
	v27 =	vld.idx.msk [tilespmem:v28+s16+$0x0], $0xffff  }
0x1a1: {  	v38 =	vor.u32 v49, v38;
	v37 =	vor.u32 v48, v37;
	v4 =	vadd.s32 v4, v25;
	v29 =	vld.idx.msk [tilespmem:v29+s18+$0x0], $0xffff  }
0x1a2: {  	v18 =	vor.u32 v18, v19;
	v19 =	vor.u32 v21, v22;
	v23 =	vor.u32 v23, v20;
	v21 =	vld.idx.msk [tilespmem:v30+s19+$0x0], $0xffff  }
0x1a3: {  	v8 =	vadd.s32 v8, v12;
	v9 =	vadd.s32 v9, v13;
	v22 =	vor.u32 v24, v26;
	v24 =	vld.idx.msk [tilespmem:v31+s17+$0x0], $0xffff  }
0x1a4: {  	v7 =	vadd.s32 v7, v14;
	v11 =	vadd.s32 v11, v16;
	v5 =	vadd.s32 v5, v17;
	v25 =	vld.idx.msk [tilespmem:v33+s16+$0x0], $0xffff  }
0x1a5: {  	v10 =	vadd.s32 v10, v15;
	v14 =	vxor.u32 v32, v39;
	v16 =	vld.idx.msk [tilespmem:v34+s17+$0x0], $0xffff  }
0x1a6: {  	v12 =	vshrl.u32 v14, $0x5;
	v13 =	vshra.s32 v14, $0x15;
	v15 =	vshrl.u32 v14, $0x10;
	v26 =	vld.idx.msk [tilespmem:v35+s16+$0x0], $0xffff  }
0x1a7: {  	v17 =	vand.u32 $0x3F, v12;
	v20 =	vadd.s32 s23, v13;
	v13 =	vand.u32 $0x1F, v15;
	v30 =	vld.idx.msk [tilespmem:v36+s17+$0x0], $0xffff  }
0x1a8: {  	v14 =	vand.u32 $0x1F, v14;
	v12 =	vxor.u32 v29, v21;
	v29 =	vor.u32 s23, v17;
	v32 =	vld.idx.msk [tilespmem:v37+s16+$0x0], $0xffff  }
0x1a9: {  	v17 =	vshrl.u32 v12, $0x5;
	v39 =	vshra.s32 v12, $0x15;
	v15 =	vxor.u32 v27, v24;
	v24 =	vld.idx.msk [tilespmem:v38+s17+$0x0], $0xffff  }
0x1aa: {  	v40 =	vand.u32 $0x3F, v17;
	v17 =	vshrl.u32 v15, $0x5;
	v21 =	vshra.s32 v15, $0x15;
	v27 =	vld.idx.msk [tilespmem:v23+s16+$0x0], $0xffff  }
0x1ab: {  	v42 =	vand.u32 $0x3F, v17;
	v43 =	vadd.s32 s23, v21;
	v17 =	vxor.u32 v25, v16;
	v41 =	vld.idx.msk [tilespmem:v18+s17+$0x0], $0xffff  }
0x1ac: {  	v25 =	vor.u32 s23, v42;
	v21 =	vshrl.u32 v17, $0x5;
	v42 =	vshra.s32 v17, $0x15;
	v16 =	vld.idx.msk [tilespmem:v19+s16+$0x0], $0xffff  }
0x1ad: {  	v45 =	vand.u32 $0x3F, v21;
	v42 =	vadd.s32 s23, v42;
	v21 =	vxor.u32 v26, v30;
	v44 =	vld.idx.msk [tilespmem:v22+s17+$0x0], $0xffff  }
0x1ae: {  	v30 =	vshrl.u32 v21, $0x5;
	v26 =	vld.idx.msk [tilespmem:v28+s18+$0x0], $0xffff;
	v28 =	vor.u32 s23, v45;
	v45 =	vshra.s32 v21, $0x15  }
0x1af: {  	v30 =	vand.u32 $0x3F, v30;
	v24 =	vxor.u32 v32, v24;
	v31 =	vld.idx.msk [tilespmem:v31+s19+$0x0], $0xffff;
	v45 =	vadd.s32 s23, v45  }
0x1b0: {  	v30 =	vor.u32 s23, v30;
	v46 =	vshra.s32 v24, $0x15;
	v32 =	vld.idx.msk [tilespmem:v33+s18+$0x0], $0xffff;
	v33 =	vshrl.u32 v24, $0x5  }
0x1b1: {  	v27 =	vxor.u32 v27, v41;
	v41 =	vadd.s32 s23, v46;
	v34 =	vld.idx.msk [tilespmem:v34+s19+$0x0], $0xffff;
	v33 =	vand.u32 $0x3F, v33  }
0x1b2: {  	v46 =	vshrl.u32 v27, $0x5;
	v47 =	vshra.s32 v27, $0x15;
	v35 =	vld.idx.msk [tilespmem:v35+s18+$0x0], $0xffff;
	v33 =	vor.u32 s23, v33  }
0x1b3: {  	v46 =	vand.u32 $0x3F, v46;
	v47 =	vadd.s32 s23, v47;
	v44 =	vxor.u32 v16, v44;
	v36 =	vld.idx.msk [tilespmem:v36+s19+$0x0], $0xffff  }
0x1b4: {  	v46 =	vor.u32 s23, v46;
	v16 =	vshrl.u32 v44, $0x5;
	v48 =	vshra.s32 v44, $0x15;
	v37 =	vld.idx.msk [tilespmem:v37+s18+$0x0], $0xffff  }
0x1b5: {  	v49 =	vand.u32 $0x3F, v16;
	v48 =	vadd.s32 s23, v48;
	v16 =	vxor.u32 v26, v31;
	v26 =	vld.idx.msk [tilespmem:v38+s19+$0x0], $0xffff  }
0x1b6: {  	v31 =	vor.u32 s23, v49;
	v38 =	vor.u32 s23, v40;
	v40 =	vshrl.u32 v16, $0x5;
	v23 =	vld.idx.msk [tilespmem:v23+s18+$0x0], $0xffff  }
0x1b7: {  	v50 =	vshra.s32 v16, $0x15;
	v40 =	vand.u32 $0x3F, v40;
	v49 =	vld.idx.msk [tilespmem:v18+s19+$0x0], $0xffff;
	v18 =	vxor.u32 v32, v34  }
0x1b8: {  	v34 =	vor.u32 s23, v40;
	v32 =	vld.idx.msk [tilespmem:v19+s18+$0x0], $0xffff;
	v19 =	vshrl.u32 v18, $0x5;
	v40 =	vshra.s32 v18, $0x15  }
0x1b9: {  	v39 =	vadd.s32 s23, v39;
	v51 =	vld.idx.msk [tilespmem:v22+s19+$0x0], $0xffff;
	v22 =	vand.u32 $0x3F, v19;
	v19 =	vxor.u32 v35, v36  }
0x1ba: {  	v29 =	vld.idx.msk [tilespmem:v29+s11+$0x0], $0xffff;
	v35 =	vor.u32 s23, v22;
	v22 =	vshrl.u32 v19, $0x5;
	v36 =	vshra.s32 v19, $0x15  }
0x1bb: {  	v50 =	vadd.s32 s23, v50;
	v25 =	vld.idx.msk [tilespmem:v25+s11+$0x0], $0xffff;
	v52 =	vand.u32 $0x3F, v22;
	v22 =	vxor.u32 v37, v26  }
0x1bc: {  	v26 =	vld.idx.msk [tilespmem:v28+s11+$0x0], $0xffff;
	v28 =	vor.u32 s23, v52;
	v37 =	vshrl.u32 v22, $0x5;
	v52 =	vshra.s32 v22, $0x15  }
0x1bd: {  	v40 =	vadd.s32 s23, v40;
	v23 =	vxor.u32 v23, v49;
	v30 =	vld.idx.msk [tilespmem:v30+s11+$0x0], $0xffff;
	v37 =	vand.u32 $0x3F, v37  }
0x1be: {  	v49 =	vshrl.u32 v23, $0x5;
	v53 =	vshra.s32 v23, $0x15;
	v33 =	vld.idx.msk [tilespmem:v33+s11+$0x0], $0xffff;
	v37 =	vor.u32 s23, v37  }
0x1bf: {  	v36 =	vadd.s32 s23, v36;
	v49 =	vand.u32 $0x3F, v49;
	v32 =	vxor.u32 v32, v51;
	v46 =	vld.idx.msk [tilespmem:v46+s11+$0x0], $0xffff  }
0x1c0: {  	v49 =	vor.u32 s23, v49;
	v51 =	vshrl.u32 v32, $0x5;
	v54 =	vshra.s32 v32, $0x15;
	v31 =	vld.idx.msk [tilespmem:v31+s11+$0x0], $0xffff  }
0x1c1: {  	s25 =	sshra.s32 s24, $0x2;
	v52 =	vadd.s32 s23, v52;
	v53 =	vadd.s32 s23, v53;
	v51 =	vand.u32 $0x3F, v51;
	v20 =	vld.idx.msk [tilespmem:v20+s11+$0x0], $0xffff  }
0x1c2: {  	v56 =	vshrl.u32 v15, $0x10;
	v54 =	vadd.s32 s23, v54;
	v51 =	vor.u32 s23, v51;
	s23 =	smov.u32 s24;
	v55 =	vld [tilespmem:s25+$0x18000]  }
0x1c3: {  	v57 =	vshrl.u32 v17, $0x10;
	v58 =	vshrl.u32 v21, $0x10;
	v59 =	vshrl.u32 v24, $0x10;
	v43 =	vld.idx.msk [tilespmem:v43+s11+$0x0], $0xffff  }
0x1c4: {  	v56 =	vand.u32 $0x1F, v56;
	v60 =	vshrl.u32 v27, $0x10;
	v61 =	vshrl.u32 v44, $0x10;
	v42 =	vld.idx.msk [tilespmem:v42+s11+$0x0], $0xffff  }
0x1c5: {  	v57 =	vand.u32 $0x1F, v57;
	v58 =	vand.u32 $0x1F, v58;
	v59 =	vand.u32 $0x1F, v59;
	v45 =	vld.idx.msk [tilespmem:v45+s11+$0x0], $0xffff  }
0x1c6: {  	v15 =	vand.u32 $0x1F, v15;
	v60 =	vand.u32 $0x1F, v60;
	v61 =	vand.u32 $0x1F, v61;
	v41 =	vld.idx.msk [tilespmem:v41+s11+$0x0], $0xffff  }
0x1c7: {  	v17 =	vand.u32 $0x1F, v17;
	v21 =	vand.u32 $0x1F, v21;
	v55 =	vshll.u32 v55, $0x6;
	v47 =	vld.idx.msk [tilespmem:v47+s11+$0x0], $0xffff  }
0x1c8: {  	v24 =	vand.u32 $0x1F, v24;
	v27 =	vand.u32 $0x1F, v27;
	v55 =	vshra.s32 v55, $0x2;
	v48 =	vld.idx.msk [tilespmem:v48+s11+$0x0], $0xffff  }
0x1c9: {  	v44 =	vand.u32 $0x1F, v44;
	v14 =	vshrl.u32 v29, v14;
	(v2sf) =	vpush v55, $0x0;
	v29 =	vld.idx.msk [tilespmem:v38+s11+$0x0], $0xffff  }
0x1ca: {  	v15 =	vshrl.u32 v25, v15;
	v17 =	vshrl.u32 v26, v17;
	(v2sf) =	vpush v55, $0x4;
	v25 =	vld.idx.msk [tilespmem:v34+s11+$0x0], $0xffff  }
0x1cb: {  	v21 =	vshrl.u32 v30, v21;
	v24 =	vshrl.u32 v33, v24;
	(v2sf) =	vpush v55, $0x8;
	v26 =	vld.idx.msk [tilespmem:v35+s11+$0x0], $0xffff  }
0x1cc: {  	v27 =	vshrl.u32 v46, v27;
	v30 =	vshrl.u32 v31, v44;
	(v2sf) =	vpush v55, $0xC;
	v28 =	vld.idx.msk [tilespmem:v28+s11+$0x0], $0xffff  }
0x1cd: {  	v13 =	vshrl.u32 v20, v13;
	v20 =	vshrl.u32 v43, v56;
	(v2sf) =	vpush v55, $0x1;
	v31 =	vld.idx.msk [tilespmem:v37+s11+$0x0], $0xffff  }
0x1ce: {  	v34 =	vshrl.u32 v42, v57;
	v35 =	vshrl.u32 v45, v58;
	(v2sf) =	vpush v55, $0x5;
	v33 =	vld.idx.msk [tilespmem:v49+s11+$0x0], $0xffff  }
0x1cf: {  	v41 =	vshrl.u32 v41, v59;
	v37 =	vshrl.u32 v47, v60;
	(v2sf) =	vpush v55, $0x9;
	v38 =	vld.idx.msk [tilespmem:v51+s11+$0x0], $0xffff  }
0x1d0: {  	v43 =	vand.u32 $0x1F, v12;
	v42 =	vshrl.u32 v48, v61;
	(v2sf) =	vpush v55, $0xD;
	v39 =	vld.idx.msk [tilespmem:v39+s11+$0x0], $0xffff  }
0x1d1: {  	v44 =	vand.u32 $0x1F, v16;
	v12 =	vshrl.u32 v12, $0x10;
	(v2sf) =	vpush v55, $0x2;
	v45 =	vld.idx.msk [tilespmem:v50+s11+$0x0], $0xffff  }
0x1d2: {  	v46 =	vand.u32 $0x1F, v18;
	v16 =	vshrl.u32 v16, $0x10;
	(v2sf) =	vpush v55, $0x6;
	v40 =	vld.idx.msk [tilespmem:v40+s11+$0x0], $0xffff  }
0x1d3: {  	v47 =	vshrl.u32 v18, $0x10;
	v48 =	vand.u32 $0x1F, v19;
	(v2sf) =	vpush v55, $0xA;
	v36 =	vld.idx.msk [tilespmem:v36+s11+$0x0], $0xffff  }
0x1d4: {  	v19 =	vshrl.u32 v19, $0x10;
	v49 =	vand.u32 $0x1F, v22;
	(v2sf) =	vpush v55, $0xE;
	v50 =	vld.idx.msk [tilespmem:v52+s11+$0x0], $0xffff  }
0x1d5: {  	v51 =	vand.u32 $0x1F, v23;
	(v2sf) =	vpush v55, $0x3;
	v52 =	vld.idx.msk [tilespmem:v53+s11+$0x0], $0xffff;
	v53 =	vshrl.u32 v22, $0x10  }
0x1d6: {  	v56 =	vshrl.u32 v23, $0x10;
	v23 =	vand.u32 $0x1F, v32;
	(v2sf) =	vpush v55, $0x7;
	v54 =	vld.idx.msk [tilespmem:v54+s11+$0x0], $0xffff  }
0x1d7: {  	v13 =	vand.u32 v13, v14;
	v32 =	vshrl.u32 v32, $0x10;
	(v2sf) =	vpush v55, $0xB  }
0x1d8: {  	v14 =	vand.u32 v20, v15;
	v17 =	vand.u32 v34, v17;
	s25 =	spop (v2sf);
	(v2sf) =	vpush v55, $0xF  }
0x1d9: {  	v34 =	vand.u32 v35, v21;
	v35 =	vand.u32 v41, v24;
	v27 =	vand.u32 v37, v27;
	v18 =	vld [tilespmem:s25+$0x0];
	s25 =	spop (v2sf)  }
0x1da: {  	v30 =	vand.u32 v42, v30;
	v15 =	vshrl.u32 v29, v43;
	v29 =	vshrl.u32 v25, v44;
	v20 =	vld [tilespmem:s25+$0x0];
	s25 =	spop (v2sf)  }
0x1db: {  	v26 =	vshrl.u32 v26, v46;
	v28 =	vshrl.u32 v28, v48;
	v31 =	vshrl.u32 v31, v49;
	v21 =	vld [tilespmem:s25+$0x0];
	s25 =	spop (v2sf)  }
0x1dc: {  	v33 =	vshrl.u32 v33, v51;
	v37 =	vshrl.u32 v38, v23;
	v38 =	vand.u32 $0x1F, v12;
	v22 =	vld [tilespmem:s25+$0x0];
	s25 =	spop (v2sf)  }
0x1dd: {  	v41 =	vand.u32 $0x1F, v16;
	v42 =	vand.u32 $0x1F, v47;
	v19 =	vand.u32 $0x1F, v19;
	v23 =	vld [tilespmem:s25+$0x0];
	s25 =	spop (v2sf)  }
0x1de: {  	v43 =	vand.u32 $0x1F, v56;
	v44 =	vand.u32 $0x1F, v32;
	v46 =	vand.u32 $0x1F, v53;
	v24 =	vld [tilespmem:s25+$0x0];
	s25 =	spop (v2sf)  }
.Ltmp4:
0x1df: {  	v47 =	vand.u32 v15, v13;
	v15 =	vand.u32 v29, v14;
	v13 =	vand.u32 v26, v17;
	v25 =	vld [tilespmem:s25+$0x0];
	s25 =	spop (v2sf);
	(pc) =	sbr.rel @p0 .LBB2_11-.Ltmp4, $4  }
0x1e0: {  	v16 =	vand.u32 v28, v34;
	v14 =	vand.u32 v33, v27;
	v12 =	vand.u32 v31, v35;
	v26 =	vld [tilespmem:s25+$0x0];
	s25 =	spop (v2sf)  }
0x1e1: {  	v17 =	vand.u32 v37, v30;
	v31 =	vshrl.u32 v39, v38;
	v30 =	vshrl.u32 v45, v41;
	v27 =	vld [tilespmem:s25+$0x0];
	s25 =	spop (v2sf)  }
0x1e2: {  	v32 =	vshrl.u32 v40, v42;
	v33 =	vshrl.u32 v36, v19;
	v19 =	vshrl.u32 v50, v46;
	v28 =	vld [tilespmem:s25+$0x0];
	s25 =	spop (v2sf)  }
0x1e3: {  	s24 =	sadd.s32 $0x40, s24;
	v31 =	vand.u32 v31, v47;
	v35 =	vshrl.u32 v52, v43;
	v34 =	vshrl.u32 v54, v44;
	v29 =	vld [tilespmem:s25+$0x0];
	s25 =	spop (v2sf)  }
0x1e4: {  	v15 =	vand.u32 v30, v15;
	v13 =	vand.u32 v32, v13  }
0x1e5: {  	v16 =	vand.u32 v33, v16;
	v47 =	vand.u32 v35, v14;
	v17 =	vand.u32 v34, v17  }
0x1e6: {  	v12 =	vand.u32 v19, v12;
	v19 =	vand.u32 $0x1, v31;
	v18 =	vand.u32 $0x11111111, v18  }
0x1e7: {  	v20 =	vand.u32 $0x11111111, v20;
	v51 =	vand.u32 $0x11111111, v21;
	v36 =	vand.u32 $0x11111111, v22  }
0x1e8: {  	v37 =	vand.u32 $0x11111111, v23;
	v38 =	vand.u32 $0x11111111, v24;
	v39 =	vand.u32 $0x11111111, v25  }
0x1e9: {  	v14 =	vand.u32 $0x1, v15;
	v15 =	vand.u32 $0x1, v13;
	v13 =	vand.u32 $0x1, v47  }
0x1ea: {  	v16 =	vand.u32 $0x1, v16;
	v12 =	vand.u32 $0x1, v12;
	v17 =	vand.u32 $0x1, v17  }
0x1eb: {  	v40 =	vand.u32 $0x11111111, v26;
	v24 =	vunpack.c.u.s8.s16 v18;
	v25 =	vunpack.c.l.s8.s16 v18  }
0x1ec: {  	v26 =	vunpack.c.u.s8.s16 v20;
	v21 =	vunpack.c.l.s8.s16 v20;
	v22 =	vunpack.c.u.s8.s16 v51  }
0x1ed: {  	v18 =	vunpack.c.l.s8.s16 v51;
	v52 =	vunpack.c.u.s8.s16 v37;
	v23 =	vunpack.c.u.s8.s16 v36  }
0x1ee: {  	v20 =	vunpack.c.l.s8.s16 v36;
	v53 =	vunpack.c.l.s8.s16 v37;
	v54 =	vunpack.c.u.s8.s16 v38  }
0x1ef: {  	v38 =	vunpack.c.l.s8.s16 v38;
	v42 =	vunpack.c.u.s8.s16 v39;
	v39 =	vunpack.c.l.s8.s16 v39  }
0x1f0: {  	v30 =	vld [tilespmem:s25+$0x0];
	s24 =	spop (v2sf);
	v6 =	vadd.s32 v6, v19;
	v27 =	vand.u32 $0x11111111, v27;
	v61 =	vunpack.c.l.s8.s16 v40  }
0x1f1: {  	v48 =	vld [tilespmem:s24+$0x0];
	s25 =	spop (v2sf);
	v14 =	vadd.s32 v8, v14;
	v8 =	vadd.s32 v9, v15;
	v9 =	vadd.s32 v7, v13  }
0x1f2: {  	v31 =	vld [tilespmem:s25+$0x0];
	s26 =	spop (v2sf);
	v7 =	vadd.s32 v11, v16;
	v10 =	vadd.s32 v10, v17;
	v5 =	vadd.s32 v5, v12  }
0x1f3: {  	v49 =	vld [tilespmem:s26+$0x0];
	s28 =	spop (v2sf);
	v28 =	vand.u32 $0x11111111, v28;
	v41 =	vunpack.c.u.s8.s16 v27;
	v27 =	vunpack.c.l.s8.s16 v27  }
0x1f4: {  	v50 =	vld [tilespmem:s28+$0x0];
	v29 =	vand.u32 $0x11111111, v29;
	v43 =	vunpack.c.u.s8.s16 v28;
	v28 =	vunpack.c.l.s8.s16 v28  }
0x1f5: {  	v30 =	vand.u32 $0x11111111, v30;
	v44 =	vunpack.c.u.s8.s16 v29;
	v29 =	vunpack.c.l.s8.s16 v29  }
0x1f6: {  	v33 =	vand.u32 $0x11111111, v48;
	v45 =	vunpack.c.u.s8.s16 v30;
	v30 =	vunpack.c.l.s8.s16 v30  }
0x1f7: {  	v31 =	vand.u32 $0x11111111, v31;
	v46 =	vunpack.c.u.s8.s16 v33;
	v33 =	vunpack.c.l.s8.s16 v33  }
0x1f8: {  	v32 =	vand.u32 $0x11111111, v49;
	v47 =	vunpack.c.u.s8.s16 v31;
	v31 =	vunpack.c.l.s8.s16 v31  }
0x1f9: {  	v34 =	vand.u32 $0x11111111, v50;
	v48 =	vunpack.c.u.s8.s16 v32;
	v32 =	vunpack.c.l.s8.s16 v32  }
0x1fa: {  	v46 =	vadd.s16 v46, v46;
	v33 =	vadd.s16 v33, v33;
	v49 =	vunpack.c.u.s8.s16 v34  }
0x1fb: {  	v34 =	vunpack.c.l.s8.s16 v34;
	v47 =	vadd.s16 v47, v47;
	v31 =	vadd.s16 v31, v31  }
0x1fc: {  	v33 =	vpack.c.b16.b8 v46, v33;
	v48 =	vadd.s16 v48, v48;
	v32 =	vadd.s16 v32, v32  }
0x1fd: {  	v31 =	vpack.c.b16.b8 v47, v31;
	v49 =	vadd.s16 v49, v49;
	v34 =	vadd.s16 v34, v34  }
0x1fe: {  	v32 =	vpack.c.b16.b8 v48, v32;
	v46 =	vunpack.c.u.s8.s16 v33;
	v33 =	vunpack.c.l.s8.s16 v33  }
0x1ff: {  	v34 =	vpack.c.b16.b8 v49, v34;
	v47 =	vunpack.c.u.s8.s16 v31;
	v31 =	vunpack.c.l.s8.s16 v31  }
0x200: {  	v48 =	vunpack.c.u.s8.s16 v32;
	v32 =	vunpack.c.l.s8.s16 v32;
	v41 =	vadd.s16 v46, v41  }
0x201: {  	v27 =	vadd.s16 v33, v27;
	v55 =	vunpack.c.u.s8.s16 v34;
	v34 =	vunpack.c.l.s8.s16 v34  }
0x202: {  	v56 =	vadd.s16 v47, v43;
	v28 =	vadd.s16 v31, v28;
	v27 =	vpack.c.b16.b8 v41, v27  }
0x203: {  	v31 =	vadd.s16 v48, v44;
	v29 =	vadd.s16 v32, v29;
	v28 =	vpack.c.b16.b8 v56, v28  }
0x204: {  	v57 =	vadd.s16 v55, v45;
	v30 =	vadd.s16 v34, v30;
	v29 =	vpack.c.b16.b8 v31, v29  }
0x205: {  	v31 =	vunpack.c.u.s8.s16 v40;
	v58 =	vunpack.c.u.s8.s16 v27;
	v27 =	vunpack.c.l.s8.s16 v27  }
0x206: {  	v30 =	vpack.c.b16.b8 v57, v30;
	v33 =	vunpack.c.u.s8.s16 v28;
	v28 =	vunpack.c.l.s8.s16 v28  }
0x207: {  	v59 =	vunpack.c.u.s8.s16 v29;
	v29 =	vunpack.c.l.s8.s16 v29;
	v32 =	vadd.s16 v58, v58  }
0x208: {  	v27 =	vadd.s16 v27, v27;
	v60 =	vunpack.c.u.s8.s16 v30;
	v30 =	vunpack.c.l.s8.s16 v30  }
0x209: {  	v33 =	vadd.s16 v33, v33;
	v28 =	vadd.s16 v28, v28;
	v27 =	vpack.c.b16.b8 v32, v27  }
0x20a: {  	v34 =	vadd.s16 v59, v59;
	v29 =	vadd.s16 v29, v29;
	v28 =	vpack.c.b16.b8 v33, v28  }
0x20b: {  	v41 =	vadd.s16 v60, v60;
	v30 =	vadd.s16 v30, v30;
	v29 =	vpack.c.b16.b8 v34, v29  }
0x20c: {  	v62 =	vunpack.c.u.s8.s16 v27;
	v27 =	vunpack.c.l.s8.s16 v27;
	v30 =	vpack.c.b16.b8 v41, v30  }
0x20d: {  	v63 =	vunpack.c.u.s8.s16 v28;
	v28 =	vunpack.c.l.s8.s16 v28;
	v44 =	vunpack.c.u.s8.s16 v29  }
0x20e: {  	v29 =	vunpack.c.l.s8.s16 v29;
	v33 =	vadd.s16 v62, v52;
	v27 =	vadd.s16 v27, v53  }
0x20f: {  	v45 =	vunpack.c.u.s8.s16 v30;
	v30 =	vunpack.c.l.s8.s16 v30;
	v34 =	vadd.s16 v63, v54  }
0x210: {  	v28 =	vadd.s16 v28, v38;
	v27 =	vpack.c.b16.b8 v33, v27;
	v46 =	vadd.s16 v44, v42  }
0x211: {  	v29 =	vadd.s16 v29, v39;
	v28 =	vpack.c.b16.b8 v34, v28;
	v31 =	vadd.s16 v45, v31  }
0x212: {  	v30 =	vadd.s16 v30, v61;
	v47 =	vunpack.c.u.s8.s16 v27;
	v29 =	vpack.c.b16.b8 v46, v29  }
0x213: {  	v27 =	vunpack.c.l.s8.s16 v27;
	v30 =	vpack.c.b16.b8 v31, v30;
	v31 =	vunpack.c.u.s8.s16 v28  }
0x214: {  	v28 =	vunpack.c.l.s8.s16 v28;
	v33 =	vunpack.c.u.s8.s16 v29;
	v29 =	vunpack.c.l.s8.s16 v29  }
0x215: {  	v32 =	vadd.s16 v47, v47;
	v27 =	vadd.s16 v27, v27;
	v48 =	vunpack.c.u.s8.s16 v30  }
0x216: {  	v30 =	vunpack.c.l.s8.s16 v30;
	v31 =	vadd.s16 v31, v31;
	v28 =	vadd.s16 v28, v28  }
0x217: {  	v27 =	vpack.c.b16.b8 v32, v27;
	v33 =	vadd.s16 v33, v33;
	v29 =	vadd.s16 v29, v29  }
0x218: {  	v28 =	vpack.c.b16.b8 v31, v28;
	v49 =	vadd.s16 v48, v48;
	v30 =	vadd.s16 v30, v30  }
0x219: {  	v29 =	vpack.c.b16.b8 v33, v29;
	v31 =	vunpack.c.u.s8.s16 v27;
	v27 =	vunpack.c.l.s8.s16 v27  }
0x21a: {  	v30 =	vpack.c.b16.b8 v49, v30;
	v50 =	vunpack.c.u.s8.s16 v28;
	v28 =	vunpack.c.l.s8.s16 v28  }
0x21b: {  	v33 =	vunpack.c.u.s8.s16 v29;
	v29 =	vunpack.c.l.s8.s16 v29;
	v24 =	vadd.s16 v31, v24  }
0x21c: {  	v25 =	vadd.s16 v27, v25;
	v51 =	vunpack.c.u.s8.s16 v30;
	v30 =	vunpack.c.l.s8.s16 v30  }
0x21d: {  	v26 =	vadd.s16 v50, v26;
	v24 =	vpack.c.b16.b8 v24, v25;
	v21 =	vadd.s16 v28, v21  }
0x21e: {  	v22 =	vadd.s16 v33, v22;
	v21 =	vpack.c.b16.b8 v26, v21;
	v18 =	vadd.s16 v29, v18  }
0x21f: {  	v23 =	vadd.s16 v51, v23;
	v18 =	vpack.c.b16.b8 v22, v18;
	v20 =	vadd.s16 v30, v20  }
0x220: {  	v19 =	vshrl.u32 v24, $0x4;
	v27 =	vshrl.u32 v24, $0x1C;
	v61 =	vshrl.u32 v24, $0x8  }
0x221: {  	v63 =	vshrl.u32 v24, $0xC;
	v55 =	vshrl.u32 v24, $0x10;
	v57 =	vshrl.u32 v24, $0x14  }
0x222: {  	v59 =	vshrl.u32 v24, $0x18;
	v20 =	vpack.c.b16.b8 v23, v20;
	v22 =	vand.u32 $0xF0F0F0F, v19  }
0x223: {  	v23 =	vand.u32 $0xF0F0F0F0, v21;
	v21 =	vshll.u32 v21, $0x4;
	v19 =	vand.u32 $0x7, v19  }
0x224: {  	v40 =	vand.u32 $0x7, v61;
	v42 =	vand.u32 $0x7, v63;
	v44 =	vand.u32 $0x7, v55  }
0x225: {  	v46 =	vand.u32 $0x7, v57;
	v48 =	vand.u32 $0x7, v59;
	v25 =	vshrl.u32 v18, $0x4  }
0x226: {  	v22 =	vor.u32 v22, v23;
	v21 =	vand.u32 $0xF0F0F0F0, v21;
	v29 =	vand.u32 $0xF0F0F0F, v18  }
0x227: {  	v23 =	vand.u32 $0xF0F0F0F, v25;
	v26 =	vand.u32 $0xF0F0F0F0, v20;
	v28 =	vshrl.u32 v22, $0x18  }
0x228: {  	v23 =	vor.u32 v23, v26;
	v26 =	vand.u32 $0x7, v27;
	v27 =	vand.u32 $0xF8, v28  }
0x229: {  	v28 =	vshrl.u32 v18, $0x1C;
	v26 =	vor.u32 v26, v27;
	v27 =	vshrl.u32 v23, $0x18  }
0x22a: {  	v62 =	vshrl.u32 v18, $0x8;
	v28 =	vand.u32 $0x7, v28;
	v27 =	vand.u32 $0xF8, v27  }
0x22b: {  	v54 =	vshrl.u32 v18, $0xC;
	v56 =	vshrl.u32 v18, $0x10;
	v27 =	vor.u32 v28, v27  }
0x22c: {  	v58 =	vshrl.u32 v18, $0x14;
	v60 =	vshrl.u32 v18, $0x18;
	v20 =	vshll.u32 v20, $0x4  }
0x22d: {  	v34 =	vshrl.u32 v22, $0x10;
	v25 =	vand.u32 $0x7, v25;
	v41 =	vand.u32 $0x7, v62  }
0x22e: {  	v43 =	vand.u32 $0x7, v54;
	v20 =	vand.u32 $0xF0F0F0F0, v20;
	v31 =	vshrl.u32 v23, $0x8;
	v35 =	vld.idx.msk [tilespmem:v26+s16+$0x0], $0xffff  }
0x22f: {  	v45 =	vand.u32 $0x7, v56;
	v20 =	vor.u32 v29, v20;
	v31 =	vand.u32 $0xF8, v31;
	v26 =	vld.idx.msk [tilespmem:v26+s18+$0x0], $0xffff  }
0x230: {  	v33 =	vshrl.u32 v20, $0x10;
	v28 =	vand.u32 $0xF0F0F0F, v24;
	v31 =	vor.u32 v43, v31;
	v53 =	vld.idx.msk [tilespmem:v27+s17+$0x0], $0xffff  }
0x231: {  	v36 =	vshrl.u32 v23, $0x10;
	v33 =	vand.u32 $0xF8, v33;
	v21 =	vor.u32 v28, v21;
	v27 =	vld.idx.msk [tilespmem:v27+s19+$0x0], $0xffff  }
0x232: {  	v24 =	vand.u32 $0x7, v24;
	v33 =	vor.u32 v45, v33;
	v29 =	vshrl.u32 v21, $0x8  }
0x233: {  	v32 =	vshrl.u32 v21, $0x10;
	v52 =	vshrl.u32 v21, $0x18;
	v21 =	vand.u32 $0xF8, v21  }
0x234: {  	v23 =	vand.u32 $0xF8, v23;
	v32 =	vand.u32 $0xF8, v32;
	v21 =	vor.u32 v24, v21  }
0x235: {  	v23 =	vor.u32 v25, v23;
	v32 =	vor.u32 v44, v32;
	v24 =	vld.idx.msk [tilespmem:v31+s17+$0x0], $0xffff;
	v35 =	vxor.u32 v35, v53  }
0x236: {  	v31 =	vld.idx.msk [tilespmem:v31+s19+$0x0], $0xffff;
	v26 =	vxor.u32 v26, v27;
	v39 =	vshrl.u32 v35, $0x5;
	v27 =	vshra.s32 v35, $0x15  }
0x237: {  	v25 =	vld.idx.msk [tilespmem:v33+s17+$0x0], $0xffff;
	v50 =	vshrl.u32 v26, $0x5;
	v39 =	vand.u32 $0x3F, v39;
	v27 =	vadd.s32 s23, v27  }
0x238: {  	v47 =	vand.u32 $0x7, v58;
	v33 =	vld.idx.msk [tilespmem:v33+s19+$0x0], $0xffff;
	v50 =	vand.u32 $0x3F, v50;
	v39 =	vor.u32 s23, v39  }
0x239: {  	v49 =	vand.u32 $0x7, v60;
	v55 =	vld.idx.msk [tilespmem:v21+s16+$0x0], $0xffff;
	v51 =	vshra.s32 v26, $0x15;
	v50 =	vor.u32 s23, v50  }
0x23a: {  	v34 =	vand.u32 $0xF8, v34;
	v29 =	vand.u32 $0xF8, v29;
	v21 =	vld.idx.msk [tilespmem:v21+s18+$0x0], $0xffff;
	v51 =	vadd.s32 s23, v51  }
0x23b: {  	v62 =	vand.u32 $0x7, v18;
	v34 =	vor.u32 v46, v34;
	v29 =	vor.u32 v40, v29;
	v15 =	vld.idx.msk [tilespmem:v32+s16+$0x0], $0xffff  }
0x23c: {  	v30 =	vshrl.u32 v20, $0x8;
	v38 =	vshrl.u32 v20, $0x18;
	v20 =	vand.u32 $0xF8, v20;
	v27 =	vld.idx.msk [tilespmem:v27+s11+$0x0], $0xffff  }
0x23d: {  	v36 =	vand.u32 $0xF8, v36;
	v30 =	vand.u32 $0xF8, v30;
	v20 =	vor.u32 v62, v20;
	v39 =	vld.idx.msk [tilespmem:v39+s11+$0x0], $0xffff  }
0x23e: {  	v38 =	vand.u32 $0xF8, v38;
	v28 =	vshrl.u32 v22, $0x8;
	v22 =	vand.u32 $0xF8, v22;
	v50 =	vld.idx.msk [tilespmem:v50+s11+$0x0], $0xffff  }
0x23f: {  	v30 =	vor.u32 v41, v30;
	v28 =	vand.u32 $0xF8, v28;
	v37 =	vand.u32 $0xF8, v52;
	v61 =	vld.idx.msk [tilespmem:v51+s11+$0x0], $0xffff  }
0x240: {  	v28 =	vor.u32 v42, v28;
	v52 =	vld.idx.msk [tilespmem:v29+s16+$0x0], $0xffff;
	v18 =	vshrl.u32 v35, $0x10;
	v35 =	vand.u32 $0x1F, v35  }
0x241: {  	v32 =	vld.idx.msk [tilespmem:v32+s18+$0x0], $0xffff;
	v63 =	vand.u32 $0x1F, v26;
	v26 =	vshrl.u32 v26, $0x10;
	v18 =	vand.u32 $0x1F, v18  }
0x242: {  	v15 =	vxor.u32 v15, v25;
	v25 =	vld.idx.msk [tilespmem:v20+s17+$0x0], $0xffff;
	v18 =	vshrl.u32 v27, v18;
	v35 =	vshrl.u32 v39, v35  }
0x243: {  	v26 =	vand.u32 $0x1F, v26;
	v20 =	vld.idx.msk [tilespmem:v20+s19+$0x0], $0xffff;
	v27 =	vshrl.u32 v50, v63;
	v18 =	vand.u32 v18, v35  }
0x244: {  	v38 =	vor.u32 v49, v38;
	v26 =	vshrl.u32 v61, v26;
	v18 =	vand.u32 v27, v18;
	v27 =	vld.idx.msk [tilespmem:v30+s17+$0x0], $0xffff  }
0x245: {  	v36 =	vor.u32 v47, v36;
	v19 =	vor.u32 v19, v22;
	v18 =	vand.u32 v26, v18;
	v26 =	vld.idx.msk [tilespmem:v28+s16+$0x0], $0xffff  }
0x246: {  	v32 =	vxor.u32 v32, v33;
	v57 =	vshrl.u32 v15, $0x5;
	v59 =	vshra.s32 v15, $0x15;
	v28 =	vld.idx.msk [tilespmem:v28+s18+$0x0], $0xffff  }
0x247: {  	v22 =	vld.idx.msk [tilespmem:v30+s19+$0x0], $0xffff;
	v43 =	vand.u32 $0x3F, v57;
	v45 =	vadd.s32 s23, v59;
	v59 =	vshrl.u32 v32, $0x5  }
0x248: {  	v37 =	vor.u32 v48, v37;
	v29 =	vld.idx.msk [tilespmem:v29+s18+$0x0], $0xffff;
	v43 =	vor.u32 s23, v43;
	v51 =	vand.u32 $0x3F, v59  }
0x249: {  	v53 =	vld.idx.msk [tilespmem:v38+s17+$0x0], $0xffff;
	v25 =	vxor.u32 v55, v25;
	v20 =	vxor.u32 v21, v20;
	v16 =	vxor.u32 v52, v27  }
0x24a: {  	v38 =	vld.idx.msk [tilespmem:v38+s19+$0x0], $0xffff;
	v11 =	vshrl.u32 v16, $0x5;
	v13 =	vshra.s32 v16, $0x15;
	v17 =	vshrl.u32 v16, $0x10  }
0x24b: {  	v27 =	vld.idx.msk [tilespmem:v34+s16+$0x0], $0xffff;
	v16 =	vand.u32 $0x1F, v16;
	v24 =	vxor.u32 v26, v24;
	v28 =	vxor.u32 v28, v31  }
0x24c: {  	v34 =	vld.idx.msk [tilespmem:v34+s18+$0x0], $0xffff;
	v30 =	vand.u32 $0x3F, v11;
	v35 =	vadd.s32 s23, v13;
	v13 =	vand.u32 $0x1F, v17  }
0x24d: {  	v17 =	vld.idx.msk [tilespmem:v36+s17+$0x0], $0xffff;
	v11 =	vxor.u32 v29, v22;
	v54 =	vshrl.u32 v24, $0x5;
	v56 =	vshra.s32 v24, $0x15  }
0x24e: {  	v29 =	vld.idx.msk [tilespmem:v37+s16+$0x0], $0xffff;
	v57 =	vshrl.u32 v28, $0x5;
	v22 =	vor.u32 s23, v30;
	v30 =	vshrl.u32 v11, $0x5  }
0x24f: {  	v36 =	vld.idx.msk [tilespmem:v36+s19+$0x0], $0xffff;
	v26 =	vshra.s32 v11, $0x15;
	v40 =	vand.u32 $0x3F, v54;
	v42 =	vadd.s32 s23, v56  }
0x250: {  	v37 =	vld.idx.msk [tilespmem:v37+s18+$0x0], $0xffff;
	v54 =	vshra.s32 v25, $0x15;
	v50 =	vand.u32 $0x3F, v57;
	v57 =	vshrl.u32 v24, $0x10  }
0x251: {  	v24 =	vand.u32 $0x1F, v24;
	v30 =	vand.u32 $0x3F, v30;
	v40 =	vor.u32 s23, v40  }
0x252: {  	v44 =	vadd.s32 s23, v54;
	v50 =	vor.u32 s23, v50;
	v26 =	vadd.s32 s23, v26  }
0x253: {  	v57 =	vand.u32 $0x1F, v57;
	v30 =	vor.u32 s23, v30;
	v17 =	vxor.u32 v27, v17  }
0x254: {  	v29 =	vxor.u32 v29, v53;
	v53 =	vshrl.u32 v25, $0x5;
	v34 =	vxor.u32 v34, v36  }
0x255: {  	v36 =	vor.u32 s23, v51;
	v37 =	vxor.u32 v37, v38;
	v60 =	vshrl.u32 v17, $0x5  }
0x256: {  	v61 =	vshra.s32 v17, $0x15;
	v62 =	vshrl.u32 v29, $0x5;
	v63 =	vshra.s32 v29, $0x15  }
0x257: {  	v48 =	vand.u32 $0x3F, v53;
	v53 =	vshra.s32 v34, $0x15;
	v54 =	vshra.s32 v37, $0x15  }
0x258: {  	v58 =	vld.idx.msk [tilespmem:v19+s16+$0x0], $0xffff;
	v59 =	vshrl.u32 v17, $0x10;
	v17 =	vand.u32 $0x1F, v17;
	v46 =	vand.u32 $0x3F, v60  }
0x259: {  	v19 =	vld.idx.msk [tilespmem:v19+s18+$0x0], $0xffff;
	v39 =	vadd.s32 s23, v61;
	v52 =	vand.u32 $0x3F, v62;
	v47 =	vadd.s32 s23, v63  }
0x25a: {  	v27 =	vld.idx.msk [tilespmem:v23+s17+$0x0], $0xffff;
	v48 =	vor.u32 s23, v48;
	v60 =	vshrl.u32 v34, $0x5;
	v61 =	vshrl.u32 v37, $0x5  }
0x25b: {  	v23 =	vld.idx.msk [tilespmem:v23+s19+$0x0], $0xffff;
	v62 =	vshrl.u32 v20, $0x5;
	v54 =	vadd.s32 s23, v54;
	v59 =	vand.u32 $0x1F, v59  }
0x25c: {  	v35 =	vld.idx.msk [tilespmem:v35+s11+$0x0], $0xffff;
	v46 =	vor.u32 s23, v46;
	v41 =	vor.u32 s23, v52;
	v52 =	vshra.s32 v32, $0x15  }
0x25d: {  	v22 =	vld.idx.msk [tilespmem:v22+s11+$0x0], $0xffff;
	v51 =	vand.u32 $0x3F, v60;
	v60 =	vshrl.u32 v29, $0x10;
	v29 =	vand.u32 $0x1F, v29  }
0x25e: {  	v38 =	vld.idx.msk [tilespmem:v40+s11+$0x0], $0xffff;
	v40 =	vor.u32 s23, v51;
	v21 =	vadd.s32 s23, v52;
	v51 =	vand.u32 $0x3F, v61  }
0x25f: {  	v52 =	vand.u32 $0x3F, v62;
	v60 =	vand.u32 $0x1F, v60;
	v61 =	vand.u32 $0x1F, v20  }
0x260: {  	v45 =	vld.idx.msk [tilespmem:v45+s11+$0x0], $0xffff;
	v27 =	vxor.u32 v58, v27;
	v58 =	vshra.s32 v28, $0x15;
	v51 =	vor.u32 s23, v51  }
0x261: {  	v43 =	vld.idx.msk [tilespmem:v43+s11+$0x0], $0xffff;
	v19 =	vxor.u32 v19, v23;
	v52 =	vor.u32 s23, v52;
	v13 =	vshrl.u32 v35, v13  }
0x262: {  	v42 =	vld.idx.msk [tilespmem:v42+s11+$0x0], $0xffff;
	v55 =	vshrl.u32 v27, $0x5;
	v56 =	vshra.s32 v27, $0x15;
	v33 =	vadd.s32 s23, v58  }
0x263: {  	v44 =	vld.idx.msk [tilespmem:v44+s11+$0x0], $0xffff;
	v63 =	vshrl.u32 v19, $0x5;
	v58 =	vshrl.u32 v15, $0x10;
	v16 =	vshrl.u32 v22, v16  }
0x264: {  	v35 =	vld.idx.msk [tilespmem:v50+s11+$0x0], $0xffff;
	v22 =	vshrl.u32 v25, $0x10;
	v15 =	vand.u32 $0x1F, v15;
	v25 =	vand.u32 $0x1F, v25  }
0x265: {  	v36 =	vld.idx.msk [tilespmem:v36+s11+$0x0], $0xffff;
	v49 =	vand.u32 $0x3F, v55;
	v31 =	vadd.s32 s23, v56;
	v55 =	vshra.s32 v20, $0x15  }
0x266: {  	v23 =	vld.idx.msk [tilespmem:v48+s11+$0x0], $0xffff;
	v48 =	vadd.s32 s23, v53;
	v56 =	vshra.s32 v19, $0x15;
	v53 =	vand.u32 $0x3F, v63  }
0x267: {  	v24 =	vshrl.u32 v38, v24;
	v38 =	vshrl.u32 v27, $0x10;
	v39 =	vld.idx.msk [tilespmem:v39+s11+$0x0], $0xffff;
	v58 =	vand.u32 $0x1F, v58  }
0x268: {  	v47 =	vld.idx.msk [tilespmem:v47+s11+$0x0], $0xffff;
	v22 =	vand.u32 $0x1F, v22;
	v27 =	vand.u32 $0x1F, v27;
	v15 =	vshrl.u32 v43, v15  }
0x269: {  	v43 =	vand.u32 $0x1F, v28;
	v28 =	vshrl.u32 v28, $0x10;
	v20 =	vshrl.u32 v20, $0x10;
	v46 =	vld.idx.msk [tilespmem:v46+s11+$0x0], $0xffff  }
0x26a: {  	v63 =	vand.u32 $0x1F, v19;
	v19 =	vshrl.u32 v19, $0x10;
	v13 =	vand.u32 v13, v16;
	v41 =	vld.idx.msk [tilespmem:v41+s11+$0x0], $0xffff  }
0x26b: {  	v49 =	vor.u32 s23, v49;
	v55 =	vadd.s32 s23, v55;
	v53 =	vor.u32 s23, v53;
	v21 =	vld.idx.msk [tilespmem:v21+s11+$0x0], $0xffff  }
0x26c: {  	v56 =	vadd.s32 s23, v56;
	v38 =	vand.u32 $0x1F, v38;
	v22 =	vshrl.u32 v44, v22;
	v44 =	vld.idx.msk [tilespmem:v51+s11+$0x0], $0xffff  }
0x26d: {  	v28 =	vand.u32 $0x1F, v28;
	v20 =	vand.u32 $0x1F, v20;
	v19 =	vand.u32 $0x1F, v19;
	v31 =	vld.idx.msk [tilespmem:v31+s11+$0x0], $0xffff  }
0x26e: {  	v23 =	vshrl.u32 v23, v25;
	v25 =	vld.idx.msk [tilespmem:v30+s11+$0x0], $0xffff;
	v30 =	vshrl.u32 v42, v57;
	v39 =	vshrl.u32 v39, v59  }
0x26f: {  	v42 =	vshrl.u32 v47, v60;
	v57 =	vand.u32 $0x1F, v32;
	v32 =	vshrl.u32 v32, $0x10;
	v59 =	vld.idx.msk [tilespmem:v52+s11+$0x0], $0xffff  }
0x270: {  	v60 =	vand.u32 $0x1F, v37;
	v37 =	vshrl.u32 v37, $0x10;
	v49 =	vld.idx.msk [tilespmem:v49+s11+$0x0], $0xffff;
	v17 =	vshrl.u32 v46, v17  }
0x271: {  	v29 =	vshrl.u32 v41, v29;
	v41 =	vshrl.u32 v45, v58;
	v58 =	vand.u32 $0x1F, v34;
	v62 =	vld.idx.msk [tilespmem:v53+s11+$0x0], $0xffff  }
0x272: {  	v34 =	vshrl.u32 v34, $0x10;
	v16 =	vand.u32 v30, v24;
	v24 =	vld.idx.msk [tilespmem:v26+s11+$0x0], $0xffff;
	v22 =	vand.u32 v22, v23  }
0x273: {  	v23 =	vld.idx.msk [tilespmem:v33+s11+$0x0], $0xffff;
	v30 =	vshrl.u32 v36, v57;
	v32 =	vand.u32 $0x1F, v32;
	v37 =	vand.u32 $0x1F, v37  }
0x274: {  	v55 =	vld.idx.msk [tilespmem:v55+s11+$0x0], $0xffff;
	v15 =	vand.u32 v41, v15;
	v17 =	vand.u32 v39, v17;
	v26 =	vand.u32 v42, v29  }
0x275: {  	v56 =	vld.idx.msk [tilespmem:v56+s11+$0x0], $0xffff;
	v29 =	vshrl.u32 v35, v43;
	v34 =	vand.u32 $0x1F, v34;
	v21 =	vshrl.u32 v21, v32  }
0x276: {  	v40 =	vld.idx.msk [tilespmem:v40+s11+$0x0], $0xffff;
	v16 =	vand.u32 v29, v16;
	v15 =	vand.u32 v30, v15;
	v31 =	vshrl.u32 v31, v38  }
0x277: {  	v48 =	vld.idx.msk [tilespmem:v48+s11+$0x0], $0xffff;
	v38 =	vand.u32 $0x1F, v11;
	v11 =	vshrl.u32 v11, $0x10;
	v50 =	vshrl.u32 v59, v61  }
0x278: {  	v57 =	vld.idx.msk [tilespmem:v54+s11+$0x0], $0xffff;
	v27 =	vshrl.u32 v49, v27;
	v25 =	vshrl.u32 v25, v38;
	v49 =	vshrl.u32 v44, v60  }
0x279: {  	v53 =	vshrl.u32 v62, v63;
	v11 =	vand.u32 $0x1F, v11;
	v22 =	vand.u32 v50, v22  }
0x27a: {  	v23 =	vshrl.u32 v23, v28;
	v20 =	vshrl.u32 v55, v20;
	v19 =	vshrl.u32 v56, v19  }
0x27b: {  	v27 =	vand.u32 v31, v27;
	v31 =	vshrl.u32 v40, v58;
	v13 =	vand.u32 v25, v13  }
0x27c: {  	v25 =	vand.u32 v49, v26;
	v11 =	vshrl.u32 v24, v11;
	v24 =	vshrl.u32 v48, v34  }
0x27d: {  	v20 =	vand.u32 v20, v22;
	v22 =	vshrl.u32 v57, v37;
	v16 =	vand.u32 v23, v16  }
0x27e: {  	s29 =	sshll.u32 s22, $0x7;
	v26 =	vand.u32 v53, v27;
	v20 =	vand.u32 $0x1, v20;
	v11 =	vand.u32 v11, v13  }
0x27f: {  	s23 =	sand.u32 $0x3FFFFF80, s29;
	v19 =	vand.u32 v19, v26;
	v9 =	vadd.s32 v9, v20;
	v11 =	vand.u32 $0x1, v11  }
0x280: {  	v17 =	vand.u32 v31, v17;
	v13 =	vand.u32 $0x1, v19;
	[tilespmem:s23+$0x19440] =	vst v9;
	v6 =	vadd.s32 v6, v11  }
0x281: {  	v9 =	vand.u32 v21, v15;
	v10 =	vadd.s32 v10, v13;
	v13 =	vand.u32 $0x1, v16;
	[tilespmem:s23+$0x19460] =	vst v6  }
0x282: {  	v9 =	vand.u32 $0x1, v9;
	v6 =	vand.u32 v22, v25;
	[tilespmem:s23+$0x19450] =	vst v10;
	v11 =	vadd.s32 v14, v13  }
0x283: {  	v10 =	vand.u32 v24, v17;
	v8 =	vadd.s32 v8, v9;
	v6 =	vand.u32 $0x1, v6;
	[tilespmem:s23+$0x19470] =	vst v11  }
0x284: {  	v10 =	vand.u32 $0x1, v10;
	[tilespmem:s23+$0x19480] =	vst v8;
	v5 =	vadd.s32 v5, v6  }
0x285: {  	v8 =	vand.u32 $0x1, v18;
	v7 =	vadd.s32 v7, v10;
	[tilespmem:s23+$0x194A0] =	vst v5  }
0x286: {  	v4 =	vadd.s32 v4, v8;
	[tilespmem:s23+$0x19490] =	vst v7  }
0x287: {  	s30 =	simm.s32 $0x0;
	[tilespmem:s23+$0x194B0] =	vst v4  }
0x288: {  	[tilespmem:s15], [sflag:$0x1] =	stream.linear.gather [hbm4b:s8+s30], $0x1000, $0x38;
	[tilespmem:$0x19C40] =	vst v63  }
0x289: {  	_ =	swait.ge [sflag:s12], $0x1000  }
0x28a: {  	[sflag:s12] =	ssyncset.done $0x0  }
0x28b: {  	s31 =	simm.s32 $0x0;
	[sflag:s12] =	ssyncadd.s32 $0xFFFFF000  }
0x28c: {  	v4 =	vld [tilespmem:s31+$0x18000];
	_ =	sdelay $0x4  }
0x28d: {  	v4 =	vshll.u32 v4, $0x6  }
0x28e: {  	v4 =	vshra.s32 v4, $0x2  }
0x28f: {  	(v2sf) =	vpush v4, $0x0  }
0x290: {  	(v2sf) =	vpush v4, $0x4  }
0x291: {  	(v2sf) =	vpush v4, $0x8  }
0x292: {  	(v2sf) =	vpush v4, $0xC  }
0x293: {  	(v2sf) =	vpush v4, $0x1  }
0x294: {  	(v2sf) =	vpush v4, $0x5  }
0x295: {  	(v2sf) =	vpush v4, $0x9  }
0x296: {  	(v2sf) =	vpush v4, $0xD;
	_ =	sdelay $0x1  }
0x297: {  	(v2sf) =	vpush v4, $0x2  }
0x298: {  	(v2sf) =	vpush v4, $0x6  }
0x299: {  	(v2sf) =	vpush v4, $0xA  }
0x29a: {  	(v2sf) =	vpush v4, $0xE  }
0x29b: {  	(v2sf) =	vpush v4, $0x3  }
0x29c: {  	(v2sf) =	vpush v4, $0x7  }
0x29d: {  	(v2sf) =	vpush v4, $0xB;
	s25 =	spop (v2sf)  }
0x29e: {  	(v2sf) =	vpush v4, $0xF;
	v4 =	vld [tilespmem:s25+$0x0];
	s26 =	spop (v2sf)  }
0x29f: {  	v5 =	vld [tilespmem:s26+$0x0];
	s28 =	spop (v2sf)  }
0x2a0: {  	v6 =	vld [tilespmem:s28+$0x0];
	s29 =	spop (v2sf)  }
0x2a1: {  	v7 =	vld [tilespmem:s29+$0x0];
	s30 =	spop (v2sf)  }
0x2a2: {  	v8 =	vld [tilespmem:s30+$0x0];
	s31 =	spop (v2sf)  }
0x2a3: {  	v9 =	vld [tilespmem:s31+$0x0];
	s25 =	spop (v2sf)  }
0x2a4: {  	v10 =	vld [tilespmem:s25+$0x0];
	s26 =	spop (v2sf)  }
0x2a5: {  	v5 =	vand.u32 $0x11111111, v5;
	v11 =	vld [tilespmem:s26+$0x0]  }
0x2a6: {  	v4 =	vand.u32 $0x11111111, v4;
	s28 =	spop (v2sf);
	v20 =	vand.u32 $0x11111111, v6;
	v6 =	vunpack.c.l.s8.s16 v5  }
0x2a7: {  	v12 =	vld [tilespmem:s28+$0x0];
	s29 =	spop (v2sf);
	v21 =	vand.u32 $0x11111111, v7;
	v7 =	vunpack.c.u.s8.s16 v20;
	v22 =	vand.u32 $0x11111111, v8  }
0x2a8: {  	v13 =	vld [tilespmem:s29+$0x0];
	s30 =	spop (v2sf);
	v8 =	vunpack.c.u.s8.s16 v21;
	v23 =	vand.u32 $0x11111111, v9;
	v9 =	vunpack.c.u.s8.s16 v4  }
0x2a9: {  	v14 =	vld [tilespmem:s30+$0x0];
	s31 =	spop (v2sf);
	v24 =	vand.u32 $0x11111111, v10;
	v10 =	vunpack.c.l.s8.s16 v4;
	v4 =	vunpack.c.l.s8.s16 v20  }
0x2aa: {  	v15 =	vld [tilespmem:s31+$0x0];
	s25 =	spop (v2sf);
	v20 =	vunpack.c.u.s8.s16 v22;
	v25 =	vand.u32 $0x11111111, v11;
	v11 =	vunpack.c.u.s8.s16 v5  }
0x2ab: {  	v16 =	vld [tilespmem:s25+$0x0];
	s26 =	spop (v2sf);
	v5 =	vunpack.c.l.s8.s16 v21;
	v21 =	vunpack.c.l.s8.s16 v22;
	v22 =	vunpack.c.u.s8.s16 v23  }
0x2ac: {  	v23 =	vunpack.c.l.s8.s16 v23;
	v27 =	vunpack.c.u.s8.s16 v24;
	v17 =	vld [tilespmem:s26+$0x0];
	s28 =	spop (v2sf);
	v12 =	vand.u32 $0x11111111, v12  }
0x2ad: {  	v24 =	vunpack.c.l.s8.s16 v24;
	v18 =	vld [tilespmem:s28+$0x0];
	s29 =	spop (v2sf);
	v13 =	vand.u32 $0x11111111, v13;
	v26 =	vunpack.c.u.s8.s16 v12  }
0x2ae: {  	v12 =	vunpack.c.l.s8.s16 v12;
	v19 =	vld [tilespmem:s29+$0x0];
	v14 =	vand.u32 $0x11111111, v14;
	v28 =	vunpack.c.u.s8.s16 v13  }
0x2af: {  	v13 =	vunpack.c.l.s8.s16 v13;
	v15 =	vand.u32 $0x11111111, v15;
	v29 =	vunpack.c.u.s8.s16 v14  }
0x2b0: {  	v14 =	vunpack.c.l.s8.s16 v14;
	v16 =	vand.u32 $0x11111111, v16;
	v30 =	vunpack.c.u.s8.s16 v15  }
0x2b1: {  	v15 =	vunpack.c.l.s8.s16 v15;
	v17 =	vand.u32 $0x11111111, v17;
	v31 =	vunpack.c.u.s8.s16 v16  }
0x2b2: {  	v16 =	vunpack.c.l.s8.s16 v16;
	v18 =	vand.u32 $0x11111111, v18;
	v58 =	vunpack.c.u.s8.s16 v17  }
0x2b3: {  	v17 =	vunpack.c.l.s8.s16 v17;
	v19 =	vand.u32 $0x11111111, v19;
	v59 =	vunpack.c.u.s8.s16 v18  }
0x2b4: {  	v18 =	vunpack.c.l.s8.s16 v18;
	v31 =	vadd.s16 v31, v31;
	v16 =	vadd.s16 v16, v16  }
0x2b5: {  	v60 =	vunpack.c.u.s8.s16 v19;
	v19 =	vunpack.c.l.s8.s16 v19;
	v32 =	vadd.s16 v58, v58  }
0x2b6: {  	v17 =	vadd.s16 v17, v17;
	v16 =	vpack.c.b16.b8 v31, v16;
	v33 =	vadd.s16 v59, v59  }
0x2b7: {  	v18 =	vadd.s16 v18, v18;
	v17 =	vpack.c.b16.b8 v32, v17;
	v34 =	vadd.s16 v60, v60  }
0x2b8: {  	v19 =	vadd.s16 v19, v19;
	v18 =	vpack.c.b16.b8 v33, v18;
	v31 =	vunpack.c.u.s8.s16 v16  }
0x2b9: {  	v16 =	vunpack.c.l.s8.s16 v16;
	v19 =	vpack.c.b16.b8 v34, v19;
	v32 =	vunpack.c.u.s8.s16 v17  }
0x2ba: {  	v17 =	vunpack.c.l.s8.s16 v17;
	v33 =	vunpack.c.u.s8.s16 v18;
	v18 =	vunpack.c.l.s8.s16 v18  }
0x2bb: {  	v26 =	vadd.s16 v31, v26;
	v12 =	vadd.s16 v16, v12;
	v31 =	vunpack.c.u.s8.s16 v19  }
0x2bc: {  	v19 =	vunpack.c.l.s8.s16 v19;
	v16 =	vadd.s16 v32, v28;
	v13 =	vadd.s16 v17, v13  }
0x2bd: {  	v12 =	vpack.c.b16.b8 v26, v12;
	v17 =	vadd.s16 v33, v29;
	v14 =	vadd.s16 v18, v14  }
0x2be: {  	v13 =	vpack.c.b16.b8 v16, v13;
	v16 =	vunpack.c.u.s8.s16 v25;
	v18 =	vadd.s16 v31, v30  }
0x2bf: {  	v15 =	vadd.s16 v19, v15;
	v14 =	vpack.c.b16.b8 v17, v14;
	v17 =	vunpack.c.u.s8.s16 v12  }
0x2c0: {  	v12 =	vunpack.c.l.s8.s16 v12;
	v15 =	vpack.c.b16.b8 v18, v15;
	v18 =	vunpack.c.u.s8.s16 v13  }
0x2c1: {  	v13 =	vunpack.c.l.s8.s16 v13;
	v19 =	vunpack.c.u.s8.s16 v14;
	v14 =	vunpack.c.l.s8.s16 v14  }
0x2c2: {  	v17 =	vadd.s16 v17, v17;
	v12 =	vadd.s16 v12, v12;
	v26 =	vunpack.c.u.s8.s16 v15  }
0x2c3: {  	v15 =	vunpack.c.l.s8.s16 v15;
	v18 =	vadd.s16 v18, v18;
	v13 =	vadd.s16 v13, v13  }
0x2c4: {  	v12 =	vpack.c.b16.b8 v17, v12;
	v17 =	vunpack.c.l.s8.s16 v25;
	v19 =	vadd.s16 v19, v19  }
0x2c5: {  	v14 =	vadd.s16 v14, v14;
	v13 =	vpack.c.b16.b8 v18, v13;
	v26 =	vadd.s16 v26, v26  }
0x2c6: {  	v15 =	vadd.s16 v15, v15;
	v14 =	vpack.c.b16.b8 v19, v14;
	v18 =	vunpack.c.u.s8.s16 v12  }
0x2c7: {  	v12 =	vunpack.c.l.s8.s16 v12;
	v15 =	vpack.c.b16.b8 v26, v15;
	v19 =	vunpack.c.u.s8.s16 v13  }
0x2c8: {  	v13 =	vunpack.c.l.s8.s16 v13;
	v25 =	vunpack.c.u.s8.s16 v14;
	v14 =	vunpack.c.l.s8.s16 v14  }
0x2c9: {  	v18 =	vadd.s16 v18, v20;
	v12 =	vadd.s16 v12, v21;
	v20 =	vunpack.c.u.s8.s16 v15  }
0x2ca: {  	v15 =	vunpack.c.l.s8.s16 v15;
	v19 =	vadd.s16 v19, v22;
	v13 =	vadd.s16 v13, v23  }
0x2cb: {  	v12 =	vpack.c.b16.b8 v18, v12;
	v18 =	vadd.s16 v25, v27;
	v14 =	vadd.s16 v14, v24  }
0x2cc: {  	v13 =	vpack.c.b16.b8 v19, v13;
	v16 =	vadd.s16 v20, v16;
	v15 =	vadd.s16 v15, v17  }
0x2cd: {  	v17 =	vunpack.c.u.s8.s16 v12;
	v14 =	vpack.c.b16.b8 v18, v14;
	v12 =	vunpack.c.l.s8.s16 v12  }
0x2ce: {  	v15 =	vpack.c.b16.b8 v16, v15;
	v16 =	vunpack.c.u.s8.s16 v13;
	v13 =	vunpack.c.l.s8.s16 v13  }
0x2cf: {  	v18 =	vunpack.c.u.s8.s16 v14;
	v14 =	vunpack.c.l.s8.s16 v14;
	v17 =	vadd.s16 v17, v17  }
0x2d0: {  	v12 =	vadd.s16 v12, v12;
	v19 =	vunpack.c.u.s8.s16 v15;
	v15 =	vunpack.c.l.s8.s16 v15  }
0x2d1: {  	v16 =	vadd.s16 v16, v16;
	v13 =	vadd.s16 v13, v13;
	v12 =	vpack.c.b16.b8 v17, v12  }
0x2d2: {  	v18 =	vadd.s16 v18, v18;
	v14 =	vadd.s16 v14, v14;
	v13 =	vpack.c.b16.b8 v16, v13  }
0x2d3: {  	v17 =	vadd.s16 v19, v19;
	v14 =	vpack.c.b16.b8 v18, v14;
	v15 =	vadd.s16 v15, v15  }
0x2d4: {  	v16 =	vunpack.c.u.s8.s16 v12;
	v12 =	vunpack.c.l.s8.s16 v12;
	v15 =	vpack.c.b16.b8 v17, v15  }
0x2d5: {  	v17 =	vunpack.c.u.s8.s16 v13;
	v13 =	vunpack.c.l.s8.s16 v13;
	v18 =	vunpack.c.u.s8.s16 v14  }
0x2d6: {  	v14 =	vunpack.c.l.s8.s16 v14;
	v9 =	vadd.s16 v16, v9;
	v10 =	vadd.s16 v12, v10  }
0x2d7: {  	v19 =	vunpack.c.u.s8.s16 v15;
	v15 =	vunpack.c.l.s8.s16 v15;
	v11 =	vadd.s16 v17, v11  }
0x2d8: {  	v9 =	vpack.c.b16.b8 v9, v10;
	v6 =	vadd.s16 v13, v6;
	v7 =	vadd.s16 v18, v7  }
0x2d9: {  	v6 =	vpack.c.b16.b8 v11, v6;
	v4 =	vadd.s16 v14, v4;
	v8 =	vadd.s16 v19, v8  }
0x2da: {  	v4 =	vpack.c.b16.b8 v7, v4;
	v5 =	vadd.s16 v15, v5;
	v7 =	vshrl.u32 v9, $0x4  }
0x2db: {  	v5 =	vpack.c.b16.b8 v8, v5;
	v8 =	vand.u32 $0xF0F0F0F, v7;
	v10 =	vand.u32 $0xF0F0F0F0, v6  }
0x2dc: {  	v11 =	vshrl.u32 v9, $0x1C;
	v8 =	vor.u32 v8, v10;
	v10 =	vshrl.u32 v4, $0x4  }
0x2dd: {  	v12 =	vand.u32 $0xF0F0F0F, v10;
	v13 =	vand.u32 $0xF0F0F0F0, v5;
	v14 =	vshrl.u32 v8, $0x18  }
0x2de: {  	v11 =	vand.u32 $0x7, v11;
	v12 =	vor.u32 v12, v13;
	v13 =	vand.u32 $0xF8, v14  }
0x2df: {  	v14 =	vshrl.u32 v4, $0x1C;
	v11 =	vor.u32 v11, v13;
	v13 =	vshrl.u32 v12, $0x18  }
0x2e0: {  	v27 =	vshrl.u32 v9, $0x8;
	v14 =	vand.u32 $0x7, v14;
	v13 =	vand.u32 $0xF8, v13  }
0x2e1: {  	v29 =	vshrl.u32 v9, $0xC;
	v31 =	vshrl.u32 v9, $0x10;
	v13 =	vor.u32 v14, v13  }
0x2e2: {  	v62 =	vshrl.u32 v9, $0x14;
	v40 =	vshrl.u32 v9, $0x18;
	v6 =	vshll.u32 v6, $0x4  }
0x2e3: {  	v27 =	vand.u32 $0x7, v27;
	v29 =	vand.u32 $0x7, v29;
	v31 =	vand.u32 $0x7, v31  }
0x2e4: {  	v33 =	vand.u32 $0x7, v62;
	v6 =	vand.u32 $0xF0F0F0F0, v6;
	v15 =	vand.u32 $0xF0F0F0F, v4;
	v19 =	vld.idx.msk [tilespmem:v11+s18+$0x0], $0xffff  }
0x2e5: {  	v28 =	vshrl.u32 v4, $0x8;
	v30 =	vshrl.u32 v4, $0xC;
	v61 =	vshrl.u32 v4, $0x10;
	v11 =	vld.idx.msk [tilespmem:v11+s16+$0x0], $0xffff  }
0x2e6: {  	v63 =	vshrl.u32 v4, $0x14;
	v41 =	vshrl.u32 v4, $0x18;
	v45 =	vand.u32 $0x7, v4;
	v26 =	vld.idx.msk [tilespmem:v13+s17+$0x0], $0xffff  }
0x2e7: {  	v5 =	vshll.u32 v5, $0x4;
	v22 =	vshrl.u32 v8, $0x10;
	v14 =	vand.u32 $0xF0F0F0F, v9;
	v13 =	vld.idx.msk [tilespmem:v13+s19+$0x0], $0xffff  }
0x2e8: {  	v10 =	vand.u32 $0x7, v10;
	v28 =	vand.u32 $0x7, v28;
	v6 =	vor.u32 v14, v6  }
0x2e9: {  	v30 =	vand.u32 $0x7, v30;
	v32 =	vand.u32 $0x7, v61;
	v20 =	vshrl.u32 v6, $0x10  }
0x2ea: {  	v34 =	vand.u32 $0x7, v63;
	v44 =	vand.u32 $0x7, v41;
	v20 =	vand.u32 $0xF8, v20  }
0x2eb: {  	v16 =	vand.u32 $0xF0F0F0F0, v5;
	v20 =	vor.u32 v31, v20;
	v11 =	vxor.u32 v11, v26  }
0x2ec: {  	s30 =	simm.s32 $0x4000;
	v13 =	vxor.u32 v19, v13;
	v19 =	vshrl.u32 v11, $0x5;
	v26 =	vshra.s32 v11, $0x15  }
0x2ed: {  	v42 =	vshrl.u32 v13, $0x5;
	v19 =	vand.u32 $0x3F, v19;
	v26 =	vadd.s32 s30, v26  }
0x2ee: {  	v18 =	vshrl.u32 v12, $0x8;
	v37 =	vand.u32 $0x3F, v42;
	v19 =	vor.u32 s30, v19  }
0x2ef: {  	v23 =	vshrl.u32 v12, $0x10;
	v12 =	vand.u32 $0xF8, v12;
	v37 =	vor.u32 s30, v37  }
0x2f0: {  	v14 =	vor.u32 v15, v16;
	v16 =	vshrl.u32 v6, $0x8;
	v43 =	vshra.s32 v13, $0x15  }
0x2f1: {  	v10 =	vor.u32 v10, v12;
	v16 =	vand.u32 $0xF8, v16;
	v12 =	vld.idx.msk [tilespmem:v20+s16+$0x0], $0xffff;
	v38 =	vadd.s32 s30, v43  }
0x2f2: {  	v22 =	vand.u32 $0xF8, v22;
	v17 =	vshrl.u32 v14, $0x8;
	v16 =	vor.u32 v27, v16;
	v26 =	vld.idx.msk [tilespmem:v26+s11+$0x0], $0xffff  }
0x2f3: {  	v18 =	vand.u32 $0xF8, v18;
	v15 =	vshrl.u32 v8, $0x8;
	v17 =	vand.u32 $0xF8, v17;
	v19 =	vld.idx.msk [tilespmem:v19+s11+$0x0], $0xffff  }
0x2f4: {  	v23 =	vand.u32 $0xF8, v23;
	v15 =	vand.u32 $0xF8, v15;
	v17 =	vor.u32 v28, v17;
	v37 =	vld.idx.msk [tilespmem:v37+s11+$0x0], $0xffff  }
0x2f5: {  	v18 =	vor.u32 v30, v18;
	v15 =	vor.u32 v29, v15;
	v20 =	vld.idx.msk [tilespmem:v20+s18+$0x0], $0xffff;
	v29 =	vshrl.u32 v11, $0x10  }
0x2f6: {  	v21 =	vshrl.u32 v14, $0x10;
	v4 =	vand.u32 $0x1F, v11;
	v11 =	vand.u32 $0x1F, v29;
	v28 =	vld.idx.msk [tilespmem:v38+s11+$0x0], $0xffff  }
0x2f7: {  	v24 =	vshrl.u32 v6, $0x18;
	v25 =	vshrl.u32 v14, $0x18;
	v11 =	vshrl.u32 v26, v11;
	v26 =	vld.idx.msk [tilespmem:v16+s16+$0x0], $0xffff  }
0x2f8: {  	v21 =	vand.u32 $0xF8, v21;
	v29 =	vand.u32 $0x1F, v13;
	v16 =	vld.idx.msk [tilespmem:v16+s18+$0x0], $0xffff;
	v4 =	vshrl.u32 v19, v4  }
0x2f9: {  	v13 =	vshrl.u32 v13, $0x10;
	v19 =	vshrl.u32 v37, v29;
	v4 =	vand.u32 v11, v4;
	v11 =	vld.idx.msk [tilespmem:v17+s17+$0x0], $0xffff  }
0x2fa: {  	v13 =	vand.u32 $0x1F, v13;
	v17 =	vld.idx.msk [tilespmem:v17+s19+$0x0], $0xffff;
	v4 =	vand.u32 v19, v4;
	v19 =	vor.u32 v32, v21  }
0x2fb: {  	v24 =	vand.u32 $0xF8, v24;
	v25 =	vand.u32 $0xF8, v25;
	v13 =	vshrl.u32 v28, v13;
	v21 =	vld.idx.msk [tilespmem:v15+s16+$0x0], $0xffff  }
0x2fc: {  	v27 =	vand.u32 $0x7, v40;
	v15 =	vld.idx.msk [tilespmem:v15+s18+$0x0], $0xffff;
	v4 =	vand.u32 v13, v4;
	v13 =	vor.u32 v33, v22  }
0x2fd: {  	v22 =	vor.u32 v34, v23;
	v23 =	vor.u32 v27, v24;
	v24 =	vor.u32 v44, v25;
	v25 =	vld.idx.msk [tilespmem:v18+s17+$0x0], $0xffff  }
0x2fe: {  	v7 =	vand.u32 $0x7, v7;
	v8 =	vand.u32 $0xF8, v8;
	v18 =	vld.idx.msk [tilespmem:v18+s19+$0x0], $0xffff  }
0x2ff: {  	v27 =	vor.u32 v7, v8;
	v8 =	vxor.u32 v26, v11;
	v11 =	vld.idx.msk [tilespmem:v19+s17+$0x0], $0xffff  }
0x300: {  	v9 =	vand.u32 $0x7, v9;
	v6 =	vand.u32 $0xF8, v6;
	v19 =	vld.idx.msk [tilespmem:v19+s19+$0x0], $0xffff  }
0x301: {  	v9 =	vor.u32 v9, v6;
	v7 =	vshra.s32 v8, $0x15;
	v26 =	vshrl.u32 v8, $0x10;
	v28 =	vld.idx.msk [tilespmem:v13+s16+$0x0], $0xffff  }
0x302: {  	v6 =	vshrl.u32 v8, $0x5;
	v30 =	vadd.s32 s30, v7;
	v7 =	vand.u32 $0x1F, v26;
	v26 =	vld.idx.msk [tilespmem:v22+s17+$0x0], $0xffff  }
0x303: {  	v5 =	vimm.s32 $0x0;
	v29 =	vand.u32 $0x3F, v6;
	v6 =	vxor.u32 v16, v17;
	v17 =	vld.idx.msk [tilespmem:v23+s16+$0x0], $0xffff  }
0x304: {  	v14 =	vand.u32 $0xF8, v14;
	v4 =	vand.u32 $0x1, v4;
	v21 =	vxor.u32 v21, v25;
	v25 =	vld.idx.msk [tilespmem:v24+s17+$0x0], $0xffff  }
0x305: {  	v14 =	vor.u32 v45, v14;
	v4 =	vadd.s32 v5, v4;
	v8 =	vand.u32 $0x1F, v8;
	v13 =	vld.idx.msk [tilespmem:v13+s18+$0x0], $0xffff  }
0x306: {  	v22 =	vld.idx.msk [tilespmem:v22+s19+$0x0], $0xffff;
	v15 =	vxor.u32 v15, v18;
	v16 =	vor.u32 s30, v29;
	v29 =	vshrl.u32 v6, $0x5  }
0x307: {  	v23 =	vld.idx.msk [tilespmem:v23+s18+$0x0], $0xffff;
	v31 =	vshra.s32 v6, $0x15;
	v46 =	vshrl.u32 v21, $0x5;
	v47 =	vshra.s32 v21, $0x15  }
0x308: {  	v18 =	vld.idx.msk [tilespmem:v24+s19+$0x0], $0xffff;
	v61 =	vshrl.u32 v15, $0x5;
	v62 =	vshra.s32 v15, $0x15;
	v29 =	vand.u32 $0x3F, v29  }
0x309: {  	v32 =	vand.u32 $0x3F, v46;
	v33 =	vadd.s32 s30, v47;
	v31 =	vadd.s32 s30, v31  }
0x30a: {  	v43 =	vadd.s32 s30, v62;
	v32 =	vor.u32 s30, v32;
	v11 =	vxor.u32 v12, v11  }
0x30b: {  	v48 =	vld.idx.msk [tilespmem:v9+s16+$0x0], $0xffff;
	v29 =	vor.u32 s30, v29;
	v19 =	vxor.u32 v20, v19;
	v49 =	vshrl.u32 v11, $0x5  }
0x30c: {  	v9 =	vld.idx.msk [tilespmem:v9+s18+$0x0], $0xffff;
	v50 =	vshra.s32 v11, $0x15;
	v26 =	vxor.u32 v28, v26;
	v17 =	vxor.u32 v17, v25  }
0x30d: {  	v51 =	vld.idx.msk [tilespmem:v27+s16+$0x0], $0xffff;
	v63 =	vshrl.u32 v19, $0x5;
	v13 =	vxor.u32 v13, v22;
	v18 =	vxor.u32 v23, v18  }
0x30e: {  	v12 =	vld.idx.msk [tilespmem:v14+s17+$0x0], $0xffff;
	v35 =	vand.u32 $0x3F, v49;
	v36 =	vadd.s32 s30, v50;
	v52 =	vshrl.u32 v26, $0x5  }
0x30f: {  	v14 =	vld.idx.msk [tilespmem:v14+s19+$0x0], $0xffff;
	v53 =	vshra.s32 v26, $0x15;
	v54 =	vshrl.u32 v17, $0x5;
	v55 =	vshra.s32 v17, $0x15  }
0x310: {  	v28 =	vld.idx.msk [tilespmem:v10+s17+$0x0], $0xffff;
	v49 =	vshrl.u32 v13, $0x5;
	v50 =	vshra.s32 v13, $0x15;
	v35 =	vor.u32 s30, v35  }
0x311: {  	v27 =	vld.idx.msk [tilespmem:v27+s18+$0x0], $0xffff;
	v38 =	vand.u32 $0x3F, v52;
	v39 =	vadd.s32 s30, v53;
	v56 =	vand.u32 $0x3F, v54  }
0x312: {  	v10 =	vld.idx.msk [tilespmem:v10+s19+$0x0], $0xffff;
	v52 =	vshra.s32 v18, $0x15;
	v25 =	vor.u32 s30, v38;
	v38 =	vadd.s32 s30, v55  }
0x313: {  	v30 =	vld.idx.msk [tilespmem:v30+s11+$0x0], $0xffff;
	v34 =	vor.u32 s30, v56;
	v46 =	vadd.s32 s30, v52;
	v12 =	vxor.u32 v48, v12  }
0x314: {  	v48 =	vshra.s32 v19, $0x15;
	v9 =	vxor.u32 v9, v14;
	v57 =	vshrl.u32 v12, $0x5  }
0x315: {  	v58 =	vshra.s32 v12, $0x15;
	v28 =	vxor.u32 v51, v28;
	v51 =	vshrl.u32 v18, $0x5  }
0x316: {  	v14 =	vadd.s32 s30, v48;
	v53 =	vshrl.u32 v9, $0x5;
	v54 =	vshra.s32 v9, $0x15  }
0x317: {  	v16 =	vld.idx.msk [tilespmem:v16+s11+$0x0], $0xffff;
	v10 =	vxor.u32 v27, v10;
	v27 =	vadd.s32 s30, v50;
	v62 =	vshrl.u32 v12, $0x10  }
0x318: {  	v12 =	vand.u32 $0x1F, v12;
	v7 =	vshrl.u32 v30, v7;
	v40 =	vand.u32 $0x3F, v57  }
0x319: {  	v41 =	vadd.s32 s30, v58;
	v59 =	vshrl.u32 v28, $0x5;
	v60 =	vshra.s32 v28, $0x15  }
0x31a: {  	v44 =	vand.u32 $0x3F, v53;
	v55 =	vshrl.u32 v10, $0x5;
	v56 =	vshra.s32 v10, $0x15  }
0x31b: {  	v47 =	vadd.s32 s30, v54;
	v58 =	vshrl.u32 v21, $0x10;
	v54 =	vand.u32 $0x1F, v62  }
0x31c: {  	v21 =	vand.u32 $0x1F, v21;
	v8 =	vshrl.u32 v16, v8;
	v62 =	vand.u32 $0x1F, v19  }
0x31d: {  	v33 =	vld.idx.msk [tilespmem:v33+s11+$0x0], $0xffff;
	v19 =	vshrl.u32 v19, $0x10;
	v37 =	vor.u32 s30, v40;
	v40 =	vand.u32 $0x3F, v59  }
0x31e: {  	v31 =	vld.idx.msk [tilespmem:v31+s11+$0x0], $0xffff;
	v42 =	vadd.s32 s30, v60;
	v44 =	vor.u32 s30, v44;
	v45 =	vand.u32 $0x3F, v55  }
0x31f: {  	s31 =	simm.s32 $0x10;
	v32 =	vld.idx.msk [tilespmem:v32+s11+$0x0], $0xffff;
	v48 =	vadd.s32 s30, v56;
	v59 =	vshrl.u32 v11, $0x10;
	v60 =	vshrl.u32 v26, $0x10  }
0x320: {  	v57 =	vld [tilespmem:s31+$0x18000];
	v50 =	vand.u32 $0x1F, v58;
	v11 =	vand.u32 $0x1F, v11;
	v26 =	vand.u32 $0x1F, v26  }
0x321: {  	v36 =	vld.idx.msk [tilespmem:v36+s11+$0x0], $0xffff;
	v58 =	vand.u32 $0x1F, v6;
	v6 =	vshrl.u32 v6, $0x10;
	v7 =	vand.u32 v7, v8  }
0x322: {  	v35 =	vld.idx.msk [tilespmem:v35+s11+$0x0], $0xffff;
	v19 =	vand.u32 $0x1F, v19;
	v24 =	vor.u32 s30, v40;
	v40 =	vand.u32 $0x3F, v61  }
0x323: {  	v39 =	vld.idx.msk [tilespmem:v39+s11+$0x0], $0xffff;
	v45 =	vor.u32 s30, v45;
	v61 =	vshrl.u32 v17, $0x10;
	v52 =	vand.u32 $0x1F, v60  }
0x324: {  	v25 =	vld.idx.msk [tilespmem:v25+s11+$0x0], $0xffff;
	v17 =	vand.u32 $0x1F, v17;
	v21 =	vshrl.u32 v32, v21;
	v60 =	vand.u32 $0x1F, v15  }
0x325: {  	v34 =	vld.idx.msk [tilespmem:v34+s11+$0x0], $0xffff;
	v15 =	vshrl.u32 v15, $0x10;
	v20 =	vor.u32 s30, v40;
	v40 =	vand.u32 $0x3F, v63  }
0x326: {  	v38 =	vld.idx.msk [tilespmem:v38+s11+$0x0], $0xffff;
	v22 =	vor.u32 s30, v40;
	v40 =	vand.u32 $0x3F, v49;
	v49 =	vshll.u32 v57, $0x6  }
0x327: {  	v8 =	vld.idx.msk [tilespmem:v46+s11+$0x0], $0xffff;
	v6 =	vand.u32 $0x1F, v6;
	v63 =	vshrl.u32 v28, $0x10;
	v49 =	vshra.s32 v49, $0x2  }
0x328: {  	v53 =	vand.u32 $0x1F, v61;
	v28 =	vand.u32 $0x1F, v28;
	v27 =	vld.idx.msk [tilespmem:v27+s11+$0x0], $0xffff;
	(v2sf) =	vpush v49, $0x0  }
0x329: {  	v6 =	vshrl.u32 v31, v6;
	v55 =	vand.u32 $0x1F, v63;
	v16 =	vld.idx.msk [tilespmem:v41+s11+$0x0], $0xffff;
	(v2sf) =	vpush v49, $0x4  }
0x32a: {  	v23 =	vor.u32 s30, v40;
	v40 =	vand.u32 $0x3F, v51;
	v37 =	vld.idx.msk [tilespmem:v37+s11+$0x0], $0xffff;
	(v2sf) =	vpush v49, $0x8  }
0x32b: {  	v51 =	vand.u32 $0x1F, v59;
	v40 =	vor.u32 s30, v40;
	v56 =	vld.idx.msk [tilespmem:v42+s11+$0x0], $0xffff;
	(v2sf) =	vpush v49, $0xC  }
0x32c: {  	v11 =	vshrl.u32 v35, v11;
	v30 =	vshrl.u32 v39, v52;
	v61 =	vld.idx.msk [tilespmem:v44+s11+$0x0], $0xffff;
	(v2sf) =	vpush v49, $0x1  }
0x32d: {  	v52 =	vld.idx.msk [tilespmem:v43+s11+$0x0], $0xffff;
	v25 =	vshrl.u32 v25, v26;
	v17 =	vshrl.u32 v34, v17;
	(v2sf) =	vpush v49, $0x5  }
0x32e: {  	v26 =	vld.idx.msk [tilespmem:v29+s11+$0x0], $0xffff;
	v29 =	vshrl.u32 v36, v51;
	v57 =	vshrl.u32 v38, v53;
	(v2sf) =	vpush v49, $0x9  }
0x32f: {  	v24 =	vld.idx.msk [tilespmem:v24+s11+$0x0], $0xffff;
	v51 =	vand.u32 $0x1F, v18;
	v53 =	vand.u32 $0x1F, v9;
	(v2sf) =	vpush v49, $0xD  }
0x330: {  	v63 =	vld.idx.msk [tilespmem:v45+s11+$0x0], $0xffff;
	v9 =	vshrl.u32 v9, $0x10;
	v11 =	vand.u32 v29, v11;
	(v2sf) =	vpush v49, $0x2  }
0x331: {  	v20 =	vld.idx.msk [tilespmem:v20+s11+$0x0], $0xffff;
	v17 =	vand.u32 v57, v17;
	v9 =	vand.u32 $0x1F, v9;
	(v2sf) =	vpush v49, $0x6  }
0x332: {  	v29 =	vld.idx.msk [tilespmem:v47+s11+$0x0], $0xffff;
	v16 =	vshrl.u32 v16, v54;
	v54 =	vshrl.u32 v18, $0x10;
	(v2sf) =	vpush v49, $0xA  }
0x333: {  	v22 =	vld.idx.msk [tilespmem:v22+s11+$0x0], $0xffff;
	v12 =	vshrl.u32 v37, v12;
	v32 =	vshrl.u32 v56, v55;
	(v2sf) =	vpush v49, $0xE  }
0x334: {  	v55 =	vld.idx.msk [tilespmem:v14+s11+$0x0], $0xffff;
	v14 =	vand.u32 $0x1F, v10;
	v10 =	vshrl.u32 v10, $0x10;
	(v2sf) =	vpush v49, $0x3  }
0x335: {  	v23 =	vld.idx.msk [tilespmem:v23+s11+$0x0], $0xffff;
	v24 =	vshrl.u32 v24, v28;
	v28 =	vshrl.u32 v33, v50;
	(v2sf) =	vpush v49, $0x7  }
0x336: {  	v59 =	vld.idx.msk [tilespmem:v40+s11+$0x0], $0xffff;
	v50 =	vand.u32 $0x1F, v13;
	v13 =	vshrl.u32 v13, $0x10;
	(v2sf) =	vpush v49, $0xB  }
0x337: {  	v56 =	vld.idx.msk [tilespmem:v48+s11+$0x0], $0xffff;
	v12 =	vand.u32 v16, v12;
	v16 =	vand.u32 v30, v25;
	(v2sf) =	vpush v49, $0xF;
	s26 =	spop (v2sf)  }
0x338: {  	v10 =	vand.u32 $0x1F, v10;
	v28 =	vand.u32 v28, v21;
	v30 =	vand.u32 v32, v24;
	v18 =	vld [tilespmem:s26+$0x0];
	s28 =	spop (v2sf)  }
0x339: {  	v24 =	vshrl.u32 v26, v58;
	v25 =	vshrl.u32 v20, v60;
	v60 =	vshrl.u32 v63, v14;
	v20 =	vld [tilespmem:s28+$0x0];
	s29 =	spop (v2sf)  }
0x33a: {  	v63 =	vand.u32 $0x1F, v54;
	v35 =	vshrl.u32 v29, v9;
	v9 =	vimm.s32 $0x0;
	v21 =	vld [tilespmem:s29+$0x0];
	s30 =	spop (v2sf)  }
0x33b: {  	v26 =	vshrl.u32 v22, v62;
	v62 =	vand.u32 $0x1F, v13;
	v7 =	vand.u32 v24, v7;
	v22 =	vld [tilespmem:s30+$0x0];
	s31 =	spop (v2sf)  }
0x33c: {  	v57 =	vshrl.u32 v23, v50;
	v13 =	vand.u32 v26, v11;
	v33 =	vshrl.u32 v27, v62;
	v23 =	vld [tilespmem:s31+$0x0];
	s25 =	spop (v2sf)  }
0x33d: {  	v31 =	vand.u32 v6, v7;
	v7 =	vimm.s32 $0x0;
	v58 =	vshrl.u32 v59, v51;
	v24 =	vld [tilespmem:s25+$0x0];
	s26 =	spop (v2sf)  }
0x33e: {  	v59 =	vshrl.u32 v61, v53;
	v61 =	vand.u32 $0x1F, v15;
	v15 =	vand.u32 v25, v28;
	v25 =	vld [tilespmem:s26+$0x0];
	s28 =	spop (v2sf)  }
0x33f: {  	v11 =	vimm.s32 $0x0;
	v6 =	vimm.s32 $0x0;
	v16 =	vand.u32 v57, v16;
	v26 =	vld [tilespmem:s28+$0x0];
	s29 =	spop (v2sf)  }
0x340: {  	v32 =	vshrl.u32 v55, v19;
	v19 =	vshrl.u32 v8, v63;
	v34 =	vshrl.u32 v56, v10;
	v27 =	vld [tilespmem:s29+$0x0];
	s30 =	spop (v2sf)  }
0x341: {  	v8 =	vimm.s32 $0x0;
	v10 =	vimm.s32 $0x0;
	v14 =	vand.u32 v59, v12;
	v28 =	vld [tilespmem:s30+$0x0];
	s31 =	spop (v2sf)  }
0x342: {  	s24 =	simm.s32 $0x40;
	v12 =	vand.u32 v58, v17;
	v17 =	vand.u32 v60, v30;
	v30 =	vshrl.u32 v52, v61;
	s25 =	simm.s32 $0x80;
	v29 =	vld [tilespmem:s31+$0x0];
	s26 =	spop (v2sf)  }
.LBB2_13:
0x343: {  	p0 =	sne.s32 s25, $0x3FC0;
	v36 =	vld [tilespmem:s26+$0x0];
	s26 =	spop (v2sf);
	v15 =	vand.u32 v30, v15;
	v13 =	vand.u32 v32, v13;
	v16 =	vand.u32 v33, v16  }
0x344: {  	v14 =	vand.u32 v35, v14;
	v32 =	vand.u32 v34, v17;
	v17 =	vand.u32 v19, v12;
	v30 =	vld [tilespmem:s26+$0x0];
	s26 =	spop (v2sf)  }
0x345: {  	v31 =	vand.u32 $0x1, v31;
	v12 =	vand.u32 $0x1, v15;
	v13 =	vand.u32 $0x1, v13;
	v19 =	vld [tilespmem:s26+$0x0];
	s26 =	spop (v2sf)  }
0x346: {  	v14 =	vand.u32 $0x1, v14;
	v16 =	vand.u32 $0x1, v16;
	v17 =	vand.u32 $0x1, v17;
	v33 =	vld [tilespmem:s26+$0x0];
	s26 =	spop (v2sf)  }
0x347: {  	v18 =	vand.u32 $0x11111111, v18;
	v15 =	vand.u32 $0x1, v32;
	v5 =	vadd.s32 v5, v31;
	v34 =	vld [tilespmem:s26+$0x0]  }
0x348: {  	v20 =	vand.u32 $0x11111111, v20;
	v31 =	vand.u32 $0x11111111, v21;
	v32 =	vand.u32 $0x11111111, v22  }
0x349: {  	v35 =	vand.u32 $0x11111111, v23;
	v37 =	vand.u32 $0x11111111, v24;
	v38 =	vand.u32 $0x11111111, v25  }
0x34a: {  	v26 =	vand.u32 $0x11111111, v26;
	v27 =	vand.u32 $0x11111111, v27;
	v28 =	vand.u32 $0x11111111, v28  }
0x34b: {  	v29 =	vand.u32 $0x11111111, v29;
	v36 =	vand.u32 $0x11111111, v36;
	v30 =	vand.u32 $0x11111111, v30  }
0x34c: {  	v39 =	vand.u32 $0x11111111, v19;
	v33 =	vand.u32 $0x11111111, v33;
	v34 =	vand.u32 $0x11111111, v34  }
0x34d: {  	v23 =	vunpack.c.u.s8.s16 v18;
	v24 =	vunpack.c.l.s8.s16 v18;
	v25 =	vunpack.c.u.s8.s16 v20  }
0x34e: {  	v20 =	vunpack.c.l.s8.s16 v20;
	v21 =	vunpack.c.u.s8.s16 v31;
	v18 =	vunpack.c.l.s8.s16 v31  }
0x34f: {  	v31 =	vunpack.c.u.s8.s16 v35;
	v22 =	vunpack.c.u.s8.s16 v32;
	v19 =	vunpack.c.l.s8.s16 v32  }
0x350: {  	v32 =	vunpack.c.l.s8.s16 v35;
	v35 =	vunpack.c.u.s8.s16 v37;
	v37 =	vunpack.c.l.s8.s16 v37  }
0x351: {  	v41 =	vunpack.c.u.s8.s16 v38;
	v38 =	vunpack.c.l.s8.s16 v38;
	v40 =	vunpack.c.u.s8.s16 v27  }
0x352: {  	v27 =	vunpack.c.l.s8.s16 v27;
	v42 =	vunpack.c.u.s8.s16 v28;
	v28 =	vunpack.c.l.s8.s16 v28  }
0x353: {  	v43 =	vunpack.c.u.s8.s16 v29;
	v29 =	vunpack.c.l.s8.s16 v29;
	v44 =	vunpack.c.u.s8.s16 v36  }
0x354: {  	v45 =	vunpack.c.u.s8.s16 v30;
	v30 =	vunpack.c.l.s8.s16 v30;
	v46 =	vunpack.c.u.s8.s16 v39  }
0x355: {  	v39 =	vunpack.c.l.s8.s16 v39;
	v47 =	vunpack.c.u.s8.s16 v33;
	v33 =	vunpack.c.l.s8.s16 v33  }
0x356: {  	v45 =	vadd.s16 v45, v45;
	v48 =	vunpack.c.u.s8.s16 v34;
	v34 =	vunpack.c.l.s8.s16 v34  }
0x357: {  	v30 =	vadd.s16 v30, v30;
	v46 =	vadd.s16 v46, v46;
	v39 =	vadd.s16 v39, v39  }
0x358: {  	v47 =	vadd.s16 v47, v47;
	v33 =	vadd.s16 v33, v33;
	v48 =	vadd.s16 v48, v48  }
0x359: {  	v30 =	vpack.c.b16.b8 v45, v30;
	v39 =	vpack.c.b16.b8 v46, v39;
	v34 =	vadd.s16 v34, v34  }
0x35a: {  	v36 =	vunpack.c.l.s8.s16 v36;
	v33 =	vpack.c.b16.b8 v47, v33;
	v34 =	vpack.c.b16.b8 v48, v34  }
0x35b: {  	v45 =	vunpack.c.u.s8.s16 v30;
	v30 =	vunpack.c.l.s8.s16 v30;
	v46 =	vunpack.c.u.s8.s16 v39  }
0x35c: {  	v39 =	vunpack.c.l.s8.s16 v39;
	v47 =	vunpack.c.u.s8.s16 v33;
	v33 =	vunpack.c.l.s8.s16 v33  }
0x35d: {  	v40 =	vadd.s16 v45, v40;
	v45 =	vunpack.c.u.s8.s16 v34;
	v34 =	vunpack.c.l.s8.s16 v34  }
0x35e: {  	v27 =	vadd.s16 v30, v27;
	v30 =	vadd.s16 v46, v42;
	v28 =	vadd.s16 v39, v28  }
0x35f: {  	v39 =	vadd.s16 v47, v43;
	v29 =	vadd.s16 v33, v29;
	v33 =	vadd.s16 v45, v44  }
0x360: {  	v27 =	vpack.c.b16.b8 v40, v27;
	v28 =	vpack.c.b16.b8 v30, v28;
	v30 =	vadd.s16 v34, v36  }
0x361: {  	v29 =	vpack.c.b16.b8 v39, v29;
	v30 =	vpack.c.b16.b8 v33, v30;
	v33 =	vunpack.c.u.s8.s16 v26  }
0x362: {  	v34 =	vunpack.c.u.s8.s16 v27;
	v27 =	vunpack.c.l.s8.s16 v27;
	v36 =	vunpack.c.u.s8.s16 v28  }
0x363: {  	v28 =	vunpack.c.l.s8.s16 v28;
	v39 =	vunpack.c.u.s8.s16 v29;
	v29 =	vunpack.c.l.s8.s16 v29  }
0x364: {  	v34 =	vadd.s16 v34, v34;
	v40 =	vunpack.c.u.s8.s16 v30;
	v30 =	vunpack.c.l.s8.s16 v30  }
0x365: {  	v27 =	vadd.s16 v27, v27;
	v36 =	vadd.s16 v36, v36;
	v28 =	vadd.s16 v28, v28  }
0x366: {  	v39 =	vadd.s16 v39, v39;
	v29 =	vadd.s16 v29, v29;
	v40 =	vadd.s16 v40, v40  }
0x367: {  	v27 =	vpack.c.b16.b8 v34, v27;
	v28 =	vpack.c.b16.b8 v36, v28;
	v30 =	vadd.s16 v30, v30  }
0x368: {  	v26 =	vunpack.c.l.s8.s16 v26;
	v29 =	vpack.c.b16.b8 v39, v29;
	v30 =	vpack.c.b16.b8 v40, v30  }
0x369: {  	v34 =	vunpack.c.u.s8.s16 v27;
	v27 =	vunpack.c.l.s8.s16 v27;
	v36 =	vunpack.c.u.s8.s16 v28  }
0x36a: {  	v28 =	vunpack.c.l.s8.s16 v28;
	v39 =	vunpack.c.u.s8.s16 v29;
	v29 =	vunpack.c.l.s8.s16 v29  }
0x36b: {  	v31 =	vadd.s16 v34, v31;
	v34 =	vunpack.c.u.s8.s16 v30;
	v30 =	vunpack.c.l.s8.s16 v30  }
0x36c: {  	v27 =	vadd.s16 v27, v32;
	v32 =	vadd.s16 v36, v35;
	v28 =	vadd.s16 v28, v37  }
0x36d: {  	v27 =	vpack.c.b16.b8 v31, v27;
	v31 =	vadd.s16 v39, v41;
	v29 =	vadd.s16 v29, v38  }
0x36e: {  	v28 =	vpack.c.b16.b8 v32, v28;
	v32 =	vadd.s16 v34, v33;
	v26 =	vadd.s16 v30, v26  }
0x36f: {  	v30 =	vunpack.c.u.s8.s16 v27;
	v29 =	vpack.c.b16.b8 v31, v29;
	v26 =	vpack.c.b16.b8 v32, v26  }
0x370: {  	v27 =	vunpack.c.l.s8.s16 v27;
	v31 =	vunpack.c.u.s8.s16 v28;
	v28 =	vunpack.c.l.s8.s16 v28  }
0x371: {  	v32 =	vunpack.c.u.s8.s16 v29;
	v29 =	vunpack.c.l.s8.s16 v29;
	v33 =	vunpack.c.u.s8.s16 v26  }
0x372: {  	v30 =	vadd.s16 v30, v30;
	v27 =	vadd.s16 v27, v27;
	v26 =	vunpack.c.l.s8.s16 v26  }
0x373: {  	v31 =	vadd.s16 v31, v31;
	v28 =	vadd.s16 v28, v28;
	v32 =	vadd.s16 v32, v32  }
0x374: {  	v27 =	vpack.c.b16.b8 v30, v27;
	v29 =	vadd.s16 v29, v29;
	v30 =	vadd.s16 v33, v33  }
0x375: {  	v28 =	vpack.c.b16.b8 v31, v28;
	v29 =	vpack.c.b16.b8 v32, v29;
	v26 =	vadd.s16 v26, v26  }
0x376: {  	v31 =	vunpack.c.u.s8.s16 v27;
	v27 =	vunpack.c.l.s8.s16 v27;
	v26 =	vpack.c.b16.b8 v30, v26  }
0x377: {  	v30 =	vunpack.c.u.s8.s16 v28;
	v28 =	vunpack.c.l.s8.s16 v28;
	v32 =	vunpack.c.u.s8.s16 v29  }
0x378: {  	v29 =	vunpack.c.l.s8.s16 v29;
	v33 =	vunpack.c.u.s8.s16 v26;
	v26 =	vunpack.c.l.s8.s16 v26  }
0x379: {  	v23 =	vadd.s16 v31, v23;
	v24 =	vadd.s16 v27, v24;
	v25 =	vadd.s16 v30, v25  }
0x37a: {  	v23 =	vpack.c.b16.b8 v23, v24;
	v20 =	vadd.s16 v28, v20;
	v21 =	vadd.s16 v32, v21  }
0x37b: {  	v20 =	vpack.c.b16.b8 v25, v20;
	v18 =	vadd.s16 v29, v18;
	v22 =	vadd.s16 v33, v22  }
0x37c: {  	v18 =	vpack.c.b16.b8 v21, v18;
	v19 =	vadd.s16 v26, v19;
	v21 =	vshrl.u32 v23, $0x4  }
0x37d: {  	v19 =	vpack.c.b16.b8 v22, v19;
	v22 =	vand.u32 $0xF0F0F0F, v21;
	v24 =	vand.u32 $0xF0F0F0F0, v20  }
0x37e: {  	v25 =	vshrl.u32 v23, $0x1C;
	v22 =	vor.u32 v22, v24;
	v24 =	vshrl.u32 v18, $0x4  }
0x37f: {  	v26 =	vand.u32 $0xF0F0F0F, v24;
	v27 =	vand.u32 $0xF0F0F0F0, v19;
	v28 =	vshrl.u32 v22, $0x18  }
0x380: {  	v25 =	vand.u32 $0x7, v25;
	v26 =	vor.u32 v26, v27;
	v27 =	vand.u32 $0xF8, v28  }
0x381: {  	v28 =	vshrl.u32 v18, $0x1C;
	v25 =	vor.u32 v25, v27;
	v27 =	vshrl.u32 v26, $0x18  }
0x382: {  	v20 =	vshll.u32 v20, $0x4;
	v28 =	vand.u32 $0x7, v28;
	v27 =	vand.u32 $0xF8, v27  }
0x383: {  	v20 =	vand.u32 $0xF0F0F0F0, v20;
	v19 =	vshll.u32 v19, $0x4;
	v27 =	vor.u32 v28, v27  }
0x384: {  	v29 =	vand.u32 $0xF0F0F0F, v18;
	v19 =	vand.u32 $0xF0F0F0F0, v19;
	v28 =	vand.u32 $0xF0F0F0F, v23  }
0x385: {  	v19 =	vor.u32 v29, v19;
	v20 =	vor.u32 v28, v20;
	v28 =	vshrl.u32 v22, $0x8  }
0x386: {  	v31 =	vshrl.u32 v26, $0x8;
	v30 =	vshrl.u32 v19, $0x8;
	v29 =	vshrl.u32 v20, $0x8;
	v32 =	vld.idx.msk [tilespmem:v25+s18+$0x0], $0xffff  }
0x387: {  	v35 =	vshrl.u32 v22, $0x10;
	v34 =	vshrl.u32 v19, $0x10;
	v33 =	vshrl.u32 v20, $0x10;
	v25 =	vld.idx.msk [tilespmem:v25+s16+$0x0], $0xffff  }
0x388: {  	v36 =	vshrl.u32 v26, $0x10;
	v38 =	vshrl.u32 v19, $0x18;
	v37 =	vshrl.u32 v20, $0x18;
	v39 =	vld.idx.msk [tilespmem:v27+s17+$0x0], $0xffff  }
0x389: {  	v40 =	vshrl.u32 v23, $0x8;
	v42 =	vshrl.u32 v23, $0xC;
	v41 =	vshrl.u32 v18, $0x8;
	v27 =	vld.idx.msk [tilespmem:v27+s19+$0x0], $0xffff  }
0x38a: {  	v44 =	vshrl.u32 v23, $0x10;
	v43 =	vshrl.u32 v18, $0xC;
	v45 =	vshrl.u32 v18, $0x10  }
0x38b: {  	v46 =	vshrl.u32 v23, $0x14;
	v48 =	vshrl.u32 v23, $0x18;
	v47 =	vshrl.u32 v18, $0x14  }
0x38c: {  	v49 =	vshrl.u32 v18, $0x18;
	v30 =	vand.u32 $0xF8, v30;
	v29 =	vand.u32 $0xF8, v29  }
0x38d: {  	v31 =	vand.u32 $0xF8, v31;
	v28 =	vand.u32 $0xF8, v28;
	v33 =	vand.u32 $0xF8, v33  }
0x38e: {  	v35 =	vand.u32 $0xF8, v35;
	v34 =	vand.u32 $0xF8, v34;
	v25 =	vxor.u32 v25, v39  }
0x38f: {  	s26 =	sadd.s32 $0x4000, s24;
	s24 =	smov.u32 s25;
	v27 =	vxor.u32 v32, v27;
	v32 =	vshrl.u32 v25, $0x5;
	v39 =	vshra.s32 v25, $0x15  }
0x390: {  	v32 =	vand.u32 $0x3F, v32;
	v39 =	vadd.s32 s26, v39;
	v50 =	vshrl.u32 v27, $0x5  }
0x391: {  	v36 =	vand.u32 $0xF8, v36;
	v32 =	vor.u32 s26, v32;
	v50 =	vand.u32 $0x3F, v50  }
0x392: {  	v37 =	vand.u32 $0xF8, v37;
	v51 =	vshra.s32 v27, $0x15;
	v50 =	vor.u32 s26, v50  }
0x393: {  	v38 =	vand.u32 $0xF8, v38;
	v20 =	vand.u32 $0xF8, v20;
	v51 =	vadd.s32 s26, v51  }
0x394: {  	v26 =	vand.u32 $0xF8, v26;
	v19 =	vand.u32 $0xF8, v19;
	v22 =	vand.u32 $0xF8, v22  }
0x395: {  	v21 =	vand.u32 $0x7, v21;
	v40 =	vand.u32 $0x7, v40;
	v24 =	vand.u32 $0x7, v24;
	v39 =	vld.idx.msk [tilespmem:v39+s11+$0x0], $0xffff  }
0x396: {  	v42 =	vand.u32 $0x7, v42;
	v41 =	vand.u32 $0x7, v41;
	v43 =	vand.u32 $0x7, v43;
	v32 =	vld.idx.msk [tilespmem:v32+s11+$0x0], $0xffff  }
0x397: {  	v44 =	vand.u32 $0x7, v44;
	v46 =	vand.u32 $0x7, v46;
	v45 =	vand.u32 $0x7, v45;
	v50 =	vld.idx.msk [tilespmem:v50+s11+$0x0], $0xffff  }
0x398: {  	v48 =	vand.u32 $0x7, v48;
	v47 =	vand.u32 $0x7, v47;
	v49 =	vand.u32 $0x7, v49;
	v51 =	vld.idx.msk [tilespmem:v51+s11+$0x0], $0xffff  }
0x399: {  	v18 =	vand.u32 $0x7, v18;
	v23 =	vand.u32 $0x7, v23;
	v29 =	vor.u32 v40, v29  }
0x39a: {  	v30 =	vor.u32 v41, v30;
	v28 =	vor.u32 v42, v28;
	v40 =	vshrl.u32 v25, $0x10  }
0x39b: {  	v25 =	vand.u32 $0x1F, v25;
	v40 =	vand.u32 $0x1F, v40;
	v41 =	vand.u32 $0x1F, v27  }
0x39c: {  	v27 =	vshrl.u32 v27, $0x10;
	v25 =	vshrl.u32 v32, v25;
	v32 =	vshrl.u32 v39, v40  }
0x39d: {  	v27 =	vand.u32 $0x1F, v27;
	v39 =	vshrl.u32 v50, v41;
	v25 =	vand.u32 v32, v25  }
0x39e: {  	v31 =	vor.u32 v43, v31;
	v27 =	vshrl.u32 v51, v27;
	v25 =	vand.u32 v39, v25;
	v32 =	vld.idx.msk [tilespmem:v29+s16+$0x0], $0xffff  }
0x39f: {  	v34 =	vor.u32 v45, v34;
	v33 =	vor.u32 v44, v33;
	v25 =	vand.u32 v27, v25;
	v39 =	vld.idx.msk [tilespmem:v30+s17+$0x0], $0xffff  }
0x3a0: {  	v35 =	vor.u32 v46, v35;
	v36 =	vor.u32 v47, v36;
	v25 =	vand.u32 $0x1, v25;
	v27 =	vld.idx.msk [tilespmem:v28+s16+$0x0], $0xffff  }
0x3a1: {  	v38 =	vor.u32 v49, v38;
	v37 =	vor.u32 v48, v37;
	v4 =	vadd.s32 v4, v25;
	v29 =	vld.idx.msk [tilespmem:v29+s18+$0x0], $0xffff  }
0x3a2: {  	v18 =	vor.u32 v18, v19;
	v19 =	vor.u32 v21, v22;
	v23 =	vor.u32 v23, v20;
	v21 =	vld.idx.msk [tilespmem:v30+s19+$0x0], $0xffff  }
0x3a3: {  	v8 =	vadd.s32 v8, v12;
	v9 =	vadd.s32 v9, v13;
	v22 =	vor.u32 v24, v26;
	v24 =	vld.idx.msk [tilespmem:v31+s17+$0x0], $0xffff  }
0x3a4: {  	v7 =	vadd.s32 v7, v14;
	v11 =	vadd.s32 v11, v16;
	v6 =	vadd.s32 v6, v17;
	v25 =	vld.idx.msk [tilespmem:v33+s16+$0x0], $0xffff  }
0x3a5: {  	v10 =	vadd.s32 v10, v15;
	v14 =	vxor.u32 v32, v39;
	v16 =	vld.idx.msk [tilespmem:v34+s17+$0x0], $0xffff  }
0x3a6: {  	v12 =	vshrl.u32 v14, $0x5;
	v13 =	vshra.s32 v14, $0x15;
	v15 =	vshrl.u32 v14, $0x10;
	v26 =	vld.idx.msk [tilespmem:v35+s16+$0x0], $0xffff  }
0x3a7: {  	v17 =	vand.u32 $0x3F, v12;
	v20 =	vadd.s32 s26, v13;
	v13 =	vand.u32 $0x1F, v15;
	v30 =	vld.idx.msk [tilespmem:v36+s17+$0x0], $0xffff  }
0x3a8: {  	v14 =	vand.u32 $0x1F, v14;
	v12 =	vxor.u32 v29, v21;
	v29 =	vor.u32 s26, v17;
	v32 =	vld.idx.msk [tilespmem:v37+s16+$0x0], $0xffff  }
0x3a9: {  	v17 =	vshrl.u32 v12, $0x5;
	v39 =	vshra.s32 v12, $0x15;
	v15 =	vxor.u32 v27, v24;
	v24 =	vld.idx.msk [tilespmem:v38+s17+$0x0], $0xffff  }
0x3aa: {  	v40 =	vand.u32 $0x3F, v17;
	v17 =	vshrl.u32 v15, $0x5;
	v21 =	vshra.s32 v15, $0x15;
	v27 =	vld.idx.msk [tilespmem:v23+s16+$0x0], $0xffff  }
0x3ab: {  	v42 =	vand.u32 $0x3F, v17;
	v43 =	vadd.s32 s26, v21;
	v17 =	vxor.u32 v25, v16;
	v41 =	vld.idx.msk [tilespmem:v18+s17+$0x0], $0xffff  }
0x3ac: {  	v25 =	vor.u32 s26, v42;
	v21 =	vshrl.u32 v17, $0x5;
	v42 =	vshra.s32 v17, $0x15;
	v16 =	vld.idx.msk [tilespmem:v19+s16+$0x0], $0xffff  }
0x3ad: {  	v45 =	vand.u32 $0x3F, v21;
	v42 =	vadd.s32 s26, v42;
	v21 =	vxor.u32 v26, v30;
	v44 =	vld.idx.msk [tilespmem:v22+s17+$0x0], $0xffff  }
0x3ae: {  	v30 =	vshrl.u32 v21, $0x5;
	v26 =	vld.idx.msk [tilespmem:v28+s18+$0x0], $0xffff;
	v28 =	vor.u32 s26, v45;
	v45 =	vshra.s32 v21, $0x15  }
0x3af: {  	v30 =	vand.u32 $0x3F, v30;
	v24 =	vxor.u32 v32, v24;
	v31 =	vld.idx.msk [tilespmem:v31+s19+$0x0], $0xffff;
	v45 =	vadd.s32 s26, v45  }
0x3b0: {  	v30 =	vor.u32 s26, v30;
	v46 =	vshra.s32 v24, $0x15;
	v32 =	vld.idx.msk [tilespmem:v33+s18+$0x0], $0xffff;
	v33 =	vshrl.u32 v24, $0x5  }
0x3b1: {  	v27 =	vxor.u32 v27, v41;
	v41 =	vadd.s32 s26, v46;
	v34 =	vld.idx.msk [tilespmem:v34+s19+$0x0], $0xffff;
	v33 =	vand.u32 $0x3F, v33  }
0x3b2: {  	v46 =	vshrl.u32 v27, $0x5;
	v47 =	vshra.s32 v27, $0x15;
	v35 =	vld.idx.msk [tilespmem:v35+s18+$0x0], $0xffff;
	v33 =	vor.u32 s26, v33  }
0x3b3: {  	v46 =	vand.u32 $0x3F, v46;
	v47 =	vadd.s32 s26, v47;
	v44 =	vxor.u32 v16, v44;
	v36 =	vld.idx.msk [tilespmem:v36+s19+$0x0], $0xffff  }
0x3b4: {  	v46 =	vor.u32 s26, v46;
	v16 =	vshrl.u32 v44, $0x5;
	v48 =	vshra.s32 v44, $0x15;
	v37 =	vld.idx.msk [tilespmem:v37+s18+$0x0], $0xffff  }
0x3b5: {  	v49 =	vand.u32 $0x3F, v16;
	v48 =	vadd.s32 s26, v48;
	v16 =	vxor.u32 v26, v31;
	v26 =	vld.idx.msk [tilespmem:v38+s19+$0x0], $0xffff  }
0x3b6: {  	v31 =	vor.u32 s26, v49;
	v38 =	vor.u32 s26, v40;
	v40 =	vshrl.u32 v16, $0x5;
	v23 =	vld.idx.msk [tilespmem:v23+s18+$0x0], $0xffff  }
0x3b7: {  	v50 =	vshra.s32 v16, $0x15;
	v40 =	vand.u32 $0x3F, v40;
	v49 =	vld.idx.msk [tilespmem:v18+s19+$0x0], $0xffff;
	v18 =	vxor.u32 v32, v34  }
0x3b8: {  	v34 =	vor.u32 s26, v40;
	v32 =	vld.idx.msk [tilespmem:v19+s18+$0x0], $0xffff;
	v19 =	vshrl.u32 v18, $0x5;
	v40 =	vshra.s32 v18, $0x15  }
0x3b9: {  	v39 =	vadd.s32 s26, v39;
	v51 =	vld.idx.msk [tilespmem:v22+s19+$0x0], $0xffff;
	v22 =	vand.u32 $0x3F, v19;
	v19 =	vxor.u32 v35, v36  }
0x3ba: {  	v29 =	vld.idx.msk [tilespmem:v29+s11+$0x0], $0xffff;
	v35 =	vor.u32 s26, v22;
	v22 =	vshrl.u32 v19, $0x5;
	v36 =	vshra.s32 v19, $0x15  }
0x3bb: {  	v50 =	vadd.s32 s26, v50;
	v25 =	vld.idx.msk [tilespmem:v25+s11+$0x0], $0xffff;
	v52 =	vand.u32 $0x3F, v22;
	v22 =	vxor.u32 v37, v26  }
0x3bc: {  	v26 =	vld.idx.msk [tilespmem:v28+s11+$0x0], $0xffff;
	v28 =	vor.u32 s26, v52;
	v37 =	vshrl.u32 v22, $0x5;
	v52 =	vshra.s32 v22, $0x15  }
0x3bd: {  	v40 =	vadd.s32 s26, v40;
	v23 =	vxor.u32 v23, v49;
	v30 =	vld.idx.msk [tilespmem:v30+s11+$0x0], $0xffff;
	v37 =	vand.u32 $0x3F, v37  }
0x3be: {  	v49 =	vshrl.u32 v23, $0x5;
	v53 =	vshra.s32 v23, $0x15;
	v33 =	vld.idx.msk [tilespmem:v33+s11+$0x0], $0xffff;
	v37 =	vor.u32 s26, v37  }
0x3bf: {  	v36 =	vadd.s32 s26, v36;
	v49 =	vand.u32 $0x3F, v49;
	v32 =	vxor.u32 v32, v51;
	v46 =	vld.idx.msk [tilespmem:v46+s11+$0x0], $0xffff  }
0x3c0: {  	v49 =	vor.u32 s26, v49;
	v51 =	vshrl.u32 v32, $0x5;
	v54 =	vshra.s32 v32, $0x15;
	v31 =	vld.idx.msk [tilespmem:v31+s11+$0x0], $0xffff  }
0x3c1: {  	s28 =	sshra.s32 s25, $0x2;
	v52 =	vadd.s32 s26, v52;
	v53 =	vadd.s32 s26, v53;
	v51 =	vand.u32 $0x3F, v51;
	v20 =	vld.idx.msk [tilespmem:v20+s11+$0x0], $0xffff  }
0x3c2: {  	v56 =	vshrl.u32 v15, $0x10;
	v54 =	vadd.s32 s26, v54;
	v51 =	vor.u32 s26, v51;
	v55 =	vld [tilespmem:s28+$0x18000]  }
0x3c3: {  	v57 =	vshrl.u32 v17, $0x10;
	v58 =	vshrl.u32 v21, $0x10;
	v59 =	vshrl.u32 v24, $0x10;
	v43 =	vld.idx.msk [tilespmem:v43+s11+$0x0], $0xffff  }
0x3c4: {  	v56 =	vand.u32 $0x1F, v56;
	v60 =	vshrl.u32 v27, $0x10;
	v61 =	vshrl.u32 v44, $0x10;
	v42 =	vld.idx.msk [tilespmem:v42+s11+$0x0], $0xffff  }
0x3c5: {  	v57 =	vand.u32 $0x1F, v57;
	v58 =	vand.u32 $0x1F, v58;
	v59 =	vand.u32 $0x1F, v59;
	v45 =	vld.idx.msk [tilespmem:v45+s11+$0x0], $0xffff  }
0x3c6: {  	v15 =	vand.u32 $0x1F, v15;
	v60 =	vand.u32 $0x1F, v60;
	v61 =	vand.u32 $0x1F, v61;
	v41 =	vld.idx.msk [tilespmem:v41+s11+$0x0], $0xffff  }
0x3c7: {  	v17 =	vand.u32 $0x1F, v17;
	v21 =	vand.u32 $0x1F, v21;
	v55 =	vshll.u32 v55, $0x6;
	v47 =	vld.idx.msk [tilespmem:v47+s11+$0x0], $0xffff  }
0x3c8: {  	v24 =	vand.u32 $0x1F, v24;
	v27 =	vand.u32 $0x1F, v27;
	v55 =	vshra.s32 v55, $0x2;
	v48 =	vld.idx.msk [tilespmem:v48+s11+$0x0], $0xffff  }
0x3c9: {  	v44 =	vand.u32 $0x1F, v44;
	v14 =	vshrl.u32 v29, v14;
	(v2sf) =	vpush v55, $0x0;
	v29 =	vld.idx.msk [tilespmem:v38+s11+$0x0], $0xffff  }
0x3ca: {  	v15 =	vshrl.u32 v25, v15;
	v17 =	vshrl.u32 v26, v17;
	(v2sf) =	vpush v55, $0x4;
	v25 =	vld.idx.msk [tilespmem:v34+s11+$0x0], $0xffff  }
0x3cb: {  	v21 =	vshrl.u32 v30, v21;
	v24 =	vshrl.u32 v33, v24;
	(v2sf) =	vpush v55, $0x8;
	v26 =	vld.idx.msk [tilespmem:v35+s11+$0x0], $0xffff  }
0x3cc: {  	v27 =	vshrl.u32 v46, v27;
	v30 =	vshrl.u32 v31, v44;
	(v2sf) =	vpush v55, $0xC;
	v28 =	vld.idx.msk [tilespmem:v28+s11+$0x0], $0xffff  }
0x3cd: {  	v13 =	vshrl.u32 v20, v13;
	v20 =	vshrl.u32 v43, v56;
	(v2sf) =	vpush v55, $0x1;
	v31 =	vld.idx.msk [tilespmem:v37+s11+$0x0], $0xffff  }
0x3ce: {  	v34 =	vshrl.u32 v42, v57;
	v35 =	vshrl.u32 v45, v58;
	(v2sf) =	vpush v55, $0x5;
	v33 =	vld.idx.msk [tilespmem:v49+s11+$0x0], $0xffff  }
0x3cf: {  	v41 =	vshrl.u32 v41, v59;
	v37 =	vshrl.u32 v47, v60;
	(v2sf) =	vpush v55, $0x9;
	v38 =	vld.idx.msk [tilespmem:v51+s11+$0x0], $0xffff  }
0x3d0: {  	v43 =	vand.u32 $0x1F, v12;
	v42 =	vshrl.u32 v48, v61;
	(v2sf) =	vpush v55, $0xD;
	v39 =	vld.idx.msk [tilespmem:v39+s11+$0x0], $0xffff  }
0x3d1: {  	v44 =	vand.u32 $0x1F, v16;
	v12 =	vshrl.u32 v12, $0x10;
	(v2sf) =	vpush v55, $0x2;
	v45 =	vld.idx.msk [tilespmem:v50+s11+$0x0], $0xffff  }
0x3d2: {  	v46 =	vand.u32 $0x1F, v18;
	v16 =	vshrl.u32 v16, $0x10;
	(v2sf) =	vpush v55, $0x6;
	v40 =	vld.idx.msk [tilespmem:v40+s11+$0x0], $0xffff  }
0x3d3: {  	v47 =	vshrl.u32 v18, $0x10;
	v48 =	vand.u32 $0x1F, v19;
	(v2sf) =	vpush v55, $0xA;
	v36 =	vld.idx.msk [tilespmem:v36+s11+$0x0], $0xffff  }
0x3d4: {  	v19 =	vshrl.u32 v19, $0x10;
	v49 =	vand.u32 $0x1F, v22;
	(v2sf) =	vpush v55, $0xE;
	v50 =	vld.idx.msk [tilespmem:v52+s11+$0x0], $0xffff  }
0x3d5: {  	v51 =	vand.u32 $0x1F, v23;
	(v2sf) =	vpush v55, $0x3;
	v52 =	vld.idx.msk [tilespmem:v53+s11+$0x0], $0xffff;
	v53 =	vshrl.u32 v22, $0x10  }
0x3d6: {  	v56 =	vshrl.u32 v23, $0x10;
	v23 =	vand.u32 $0x1F, v32;
	(v2sf) =	vpush v55, $0x7;
	v54 =	vld.idx.msk [tilespmem:v54+s11+$0x0], $0xffff  }
0x3d7: {  	v13 =	vand.u32 v13, v14;
	v32 =	vshrl.u32 v32, $0x10;
	(v2sf) =	vpush v55, $0xB  }
0x3d8: {  	v14 =	vand.u32 v20, v15;
	v17 =	vand.u32 v34, v17;
	s26 =	spop (v2sf);
	(v2sf) =	vpush v55, $0xF  }
0x3d9: {  	v34 =	vand.u32 v35, v21;
	v35 =	vand.u32 v41, v24;
	v27 =	vand.u32 v37, v27;
	v18 =	vld [tilespmem:s26+$0x0];
	s26 =	spop (v2sf)  }
0x3da: {  	v30 =	vand.u32 v42, v30;
	v15 =	vshrl.u32 v29, v43;
	v29 =	vshrl.u32 v25, v44;
	v20 =	vld [tilespmem:s26+$0x0];
	s26 =	spop (v2sf)  }
0x3db: {  	v26 =	vshrl.u32 v26, v46;
	v28 =	vshrl.u32 v28, v48;
	v31 =	vshrl.u32 v31, v49;
	v21 =	vld [tilespmem:s26+$0x0];
	s26 =	spop (v2sf)  }
0x3dc: {  	v33 =	vshrl.u32 v33, v51;
	v37 =	vshrl.u32 v38, v23;
	v38 =	vand.u32 $0x1F, v12;
	v22 =	vld [tilespmem:s26+$0x0];
	s26 =	spop (v2sf)  }
0x3dd: {  	v41 =	vand.u32 $0x1F, v16;
	v42 =	vand.u32 $0x1F, v47;
	v19 =	vand.u32 $0x1F, v19;
	v23 =	vld [tilespmem:s26+$0x0];
	s26 =	spop (v2sf)  }
0x3de: {  	v43 =	vand.u32 $0x1F, v56;
	v44 =	vand.u32 $0x1F, v32;
	v46 =	vand.u32 $0x1F, v53;
	v24 =	vld [tilespmem:s26+$0x0];
	s26 =	spop (v2sf)  }
.Ltmp5:
0x3df: {  	v47 =	vand.u32 v15, v13;
	v15 =	vand.u32 v29, v14;
	v13 =	vand.u32 v26, v17;
	v25 =	vld [tilespmem:s26+$0x0];
	s26 =	spop (v2sf);
	(pc) =	sbr.rel @p0 .LBB2_13-.Ltmp5, $4  }
0x3e0: {  	v16 =	vand.u32 v28, v34;
	v14 =	vand.u32 v33, v27;
	v12 =	vand.u32 v31, v35;
	v26 =	vld [tilespmem:s26+$0x0];
	s26 =	spop (v2sf)  }
0x3e1: {  	v17 =	vand.u32 v37, v30;
	v31 =	vshrl.u32 v39, v38;
	v30 =	vshrl.u32 v45, v41;
	v27 =	vld [tilespmem:s26+$0x0];
	s26 =	spop (v2sf)  }
0x3e2: {  	v32 =	vshrl.u32 v40, v42;
	v33 =	vshrl.u32 v36, v19;
	v19 =	vshrl.u32 v50, v46;
	v28 =	vld [tilespmem:s26+$0x0];
	s26 =	spop (v2sf)  }
0x3e3: {  	s25 =	sadd.s32 $0x40, s25;
	v31 =	vand.u32 v31, v47;
	v35 =	vshrl.u32 v52, v43;
	v34 =	vshrl.u32 v54, v44;
	v29 =	vld [tilespmem:s26+$0x0];
	s26 =	spop (v2sf)  }
0x3e4: {  	v15 =	vand.u32 v30, v15;
	v13 =	vand.u32 v32, v13;
	v16 =	vand.u32 v33, v16  }
0x3e5: {  	v57 =	vand.u32 v35, v14;
	v17 =	vand.u32 v34, v17;
	v12 =	vand.u32 v19, v12  }
0x3e6: {  	v19 =	vand.u32 $0x1, v31;
	v18 =	vand.u32 $0x11111111, v18;
	v20 =	vand.u32 $0x11111111, v20  }
0x3e7: {  	v62 =	vand.u32 $0x11111111, v21;
	v36 =	vand.u32 $0x11111111, v22;
	v37 =	vand.u32 $0x11111111, v23  }
0x3e8: {  	v38 =	vand.u32 $0x11111111, v24;
	v39 =	vand.u32 $0x11111111, v25;
	v14 =	vand.u32 $0x1, v15  }
0x3e9: {  	v15 =	vand.u32 $0x1, v13;
	v13 =	vand.u32 $0x1, v57;
	v40 =	vand.u32 $0x11111111, v26  }
0x3ea: {  	v24 =	vunpack.c.u.s8.s16 v18;
	v25 =	vunpack.c.l.s8.s16 v18;
	v26 =	vunpack.c.u.s8.s16 v20  }
0x3eb: {  	v21 =	vunpack.c.l.s8.s16 v20;
	v22 =	vunpack.c.u.s8.s16 v62;
	v18 =	vunpack.c.l.s8.s16 v62  }
0x3ec: {  	v56 =	vld [tilespmem:s26+$0x0];
	s25 =	spop (v2sf);
	v63 =	vunpack.c.u.s8.s16 v37;
	v23 =	vunpack.c.u.s8.s16 v36;
	v20 =	vunpack.c.l.s8.s16 v36  }
0x3ed: {  	v58 =	vld [tilespmem:s25+$0x0];
	s29 =	spop (v2sf);
	v36 =	vunpack.c.l.s8.s16 v37;
	v37 =	vunpack.c.u.s8.s16 v38;
	v38 =	vunpack.c.l.s8.s16 v38  }
0x3ee: {  	v42 =	vunpack.c.u.s8.s16 v39;
	v39 =	vunpack.c.l.s8.s16 v39;
	v5 =	vadd.s32 v5, v19;
	v59 =	vld [tilespmem:s29+$0x0]  }
0x3ef: {  	s30 =	spop (v2sf);
	v27 =	vand.u32 $0x11111111, v27;
	v55 =	vunpack.c.u.s8.s16 v40;
	v28 =	vand.u32 $0x11111111, v28  }
0x3f0: {  	v60 =	vld [tilespmem:s30+$0x0];
	s31 =	spop (v2sf);
	v41 =	vunpack.c.u.s8.s16 v27;
	v27 =	vunpack.c.l.s8.s16 v27;
	v29 =	vand.u32 $0x11111111, v29  }
0x3f1: {  	v61 =	vld [tilespmem:s31+$0x0];
	v43 =	vunpack.c.u.s8.s16 v28;
	v28 =	vunpack.c.l.s8.s16 v28;
	v30 =	vand.u32 $0x11111111, v56  }
0x3f2: {  	v44 =	vunpack.c.u.s8.s16 v29;
	v29 =	vunpack.c.l.s8.s16 v29;
	v33 =	vand.u32 $0x11111111, v58  }
0x3f3: {  	v45 =	vunpack.c.u.s8.s16 v30;
	v30 =	vunpack.c.l.s8.s16 v30;
	v31 =	vand.u32 $0x11111111, v59  }
0x3f4: {  	v46 =	vunpack.c.u.s8.s16 v33;
	v33 =	vunpack.c.l.s8.s16 v33;
	v59 =	vunpack.c.l.s8.s16 v40  }
0x3f5: {  	v32 =	vand.u32 $0x11111111, v60;
	v47 =	vunpack.c.u.s8.s16 v31;
	v31 =	vunpack.c.l.s8.s16 v31  }
0x3f6: {  	v34 =	vand.u32 $0x11111111, v61;
	v48 =	vunpack.c.u.s8.s16 v32;
	v32 =	vunpack.c.l.s8.s16 v32  }
0x3f7: {  	v46 =	vadd.s16 v46, v46;
	v33 =	vadd.s16 v33, v33;
	v49 =	vunpack.c.u.s8.s16 v34  }
0x3f8: {  	v34 =	vunpack.c.l.s8.s16 v34;
	v47 =	vadd.s16 v47, v47;
	v31 =	vadd.s16 v31, v31  }
0x3f9: {  	v33 =	vpack.c.b16.b8 v46, v33;
	v48 =	vadd.s16 v48, v48;
	v32 =	vadd.s16 v32, v32  }
0x3fa: {  	v31 =	vpack.c.b16.b8 v47, v31;
	v49 =	vadd.s16 v49, v49;
	v34 =	vadd.s16 v34, v34  }
0x3fb: {  	v32 =	vpack.c.b16.b8 v48, v32;
	v46 =	vunpack.c.u.s8.s16 v33;
	v33 =	vunpack.c.l.s8.s16 v33  }
0x3fc: {  	v34 =	vpack.c.b16.b8 v49, v34;
	v47 =	vunpack.c.u.s8.s16 v31;
	v31 =	vunpack.c.l.s8.s16 v31  }
0x3fd: {  	v48 =	vunpack.c.u.s8.s16 v32;
	v32 =	vunpack.c.l.s8.s16 v32;
	v41 =	vadd.s16 v46, v41  }
0x3fe: {  	v27 =	vadd.s16 v33, v27;
	v51 =	vunpack.c.u.s8.s16 v34;
	v34 =	vunpack.c.l.s8.s16 v34  }
0x3ff: {  	v52 =	vadd.s16 v47, v43;
	v28 =	vadd.s16 v31, v28;
	v27 =	vpack.c.b16.b8 v41, v27  }
0x400: {  	v53 =	vadd.s16 v48, v44;
	v29 =	vadd.s16 v32, v29;
	v28 =	vpack.c.b16.b8 v52, v28  }
0x401: {  	v54 =	vadd.s16 v51, v45;
	v30 =	vadd.s16 v34, v30;
	v29 =	vpack.c.b16.b8 v53, v29  }
0x402: {  	v56 =	vunpack.c.u.s8.s16 v27;
	v27 =	vunpack.c.l.s8.s16 v27;
	v30 =	vpack.c.b16.b8 v54, v30  }
0x403: {  	v33 =	vunpack.c.u.s8.s16 v28;
	v28 =	vunpack.c.l.s8.s16 v28;
	v57 =	vunpack.c.u.s8.s16 v29  }
0x404: {  	v29 =	vunpack.c.l.s8.s16 v29;
	v32 =	vadd.s16 v56, v56;
	v27 =	vadd.s16 v27, v27  }
0x405: {  	v58 =	vunpack.c.u.s8.s16 v30;
	v30 =	vunpack.c.l.s8.s16 v30;
	v33 =	vadd.s16 v33, v33  }
0x406: {  	v28 =	vadd.s16 v28, v28;
	v27 =	vpack.c.b16.b8 v32, v27;
	v34 =	vadd.s16 v57, v57  }
0x407: {  	v29 =	vadd.s16 v29, v29;
	v28 =	vpack.c.b16.b8 v33, v28;
	v41 =	vadd.s16 v58, v58  }
0x408: {  	v30 =	vadd.s16 v30, v30;
	v29 =	vpack.c.b16.b8 v34, v29;
	v60 =	vunpack.c.u.s8.s16 v27  }
0x409: {  	v27 =	vunpack.c.l.s8.s16 v27;
	v30 =	vpack.c.b16.b8 v41, v30;
	v61 =	vunpack.c.u.s8.s16 v28  }
0x40a: {  	v28 =	vunpack.c.l.s8.s16 v28;
	v62 =	vunpack.c.u.s8.s16 v29;
	v29 =	vunpack.c.l.s8.s16 v29  }
0x40b: {  	v33 =	vadd.s16 v60, v63;
	v27 =	vadd.s16 v27, v36;
	v63 =	vunpack.c.u.s8.s16 v30  }
0x40c: {  	v30 =	vunpack.c.l.s8.s16 v30;
	v34 =	vadd.s16 v61, v37;
	v28 =	vadd.s16 v28, v38  }
0x40d: {  	v27 =	vpack.c.b16.b8 v33, v27;
	v38 =	vadd.s16 v62, v42;
	v29 =	vadd.s16 v29, v39  }
0x40e: {  	v28 =	vpack.c.b16.b8 v34, v28;
	v31 =	vadd.s16 v63, v55;
	v30 =	vadd.s16 v30, v59  }
0x40f: {  	v39 =	vunpack.c.u.s8.s16 v27;
	v29 =	vpack.c.b16.b8 v38, v29;
	v27 =	vunpack.c.l.s8.s16 v27  }
0x410: {  	v30 =	vpack.c.b16.b8 v31, v30;
	v40 =	vunpack.c.u.s8.s16 v28;
	v28 =	vunpack.c.l.s8.s16 v28  }
0x411: {  	v33 =	vunpack.c.u.s8.s16 v29;
	v29 =	vunpack.c.l.s8.s16 v29;
	v32 =	vadd.s16 v39, v39  }
0x412: {  	v27 =	vadd.s16 v27, v27;
	v41 =	vunpack.c.u.s8.s16 v30;
	v30 =	vunpack.c.l.s8.s16 v30  }
0x413: {  	v31 =	vadd.s16 v40, v40;
	v28 =	vadd.s16 v28, v28;
	v27 =	vpack.c.b16.b8 v32, v27  }
0x414: {  	v33 =	vadd.s16 v33, v33;
	v29 =	vadd.s16 v29, v29;
	v28 =	vpack.c.b16.b8 v31, v28  }
0x415: {  	v42 =	vadd.s16 v41, v41;
	v30 =	vadd.s16 v30, v30;
	v29 =	vpack.c.b16.b8 v33, v29  }
0x416: {  	v43 =	vunpack.c.u.s8.s16 v27;
	v27 =	vunpack.c.l.s8.s16 v27;
	v30 =	vpack.c.b16.b8 v42, v30  }
0x417: {  	v44 =	vunpack.c.u.s8.s16 v28;
	v28 =	vunpack.c.l.s8.s16 v28;
	v33 =	vunpack.c.u.s8.s16 v29  }
0x418: {  	v29 =	vunpack.c.l.s8.s16 v29;
	v24 =	vadd.s16 v43, v24;
	v25 =	vadd.s16 v27, v25  }
0x419: {  	v45 =	vunpack.c.u.s8.s16 v30;
	v30 =	vunpack.c.l.s8.s16 v30;
	v26 =	vadd.s16 v44, v26  }
0x41a: {  	v24 =	vpack.c.b16.b8 v24, v25;
	v21 =	vadd.s16 v28, v21;
	v22 =	vadd.s16 v33, v22  }
0x41b: {  	v21 =	vpack.c.b16.b8 v26, v21;
	v18 =	vadd.s16 v29, v18;
	v23 =	vadd.s16 v45, v23  }
0x41c: {  	v18 =	vpack.c.b16.b8 v22, v18;
	v20 =	vadd.s16 v30, v20;
	v19 =	vshrl.u32 v24, $0x4  }
0x41d: {  	v50 =	vshrl.u32 v24, $0x1C;
	v56 =	vand.u32 $0xF0F0F0F, v24;
	v40 =	vshrl.u32 v24, $0x8  }
0x41e: {  	v63 =	vshrl.u32 v24, $0x10;
	v20 =	vpack.c.b16.b8 v23, v20;
	v46 =	vand.u32 $0xF0F0F0F, v19  }
0x41f: {  	v47 =	vand.u32 $0xF0F0F0F0, v21;
	v52 =	vand.u32 $0x7, v50;
	v21 =	vshll.u32 v21, $0x4  }
0x420: {  	v40 =	vand.u32 $0x7, v40;
	v44 =	vand.u32 $0x7, v63;
	v25 =	vshrl.u32 v18, $0x4  }
0x421: {  	v22 =	vor.u32 v46, v47;
	v54 =	vshrl.u32 v18, $0x1C;
	v21 =	vand.u32 $0xF0F0F0F0, v21  }
0x422: {  	v57 =	vand.u32 $0xF0F0F0F, v18;
	v60 =	vshrl.u32 v18, $0x8;
	v62 =	vshrl.u32 v18, $0xC  }
0x423: {  	v48 =	vand.u32 $0xF0F0F0F, v25;
	v49 =	vand.u32 $0xF0F0F0F0, v20;
	v51 =	vshrl.u32 v22, $0x18  }
0x424: {  	v28 =	vand.u32 $0x7, v54;
	v20 =	vshll.u32 v20, $0x4;
	v21 =	vor.u32 v56, v21  }
0x425: {  	v34 =	vshrl.u32 v22, $0x10;
	v56 =	vshrl.u32 v18, $0x14;
	v41 =	vand.u32 $0x7, v60  }
0x426: {  	v43 =	vand.u32 $0x7, v62;
	v23 =	vor.u32 v48, v49;
	v53 =	vand.u32 $0xF8, v51  }
0x427: {  	v20 =	vand.u32 $0xF0F0F0F0, v20;
	v29 =	vshrl.u32 v21, $0x8;
	v26 =	vor.u32 v52, v53  }
0x428: {  	v32 =	vshrl.u32 v21, $0x10;
	v34 =	vand.u32 $0xF8, v34;
	v29 =	vand.u32 $0xF8, v29  }
0x429: {  	v47 =	vand.u32 $0x7, v56;
	v55 =	vshrl.u32 v23, $0x18;
	v29 =	vor.u32 v40, v29  }
0x42a: {  	v20 =	vor.u32 v57, v20;
	v31 =	vshrl.u32 v23, $0x8;
	v32 =	vand.u32 $0xF8, v32  }
0x42b: {  	v52 =	vshrl.u32 v23, $0x10;
	v53 =	vshrl.u32 v21, $0x18;
	v32 =	vor.u32 v44, v32  }
0x42c: {  	v57 =	vshrl.u32 v24, $0x18;
	v27 =	vand.u32 $0xF8, v55;
	v58 =	vshrl.u32 v20, $0x8;
	v35 =	vld.idx.msk [tilespmem:v26+s16+$0x0], $0xffff  }
0x42d: {  	v55 =	vshrl.u32 v24, $0x14;
	v27 =	vor.u32 v28, v27;
	v30 =	vand.u32 $0xF8, v58;
	v26 =	vld.idx.msk [tilespmem:v26+s18+$0x0], $0xffff  }
0x42e: {  	v31 =	vand.u32 $0xF8, v31;
	v36 =	vand.u32 $0xF8, v52;
	v30 =	vor.u32 v41, v30;
	v41 =	vld.idx.msk [tilespmem:v29+s16+$0x0], $0xffff  }
0x42f: {  	v37 =	vand.u32 $0xF8, v53;
	v46 =	vand.u32 $0x7, v55;
	v31 =	vor.u32 v43, v31;
	v29 =	vld.idx.msk [tilespmem:v29+s18+$0x0], $0xffff  }
0x430: {  	v48 =	vand.u32 $0x7, v57;
	v36 =	vor.u32 v47, v36;
	v34 =	vor.u32 v46, v34;
	v46 =	vld.idx.msk [tilespmem:v32+s16+$0x0], $0xffff  }
0x431: {  	v37 =	vor.u32 v48, v37;
	v32 =	vld.idx.msk [tilespmem:v32+s18+$0x0], $0xffff  }
0x432: {  	v16 =	vand.u32 $0x1, v16;
	v54 =	vshrl.u32 v18, $0x10;
	v33 =	vshrl.u32 v20, $0x10;
	v59 =	vld.idx.msk [tilespmem:v27+s17+$0x0], $0xffff  }
0x433: {  	v12 =	vand.u32 $0x1, v12;
	v45 =	vand.u32 $0x7, v54;
	v33 =	vand.u32 $0xF8, v33;
	v27 =	vld.idx.msk [tilespmem:v27+s19+$0x0], $0xffff  }
0x434: {  	v17 =	vand.u32 $0x1, v17;
	v14 =	vadd.s32 v8, v14;
	v33 =	vor.u32 v45, v33;
	v45 =	vld.idx.msk [tilespmem:v31+s17+$0x0], $0xffff  }
0x435: {  	v8 =	vadd.s32 v9, v15;
	v9 =	vadd.s32 v7, v13;
	v7 =	vadd.s32 v11, v16;
	v54 =	vld.idx.msk [tilespmem:v36+s17+$0x0], $0xffff  }
0x436: {  	v10 =	vadd.s32 v10, v17;
	v6 =	vadd.s32 v6, v12;
	v61 =	vshrl.u32 v24, $0xC;
	v55 =	vld.idx.msk [tilespmem:v37+s16+$0x0], $0xffff  }
0x437: {  	v19 =	vand.u32 $0x7, v19;
	v42 =	vand.u32 $0x7, v61;
	v28 =	vshrl.u32 v22, $0x8;
	v31 =	vld.idx.msk [tilespmem:v31+s19+$0x0], $0xffff  }
0x438: {  	v61 =	vand.u32 $0x7, v18;
	v25 =	vand.u32 $0x7, v25;
	v28 =	vand.u32 $0xF8, v28;
	v36 =	vld.idx.msk [tilespmem:v36+s19+$0x0], $0xffff  }
0x439: {  	v21 =	vand.u32 $0xF8, v21;
	v23 =	vand.u32 $0xF8, v23;
	v28 =	vor.u32 v42, v28;
	v42 =	vld.idx.msk [tilespmem:v30+s17+$0x0], $0xffff  }
0x43a: {  	v38 =	vshrl.u32 v20, $0x18;
	v20 =	vand.u32 $0xF8, v20;
	v58 =	vshrl.u32 v18, $0x18;
	v44 =	vld.idx.msk [tilespmem:v30+s19+$0x0], $0xffff  }
0x43b: {  	v24 =	vand.u32 $0x7, v24;
	v38 =	vand.u32 $0xF8, v38;
	v49 =	vand.u32 $0x7, v58;
	v48 =	vld.idx.msk [tilespmem:v33+s17+$0x0], $0xffff  }
0x43c: {  	v23 =	vor.u32 v25, v23;
	v22 =	vand.u32 $0xF8, v22;
	v38 =	vor.u32 v49, v38;
	v52 =	vld.idx.msk [tilespmem:v34+s16+$0x0], $0xffff  }
0x43d: {  	v21 =	vor.u32 v24, v21;
	v20 =	vor.u32 v61, v20;
	v33 =	vld.idx.msk [tilespmem:v33+s19+$0x0], $0xffff;
	v35 =	vxor.u32 v35, v59  }
0x43e: {  	v19 =	vor.u32 v19, v22;
	v34 =	vld.idx.msk [tilespmem:v34+s18+$0x0], $0xffff;
	v26 =	vxor.u32 v26, v27;
	v39 =	vshrl.u32 v35, $0x5  }
0x43f: {  	v37 =	vld.idx.msk [tilespmem:v37+s18+$0x0], $0xffff;
	v59 =	vshra.s32 v35, $0x15;
	v50 =	vshrl.u32 v26, $0x5;
	v51 =	vshra.s32 v26, $0x15  }
0x440: {  	v43 =	vld.idx.msk [tilespmem:v28+s16+$0x0], $0xffff;
	v62 =	vshrl.u32 v35, $0x10;
	v35 =	vand.u32 $0x1F, v35;
	v63 =	vand.u32 $0x1F, v26  }
0x441: {  	v57 =	vld.idx.msk [tilespmem:v38+s17+$0x0], $0xffff;
	v26 =	vshrl.u32 v26, $0x10;
	v47 =	vxor.u32 v41, v42;
	v11 =	vxor.u32 v29, v44  }
0x442: {  	s24 =	sadd.s32 $0x4000, s24;
	v28 =	vld.idx.msk [tilespmem:v28+s18+$0x0], $0xffff;
	v15 =	vxor.u32 v46, v48;
	v17 =	vxor.u32 v52, v54;
	v32 =	vxor.u32 v32, v33  }
0x443: {  	v38 =	vld.idx.msk [tilespmem:v38+s19+$0x0], $0xffff;
	v34 =	vxor.u32 v34, v36;
	v39 =	vand.u32 $0x3F, v39;
	v27 =	vadd.s32 s24, v59  }
0x444: {  	v50 =	vand.u32 $0x3F, v50;
	v51 =	vadd.s32 s24, v51;
	v18 =	vand.u32 $0x1F, v62  }
0x445: {  	v26 =	vand.u32 $0x1F, v26;
	v49 =	vshrl.u32 v47, $0x5;
	v16 =	vand.u32 $0x1F, v47  }
0x446: {  	v56 =	vshrl.u32 v11, $0x5;
	v24 =	vxor.u32 v43, v45;
	v62 =	vshrl.u32 v15, $0x5  }
0x447: {  	v54 =	vshra.s32 v17, $0x15;
	v29 =	vxor.u32 v55, v57;
	v28 =	vxor.u32 v28, v31  }
0x448: {  	v61 =	vld.idx.msk [tilespmem:v20+s17+$0x0], $0xffff;
	v37 =	vxor.u32 v37, v38;
	v39 =	vor.u32 s24, v39;
	v50 =	vor.u32 s24, v50  }
0x449: {  	v20 =	vld.idx.msk [tilespmem:v20+s19+$0x0], $0xffff;
	v53 =	vand.u32 $0x3F, v49;
	v30 =	vand.u32 $0x3F, v56;
	v58 =	vshrl.u32 v24, $0x5  }
0x44a: {  	v59 =	vld.idx.msk [tilespmem:v21+s16+$0x0], $0xffff;
	v43 =	vand.u32 $0x3F, v62;
	v55 =	vshrl.u32 v29, $0x5;
	v56 =	vshra.s32 v29, $0x15  }
0x44b: {  	v21 =	vld.idx.msk [tilespmem:v21+s18+$0x0], $0xffff;
	v62 =	vshrl.u32 v28, $0x5;
	v22 =	vor.u32 s24, v53;
	v40 =	vand.u32 $0x3F, v58  }
0x44c: {  	v43 =	vor.u32 s24, v43;
	v53 =	vshrl.u32 v17, $0x5;
	v57 =	vand.u32 $0x3F, v55  }
0x44d: {  	v30 =	vor.u32 s24, v30;
	v40 =	vor.u32 s24, v40;
	v46 =	vand.u32 $0x3F, v53;
	v27 =	vld.idx.msk [tilespmem:v27+s11+$0x0], $0xffff  }
0x44e: {  	v41 =	vor.u32 s24, v57;
	v57 =	vshrl.u32 v34, $0x5;
	v53 =	vshra.s32 v34, $0x15;
	v60 =	vld.idx.msk [tilespmem:v51+s11+$0x0], $0xffff  }
0x44f: {  	v46 =	vor.u32 s24, v46;
	v51 =	vshrl.u32 v47, $0x10;
	v25 =	vxor.u32 v59, v61;
	v39 =	vld.idx.msk [tilespmem:v39+s11+$0x0], $0xffff  }
0x450: {  	v20 =	vxor.u32 v21, v20;
	v50 =	vld.idx.msk [tilespmem:v50+s11+$0x0], $0xffff;
	v13 =	vand.u32 $0x1F, v51;
	v51 =	vshra.s32 v15, $0x15  }
0x451: {  	v58 =	vshrl.u32 v25, $0x5;
	v59 =	vshra.s32 v25, $0x15;
	v55 =	vshra.s32 v20, $0x15  }
0x452: {  	v45 =	vadd.s32 s24, v51;
	v48 =	vand.u32 $0x3F, v58;
	v44 =	vadd.s32 s24, v59  }
0x453: {  	v22 =	vld.idx.msk [tilespmem:v22+s11+$0x0], $0xffff;
	v58 =	vshrl.u32 v37, $0x5;
	v59 =	vshrl.u32 v20, $0x5;
	v55 =	vadd.s32 s24, v55  }
0x454: {  	v48 =	vor.u32 s24, v48;
	v18 =	vshrl.u32 v27, v18;
	v26 =	vshrl.u32 v60, v26  }
0x455: {  	v60 =	vshra.s32 v24, $0x15;
	v35 =	vshrl.u32 v39, v35;
	v39 =	vshrl.u32 v50, v63  }
0x456: {  	v50 =	vshra.s32 v47, $0x15;
	v42 =	vadd.s32 s24, v60;
	v47 =	vadd.s32 s24, v56  }
0x457: {  	v56 =	vshrl.u32 v32, $0x5;
	v18 =	vand.u32 v18, v35;
	v35 =	vadd.s32 s24, v50  }
0x458: {  	v52 =	vld.idx.msk [tilespmem:v23+s17+$0x0], $0xffff;
	v50 =	vand.u32 $0x3F, v62;
	v51 =	vand.u32 $0x3F, v56;
	v16 =	vshrl.u32 v22, v16  }
0x459: {  	v23 =	vld.idx.msk [tilespmem:v23+s19+$0x0], $0xffff;
	v22 =	vshrl.u32 v25, $0x10;
	v25 =	vand.u32 $0x1F, v25;
	v62 =	vand.u32 $0x1F, v28  }
0x45a: {  	v38 =	vld.idx.msk [tilespmem:v40+s11+$0x0], $0xffff;
	v18 =	vand.u32 v39, v18;
	v39 =	vadd.s32 s24, v54;
	v50 =	vor.u32 s24, v50  }
0x45b: {  	v43 =	vld.idx.msk [tilespmem:v43+s11+$0x0], $0xffff;
	v36 =	vor.u32 s24, v51;
	v51 =	vand.u32 $0x3F, v57;
	v54 =	vshra.s32 v37, $0x15  }
0x45c: {  	v63 =	vld.idx.msk [tilespmem:v19+s16+$0x0], $0xffff;
	v57 =	vshrl.u32 v24, $0x10;
	v24 =	vand.u32 $0x1F, v24;
	v22 =	vand.u32 $0x1F, v22  }
0x45d: {  	v19 =	vld.idx.msk [tilespmem:v19+s18+$0x0], $0xffff;
	v18 =	vand.u32 v26, v18;
	v26 =	vshra.s32 v11, $0x15;
	v40 =	vor.u32 s24, v51  }
0x45e: {  	v51 =	vand.u32 $0x3F, v58;
	v54 =	vadd.s32 s24, v54;
	v58 =	vshrl.u32 v15, $0x10  }
0x45f: {  	v24 =	vshrl.u32 v38, v24;
	v57 =	vand.u32 $0x1F, v57;
	v15 =	vand.u32 $0x1F, v15  }
0x460: {  	v26 =	vadd.s32 s24, v26;
	v51 =	vor.u32 s24, v51;
	v58 =	vand.u32 $0x1F, v58  }
0x461: {  	v44 =	vld.idx.msk [tilespmem:v44+s11+$0x0], $0xffff;
	v15 =	vshrl.u32 v43, v15;
	v27 =	vxor.u32 v63, v52;
	v63 =	vshra.s32 v28, $0x15  }
0x462: {  	v52 =	vshra.s32 v32, $0x15;
	v19 =	vxor.u32 v19, v23;
	v23 =	vld.idx.msk [tilespmem:v48+s11+$0x0], $0xffff;
	v48 =	vadd.s32 s24, v53  }
0x463: {  	v28 =	vshrl.u32 v28, $0x10;
	v60 =	vshrl.u32 v27, $0x5;
	v61 =	vshra.s32 v27, $0x15  }
0x464: {  	v41 =	vld.idx.msk [tilespmem:v41+s11+$0x0], $0xffff;
	v33 =	vadd.s32 s24, v63;
	v21 =	vadd.s32 s24, v52;
	v52 =	vand.u32 $0x3F, v59  }
0x465: {  	v46 =	vld.idx.msk [tilespmem:v46+s11+$0x0], $0xffff;
	v56 =	vshra.s32 v19, $0x15;
	v59 =	vshrl.u32 v17, $0x10;
	v38 =	vshrl.u32 v27, $0x10  }
0x466: {  	v45 =	vld.idx.msk [tilespmem:v45+s11+$0x0], $0xffff;
	v17 =	vand.u32 $0x1F, v17;
	v27 =	vand.u32 $0x1F, v27;
	v22 =	vshrl.u32 v44, v22  }
0x467: {  	v42 =	vld.idx.msk [tilespmem:v42+s11+$0x0], $0xffff;
	v63 =	vand.u32 $0x1F, v32;
	v32 =	vshrl.u32 v32, $0x10;
	v28 =	vand.u32 $0x1F, v28  }
0x468: {  	v47 =	vld.idx.msk [tilespmem:v47+s11+$0x0], $0xffff;
	v49 =	vand.u32 $0x3F, v60;
	v31 =	vadd.s32 s24, v61;
	v52 =	vor.u32 s24, v52  }
0x469: {  	v35 =	vld.idx.msk [tilespmem:v35+s11+$0x0], $0xffff;
	v60 =	vshrl.u32 v19, $0x5;
	v56 =	vadd.s32 s24, v56;
	v59 =	vand.u32 $0x1F, v59  }
0x46a: {  	v39 =	vld.idx.msk [tilespmem:v39+s11+$0x0], $0xffff;
	v38 =	vand.u32 $0x1F, v38;
	v17 =	vshrl.u32 v46, v17;
	v46 =	vand.u32 $0x1F, v34  }
0x46b: {  	v36 =	vld.idx.msk [tilespmem:v36+s11+$0x0], $0xffff;
	v34 =	vshrl.u32 v34, $0x10;
	v32 =	vand.u32 $0x1F, v32;
	v49 =	vor.u32 s24, v49  }
0x46c: {  	v53 =	vand.u32 $0x3F, v60;
	v60 =	vshrl.u32 v29, $0x10;
	v29 =	vand.u32 $0x1F, v29;
	v40 =	vld.idx.msk [tilespmem:v40+s11+$0x0], $0xffff  }
0x46d: {  	v34 =	vand.u32 $0x1F, v34;
	v53 =	vor.u32 s24, v53;
	v23 =	vshrl.u32 v23, v25;
	v25 =	vld.idx.msk [tilespmem:v30+s11+$0x0], $0xffff  }
0x46e: {  	v60 =	vand.u32 $0x1F, v60;
	v29 =	vshrl.u32 v41, v29;
	v13 =	vshrl.u32 v35, v13;
	v35 =	vld.idx.msk [tilespmem:v50+s11+$0x0], $0xffff  }
0x46f: {  	v41 =	vshrl.u32 v45, v58;
	v30 =	vshrl.u32 v42, v57;
	v61 =	vshrl.u32 v47, v60;
	v60 =	vld.idx.msk [tilespmem:v33+s11+$0x0], $0xffff  }
0x470: {  	v57 =	vand.u32 $0x1F, v19;
	v19 =	vshrl.u32 v19, $0x10;
	v15 =	vand.u32 v41, v15;
	v21 =	vld.idx.msk [tilespmem:v21+s11+$0x0], $0xffff  }
0x471: {  	v50 =	vand.u32 $0x1F, v20;
	v20 =	vshrl.u32 v20, $0x10;
	v58 =	vand.u32 v30, v24;
	v31 =	vld.idx.msk [tilespmem:v31+s11+$0x0], $0xffff  }
0x472: {  	v22 =	vand.u32 v22, v23;
	v61 =	vand.u32 v61, v29;
	v19 =	vand.u32 $0x1F, v19;
	v47 =	vld.idx.msk [tilespmem:v52+s11+$0x0], $0xffff  }
0x473: {  	v39 =	vshrl.u32 v39, v59;
	v13 =	vand.u32 v13, v16;
	v63 =	vshrl.u32 v36, v63;
	v52 =	vld.idx.msk [tilespmem:v56+s11+$0x0], $0xffff  }
0x474: {  	v20 =	vand.u32 $0x1F, v20;
	v49 =	vld.idx.msk [tilespmem:v49+s11+$0x0], $0xffff;
	v17 =	vand.u32 v39, v17;
	v45 =	vshrl.u32 v40, v46  }
0x475: {  	v46 =	vld.idx.msk [tilespmem:v48+s11+$0x0], $0xffff;
	v15 =	vand.u32 v63, v15;
	v63 =	vand.u32 $0x1, v18;
	v17 =	vand.u32 v45, v17  }
0x476: {  	v44 =	vld.idx.msk [tilespmem:v51+s11+$0x0], $0xffff;
	v4 =	vadd.s32 v4, v63;
	v62 =	vshrl.u32 v35, v62;
	v23 =	vshrl.u32 v60, v28  }
0x477: {  	v51 =	vld.idx.msk [tilespmem:v53+s11+$0x0], $0xffff;
	v21 =	vshrl.u32 v21, v32;
	v31 =	vshrl.u32 v31, v38;
	v38 =	vand.u32 $0x1F, v11  }
0x478: {  	v59 =	vld.idx.msk [tilespmem:v26+s11+$0x0], $0xffff;
	v11 =	vshrl.u32 v11, $0x10;
	v16 =	vand.u32 v62, v58;
	v19 =	vshrl.u32 v52, v19  }
0x479: {  	v27 =	vshrl.u32 v49, v27;
	v49 =	vand.u32 $0x1F, v37;
	v37 =	vshrl.u32 v37, $0x10  }
0x47a: {  	v53 =	vld.idx.msk [tilespmem:v54+s11+$0x0], $0xffff;
	v25 =	vshrl.u32 v25, v38;
	v11 =	vand.u32 $0x1F, v11;
	v56 =	vshrl.u32 v46, v34  }
0x47b: {  	v16 =	vand.u32 v23, v16;
	v27 =	vand.u32 v31, v27;
	v48 =	vshrl.u32 v44, v49  }
0x47c: {  	v49 =	vshrl.u32 v47, v50;
	v50 =	vshrl.u32 v51, v57;
	v51 =	vld.idx.msk [tilespmem:v55+s11+$0x0], $0xffff;
	v37 =	vand.u32 $0x1F, v37  }
0x47d: {  	v13 =	vand.u32 v25, v13;
	v11 =	vshrl.u32 v59, v11;
	v60 =	vand.u32 $0x1, v16  }
0x47e: {  	v22 =	vand.u32 v49, v22;
	v54 =	vand.u32 v48, v61;
	v55 =	vand.u32 v50, v27  }
0x47f: {  	v57 =	vshrl.u32 v53, v37;
	v11 =	vand.u32 v11, v13;
	v19 =	vand.u32 v19, v55  }
0x480: {  	[tilespmem:s23+$0x198B0] =	vst v4;
	v61 =	vand.u32 v56, v17;
	v62 =	vadd.s32 v14, v60;
	v58 =	vand.u32 $0x1, v19  }
0x481: {  	s22 =	sadd.s32 $0x1, s22;
	v11 =	vand.u32 $0x1, v11;
	[tilespmem:s23+$0x19870] =	vst v62;
	v10 =	vadd.s32 v10, v58;
	v20 =	vshrl.u32 v51, v20  }
0x482: {  	p0 =	sne.s32 s22, $0x8;
	v5 =	vadd.s32 v5, v11;
	[tilespmem:s23+$0x19850] =	vst v10;
	v10 =	vand.u32 $0x1, v61;
	v20 =	vand.u32 v20, v22  }
.Ltmp6:
0x483: {  	[tilespmem:s23+$0x19860] =	vst v5;
	v5 =	vand.u32 v57, v54;
	v7 =	vadd.s32 v7, v10;
	v20 =	vand.u32 $0x1, v20;
	(pc) =	sbr.rel @p0 .LBB2_10-.Ltmp6, $4  }
0x484: {  	v59 =	vand.u32 v21, v15;
	v5 =	vand.u32 $0x1, v5;
	[tilespmem:s23+$0x19890] =	vst v7;
	v9 =	vadd.s32 v9, v20  }
0x485: {  	v5 =	vadd.s32 v6, v5;
	[tilespmem:s23+$0x19840] =	vst v9;
	v9 =	vand.u32 $0x1, v59  }
0x486: {  	[tilespmem:s23+$0x198A0] =	vst v5;
	v8 =	vadd.s32 v8, v9  }
0x487: {  	[tilespmem:s23+$0x19880] =	vst v8  }
0x488: {  	s21 =	sadd.s32 $0x1, s21  }
0x489: {  	p0 =	sne.s32 s21, s10  }
.Ltmp7:
0x48a: {  	_ = 	snop;
	(pc) =	sbr.rel @p0 .LBB2_1-.Ltmp7, $4  }
0x48b: {  	[hbm4b:s9+s3] =	stream.linear.scatter [tilespmem:s20], [sflag:$0x1], $0x800, $0x38;
	[tilespmem:$0x19C40] =	vst v63  }
0x48c: {  	_ =	swait.ge [sflag:s12], $0x800  }
0x48d: {  	[sflag:s12] =	ssyncset.done $0x0  }
0x48e: {  	[sflag:s12] =	ssyncadd.s32 $0xFFFFF800  }
0x48f: {  	_ =	sfence.sel $0x180000  }
0x490: {  	[bflag:$0x0] =	sbarrier.arrive $0xFFFF  }
0x491: {  	p0 =	sne.s32 s1, $0x0;
	_ =	strace $0x90000047  }
0x492: {  	s0 =	sadd.s32 @!p0 $0x100000, s0;
	[bflag:$0x2] =	sbarrier.arrive $0xFFFF  }
0x493: {  	[sflag:s0] =	ssyncadd.tile.s32 @!p0 $0x1;
	_ =	shalt  }
.Lfunc_end2:
_tile_overlayer_lowered:
.L_overlay_start_2:
0x494: {  	(tag) =	ssettag $0x2  }
0x495: {  	s0 =	rddreg [dreg:$0x0];
	s2 =	stileid.u32  }
0x496: {  	s1 =	rddreg [dreg:$0x1];
	p0 =	sne.s32 s2, $0x0  }
0x497: {  	s3 =	rddreg [dreg:$0x2];
	[bflag:$0x3] =	sbarrier.arrive $0xFFFF;
	s2 =	simm.s32 @!p0 $0x1C01  }
0x498: {  	[timem:s3], [sflag:s2] =	dma.local @!p0 [hbm:s0], s1  }
0x499: {  	s0 =	simm.s32 @!p0 $0x1  }
0x49a: {  	_ =	swait.ge @!p0 [sflag:s0], s1  }
0x49b: {  	s1 =	ssub.s32 @!p0 $0x0, s1;
	[sflag:s0] =	ssyncset.done @!p0 $0x0  }
0x49c: {  	[sflag:s0] =	ssyncadd.s32 @!p0 s1  }
0x49d: {  	[bflag:$0x3] =	sbarrier.arrive $0xFFFF  }
0x49e: {  	_ =	shalt  }

</sc_bundles>
